<compile_context>
chip_gen: v7x
topology: tpu7x:2x2x1
jax: 0.10.2.dev20260603
libtpu: 0.0.44.dev20260713+nightly
codegen_flags: <defaults>
</compile_context>

<pallas_src>
import functools
from typing import Sequence

import jax
import jax.numpy as jnp
from jax import lax
from jax.experimental import pallas as pl
from jax.experimental.pallas import tpu as pltpu
from jax.experimental.pallas import tpu_sc as plsc

EPS = 1e-5
SA1_CFG = [(0.1, 16, [32, 32, 64]), (0.2, 32, [64, 64, 128]), (0.4, 128, [64, 96, 128])]
SA2_CFG = [(0.2, 32, [64, 64, 128]), (0.4, 64, [128, 128, 256]), (0.8, 128, [128, 128, 256])]


def _fps_body(S, cx_ref, cy_ref, cz_ref, idx_ref, dists_ref):
    B, N = cx_ref.shape
    dists_ref[...] = jnp.full((B, N), 1e10, dtype=jnp.float32)
    idx_ref[...] = jnp.zeros((B, S), jnp.int32)
    iota_n = jax.lax.broadcasted_iota(jnp.int32, (B, N), 1)
    iota_s = jax.lax.broadcasted_iota(jnp.int32, (B, S), 1)
    cx = cx_ref[...]
    cy = cy_ref[...]
    cz = cz_ref[...]

    def step(t, farthest):
        oh = (iota_n == farthest).astype(jnp.float32)
        ctrx = jnp.sum(cx * oh, axis=1, keepdims=True)
        ctry = jnp.sum(cy * oh, axis=1, keepdims=True)
        ctrz = jnp.sum(cz * oh, axis=1, keepdims=True)
        d = (cx - ctrx) ** 2 + (cy - ctry) ** 2 + (cz - ctrz) ** 2
        dists = jnp.minimum(dists_ref[...], d)
        dists_ref[...] = dists
        m = jnp.max(dists, axis=1, keepdims=True)
        nxt = jnp.min(jnp.where(dists == m, iota_n, N), axis=1, keepdims=True)
        idx_ref[...] = idx_ref[...] + jnp.where(iota_s == t, farthest, 0)
        return nxt

    jax.lax.fori_loop(0, S, step, jnp.zeros((B, 1), jnp.int32))


def _fps(coords, num_centroids):
    B, _, N = coords.shape
    S = num_centroids
    return pl.pallas_call(
        functools.partial(_fps_body, S),
        out_shape=jax.ShapeDtypeStruct((B, S), jnp.int32),
        scratch_shapes=[pltpu.VMEM((B, N), jnp.float32)],
    )(coords[:, 0, :], coords[:, 1, :], coords[:, 2, :])


def _ballq_sc(coords, cidx, radii, ks):
    B, _, N = coords.shape
    S = cidx.shape[1]
    NC, NS = 2, 16
    NW = NC * NS
    WPB = NW // B
    SW = S // WPB
    r2s = [float(r) * float(r) for r in radii]
    L = 16

    out_type = ([jax.ShapeDtypeStruct((B, S, k), jnp.int32) for k in ks]
                + [jax.ShapeDtypeStruct((B, S), jnp.float32)] * 3)
    scratch = ([pltpu.VMEM((N,), jnp.float32)] * 3
               + [pltpu.VMEM((SW,), jnp.int32)]
               + [pltpu.VMEM((SW,), jnp.float32)] * 3
               + [pltpu.VMEM((SW, k), jnp.int32) for k in ks])

    @functools.partial(
        pl.kernel, out_type=out_type,
        mesh=plsc.VectorSubcoreMesh(core_axis_name="c", subcore_axis_name="s"),
        scratch_types=scratch,
        compiler_params=pltpu.CompilerParams(needs_layout_passes=False))
    def ballq(cx_h, cy_h, cz_h, ci_h, gi0_h, gi1_h, gi2_h, ctx_h, cty_h, ctz_h,
              cxv, cyv, czv, civ, ctxv, ctyv, ctzv, g0, g1, g2):
        wid = lax.axis_index("s") * NC + lax.axis_index("c")
        b = wid // WPB
        s0 = (wid % WPB) * SW
        pltpu.sync_copy(cx_h.at[b], cxv)
        pltpu.sync_copy(cy_h.at[b], cyv)
        pltpu.sync_copy(cz_h.at[b], czv)
        pltpu.sync_copy(ci_h.at[b, pl.ds(s0, SW)], civ)
        iota16 = lax.iota(jnp.int32, L)
        for j in range(SW // L):
            ci16 = civ[pl.ds(j * L, L)]
            ctxv[pl.ds(j * L, L)] = plsc.load_gather(cxv, [ci16])
            ctyv[pl.ds(j * L, L)] = plsc.load_gather(cyv, [ci16])
            ctzv[pl.ds(j * L, L)] = plsc.load_gather(czv, [ci16])

        grefs = (g0, g1, g2)

        def per_centroid(i, _):
            rowv = jnp.full((L,), i, jnp.int32)
            cbx = plsc.load_gather(ctxv, [rowv])
            cby = plsc.load_gather(ctyv, [rowv])
            cbz = plsc.load_gather(ctzv, [rowv])

            def per_chunk(j, cnts):
                base = j * L
                pidx = base + iota16
                px = plsc.load_gather(cxv, [pidx])
                py = plsc.load_gather(cyv, [pidx])
                pz = plsc.load_gather(czv, [pidx])
                dx = px - cbx
                dy = py - cby
                dz = pz - cbz
                d2 = dx * dx + dy * dy + dz * dz
                mask2 = d2 <= r2s[2]
                pos2 = plsc.cumsum(jnp.where(mask2, 1, 0))
                n2 = jnp.max(pos2)

                def do_branches(cnts):
                    new = []
                    for r, (gref, k, r2) in enumerate(zip(grefs, ks, r2s)):
                        if r == 2:
                            mask, pos, np_ = mask2, pos2, n2
                        else:
                            mask = d2 <= r2
                            pos = plsc.cumsum(jnp.where(mask, 1, 0))
                            np_ = jnp.max(pos)
                        wpos = cnts[r] + pos - 1
                        wmask = mask & (wpos < k)
                        plsc.store_scatter(gref, [rowv, wpos], pidx, mask=wmask)
                        new.append(cnts[r] + np_)
                    return tuple(new)

                return lax.cond(n2 > 0, do_branches, lambda c: c, cnts)

            z = jnp.zeros((), jnp.int32)
            cnts = lax.fori_loop(0, N // L, per_chunk, (z, z, z))
            zero16 = jnp.zeros((L,), jnp.int32)
            for r, (gref, k) in enumerate(zip(grefs, ks)):
                cntc = jnp.minimum(cnts[r], k)
                first = plsc.load_gather(gref, [rowv, zero16])
                for jj in range(k // L):
                    idxv = iota16 + jj * L
                    cur = plsc.load_gather(gref, [rowv, idxv])
                    plsc.store_scatter(gref, [rowv, idxv],
                                       jnp.where(idxv < cntc, cur, first))
            return 0

        lax.fori_loop(0, SW, per_centroid, 0)
        pltpu.sync_copy(g0, gi0_h.at[b, pl.ds(s0, SW)])
        pltpu.sync_copy(g1, gi1_h.at[b, pl.ds(s0, SW)])
        pltpu.sync_copy(g2, gi2_h.at[b, pl.ds(s0, SW)])
        pltpu.sync_copy(ctxv, ctx_h.at[b, pl.ds(s0, SW)])
        pltpu.sync_copy(ctyv, cty_h.at[b, pl.ds(s0, SW)])
        pltpu.sync_copy(ctzv, ctz_h.at[b, pl.ds(s0, SW)])

    gi0, gi1, gi2, ctx, cty, ctz = ballq(
        coords[:, 0, :], coords[:, 1, :], coords[:, 2, :], cidx)
    return [gi0, gi1, gi2], (ctx, cty, ctz)


def _j_set_abstraction(coords, feats, centroids, gi, mlp_params):
    B, _, N = coords.shape
    S = centroids.shape[2]
    Kk = gi.shape[2]
    gflat = gi.reshape(B, S * Kk)
    gc = jnp.take_along_axis(coords, jnp.broadcast_to(gflat[:, None, :], (B, 3, S * Kk)), axis=2)
    gc = gc.reshape(B, 3, S, Kk) - centroids[:, :, :, None]
    if feats is None:
        cat = gc
    else:
        C = feats.shape[1]
        gf = jnp.take_along_axis(feats, jnp.broadcast_to(gflat[:, None, :], (B, C, S * Kk)), axis=2)
        cat = jnp.concatenate([gc, gf.reshape(B, C, S, Kk)], axis=1)
    for (W, b) in mlp_params:
        y = jnp.einsum('oc,bcsk->bosk', W, cat) + b[None, :, None, None]
        m = jnp.mean(y, axis=(0, 2, 3), keepdims=True)
        v = jnp.var(y, axis=(0, 2, 3), keepdims=True)
        cat = jax.nn.relu((y - m) / jnp.sqrt(v + EPS))
    return jnp.max(cat, axis=-1)


def _j_global_abstraction(coords, feats, mlp_params):
    cat = coords if feats is None else jnp.concatenate([coords, feats], axis=1)
    for (W, b) in mlp_params:
        y = jnp.einsum('oc,bcn->bon', W, cat) + b[None, :, None]
        m = jnp.mean(y, axis=(0, 2), keepdims=True)
        v = jnp.var(y, axis=(0, 2), keepdims=True)
        cat = jax.nn.relu((y - m) / jnp.sqrt(v + EPS))
    return jnp.max(cat, axis=-1)


def _gather_body(S_t, K, N, C, gi_ref, tab_ref, o_ref):
    R = S_t * K
    gi = gi_ref[0]
    oh = (gi[..., None] == jax.lax.broadcasted_iota(jnp.int32, (S_t, K, N), 2)
          ).astype(jnp.float32)
    g = jnp.dot(oh.reshape(R, N), tab_ref[0], preferred_element_type=jnp.float32,
                precision=jax.lax.Precision.HIGHEST)
    o_ref[0] = g.T


def _gather_cat(gi, tab, S_t):
    B, S, K = gi.shape
    N, C = tab.shape[1], tab.shape[2]
    out = pl.pallas_call(
        functools.partial(_gather_body, S_t, K, N, C),
        grid=(B, S // S_t),
        in_specs=[
            pl.BlockSpec((1, S_t, K), lambda b_, s: (b_, s, 0)),
            pl.BlockSpec((1, N, C), lambda b_, s: (b_, 0, 0)),
        ],
        out_specs=pl.BlockSpec((1, C, S_t * K), lambda b_, s: (b_, 0, s)),
        out_shape=jax.ShapeDtypeStruct((B, C, S * K), jnp.float32),
    )(gi, tab)
    return jax.lax.optimization_barrier(out.reshape(B, C, S, K))


def _j_mlp(cat, mlp_params):
    for (W, b) in mlp_params:
        y = jnp.einsum('oc,bcsk->bosk', W, cat) + b[None, :, None, None]
        m = jnp.mean(y, axis=(0, 2, 3), keepdims=True)
        v = jnp.var(y, axis=(0, 2, 3), keepdims=True)
        cat = jax.nn.relu((y - m) / jnp.sqrt(v + EPS))
    return jnp.max(cat, axis=-1)


def _stats_to_affine(stats, count):
    m = stats[0:1, :] / count
    v = stats[1:2, :] / count - m * m
    sc = 1.0 / jnp.sqrt(v + EPS)
    return sc, -m * sc


def _l1_sa1_body(S_t, K, N, gi_ref, tab_ref, ctr_ref, w_ref, b_ref, y_ref, st_ref):
    R = S_t * K
    gi = gi_ref[0]
    lo = jnp.bitwise_and(gi, 127)[..., None]
    hi = jnp.right_shift(gi, 7)[..., None]
    ohlo = (lo == jax.lax.broadcasted_iota(jnp.int32, (S_t, K, 128), 2)).astype(jnp.float32)
    a = jnp.dot(ohlo.reshape(R, 128), tab_ref[0],
                preferred_element_type=jnp.float32,
                precision=jax.lax.Precision.HIGHEST)
    NH = N // 128
    a = a.reshape(S_t, K, NH, 4)
    ohhi = (hi == jax.lax.broadcasted_iota(jnp.int32, (S_t, K, NH), 2)).astype(jnp.float32)
    gath = jnp.sum(a * ohhi[..., None], axis=2)
    rel = (gath[..., :3] - ctr_ref[0][:, None, :]).reshape(R, 3)
    y = jnp.dot(rel, w_ref[...], preferred_element_type=jnp.float32) + b_ref[...]
    y_ref[0] = y
    first = (pl.program_id(0) == 0) & (pl.program_id(1) == 0)
    @pl.when(first)
    def _():
        st_ref[...] = jnp.zeros_like(st_ref)
    st_ref[0:1, :] += jnp.sum(y, axis=0, keepdims=True)
    st_ref[1:2, :] += jnp.sum(y * y, axis=0, keepdims=True)


def _l1_sa1(gi, tab, ctr, W, b, S_t):
    B, S, K = gi.shape
    N = tab.shape[2] // 4 * 128
    C1 = W.shape[0]
    grid = (B, S // S_t)
    return pl.pallas_call(
        functools.partial(_l1_sa1_body, S_t, K, N),
        grid=grid,
        in_specs=[
            pl.BlockSpec((1, S_t, K), lambda b_, s: (b_, s, 0)),
            pl.BlockSpec((1, 128, tab.shape[2]), lambda b_, s: (b_, 0, 0)),
            pl.BlockSpec((1, S_t, 3), lambda b_, s: (b_, s, 0)),
            pl.BlockSpec((3, C1), lambda b_, s: (0, 0)),
            pl.BlockSpec((1, C1), lambda b_, s: (0, 0)),
        ],
        out_specs=[
            pl.BlockSpec((1, S_t * K, C1), lambda b_, s: (b_, s, 0)),
            pl.BlockSpec((8, C1), lambda b_, s: (0, 0)),
        ],
        out_shape=[jax.ShapeDtypeStruct((B, S * K, C1), jnp.float32),
                   jax.ShapeDtypeStruct((8, C1), jnp.float32)],
    )(gi, tab, ctr, W.T, b[None, :])


def _l1_sa2_body(S_t, K, N, gi_ref, z_ref, ctr_ref, wc_ref, b_ref, y_ref, st_ref):
    R = S_t * K
    C = z_ref.shape[2]
    gi = gi_ref[0]
    oh = (gi[..., None] == jax.lax.broadcasted_iota(jnp.int32, (S_t, K, N), 2)
          ).astype(jnp.float32)
    gath = jnp.dot(oh.reshape(R, N), z_ref[0],
                   preferred_element_type=jnp.float32,
                   precision=jax.lax.Precision.HIGHEST)
    off = jnp.dot(ctr_ref[0], wc_ref[...], preferred_element_type=jnp.float32) - b_ref[...]
    y = (gath.reshape(S_t, K, C) - off[:, None, :]).reshape(R, C)
    y_ref[0] = y
    first = (pl.program_id(0) == 0) & (pl.program_id(1) == 0)
    @pl.when(first)
    def _():
        st_ref[...] = jnp.zeros_like(st_ref)
    st_ref[0:1, :] += jnp.sum(y, axis=0, keepdims=True)
    st_ref[1:2, :] += jnp.sum(y * y, axis=0, keepdims=True)


def _l1_sa2(gi, z, ctr, Wc, b, S_t):
    B, S, K = gi.shape
    N = z.shape[1]
    C1 = z.shape[2]
    grid = (B, S // S_t)
    return pl.pallas_call(
        functools.partial(_l1_sa2_body, S_t, K, N),
        grid=grid,
        in_specs=[
            pl.BlockSpec((1, S_t, K), lambda b_, s: (b_, s, 0)),
            pl.BlockSpec((1, N, C1), lambda b_, s: (b_, 0, 0)),
            pl.BlockSpec((1, S_t, 3), lambda b_, s: (b_, s, 0)),
            pl.BlockSpec((3, C1), lambda b_, s: (0, 0)),
            pl.BlockSpec((1, C1), lambda b_, s: (0, 0)),
        ],
        out_specs=[
            pl.BlockSpec((1, S_t * K, C1), lambda b_, s: (b_, s, 0)),
            pl.BlockSpec((8, C1), lambda b_, s: (0, 0)),
        ],
        out_shape=[jax.ShapeDtypeStruct((B, S * K, C1), jnp.float32),
                   jax.ShapeDtypeStruct((8, C1), jnp.float32)],
    )(gi, z, ctr, Wc.T, b[None, :])


def _mid_body(x_ref, sc_ref, sh_ref, w_ref, b_ref, y_ref, st_ref):
    xh = jax.nn.relu(x_ref[...] * sc_ref[...] + sh_ref[...])
    y = jnp.dot(xh, w_ref[...], preferred_element_type=jnp.float32) + b_ref[...]
    y_ref[...] = y
    @pl.when(pl.program_id(0) == 0)
    def _():
        st_ref[...] = jnp.zeros_like(st_ref)
    st_ref[0:1, :] += jnp.sum(y, axis=0, keepdims=True)
    st_ref[1:2, :] += jnp.sum(y * y, axis=0, keepdims=True)


def _mid_layer(x, stats, count, W, b, R_t=4096):
    M, Cin = x.shape
    Cout = W.shape[0]
    sc, sh = _stats_to_affine(stats, count)
    grid = (M // R_t,)
    return pl.pallas_call(
        _mid_body,
        grid=grid,
        in_specs=[
            pl.BlockSpec((R_t, Cin), lambda i: (i, 0)),
            pl.BlockSpec((1, Cin), lambda i: (0, 0)),
            pl.BlockSpec((1, Cin), lambda i: (0, 0)),
            pl.BlockSpec((Cin, Cout), lambda i: (0, 0)),
            pl.BlockSpec((1, Cout), lambda i: (0, 0)),
        ],
        out_specs=[
            pl.BlockSpec((R_t, Cout), lambda i: (i, 0)),
            pl.BlockSpec((8, Cout), lambda i: (0, 0)),
        ],
        out_shape=[jax.ShapeDtypeStruct((M, Cout), jnp.float32),
                   jax.ShapeDtypeStruct((8, Cout), jnp.float32)],
    )(x, sc, sh, W.T, b[None, :])


def _last_body(S_t, K, x_ref, sc_ref, sh_ref, w_ref, b_ref, y_ref, st_ref):
    xh = jax.nn.relu(x_ref[0] * sc_ref[...] + sh_ref[...])
    y = jnp.dot(xh, w_ref[...], preferred_element_type=jnp.float32) + b_ref[...]
    Cout = y.shape[1]
    y_ref[0] = jnp.max(y.reshape(S_t, K, Cout), axis=1)
    first = (pl.program_id(0) == 0) & (pl.program_id(1) == 0)
    @pl.when(first)
    def _():
        st_ref[...] = jnp.zeros_like(st_ref)
    st_ref[0:1, :] += jnp.sum(y, axis=0, keepdims=True)
    st_ref[1:2, :] += jnp.sum(y * y, axis=0, keepdims=True)


def _last_layer(x, stats, count, W, b, B, S, K, S_t):
    Cin = x.shape[1]
    Cout = W.shape[0]
    sc, sh = _stats_to_affine(stats, count)
    grid = (B, S // S_t)
    return pl.pallas_call(
        functools.partial(_last_body, S_t, K),
        grid=grid,
        in_specs=[
            pl.BlockSpec((1, S_t * K, Cin), lambda b_, s: (b_, s, 0)),
            pl.BlockSpec((1, Cin), lambda b_, s: (0, 0)),
            pl.BlockSpec((1, Cin), lambda b_, s: (0, 0)),
            pl.BlockSpec((Cin, Cout), lambda b_, s: (0, 0)),
            pl.BlockSpec((1, Cout), lambda b_, s: (0, 0)),
        ],
        out_specs=[
            pl.BlockSpec((1, S_t, Cout), lambda b_, s: (b_, s, 0)),
            pl.BlockSpec((8, Cout), lambda b_, s: (0, 0)),
        ],
        out_shape=[jax.ShapeDtypeStruct((B, S, Cout), jnp.float32),
                   jax.ShapeDtypeStruct((8, Cout), jnp.float32)],
    )(x.reshape(B, S * K, Cin), sc, sh, W.T, b[None, :])


def _branch_mlp(y1, st1, mlp_params, B, S, K, S_t):
    count = float(B * S * K)
    y, st = y1, st1
    for (W, b) in mlp_params[1:-1]:
        y, st = _mid_layer(y.reshape(B * S * K, -1), st, count, W, b)
    WL, bL = mlp_params[-1]
    return _last_layer(y.reshape(B * S * K, -1), st, count, WL, bL, B, S, K, S_t)


def _z_body(c_ref, f_ref, sc_ref, sh_ref, wc_ref, wf_ref, z_ref):
    xh = jax.nn.relu(f_ref[0] * sc_ref[...] + sh_ref[...])
    z = (jnp.dot(c_ref[0], wc_ref[...], preferred_element_type=jnp.float32)
         + jnp.dot(xh, wf_ref[...], preferred_element_type=jnp.float32))
    z_ref[0] = z


def _z_kernel(c1, f1raw, sc, sh, Wc, Wf):
    B, S, _ = c1.shape
    CF = f1raw.shape[2]
    CZ = Wc.shape[1]
    return pl.pallas_call(
        _z_body,
        grid=(B,),
        in_specs=[
            pl.BlockSpec((1, S, 3), lambda b_: (b_, 0, 0)),
            pl.BlockSpec((1, S, CF), lambda b_: (b_, 0, 0)),
            pl.BlockSpec((1, CF), lambda b_: (0, 0)),
            pl.BlockSpec((1, CF), lambda b_: (0, 0)),
            pl.BlockSpec((3, CZ), lambda b_: (0, 0)),
            pl.BlockSpec((CF, CZ), lambda b_: (0, 0)),
        ],
        out_specs=pl.BlockSpec((1, S, CZ), lambda b_: (b_, 0, 0)),
        out_shape=jax.ShapeDtypeStruct((B, S, CZ), jnp.float32),
    )(c1, f1raw, sc, sh, Wc, Wf)


def _global_body(B, S, c_ref, f_ref, sc_ref, sh_ref,
                 w0c_ref, w0f_ref, b0_ref, w1_ref, b1_ref, w2_ref, b2_ref, o_ref):
    xh = jax.nn.relu(f_ref[...] * sc_ref[...] + sh_ref[...])
    y = (jnp.dot(c_ref[...], w0c_ref[...], preferred_element_type=jnp.float32)
         + jnp.dot(xh, w0f_ref[...], preferred_element_type=jnp.float32)
         + b0_ref[...])
    M = B * S
    for w_ref, b_ref in ((w1_ref, b1_ref), (w2_ref, b2_ref), (None, None)):
        m = jnp.sum(y, axis=0, keepdims=True) / M
        v = jnp.sum(y * y, axis=0, keepdims=True) / M - m * m
        y = jax.nn.relu((y - m) / jnp.sqrt(v + EPS))
        if w_ref is not None:
            y = jnp.dot(y, w_ref[...], preferred_element_type=jnp.float32) + b_ref[...]
    o_ref[...] = jnp.max(y.reshape(B, S, y.shape[1]), axis=1)


def _global_abstraction_k(c2, f2raw, sc, sh, mlp_params):
    B, S, _ = c2.shape
    CF = f2raw.shape[2]
    (W0, b0), (W1, b1), (W2, b2) = mlp_params
    return pl.pallas_call(
        functools.partial(_global_body, B, S),
        out_shape=jax.ShapeDtypeStruct((B, W2.shape[0]), jnp.float32),
    )(c2.reshape(B * S, 3), f2raw.reshape(B * S, CF), sc, sh,
      W0[:, :3].T, W0[:, 3:].T, b0[None, :], W1.T, b1[None, :], W2.T, b2[None, :])


def _head_kernel(x_ref, w0_ref, b0_ref, w1_ref, b1_ref, w2_ref, b2_ref, o_ref):
    x = x_ref[...]
    for (w_ref, b_ref, last) in ((w0_ref, b0_ref, False), (w1_ref, b1_ref, False),
                                 (w2_ref, b2_ref, True)):
        x = jnp.dot(x, w_ref[...].T, preferred_element_type=jnp.float32) + b_ref[...][None, :]
        if not last:
            m = jnp.mean(x, axis=0, keepdims=True)
            v = jnp.mean((x - m) ** 2, axis=0, keepdims=True)
            x = jax.nn.relu((x - m) / jnp.sqrt(v + EPS))
    o_ref[...] = x


def _head(x, fc_params):
    (w0, b0), (w1, b1), (w2, b2) = fc_params
    return pl.pallas_call(
        _head_kernel,
        out_shape=jax.ShapeDtypeStruct((x.shape[0], w2.shape[0]), jnp.float32),
    )(x, w0, b0, w1, b1, w2, b2)


_ST_SA1 = {16: 128, 32: 64, 128: 16}
_ST_SA2 = {32: 64, 64: 32, 128: 16}


_GT_SA1 = {16: 64, 32: 32, 128: 8}
_GT_SA2 = {32: 32, 64: 16, 128: 8}


def kernel(x, params):
    coords = x[:, :3, :]
    B, _, N = coords.shape

    c1 = _fps(coords, 512)
    gis1, (ctx1, cty1, ctz1) = _ballq_sc(
        coords, c1, [r for (r, _, _) in SA1_CFG], [k for (_, k, _) in SA1_CFG])
    coords1 = jnp.stack([ctx1, cty1, ctz1], axis=1)
    ctr1 = jnp.stack([ctx1, cty1, ctz1], axis=2)
    tab1 = jnp.transpose(coords, (0, 2, 1))
    f1_parts = []
    for gi, p, (_, K, _) in zip(gis1, params['sa1'], SA1_CFG):
        g = _gather_cat(gi, tab1, _GT_SA1[K])
        cat = g - coords1[:, :, :, None]
        f1_parts.append(_j_mlp(cat, p))
    f1 = jnp.concatenate(f1_parts, axis=1)

    c2 = _fps(coords1, 128)
    gis2, (ctx2, cty2, ctz2) = _ballq_sc(
        coords1, c2, [r for (r, _, _) in SA2_CFG], [k for (_, k, _) in SA2_CFG])
    ctr2 = jnp.stack([ctx2, cty2, ctz2], axis=2)
    tab2 = jnp.concatenate([ctr1, jnp.transpose(f1, (0, 2, 1))], axis=2)
    coords2 = jnp.stack([ctx2, cty2, ctz2], axis=1)
    f2_parts = []
    for gi, p, (_, K, _) in zip(gis2, params['sa2'], SA2_CFG):
        g = _gather_cat(gi, tab2, _GT_SA2[K])
        gc = g[:, :3] - coords2[:, :, :, None]
        cat = jnp.concatenate([gc, g[:, 3:]], axis=1)
        f2_parts.append(_j_mlp(cat, p))
    f2 = jnp.concatenate(f2_parts, axis=1)

    CF = f2.shape[1]
    ones = jnp.ones((1, CF), jnp.float32)
    zeros = jnp.zeros((1, CF), jnp.float32)
    f3 = _global_abstraction_k(ctr2, jnp.transpose(f2, (0, 2, 1)), ones, zeros,
                               params['sa3'])
    return _head(f3, params['fc'])

# --- scband reference (transcript-rebuilt; emitter-appended) ---
"""Pipeline reference for scband-point-net2-msg-63256278335591 (READ-ONLY COPY).

The authoritative reference and input builder live on the scoring server;
editing this copy changes nothing except your own understanding.
"""

import jax, jax.numpy as jnp
import numpy as np

EPS = 1e-5
SA1 = [(0.1, 16, [32, 32, 64]), (0.2, 32, [64, 64, 128]), (0.4, 128, [64, 96, 128])]
SA2 = [(0.2, 32, [64, 64, 128]), (0.4, 64, [128, 128, 256]), (0.8, 128, [128, 128, 256])]

def fps(coords, num_centroids):
    B, _, N = coords.shape
    def step(carry, _):
        dists, farthest = carry
        centroid = jnp.take_along_axis(coords, jnp.broadcast_to(farthest[:, None, None], (B, 3, 1)), axis=2)
        d = jnp.sum((coords - centroid) ** 2, axis=1)
        dists = jnp.minimum(dists, d)
        nxt = jnp.argmax(dists, axis=1).astype(jnp.int32)
        return (dists, nxt), farthest
    init = (jnp.full((B, N), 1e10, dtype=coords.dtype), jnp.zeros((B,), dtype=jnp.int32))
    _, idx = jax.lax.scan(step, init, None, length=num_centroids)
    return jnp.transpose(idx)

def ball_query(coords, centroids, radius, max_samples):
    N = coords.shape[2]
    d2 = jnp.sum((centroids[:, :, :, None] - coords[:, :, None, :]) ** 2, axis=1)
    mask = d2 <= radius * radius
    cand = jnp.where(mask, jnp.arange(N, dtype=jnp.int32)[None, None, :], N)
    sidx = jnp.sort(cand, axis=2)[:, :, :max_samples]
    first = sidx[:, :, :1]
    return jnp.where(sidx == N, first, sidx)

def conv_bn_relu2d(x, W, b):
    y = jnp.einsum('oc,bcsk->bosk', W, x) + b[None, :, None, None]
    m = jnp.mean(y, axis=(0, 2, 3), keepdims=True)
    v = jnp.var(y, axis=(0, 2, 3), keepdims=True)
    return jax.nn.relu((y - m) / jnp.sqrt(v + EPS))

def set_abstraction(coords, feats, centroid_idx, radius, max_samples, mlp_params):
    B, _, N = coords.shape
    S = centroid_idx.shape[1]
    ci = jnp.broadcast_to(centroid_idx[:, None, :], (B, 3, S))
    centroids = jnp.take_along_axis(coords, ci, axis=2)
    gi = ball_query(jax.lax.stop_gradient(coords), jax.lax.stop_gradient(centroids), radius, max_samples)
    gflat = gi.reshape(B, S * max_samples)
    gc = jnp.take_along_axis(coords, jnp.broadcast_to(gflat[:, None, :], (B, 3, S * max_samples)), axis=2)
    gc = gc.reshape(B, 3, S, max_samples) - centroids[:, :, :, None]
    if feats is None:
        cat = gc
    else:
        C = feats.shape[1]
        gf = jnp.take_along_axis(feats, jnp.broadcast_to(gflat[:, None, :], (B, C, S * max_samples)), axis=2)
        cat = jnp.concatenate([gc, gf.reshape(B, C, S, max_samples)], axis=1)
    for (W, b) in mlp_params:
        cat = conv_bn_relu2d(cat, W, b)
    return jnp.max(cat, axis=-1)

def global_abstraction(coords, feats, mlp_params):
    cat = coords if feats is None else jnp.concatenate([coords, feats], axis=1)
    for (W, b) in mlp_params:
        y = jnp.einsum('oc,bcn->bon', W, cat) + b[None, :, None]
        m = jnp.mean(y, axis=(0, 2), keepdims=True)
        v = jnp.var(y, axis=(0, 2), keepdims=True)
        cat = jax.nn.relu((y - m) / jnp.sqrt(v + EPS))
    return jnp.max(cat, axis=-1)

def head(x, fc_params):
    n = len(fc_params)
    for i, (W, b) in enumerate(fc_params):
        x = x @ W.T + b
        if i < n - 1:
            m = jnp.mean(x, axis=0, keepdims=True)
            v = jnp.var(x, axis=0, keepdims=True)
            x = jax.nn.relu((x - m) / jnp.sqrt(v + EPS))
    return x

def _make_mlp(key, in_c, channels):
    params = []
    c = in_c
    for o in channels:
        key, k1 = jax.random.split(key)
        W = jax.random.normal(k1, (o, c), dtype=jnp.float32) * (2.0 / (c + o)) ** 0.5
        params.append((W, jnp.zeros((o,), dtype=jnp.float32)))
        c = o
    return key, params

def setup_inputs(seed: int = 0):
    key = jax.random.key(seed)
    key, kx = jax.random.split(key)
    x = jax.random.uniform(kx, (16, 3, 2048), dtype=jnp.float32)
    params = {'sa1': [], 'sa2': []}
    for (_, _, ch) in SA1:
        key, p = _make_mlp(key, 3, ch)
        params['sa1'].append(p)
    for (_, _, ch) in SA2:
        key, p = _make_mlp(key, 323, ch)
        params['sa2'].append(p)
    key, params['sa3'] = _make_mlp(key, 643, [256, 512, 1024])
    key, params['fc'] = _make_mlp(key, 1024, [512, 256, 40])
    return {'x': x, 'params': params}

def reference(x, params):
    coords = x[:, :3, :]
    feats = None if x.shape[1] == 3 else x[:, 3:, :]
    B = coords.shape[0]
    c1 = fps(jax.lax.stop_gradient(coords), 512)
    f1 = jnp.concatenate([set_abstraction(coords, feats, c1, r, k, p) for (r, k, _), p in zip(SA1, params['sa1'])], axis=1)
    coords1 = jnp.take_along_axis(coords, jnp.broadcast_to(c1[:, None, :], (B, 3, 512)), axis=2)
    c2 = fps(jax.lax.stop_gradient(coords1), 128)
    f2 = jnp.concatenate([set_abstraction(coords1, f1, c2, r, k, p) for (r, k, _), p in zip(SA2, params['sa2'])], axis=1)
    coords2 = jnp.take_along_axis(coords1, jnp.broadcast_to(c2[:, None, :], (B, 3, 128)), axis=2)
    f3 = global_abstraction(coords2, f2, params['sa3'])
    return head(f3, params['fc'])

if __name__ == "__main__":
    import jax
    _d = setup_inputs()
    print(jax.jit(kernel)(*tuple(_d.values())))

</pallas_src>

<mosaic_0001>
#map = affine_map<(d0, d1) -> (0, 0)>
#map1 = affine_map<(d0, d1) -> (0, 0, 0)>
module attributes {stable_mosaic.version = 14 : i64} {
  func.func @ballq(%arg0: i32, %arg1: i32, %arg2: memref<16x2048xf32, #tpu.memory_space<hbm>>, %arg3: memref<16x2048xf32, #tpu.memory_space<hbm>>, %arg4: memref<16x2048xf32, #tpu.memory_space<hbm>>, %arg5: memref<16x512xi32, #tpu.memory_space<hbm>>, %arg6: memref<16x512x16xi32, #tpu.memory_space<hbm>>, %arg7: memref<16x512x32xi32, #tpu.memory_space<hbm>>, %arg8: memref<16x512x128xi32, #tpu.memory_space<hbm>>, %arg9: memref<16x512xf32, #tpu.memory_space<hbm>>, %arg10: memref<16x512xf32, #tpu.memory_space<hbm>>, %arg11: memref<16x512xf32, #tpu.memory_space<hbm>>, %arg12: memref<2048xf32, #tpu.memory_space<vmem>>, %arg13: memref<2048xf32, #tpu.memory_space<vmem>>, %arg14: memref<2048xf32, #tpu.memory_space<vmem>>, %arg15: memref<256xi32, #tpu.memory_space<vmem>>, %arg16: memref<256xf32, #tpu.memory_space<vmem>>, %arg17: memref<256xf32, #tpu.memory_space<vmem>>, %arg18: memref<256xf32, #tpu.memory_space<vmem>>, %arg19: memref<256x16xi32, #tpu.memory_space<vmem>>, %arg20: memref<256x32xi32, #tpu.memory_space<vmem>>, %arg21: memref<256x128xi32, #tpu.memory_space<vmem>>) attributes {dimension_semantics = [#tpu.dimension_semantics<core_parallel>, #tpu.dimension_semantics<subcore_parallel>], iteration_bounds = array<i64: 2, 16>, scalar_prefetch = 0 : i64, scratch_operands = 10 : i64, tpu.core_type = #tpu.core_type<sc_vector_subcore>, window_params = [{transform_indices = #map}, {transform_indices = #map}, {transform_indices = #map}, {transform_indices = #map}, {transform_indices = #map1}, {transform_indices = #map1}, {transform_indices = #map1}, {transform_indices = #map}, {transform_indices = #map}, {transform_indices = #map}]} {
    %mul3A = arith.constant 2 : i32
    %mul3A_0 = arith.muli %arg1, %mul3A : i32
    %add3A = arith.addi %mul3A_0, %arg0 : i32
    %jit3A = arith.constant 2 : i32
    %div3A = arith.divsi %add3A, %jit3A : i32
    %sign3A = arith.constant 0 : i32
    %sign3A_1 = arith.cmpi sgt, %add3A, %sign3A : i32
    %sign3A_2 = arith.extui %sign3A_1 : i1 to i32
    %sign3A_3 = arith.constant 0 : i32
    %sign3A_4 = arith.cmpi slt, %add3A, %sign3A_3 : i32
    %sign3A_5 = arith.extui %sign3A_4 : i1 to i32
    %sign3A_6 = arith.subi %sign3A_2, %sign3A_5 : i32
    %sign3A_7 = arith.constant 0 : i32
    %sign3A_8 = arith.cmpi sgt, %jit3A, %sign3A_7 : i32
    %sign3A_9 = arith.extui %sign3A_8 : i1 to i32
    %sign3A_10 = arith.constant 0 : i32
    %sign3A_11 = arith.cmpi slt, %jit3A, %sign3A_10 : i32
    %sign3A_12 = arith.extui %sign3A_11 : i1 to i32
    %sign3A_13 = arith.subi %sign3A_9, %sign3A_12 : i32
    %ne3A = arith.cmpi ne, %sign3A_6, %sign3A_13 : i32
    %rem3A = arith.remsi %add3A, %jit3A : i32
    %ne3A_14 = arith.constant 0 : i32
    %ne3A_15 = arith.cmpi ne, %rem3A, %ne3A_14 : i32
    %and3A = arith.andi %ne3A, %ne3A_15 : i1
    %sub3A = arith.constant 1 : i32
    %sub3A_16 = arith.subi %div3A, %sub3A : i32
    %select_n3A = arith.select %and3A, %sub3A_16, %div3A : i32
    %jit3A_17 = arith.constant 2 : i32
    %eq3A = arith.constant 0 : i32
    %eq3A_18 = arith.cmpi eq, %jit3A_17, %eq3A : i32
    %jit3A_19 = arith.constant 1 : i32
    %select_n3A_20 = arith.select %eq3A_18, %jit3A_19, %jit3A_17 : i32
    %rem3A_21 = arith.remsi %add3A, %select_n3A_20 : i32
    %ne3A_22 = arith.constant 0 : i32
    %ne3A_23 = arith.cmpi ne, %rem3A_21, %ne3A_22 : i32
    %lt3A = arith.constant 0 : i32
    %lt3A_24 = arith.cmpi slt, %rem3A_21, %lt3A : i32
    %lt3A_25 = arith.constant 0 : i32
    %lt3A_26 = arith.cmpi slt, %select_n3A_20, %lt3A_25 : i32
    %ne3A_27 = arith.xori %lt3A_24, %lt3A_26 : i1
    %and3A_28 = arith.andi %ne3A_27, %ne3A_23 : i1
    %add3A_29 = arith.addi %rem3A_21, %select_n3A_20 : i32
    %select_n3A_30 = arith.select %and3A_28, %add3A_29, %rem3A_21 : i32
    %mul3A_31 = arith.constant 256 : i32
    %mul3A_32 = arith.muli %select_n3A_30, %mul3A_31 : i32
    "tpu.region"() ({
      %run_scoped3A = tpu.sem_alloc : memref<!tpu.dma_semaphore, #tpu.memory_space<semaphore_mem>>
      %dma_start3A = arith.constant 0 : i32
      %dma_start3A_212 = tpu.memref_slice %arg2[%select_n3A, %dma_start3A] : memref<16x2048xf32, #tpu.memory_space<hbm>> -> memref<1x2048xf32, #tpu.memory_space<hbm>>
      %dma_start3A_213 = tpu.memref_squeeze %dma_start3A_212 : memref<1x2048xf32, #tpu.memory_space<hbm>> -> memref<2048xf32, #tpu.memory_space<hbm>>
      %dma_start3A_214 = arith.constant 0 : i32
      %dma_start3A_215 = tpu.memref_slice %arg2[%select_n3A, %dma_start3A_214] : memref<16x2048xf32, #tpu.memory_space<hbm>> -> memref<1x2048xf32, #tpu.memory_space<hbm>>
      %dma_start3A_216 = tpu.memref_squeeze %dma_start3A_215 : memref<1x2048xf32, #tpu.memory_space<hbm>> -> memref<2048xf32, #tpu.memory_space<hbm>>
      tpu.enqueue_dma source(%dma_start3A_216 : memref<2048xf32, #tpu.memory_space<hbm>>) target(%arg12 : memref<2048xf32, #tpu.memory_space<vmem>>) target_semaphore(%run_scoped3A : memref<!tpu.dma_semaphore, #tpu.memory_space<semaphore_mem>>)
      %dma_wait3A = arith.constant 0 : i32
      %dma_wait3A_217 = tpu.memref_slice %arg2[%select_n3A, %dma_wait3A] : memref<16x2048xf32, #tpu.memory_space<hbm>> -> memref<1x2048xf32, #tpu.memory_space<hbm>>
      %dma_wait3A_218 = tpu.memref_squeeze %dma_wait3A_217 : memref<1x2048xf32, #tpu.memory_space<hbm>> -> memref<2048xf32, #tpu.memory_space<hbm>>
      %dma_wait3A_219 = arith.constant 0 : i32
      %dma_wait3A_220 = tpu.memref_slice %arg2[%select_n3A, %dma_wait3A_219] : memref<16x2048xf32, #tpu.memory_space<hbm>> -> memref<1x2048xf32, #tpu.memory_space<hbm>>
      %dma_wait3A_221 = tpu.memref_squeeze %dma_wait3A_220 : memref<1x2048xf32, #tpu.memory_space<hbm>> -> memref<2048xf32, #tpu.memory_space<hbm>>
      tpu.wait_dma2 semaphore(%run_scoped3A : memref<!tpu.dma_semaphore, #tpu.memory_space<semaphore_mem>>) src(%dma_wait3A_221 : memref<2048xf32, #tpu.memory_space<hbm>>) dst(%arg12 : memref<2048xf32, #tpu.memory_space<vmem>>)
      tpu.yield
    }) : () -> ()
    "tpu.region"() ({
      %run_scoped3A = tpu.sem_alloc : memref<!tpu.dma_semaphore, #tpu.memory_space<semaphore_mem>>
      %dma_start3A = arith.constant 0 : i32
      %dma_start3A_212 = tpu.memref_slice %arg3[%select_n3A, %dma_start3A] : memref<16x2048xf32, #tpu.memory_space<hbm>> -> memref<1x2048xf32, #tpu.memory_space<hbm>>
      %dma_start3A_213 = tpu.memref_squeeze %dma_start3A_212 : memref<1x2048xf32, #tpu.memory_space<hbm>> -> memref<2048xf32, #tpu.memory_space<hbm>>
      %dma_start3A_214 = arith.constant 0 : i32
      %dma_start3A_215 = tpu.memref_slice %arg3[%select_n3A, %dma_start3A_214] : memref<16x2048xf32, #tpu.memory_space<hbm>> -> memref<1x2048xf32, #tpu.memory_space<hbm>>
      %dma_start3A_216 = tpu.memref_squeeze %dma_start3A_215 : memref<1x2048xf32, #tpu.memory_space<hbm>> -> memref<2048xf32, #tpu.memory_space<hbm>>
      tpu.enqueue_dma source(%dma_start3A_216 : memref<2048xf32, #tpu.memory_space<hbm>>) target(%arg13 : memref<2048xf32, #tpu.memory_space<vmem>>) target_semaphore(%run_scoped3A : memref<!tpu.dma_semaphore, #tpu.memory_space<semaphore_mem>>)
      %dma_wait3A = arith.constant 0 : i32
      %dma_wait3A_217 = tpu.memref_slice %arg3[%select_n3A, %dma_wait3A] : memref<16x2048xf32, #tpu.memory_space<hbm>> -> memref<1x2048xf32, #tpu.memory_space<hbm>>
      %dma_wait3A_218 = tpu.memref_squeeze %dma_wait3A_217 : memref<1x2048xf32, #tpu.memory_space<hbm>> -> memref<2048xf32, #tpu.memory_space<hbm>>
      %dma_wait3A_219 = arith.constant 0 : i32
      %dma_wait3A_220 = tpu.memref_slice %arg3[%select_n3A, %dma_wait3A_219] : memref<16x2048xf32, #tpu.memory_space<hbm>> -> memref<1x2048xf32, #tpu.memory_space<hbm>>
      %dma_wait3A_221 = tpu.memref_squeeze %dma_wait3A_220 : memref<1x2048xf32, #tpu.memory_space<hbm>> -> memref<2048xf32, #tpu.memory_space<hbm>>
      tpu.wait_dma2 semaphore(%run_scoped3A : memref<!tpu.dma_semaphore, #tpu.memory_space<semaphore_mem>>) src(%dma_wait3A_221 : memref<2048xf32, #tpu.memory_space<hbm>>) dst(%arg13 : memref<2048xf32, #tpu.memory_space<vmem>>)
      tpu.yield
    }) : () -> ()
    "tpu.region"() ({
      %run_scoped3A = tpu.sem_alloc : memref<!tpu.dma_semaphore, #tpu.memory_space<semaphore_mem>>
      %dma_start3A = arith.constant 0 : i32
      %dma_start3A_212 = tpu.memref_slice %arg4[%select_n3A, %dma_start3A] : memref<16x2048xf32, #tpu.memory_space<hbm>> -> memref<1x2048xf32, #tpu.memory_space<hbm>>
      %dma_start3A_213 = tpu.memref_squeeze %dma_start3A_212 : memref<1x2048xf32, #tpu.memory_space<hbm>> -> memref<2048xf32, #tpu.memory_space<hbm>>
      %dma_start3A_214 = arith.constant 0 : i32
      %dma_start3A_215 = tpu.memref_slice %arg4[%select_n3A, %dma_start3A_214] : memref<16x2048xf32, #tpu.memory_space<hbm>> -> memref<1x2048xf32, #tpu.memory_space<hbm>>
      %dma_start3A_216 = tpu.memref_squeeze %dma_start3A_215 : memref<1x2048xf32, #tpu.memory_space<hbm>> -> memref<2048xf32, #tpu.memory_space<hbm>>
      tpu.enqueue_dma source(%dma_start3A_216 : memref<2048xf32, #tpu.memory_space<hbm>>) target(%arg14 : memref<2048xf32, #tpu.memory_space<vmem>>) target_semaphore(%run_scoped3A : memref<!tpu.dma_semaphore, #tpu.memory_space<semaphore_mem>>)
      %dma_wait3A = arith.constant 0 : i32
      %dma_wait3A_217 = tpu.memref_slice %arg4[%select_n3A, %dma_wait3A] : memref<16x2048xf32, #tpu.memory_space<hbm>> -> memref<1x2048xf32, #tpu.memory_space<hbm>>
      %dma_wait3A_218 = tpu.memref_squeeze %dma_wait3A_217 : memref<1x2048xf32, #tpu.memory_space<hbm>> -> memref<2048xf32, #tpu.memory_space<hbm>>
      %dma_wait3A_219 = arith.constant 0 : i32
      %dma_wait3A_220 = tpu.memref_slice %arg4[%select_n3A, %dma_wait3A_219] : memref<16x2048xf32, #tpu.memory_space<hbm>> -> memref<1x2048xf32, #tpu.memory_space<hbm>>
      %dma_wait3A_221 = tpu.memref_squeeze %dma_wait3A_220 : memref<1x2048xf32, #tpu.memory_space<hbm>> -> memref<2048xf32, #tpu.memory_space<hbm>>
      tpu.wait_dma2 semaphore(%run_scoped3A : memref<!tpu.dma_semaphore, #tpu.memory_space<semaphore_mem>>) src(%dma_wait3A_221 : memref<2048xf32, #tpu.memory_space<hbm>>) dst(%arg14 : memref<2048xf32, #tpu.memory_space<vmem>>)
      tpu.yield
    }) : () -> ()
    "tpu.region"() ({
      %run_scoped3A = tpu.sem_alloc : memref<!tpu.dma_semaphore, #tpu.memory_space<semaphore_mem>>
      %dma_start3A = tpu.memref_slice %arg5[%select_n3A, %mul3A_32] : memref<16x512xi32, #tpu.memory_space<hbm>> -> memref<1x256xi32, #tpu.memory_space<hbm>>
      %dma_start3A_212 = tpu.memref_squeeze %dma_start3A : memref<1x256xi32, #tpu.memory_space<hbm>> -> memref<256xi32, #tpu.memory_space<hbm>>
      %dma_start3A_213 = tpu.memref_slice %arg5[%select_n3A, %mul3A_32] : memref<16x512xi32, #tpu.memory_space<hbm>> -> memref<1x256xi32, #tpu.memory_space<hbm>>
      %dma_start3A_214 = tpu.memref_squeeze %dma_start3A_213 : memref<1x256xi32, #tpu.memory_space<hbm>> -> memref<256xi32, #tpu.memory_space<hbm>>
      tpu.enqueue_dma source(%dma_start3A_214 : memref<256xi32, #tpu.memory_space<hbm>>) target(%arg15 : memref<256xi32, #tpu.memory_space<vmem>>) target_semaphore(%run_scoped3A : memref<!tpu.dma_semaphore, #tpu.memory_space<semaphore_mem>>)
      %dma_wait3A = tpu.memref_slice %arg5[%select_n3A, %mul3A_32] : memref<16x512xi32, #tpu.memory_space<hbm>> -> memref<1x256xi32, #tpu.memory_space<hbm>>
      %dma_wait3A_215 = tpu.memref_squeeze %dma_wait3A : memref<1x256xi32, #tpu.memory_space<hbm>> -> memref<256xi32, #tpu.memory_space<hbm>>
      %dma_wait3A_216 = tpu.memref_slice %arg5[%select_n3A, %mul3A_32] : memref<16x512xi32, #tpu.memory_space<hbm>> -> memref<1x256xi32, #tpu.memory_space<hbm>>
      %dma_wait3A_217 = tpu.memref_squeeze %dma_wait3A_216 : memref<1x256xi32, #tpu.memory_space<hbm>> -> memref<256xi32, #tpu.memory_space<hbm>>
      tpu.wait_dma2 semaphore(%run_scoped3A : memref<!tpu.dma_semaphore, #tpu.memory_space<semaphore_mem>>) src(%dma_wait3A_217 : memref<256xi32, #tpu.memory_space<hbm>>) dst(%arg15 : memref<256xi32, #tpu.memory_space<vmem>>)
      tpu.yield
    }) : () -> ()
    %iota3A = tpu.iota {dimensions = array<i32: 0>} : vector<16xi32>
    %get3A = arith.constant 0 : index
    %get3A_33 = tpu.vector_load %arg15[%get3A] {strides = array<i32>} : memref<256xi32, #tpu.memory_space<vmem>>, vector<16xi32>,
    %gather3A = tpu.vector_load_idx %arg12[%get3A_33] : memref<2048xf32, #tpu.memory_space<vmem>>[vector<16xi32>], vector<16xf32>,
    %swap3A = arith.constant 0 : index
    %swap3A_34 = tpu.vector_load %arg16[%swap3A] {strides = array<i32>} : memref<256xf32, #tpu.memory_space<vmem>>, vector<16xf32>,
    tpu.vector_store %arg16[%swap3A], %gather3A {strides = array<i32>} : memref<256xf32, #tpu.memory_space<vmem>>, vector<16xf32>,
    %gather3A_35 = tpu.vector_load_idx %arg13[%get3A_33] : memref<2048xf32, #tpu.memory_space<vmem>>[vector<16xi32>], vector<16xf32>,
    %swap3A_36 = arith.constant 0 : index
    %swap3A_37 = tpu.vector_load %arg17[%swap3A_36] {strides = array<i32>} : memref<256xf32, #tpu.memory_space<vmem>>, vector<16xf32>,
    tpu.vector_store %arg17[%swap3A_36], %gather3A_35 {strides = array<i32>} : memref<256xf32, #tpu.memory_space<vmem>>, vector<16xf32>,
    %gather3A_38 = tpu.vector_load_idx %arg14[%get3A_33] : memref<2048xf32, #tpu.memory_space<vmem>>[vector<16xi32>], vector<16xf32>,
    %swap3A_39 = arith.constant 0 : index
    %swap3A_40 = tpu.vector_load %arg18[%swap3A_39] {strides = array<i32>} : memref<256xf32, #tpu.memory_space<vmem>>, vector<16xf32>,
    tpu.vector_store %arg18[%swap3A_39], %gather3A_38 {strides = array<i32>} : memref<256xf32, #tpu.memory_space<vmem>>, vector<16xf32>,
    %get3A_41 = arith.constant 16 : index
    %get3A_42 = tpu.vector_load %arg15[%get3A_41] {strides = array<i32>} : memref<256xi32, #tpu.memory_space<vmem>>, vector<16xi32>,
    %gather3A_43 = tpu.vector_load_idx %arg12[%get3A_42] : memref<2048xf32, #tpu.memory_space<vmem>>[vector<16xi32>], vector<16xf32>,
    %swap3A_44 = arith.constant 16 : index
    %swap3A_45 = tpu.vector_load %arg16[%swap3A_44] {strides = array<i32>} : memref<256xf32, #tpu.memory_space<vmem>>, vector<16xf32>,
    tpu.vector_store %arg16[%swap3A_44], %gather3A_43 {strides = array<i32>} : memref<256xf32, #tpu.memory_space<vmem>>, vector<16xf32>,
    %gather3A_46 = tpu.vector_load_idx %arg13[%get3A_42] : memref<2048xf32, #tpu.memory_space<vmem>>[vector<16xi32>], vector<16xf32>,
    %swap3A_47 = arith.constant 16 : index
    %swap3A_48 = tpu.vector_load %arg17[%swap3A_47] {strides = array<i32>} : memref<256xf32, #tpu.memory_space<vmem>>, vector<16xf32>,
    tpu.vector_store %arg17[%swap3A_47], %gather3A_46 {strides = array<i32>} : memref<256xf32, #tpu.memory_space<vmem>>, vector<16xf32>,
    %gather3A_49 = tpu.vector_load_idx %arg14[%get3A_42] : memref<2048xf32, #tpu.memory_space<vmem>>[vector<16xi32>], vector<16xf32>,
    %swap3A_50 = arith.constant 16 : index
    %swap3A_51 = tpu.vector_load %arg18[%swap3A_50] {strides = array<i32>} : memref<256xf32, #tpu.memory_space<vmem>>, vector<16xf32>,
    tpu.vector_store %arg18[%swap3A_50], %gather3A_49 {strides = array<i32>} : memref<256xf32, #tpu.memory_space<vmem>>, vector<16xf32>,
    %get3A_52 = arith.constant 32 : index
    %get3A_53 = tpu.vector_load %arg15[%get3A_52] {strides = array<i32>} : memref<256xi32, #tpu.memory_space<vmem>>, vector<16xi32>,
    %gather3A_54 = tpu.vector_load_idx %arg12[%get3A_53] : memref<2048xf32, #tpu.memory_space<vmem>>[vector<16xi32>], vector<16xf32>,
    %swap3A_55 = arith.constant 32 : index
    %swap3A_56 = tpu.vector_load %arg16[%swap3A_55] {strides = array<i32>} : memref<256xf32, #tpu.memory_space<vmem>>, vector<16xf32>,
    tpu.vector_store %arg16[%swap3A_55], %gather3A_54 {strides = array<i32>} : memref<256xf32, #tpu.memory_space<vmem>>, vector<16xf32>,
    %gather3A_57 = tpu.vector_load_idx %arg13[%get3A_53] : memref<2048xf32, #tpu.memory_space<vmem>>[vector<16xi32>], vector<16xf32>,
    %swap3A_58 = arith.constant 32 : index
    %swap3A_59 = tpu.vector_load %arg17[%swap3A_58] {strides = array<i32>} : memref<256xf32, #tpu.memory_space<vmem>>, vector<16xf32>,
    tpu.vector_store %arg17[%swap3A_58], %gather3A_57 {strides = array<i32>} : memref<256xf32, #tpu.memory_space<vmem>>, vector<16xf32>,
    %gather3A_60 = tpu.vector_load_idx %arg14[%get3A_53] : memref<2048xf32, #tpu.memory_space<vmem>>[vector<16xi32>], vector<16xf32>,
    %swap3A_61 = arith.constant 32 : index
    %swap3A_62 = tpu.vector_load %arg18[%swap3A_61] {strides = array<i32>} : memref<256xf32, #tpu.memory_space<vmem>>, vector<16xf32>,
    tpu.vector_store %arg18[%swap3A_61], %gather3A_60 {strides = array<i32>} : memref<256xf32, #tpu.memory_space<vmem>>, vector<16xf32>,
    %get3A_63 = arith.constant 48 : index
    %get3A_64 = tpu.vector_load %arg15[%get3A_63] {strides = array<i32>} : memref<256xi32, #tpu.memory_space<vmem>>, vector<16xi32>,
    %gather3A_65 = tpu.vector_load_idx %arg12[%get3A_64] : memref<2048xf32, #tpu.memory_space<vmem>>[vector<16xi32>], vector<16xf32>,
    %swap3A_66 = arith.constant 48 : index
    %swap3A_67 = tpu.vector_load %arg16[%swap3A_66] {strides = array<i32>} : memref<256xf32, #tpu.memory_space<vmem>>, vector<16xf32>,
    tpu.vector_store %arg16[%swap3A_66], %gather3A_65 {strides = array<i32>} : memref<256xf32, #tpu.memory_space<vmem>>, vector<16xf32>,
    %gather3A_68 = tpu.vector_load_idx %arg13[%get3A_64] : memref<2048xf32, #tpu.memory_space<vmem>>[vector<16xi32>], vector<16xf32>,
    %swap3A_69 = arith.constant 48 : index
    %swap3A_70 = tpu.vector_load %arg17[%swap3A_69] {strides = array<i32>} : memref<256xf32, #tpu.memory_space<vmem>>, vector<16xf32>,
    tpu.vector_store %arg17[%swap3A_69], %gather3A_68 {strides = array<i32>} : memref<256xf32, #tpu.memory_space<vmem>>, vector<16xf32>,
    %gather3A_71 = tpu.vector_load_idx %arg14[%get3A_64] : memref<2048xf32, #tpu.memory_space<vmem>>[vector<16xi32>], vector<16xf32>,
    %swap3A_72 = arith.constant 48 : index
    %swap3A_73 = tpu.vector_load %arg18[%swap3A_72] {strides = array<i32>} : memref<256xf32, #tpu.memory_space<vmem>>, vector<16xf32>,
    tpu.vector_store %arg18[%swap3A_72], %gather3A_71 {strides = array<i32>} : memref<256xf32, #tpu.memory_space<vmem>>, vector<16xf32>,
    %get3A_74 = arith.constant 64 : index
    %get3A_75 = tpu.vector_load %arg15[%get3A_74] {strides = array<i32>} : memref<256xi32, #tpu.memory_space<vmem>>, vector<16xi32>,
    %gather3A_76 = tpu.vector_load_idx %arg12[%get3A_75] : memref<2048xf32, #tpu.memory_space<vmem>>[vector<16xi32>], vector<16xf32>,
    %swap3A_77 = arith.constant 64 : index
    %swap3A_78 = tpu.vector_load %arg16[%swap3A_77] {strides = array<i32>} : memref<256xf32, #tpu.memory_space<vmem>>, vector<16xf32>,
    tpu.vector_store %arg16[%swap3A_77], %gather3A_76 {strides = array<i32>} : memref<256xf32, #tpu.memory_space<vmem>>, vector<16xf32>,
    %gather3A_79 = tpu.vector_load_idx %arg13[%get3A_75] : memref<2048xf32, #tpu.memory_space<vmem>>[vector<16xi32>], vector<16xf32>,
    %swap3A_80 = arith.constant 64 : index
    %swap3A_81 = tpu.vector_load %arg17[%swap3A_80] {strides = array<i32>} : memref<256xf32, #tpu.memory_space<vmem>>, vector<16xf32>,
    tpu.vector_store %arg17[%swap3A_80], %gather3A_79 {strides = array<i32>} : memref<256xf32, #tpu.memory_space<vmem>>, vector<16xf32>,
    %gather3A_82 = tpu.vector_load_idx %arg14[%get3A_75] : memref<2048xf32, #tpu.memory_space<vmem>>[vector<16xi32>], vector<16xf32>,
    %swap3A_83 = arith.constant 64 : index
    %swap3A_84 = tpu.vector_load %arg18[%swap3A_83] {strides = array<i32>} : memref<256xf32, #tpu.memory_space<vmem>>, vector<16xf32>,
    tpu.vector_store %arg18[%swap3A_83], %gather3A_82 {strides = array<i32>} : memref<256xf32, #tpu.memory_space<vmem>>, vector<16xf32>,
    %get3A_85 = arith.constant 80 : index
    %get3A_86 = tpu.vector_load %arg15[%get3A_85] {strides = array<i32>} : memref<256xi32, #tpu.memory_space<vmem>>, vector<16xi32>,
    %gather3A_87 = tpu.vector_load_idx %arg12[%get3A_86] : memref<2048xf32, #tpu.memory_space<vmem>>[vector<16xi32>], vector<16xf32>,
    %swap3A_88 = arith.constant 80 : index
    %swap3A_89 = tpu.vector_load %arg16[%swap3A_88] {strides = array<i32>} : memref<256xf32, #tpu.memory_space<vmem>>, vector<16xf32>,
    tpu.vector_store %arg16[%swap3A_88], %gather3A_87 {strides = array<i32>} : memref<256xf32, #tpu.memory_space<vmem>>, vector<16xf32>,
    %gather3A_90 = tpu.vector_load_idx %arg13[%get3A_86] : memref<2048xf32, #tpu.memory_space<vmem>>[vector<16xi32>], vector<16xf32>,
    %swap3A_91 = arith.constant 80 : index
    %swap3A_92 = tpu.vector_load %arg17[%swap3A_91] {strides = array<i32>} : memref<256xf32, #tpu.memory_space<vmem>>, vector<16xf32>,
    tpu.vector_store %arg17[%swap3A_91], %gather3A_90 {strides = array<i32>} : memref<256xf32, #tpu.memory_space<vmem>>, vector<16xf32>,
    %gather3A_93 = tpu.vector_load_idx %arg14[%get3A_86] : memref<2048xf32, #tpu.memory_space<vmem>>[vector<16xi32>], vector<16xf32>,
    %swap3A_94 = arith.constant 80 : index
    %swap3A_95 = tpu.vector_load %arg18[%swap3A_94] {strides = array<i32>} : memref<256xf32, #tpu.memory_space<vmem>>, vector<16xf32>,
    tpu.vector_store %arg18[%swap3A_94], %gather3A_93 {strides = array<i32>} : memref<256xf32, #tpu.memory_space<vmem>>, vector<16xf32>,
    %get3A_96 = arith.constant 96 : index
    %get3A_97 = tpu.vector_load %arg15[%get3A_96] {strides = array<i32>} : memref<256xi32, #tpu.memory_space<vmem>>, vector<16xi32>,
    %gather3A_98 = tpu.vector_load_idx %arg12[%get3A_97] : memref<2048xf32, #tpu.memory_space<vmem>>[vector<16xi32>], vector<16xf32>,
    %swap3A_99 = arith.constant 96 : index
    %swap3A_100 = tpu.vector_load %arg16[%swap3A_99] {strides = array<i32>} : memref<256xf32, #tpu.memory_space<vmem>>, vector<16xf32>,
    tpu.vector_store %arg16[%swap3A_99], %gather3A_98 {strides = array<i32>} : memref<256xf32, #tpu.memory_space<vmem>>, vector<16xf32>,
    %gather3A_101 = tpu.vector_load_idx %arg13[%get3A_97] : memref<2048xf32, #tpu.memory_space<vmem>>[vector<16xi32>], vector<16xf32>,
    %swap3A_102 = arith.constant 96 : index
    %swap3A_103 = tpu.vector_load %arg17[%swap3A_102] {strides = array<i32>} : memref<256xf32, #tpu.memory_space<vmem>>, vector<16xf32>,
    tpu.vector_store %arg17[%swap3A_102], %gather3A_101 {strides = array<i32>} : memref<256xf32, #tpu.memory_space<vmem>>, vector<16xf32>,
    %gather3A_104 = tpu.vector_load_idx %arg14[%get3A_97] : memref<2048xf32, #tpu.memory_space<vmem>>[vector<16xi32>], vector<16xf32>,
    %swap3A_105 = arith.constant 96 : index
    %swap3A_106 = tpu.vector_load %arg18[%swap3A_105] {strides = array<i32>} : memref<256xf32, #tpu.memory_space<vmem>>, vector<16xf32>,
    tpu.vector_store %arg18[%swap3A_105], %gather3A_104 {strides = array<i32>} : memref<256xf32, #tpu.memory_space<vmem>>, vector<16xf32>,
    %get3A_107 = arith.constant 112 : index
    %get3A_108 = tpu.vector_load %arg15[%get3A_107] {strides = array<i32>} : memref<256xi32, #tpu.memory_space<vmem>>, vector<16xi32>,
    %gather3A_109 = tpu.vector_load_idx %arg12[%get3A_108] : memref<2048xf32, #tpu.memory_space<vmem>>[vector<16xi32>], vector<16xf32>,
    %swap3A_110 = arith.constant 112 : index
    %swap3A_111 = tpu.vector_load %arg16[%swap3A_110] {strides = array<i32>} : memref<256xf32, #tpu.memory_space<vmem>>, vector<16xf32>,
    tpu.vector_store %arg16[%swap3A_110], %gather3A_109 {strides = array<i32>} : memref<256xf32, #tpu.memory_space<vmem>>, vector<16xf32>,
    %gather3A_112 = tpu.vector_load_idx %arg13[%get3A_108] : memref<2048xf32, #tpu.memory_space<vmem>>[vector<16xi32>], vector<16xf32>,
    %swap3A_113 = arith.constant 112 : index
    %swap3A_114 = tpu.vector_load %arg17[%swap3A_113] {strides = array<i32>} : memref<256xf32, #tpu.memory_space<vmem>>, vector<16xf32>,
    tpu.vector_store %arg17[%swap3A_113], %gather3A_112 {strides = array<i32>} : memref<256xf32, #tpu.memory_space<vmem>>, vector<16xf32>,
    %gather3A_115 = tpu.vector_load_idx %arg14[%get3A_108] : memref<2048xf32, #tpu.memory_space<vmem>>[vector<16xi32>], vector<16xf32>,
    %swap3A_116 = arith.constant 112 : index
    %swap3A_117 = tpu.vector_load %arg18[%swap3A_116] {strides = array<i32>} : memref<256xf32, #tpu.memory_space<vmem>>, vector<16xf32>,
    tpu.vector_store %arg18[%swap3A_116], %gather3A_115 {strides = array<i32>} : memref<256xf32, #tpu.memory_space<vmem>>, vector<16xf32>,
    %get3A_118 = arith.constant 128 : index
    %get3A_119 = tpu.vector_load %arg15[%get3A_118] {strides = array<i32>} : memref<256xi32, #tpu.memory_space<vmem>>, vector<16xi32>,
    %gather3A_120 = tpu.vector_load_idx %arg12[%get3A_119] : memref<2048xf32, #tpu.memory_space<vmem>>[vector<16xi32>], vector<16xf32>,
    %swap3A_121 = arith.constant 128 : index
    %swap3A_122 = tpu.vector_load %arg16[%swap3A_121] {strides = array<i32>} : memref<256xf32, #tpu.memory_space<vmem>>, vector<16xf32>,
    tpu.vector_store %arg16[%swap3A_121], %gather3A_120 {strides = array<i32>} : memref<256xf32, #tpu.memory_space<vmem>>, vector<16xf32>,
    %gather3A_123 = tpu.vector_load_idx %arg13[%get3A_119] : memref<2048xf32, #tpu.memory_space<vmem>>[vector<16xi32>], vector<16xf32>,
    %swap3A_124 = arith.constant 128 : index
    %swap3A_125 = tpu.vector_load %arg17[%swap3A_124] {strides = array<i32>} : memref<256xf32, #tpu.memory_space<vmem>>, vector<16xf32>,
    tpu.vector_store %arg17[%swap3A_124], %gather3A_123 {strides = array<i32>} : memref<256xf32, #tpu.memory_space<vmem>>, vector<16xf32>,
    %gather3A_126 = tpu.vector_load_idx %arg14[%get3A_119] : memref<2048xf32, #tpu.memory_space<vmem>>[vector<16xi32>], vector<16xf32>,
    %swap3A_127 = arith.constant 128 : index
    %swap3A_128 = tpu.vector_load %arg18[%swap3A_127] {strides = array<i32>} : memref<256xf32, #tpu.memory_space<vmem>>, vector<16xf32>,
    tpu.vector_store %arg18[%swap3A_127], %gather3A_126 {strides = array<i32>} : memref<256xf32, #tpu.memory_space<vmem>>, vector<16xf32>,
    %get3A_129 = arith.constant 144 : index
    %get3A_130 = tpu.vector_load %arg15[%get3A_129] {strides = array<i32>} : memref<256xi32, #tpu.memory_space<vmem>>, vector<16xi32>,
    %gather3A_131 = tpu.vector_load_idx %arg12[%get3A_130] : memref<2048xf32, #tpu.memory_space<vmem>>[vector<16xi32>], vector<16xf32>,
    %swap3A_132 = arith.constant 144 : index
    %swap3A_133 = tpu.vector_load %arg16[%swap3A_132] {strides = array<i32>} : memref<256xf32, #tpu.memory_space<vmem>>, vector<16xf32>,
    tpu.vector_store %arg16[%swap3A_132], %gather3A_131 {strides = array<i32>} : memref<256xf32, #tpu.memory_space<vmem>>, vector<16xf32>,
    %gather3A_134 = tpu.vector_load_idx %arg13[%get3A_130] : memref<2048xf32, #tpu.memory_space<vmem>>[vector<16xi32>], vector<16xf32>,
    %swap3A_135 = arith.constant 144 : index
    %swap3A_136 = tpu.vector_load %arg17[%swap3A_135] {strides = array<i32>} : memref<256xf32, #tpu.memory_space<vmem>>, vector<16xf32>,
    tpu.vector_store %arg17[%swap3A_135], %gather3A_134 {strides = array<i32>} : memref<256xf32, #tpu.memory_space<vmem>>, vector<16xf32>,
    %gather3A_137 = tpu.vector_load_idx %arg14[%get3A_130] : memref<2048xf32, #tpu.memory_space<vmem>>[vector<16xi32>], vector<16xf32>,
    %swap3A_138 = arith.constant 144 : index
    %swap3A_139 = tpu.vector_load %arg18[%swap3A_138] {strides = array<i32>} : memref<256xf32, #tpu.memory_space<vmem>>, vector<16xf32>,
    tpu.vector_store %arg18[%swap3A_138], %gather3A_137 {strides = array<i32>} : memref<256xf32, #tpu.memory_space<vmem>>, vector<16xf32>,
    %get3A_140 = arith.constant 160 : index
    %get3A_141 = tpu.vector_load %arg15[%get3A_140] {strides = array<i32>} : memref<256xi32, #tpu.memory_space<vmem>>, vector<16xi32>,
    %gather3A_142 = tpu.vector_load_idx %arg12[%get3A_141] : memref<2048xf32, #tpu.memory_space<vmem>>[vector<16xi32>], vector<16xf32>,
    %swap3A_143 = arith.constant 160 : index
    %swap3A_144 = tpu.vector_load %arg16[%swap3A_143] {strides = array<i32>} : memref<256xf32, #tpu.memory_space<vmem>>, vector<16xf32>,
    tpu.vector_store %arg16[%swap3A_143], %gather3A_142 {strides = array<i32>} : memref<256xf32, #tpu.memory_space<vmem>>, vector<16xf32>,
    %gather3A_145 = tpu.vector_load_idx %arg13[%get3A_141] : memref<2048xf32, #tpu.memory_space<vmem>>[vector<16xi32>], vector<16xf32>,
    %swap3A_146 = arith.constant 160 : index
    %swap3A_147 = tpu.vector_load %arg17[%swap3A_146] {strides = array<i32>} : memref<256xf32, #tpu.memory_space<vmem>>, vector<16xf32>,
    tpu.vector_store %arg17[%swap3A_146], %gather3A_145 {strides = array<i32>} : memref<256xf32, #tpu.memory_space<vmem>>, vector<16xf32>,
    %gather3A_148 = tpu.vector_load_idx %arg14[%get3A_141] : memref<2048xf32, #tpu.memory_space<vmem>>[vector<16xi32>], vector<16xf32>,
    %swap3A_149 = arith.constant 160 : index
    %swap3A_150 = tpu.vector_load %arg18[%swap3A_149] {strides = array<i32>} : memref<256xf32, #tpu.memory_space<vmem>>, vector<16xf32>,
    tpu.vector_store %arg18[%swap3A_149], %gather3A_148 {strides = array<i32>} : memref<256xf32, #tpu.memory_space<vmem>>, vector<16xf32>,
    %get3A_151 = arith.constant 176 : index
    %get3A_152 = tpu.vector_load %arg15[%get3A_151] {strides = array<i32>} : memref<256xi32, #tpu.memory_space<vmem>>, vector<16xi32>,
    %gather3A_153 = tpu.vector_load_idx %arg12[%get3A_152] : memref<2048xf32, #tpu.memory_space<vmem>>[vector<16xi32>], vector<16xf32>,
    %swap3A_154 = arith.constant 176 : index
    %swap3A_155 = tpu.vector_load %arg16[%swap3A_154] {strides = array<i32>} : memref<256xf32, #tpu.memory_space<vmem>>, vector<16xf32>,
    tpu.vector_store %arg16[%swap3A_154], %gather3A_153 {strides = array<i32>} : memref<256xf32, #tpu.memory_space<vmem>>, vector<16xf32>,
    %gather3A_156 = tpu.vector_load_idx %arg13[%get3A_152] : memref<2048xf32, #tpu.memory_space<vmem>>[vector<16xi32>], vector<16xf32>,
    %swap3A_157 = arith.constant 176 : index
    %swap3A_158 = tpu.vector_load %arg17[%swap3A_157] {strides = array<i32>} : memref<256xf32, #tpu.memory_space<vmem>>, vector<16xf32>,
    tpu.vector_store %arg17[%swap3A_157], %gather3A_156 {strides = array<i32>} : memref<256xf32, #tpu.memory_space<vmem>>, vector<16xf32>,
    %gather3A_159 = tpu.vector_load_idx %arg14[%get3A_152] : memref<2048xf32, #tpu.memory_space<vmem>>[vector<16xi32>], vector<16xf32>,
    %swap3A_160 = arith.constant 176 : index
    %swap3A_161 = tpu.vector_load %arg18[%swap3A_160] {strides = array<i32>} : memref<256xf32, #tpu.memory_space<vmem>>, vector<16xf32>,
    tpu.vector_store %arg18[%swap3A_160], %gather3A_159 {strides = array<i32>} : memref<256xf32, #tpu.memory_space<vmem>>, vector<16xf32>,
    %get3A_162 = arith.constant 192 : index
    %get3A_163 = tpu.vector_load %arg15[%get3A_162] {strides = array<i32>} : memref<256xi32, #tpu.memory_space<vmem>>, vector<16xi32>,
    %gather3A_164 = tpu.vector_load_idx %arg12[%get3A_163] : memref<2048xf32, #tpu.memory_space<vmem>>[vector<16xi32>], vector<16xf32>,
    %swap3A_165 = arith.constant 192 : index
    %swap3A_166 = tpu.vector_load %arg16[%swap3A_165] {strides = array<i32>} : memref<256xf32, #tpu.memory_space<vmem>>, vector<16xf32>,
    tpu.vector_store %arg16[%swap3A_165], %gather3A_164 {strides = array<i32>} : memref<256xf32, #tpu.memory_space<vmem>>, vector<16xf32>,
    %gather3A_167 = tpu.vector_load_idx %arg13[%get3A_163] : memref<2048xf32, #tpu.memory_space<vmem>>[vector<16xi32>], vector<16xf32>,
    %swap3A_168 = arith.constant 192 : index
    %swap3A_169 = tpu.vector_load %arg17[%swap3A_168] {strides = array<i32>} : memref<256xf32, #tpu.memory_space<vmem>>, vector<16xf32>,
    tpu.vector_store %arg17[%swap3A_168], %gather3A_167 {strides = array<i32>} : memref<256xf32, #tpu.memory_space<vmem>>, vector<16xf32>,
    %gather3A_170 = tpu.vector_load_idx %arg14[%get3A_163] : memref<2048xf32, #tpu.memory_space<vmem>>[vector<16xi32>], vector<16xf32>,
    %swap3A_171 = arith.constant 192 : index
    %swap3A_172 = tpu.vector_load %arg18[%swap3A_171] {strides = array<i32>} : memref<256xf32, #tpu.memory_space<vmem>>, vector<16xf32>,
    tpu.vector_store %arg18[%swap3A_171], %gather3A_170 {strides = array<i32>} : memref<256xf32, #tpu.memory_space<vmem>>, vector<16xf32>,
    %get3A_173 = arith.constant 208 : index
    %get3A_174 = tpu.vector_load %arg15[%get3A_173] {strides = array<i32>} : memref<256xi32, #tpu.memory_space<vmem>>, vector<16xi32>,
    %gather3A_175 = tpu.vector_load_idx %arg12[%get3A_174] : memref<2048xf32, #tpu.memory_space<vmem>>[vector<16xi32>], vector<16xf32>,
    %swap3A_176 = arith.constant 208 : index
    %swap3A_177 = tpu.vector_load %arg16[%swap3A_176] {strides = array<i32>} : memref<256xf32, #tpu.memory_space<vmem>>, vector<16xf32>,
    tpu.vector_store %arg16[%swap3A_176], %gather3A_175 {strides = array<i32>} : memref<256xf32, #tpu.memory_space<vmem>>, vector<16xf32>,
    %gather3A_178 = tpu.vector_load_idx %arg13[%get3A_174] : memref<2048xf32, #tpu.memory_space<vmem>>[vector<16xi32>], vector<16xf32>,
    %swap3A_179 = arith.constant 208 : index
    %swap3A_180 = tpu.vector_load %arg17[%swap3A_179] {strides = array<i32>} : memref<256xf32, #tpu.memory_space<vmem>>, vector<16xf32>,
    tpu.vector_store %arg17[%swap3A_179], %gather3A_178 {strides = array<i32>} : memref<256xf32, #tpu.memory_space<vmem>>, vector<16xf32>,
    %gather3A_181 = tpu.vector_load_idx %arg14[%get3A_174] : memref<2048xf32, #tpu.memory_space<vmem>>[vector<16xi32>], vector<16xf32>,
    %swap3A_182 = arith.constant 208 : index
    %swap3A_183 = tpu.vector_load %arg18[%swap3A_182] {strides = array<i32>} : memref<256xf32, #tpu.memory_space<vmem>>, vector<16xf32>,
    tpu.vector_store %arg18[%swap3A_182], %gather3A_181 {strides = array<i32>} : memref<256xf32, #tpu.memory_space<vmem>>, vector<16xf32>,
    %get3A_184 = arith.constant 224 : index
    %get3A_185 = tpu.vector_load %arg15[%get3A_184] {strides = array<i32>} : memref<256xi32, #tpu.memory_space<vmem>>, vector<16xi32>,
    %gather3A_186 = tpu.vector_load_idx %arg12[%get3A_185] : memref<2048xf32, #tpu.memory_space<vmem>>[vector<16xi32>], vector<16xf32>,
    %swap3A_187 = arith.constant 224 : index
    %swap3A_188 = tpu.vector_load %arg16[%swap3A_187] {strides = array<i32>} : memref<256xf32, #tpu.memory_space<vmem>>, vector<16xf32>,
    tpu.vector_store %arg16[%swap3A_187], %gather3A_186 {strides = array<i32>} : memref<256xf32, #tpu.memory_space<vmem>>, vector<16xf32>,
    %gather3A_189 = tpu.vector_load_idx %arg13[%get3A_185] : memref<2048xf32, #tpu.memory_space<vmem>>[vector<16xi32>], vector<16xf32>,
    %swap3A_190 = arith.constant 224 : index
    %swap3A_191 = tpu.vector_load %arg17[%swap3A_190] {strides = array<i32>} : memref<256xf32, #tpu.memory_space<vmem>>, vector<16xf32>,
    tpu.vector_store %arg17[%swap3A_190], %gather3A_189 {strides = array<i32>} : memref<256xf32, #tpu.memory_space<vmem>>, vector<16xf32>,
    %gather3A_192 = tpu.vector_load_idx %arg14[%get3A_185] : memref<2048xf32, #tpu.memory_space<vmem>>[vector<16xi32>], vector<16xf32>,
    %swap3A_193 = arith.constant 224 : index
    %swap3A_194 = tpu.vector_load %arg18[%swap3A_193] {strides = array<i32>} : memref<256xf32, #tpu.memory_space<vmem>>, vector<16xf32>,
    tpu.vector_store %arg18[%swap3A_193], %gather3A_192 {strides = array<i32>} : memref<256xf32, #tpu.memory_space<vmem>>, vector<16xf32>,
    %get3A_195 = arith.constant 240 : index
    %get3A_196 = tpu.vector_load %arg15[%get3A_195] {strides = array<i32>} : memref<256xi32, #tpu.memory_space<vmem>>, vector<16xi32>,
    %gather3A_197 = tpu.vector_load_idx %arg12[%get3A_196] : memref<2048xf32, #tpu.memory_space<vmem>>[vector<16xi32>], vector<16xf32>,
    %swap3A_198 = arith.constant 240 : index
    %swap3A_199 = tpu.vector_load %arg16[%swap3A_198] {strides = array<i32>} : memref<256xf32, #tpu.memory_space<vmem>>, vector<16xf32>,
    tpu.vector_store %arg16[%swap3A_198], %gather3A_197 {strides = array<i32>} : memref<256xf32, #tpu.memory_space<vmem>>, vector<16xf32>,
    %gather3A_200 = tpu.vector_load_idx %arg13[%get3A_196] : memref<2048xf32, #tpu.memory_space<vmem>>[vector<16xi32>], vector<16xf32>,
    %swap3A_201 = arith.constant 240 : index
    %swap3A_202 = tpu.vector_load %arg17[%swap3A_201] {strides = array<i32>} : memref<256xf32, #tpu.memory_space<vmem>>, vector<16xf32>,
    tpu.vector_store %arg17[%swap3A_201], %gather3A_200 {strides = array<i32>} : memref<256xf32, #tpu.memory_space<vmem>>, vector<16xf32>,
    %gather3A_203 = tpu.vector_load_idx %arg14[%get3A_196] : memref<2048xf32, #tpu.memory_space<vmem>>[vector<16xi32>], vector<16xf32>,
    %swap3A_204 = arith.constant 240 : index
    %swap3A_205 = tpu.vector_load %arg18[%swap3A_204] {strides = array<i32>} : memref<256xf32, #tpu.memory_space<vmem>>, vector<16xf32>,
    tpu.vector_store %arg18[%swap3A_204], %gather3A_203 {strides = array<i32>} : memref<256xf32, #tpu.memory_space<vmem>>, vector<16xf32>,
    %scan3A = arith.constant 0 : i32
    %scan3A_206 = arith.constant 0 : i32
    %scan3A_207 = arith.constant 256 : i32
    %scan3A_208 = arith.addi %scan3A_206, %scan3A_207 : i32
    %scan3A_209 = arith.constant 1 : i32
    %scan3A_210 = scf.for %scan3A_212 = %scan3A_206 to %scan3A_208 step %scan3A_209 iter_args(%scan3A_213 = %scan3A) -> (i32)  : i32 {
      %broadcast_in_dim3A = vector.broadcast %scan3A_212 : i32 to vector<16xi32>
      %gather3A_214 = tpu.vector_load_idx %arg16[%broadcast_in_dim3A] : memref<256xf32, #tpu.memory_space<vmem>>[vector<16xi32>], vector<16xf32>,
      %gather3A_215 = tpu.vector_load_idx %arg17[%broadcast_in_dim3A] : memref<256xf32, #tpu.memory_space<vmem>>[vector<16xi32>], vector<16xf32>,
      %gather3A_216 = tpu.vector_load_idx %arg18[%broadcast_in_dim3A] : memref<256xf32, #tpu.memory_space<vmem>>[vector<16xi32>], vector<16xf32>,
      %scan3A_217 = arith.constant 0 : i32
      %scan3A_218 = arith.constant 0 : i32
      %scan3A_219 = arith.constant 0 : i32
      %scan3A_220 = arith.constant 0 : i32
      %scan3A_221 = arith.constant 128 : i32
      %scan3A_222 = arith.addi %scan3A_220, %scan3A_221 : i32
      %scan3A_223 = arith.constant 1 : i32
      %scan3A_224:3 = scf.for %scan3A_314 = %scan3A_220 to %scan3A_222 step %scan3A_223 iter_args(%scan3A_315 = %scan3A_217, %scan3A_316 = %scan3A_218, %scan3A_317 = %scan3A_219) -> (i32, i32, i32)  : i32 {
        %mul3A_318 = arith.constant 16 : i32
        %mul3A_319 = arith.muli %scan3A_314, %mul3A_318 : i32
        %add3A_320 = vector.broadcast %mul3A_319 : i32 to vector<16xi32>
        %add3A_321 = arith.addi %add3A_320, %iota3A : vector<16xi32>
        %gather3A_322 = tpu.vector_load_idx %arg12[%add3A_321] : memref<2048xf32, #tpu.memory_space<vmem>>[vector<16xi32>], vector<16xf32>,
        %gather3A_323 = tpu.vector_load_idx %arg13[%add3A_321] : memref<2048xf32, #tpu.memory_space<vmem>>[vector<16xi32>], vector<16xf32>,
        %gather3A_324 = tpu.vector_load_idx %arg14[%add3A_321] : memref<2048xf32, #tpu.memory_space<vmem>>[vector<16xi32>], vector<16xf32>,
        %sub3A_325 = arith.subf %gather3A_322, %gather3A_214 : vector<16xf32>
        %sub3A_326 = arith.subf %gather3A_323, %gather3A_215 : vector<16xf32>
        %sub3A_327 = arith.subf %gather3A_324, %gather3A_216 : vector<16xf32>
        %mul3A_328 = arith.mulf %sub3A_325, %sub3A_325 : vector<16xf32>
        %mul3A_329 = arith.mulf %sub3A_326, %sub3A_326 : vector<16xf32>
        %add3A_330 = arith.addf %mul3A_328, %mul3A_329 : vector<16xf32>
        %mul3A_331 = arith.mulf %sub3A_327, %sub3A_327 : vector<16xf32>
        %add3A_332 = arith.addf %add3A_330, %mul3A_331 : vector<16xf32>
        %le3A = arith.constant 1.600000e-01 : f32
        %le3A_333 = vector.broadcast %le3A : f32 to vector<16xf32>
        %le3A_334 = arith.cmpf ole, %add3A_332, %le3A_333 : vector<16xf32>
        %jit3A_335 = arith.constant 1 : i32
        %jit3A_336 = arith.constant 0 : i32
        %broadcast_in_dim3A_337 = vector.broadcast %jit3A_335 : i32 to vector<16xi32>
        %broadcast_in_dim3A_338 = vector.broadcast %jit3A_336 : i32 to vector<16xi32>
        %select_n3A_339 = arith.select %le3A_334, %broadcast_in_dim3A_337, %broadcast_in_dim3A_338 : vector<16xi1>, vector<16xi32>
        %broadcast_in_dim3A_340 = arith.constant true
        %broadcast_in_dim3A_341 = vector.broadcast %broadcast_in_dim3A_340 : i1 to vector<16xi1>
        %masked_cumsum3A = tpu.scan <sum>, %select_n3A_339 masked %broadcast_in_dim3A_341 : vector<16xi32>, vector<16xi1> -> vector<16xi32>
        %reduce_max3A = arith.constant true
        %reduce_max3A_342 = vector.broadcast %reduce_max3A : i1 to vector<16xi1>
        %reduce_max3A_343 = arith.constant -2147483648 : i32
        %reduce_max3A_344 = vector.broadcast %reduce_max3A_343 : i32 to vector<16xi32>
        %reduce_max3A_345 = arith.xori %masked_cumsum3A, %reduce_max3A_344 : vector<16xi32>
        %reduce_max3A_346 = tpu.scan <max>, %reduce_max3A_345 masked %reduce_max3A_342 : vector<16xi32>, vector<16xi1> -> vector<16xi32>
        %reduce_max3A_347 = arith.xori %reduce_max3A_346, %reduce_max3A_344 : vector<16xi32>
        %reduce_max3A_348 = vector.extract %reduce_max3A_347[15] : i32 from vector<16xi32>
        %gt3A = arith.constant 0 : i32
        %gt3A_349 = arith.cmpi sgt, %reduce_max3A_348, %gt3A : i32
        %convert_element_type3A = arith.extui %gt3A_349 : i1 to i32
        %cond3A = arith.constant 0 : i32
        %cond3A_350 = arith.cmpi ne, %convert_element_type3A, %cond3A : i32
        %cond3A_351:3 = scf.if %cond3A_350 -> (i32, i32, i32) {
          %le3A_352 = arith.constant 0.00999999977 : f32
          %le3A_353 = vector.broadcast %le3A_352 : f32 to vector<16xf32>
          %le3A_354 = arith.cmpf ole, %add3A_332, %le3A_353 : vector<16xf32>
          %jit3A_355 = arith.constant 1 : i32
          %jit3A_356 = arith.constant 0 : i32
          %broadcast_in_dim3A_357 = vector.broadcast %jit3A_355 : i32 to vector<16xi32>
          %broadcast_in_dim3A_358 = vector.broadcast %jit3A_356 : i32 to vector<16xi32>
          %select_n3A_359 = arith.select %le3A_354, %broadcast_in_dim3A_357, %broadcast_in_dim3A_358 : vector<16xi1>, vector<16xi32>
          %broadcast_in_dim3A_360 = arith.constant true
          %broadcast_in_dim3A_361 = vector.broadcast %broadcast_in_dim3A_360 : i1 to vector<16xi1>
          %masked_cumsum3A_362 = tpu.scan <sum>, %select_n3A_359 masked %broadcast_in_dim3A_361 : vector<16xi32>, vector<16xi1> -> vector<16xi32>
          %reduce_max3A_363 = arith.constant true
          %reduce_max3A_364 = vector.broadcast %reduce_max3A_363 : i1 to vector<16xi1>
          %reduce_max3A_365 = arith.constant -2147483648 : i32
          %reduce_max3A_366 = vector.broadcast %reduce_max3A_365 : i32 to vector<16xi32>
          %reduce_max3A_367 = arith.xori %masked_cumsum3A_362, %reduce_max3A_366 : vector<16xi32>
          %reduce_max3A_368 = tpu.scan <max>, %reduce_max3A_367 masked %reduce_max3A_364 : vector<16xi32>, vector<16xi1> -> vector<16xi32>
          %reduce_max3A_369 = arith.xori %reduce_max3A_368, %reduce_max3A_366 : vector<16xi32>
          %reduce_max3A_370 = vector.extract %reduce_max3A_369[15] : i32 from vector<16xi32>
          %add3A_371 = vector.broadcast %scan3A_315 : i32 to vector<16xi32>
          %add3A_372 = arith.addi %add3A_371, %masked_cumsum3A_362 : vector<16xi32>
          %sub3A_373 = arith.constant 1 : i32
          %sub3A_374 = vector.broadcast %sub3A_373 : i32 to vector<16xi32>
          %sub3A_375 = arith.subi %add3A_372, %sub3A_374 : vector<16xi32>
          %lt3A_376 = arith.constant 16 : i32
          %lt3A_377 = vector.broadcast %lt3A_376 : i32 to vector<16xi32>
          %lt3A_378 = arith.cmpi slt, %sub3A_375, %lt3A_377 : vector<16xi32>
          %and3A_379 = arith.andi %le3A_354, %lt3A_378 : vector<16xi1>
          tpu.vector_store_idx %arg19[%broadcast_in_dim3A, %sub3A_375], %add3A_321 masked %and3A_379 : memref<256x16xi32, #tpu.memory_space<vmem>>[vector<16xi32>, vector<16xi32>], vector<16xi32>, vector<16xi1>
          %add3A_380 = arith.addi %scan3A_315, %reduce_max3A_370 : i32
          %le3A_381 = arith.constant 4.000000e-02 : f32
          %le3A_382 = vector.broadcast %le3A_381 : f32 to vector<16xf32>
          %le3A_383 = arith.cmpf ole, %add3A_332, %le3A_382 : vector<16xf32>
          %jit3A_384 = arith.constant 1 : i32
          %jit3A_385 = arith.constant 0 : i32
          %broadcast_in_dim3A_386 = vector.broadcast %jit3A_384 : i32 to vector<16xi32>
          %broadcast_in_dim3A_387 = vector.broadcast %jit3A_385 : i32 to vector<16xi32>
          %select_n3A_388 = arith.select %le3A_383, %broadcast_in_dim3A_386, %broadcast_in_dim3A_387 : vector<16xi1>, vector<16xi32>
          %broadcast_in_dim3A_389 = arith.constant true
          %broadcast_in_dim3A_390 = vector.broadcast %broadcast_in_dim3A_389 : i1 to vector<16xi1>
          %masked_cumsum3A_391 = tpu.scan <sum>, %select_n3A_388 masked %broadcast_in_dim3A_390 : vector<16xi32>, vector<16xi1> -> vector<16xi32>
          %reduce_max3A_392 = arith.constant true
          %reduce_max3A_393 = vector.broadcast %reduce_max3A_392 : i1 to vector<16xi1>
          %reduce_max3A_394 = arith.constant -2147483648 : i32
          %reduce_max3A_395 = vector.broadcast %reduce_max3A_394 : i32 to vector<16xi32>
          %reduce_max3A_396 = arith.xori %masked_cumsum3A_391, %reduce_max3A_395 : vector<16xi32>
          %reduce_max3A_397 = tpu.scan <max>, %reduce_max3A_396 masked %reduce_max3A_393 : vector<16xi32>, vector<16xi1> -> vector<16xi32>
          %reduce_max3A_398 = arith.xori %reduce_max3A_397, %reduce_max3A_395 : vector<16xi32>
          %reduce_max3A_399 = vector.extract %reduce_max3A_398[15] : i32 from vector<16xi32>
          %add3A_400 = vector.broadcast %scan3A_316 : i32 to vector<16xi32>
          %add3A_401 = arith.addi %add3A_400, %masked_cumsum3A_391 : vector<16xi32>
          %sub3A_402 = arith.constant 1 : i32
          %sub3A_403 = vector.broadcast %sub3A_402 : i32 to vector<16xi32>
          %sub3A_404 = arith.subi %add3A_401, %sub3A_403 : vector<16xi32>
          %lt3A_405 = arith.constant 32 : i32
          %lt3A_406 = vector.broadcast %lt3A_405 : i32 to vector<16xi32>
          %lt3A_407 = arith.cmpi slt, %sub3A_404, %lt3A_406 : vector<16xi32>
          %and3A_408 = arith.andi %le3A_383, %lt3A_407 : vector<16xi1>
          tpu.vector_store_idx %arg20[%broadcast_in_dim3A, %sub3A_404], %add3A_321 masked %and3A_408 : memref<256x32xi32, #tpu.memory_space<vmem>>[vector<16xi32>, vector<16xi32>], vector<16xi32>, vector<16xi1>
          %add3A_409 = arith.addi %scan3A_316, %reduce_max3A_399 : i32
          %add3A_410 = vector.broadcast %scan3A_317 : i32 to vector<16xi32>
          %add3A_411 = arith.addi %add3A_410, %masked_cumsum3A : vector<16xi32>
          %sub3A_412 = arith.constant 1 : i32
          %sub3A_413 = vector.broadcast %sub3A_412 : i32 to vector<16xi32>
          %sub3A_414 = arith.subi %add3A_411, %sub3A_413 : vector<16xi32>
          %lt3A_415 = arith.constant 128 : i32
          %lt3A_416 = vector.broadcast %lt3A_415 : i32 to vector<16xi32>
          %lt3A_417 = arith.cmpi slt, %sub3A_414, %lt3A_416 : vector<16xi32>
          %and3A_418 = arith.andi %le3A_334, %lt3A_417 : vector<16xi1>
          tpu.vector_store_idx %arg21[%broadcast_in_dim3A, %sub3A_414], %add3A_321 masked %and3A_418 : memref<256x128xi32, #tpu.memory_space<vmem>>[vector<16xi32>, vector<16xi32>], vector<16xi32>, vector<16xi1>
          %add3A_419 = arith.addi %scan3A_317, %reduce_max3A_348 : i32
          scf.yield %add3A_380, %add3A_409, %add3A_419 : i32, i32, i32
        } else {
          scf.yield %scan3A_315, %scan3A_316, %scan3A_317 : i32, i32, i32
        }
        scf.yield %cond3A_351#0, %cond3A_351#1, %cond3A_351#2 : i32, i32, i32
      }
      %scan3A_225 = arith.constant 128 : i32
      %broadcast_in_dim3A_226 = arith.constant 0 : i32
      %broadcast_in_dim3A_227 = vector.broadcast %broadcast_in_dim3A_226 : i32 to vector<16xi32>
      %min3A = arith.constant 16 : i32
      %min3A_228 = arith.minsi %scan3A_224#0, %min3A : i32
      %gather3A_229 = tpu.vector_load_idx %arg19[%broadcast_in_dim3A, %broadcast_in_dim3A_227] : memref<256x16xi32, #tpu.memory_space<vmem>>[vector<16xi32>, vector<16xi32>], vector<16xi32>,
      %add3A_230 = arith.constant 0 : i32
      %add3A_231 = vector.broadcast %add3A_230 : i32 to vector<16xi32>
      %add3A_232 = arith.addi %iota3A, %add3A_231 : vector<16xi32>
      %gather3A_233 = tpu.vector_load_idx %arg19[%broadcast_in_dim3A, %add3A_232] : memref<256x16xi32, #tpu.memory_space<vmem>>[vector<16xi32>, vector<16xi32>], vector<16xi32>,
      %lt3A_234 = vector.broadcast %min3A_228 : i32 to vector<16xi32>
      %lt3A_235 = arith.cmpi slt, %add3A_232, %lt3A_234 : vector<16xi32>
      %select_n3A_236 = arith.select %lt3A_235, %gather3A_233, %gather3A_229 : vector<16xi1>, vector<16xi32>
      tpu.vector_store_idx %arg19[%broadcast_in_dim3A, %add3A_232], %select_n3A_236 : memref<256x16xi32, #tpu.memory_space<vmem>>[vector<16xi32>, vector<16xi32>], vector<16xi32>,
      %min3A_237 = arith.constant 32 : i32
      %min3A_238 = arith.minsi %scan3A_224#1, %min3A_237 : i32
      %gather3A_239 = tpu.vector_load_idx %arg20[%broadcast_in_dim3A, %broadcast_in_dim3A_227] : memref<256x32xi32, #tpu.memory_space<vmem>>[vector<16xi32>, vector<16xi32>], vector<16xi32>,
      %add3A_240 = arith.constant 0 : i32
      %add3A_241 = vector.broadcast %add3A_240 : i32 to vector<16xi32>
      %add3A_242 = arith.addi %iota3A, %add3A_241 : vector<16xi32>
      %gather3A_243 = tpu.vector_load_idx %arg20[%broadcast_in_dim3A, %add3A_242] : memref<256x32xi32, #tpu.memory_space<vmem>>[vector<16xi32>, vector<16xi32>], vector<16xi32>,
      %lt3A_244 = vector.broadcast %min3A_238 : i32 to vector<16xi32>
      %lt3A_245 = arith.cmpi slt, %add3A_242, %lt3A_244 : vector<16xi32>
      %select_n3A_246 = arith.select %lt3A_245, %gather3A_243, %gather3A_239 : vector<16xi1>, vector<16xi32>
      tpu.vector_store_idx %arg20[%broadcast_in_dim3A, %add3A_242], %select_n3A_246 : memref<256x32xi32, #tpu.memory_space<vmem>>[vector<16xi32>, vector<16xi32>], vector<16xi32>,
      %add3A_247 = arith.constant 16 : i32
      %add3A_248 = vector.broadcast %add3A_247 : i32 to vector<16xi32>
      %add3A_249 = arith.addi %iota3A, %add3A_248 : vector<16xi32>
      %gather3A_250 = tpu.vector_load_idx %arg20[%broadcast_in_dim3A, %add3A_249] : memref<256x32xi32, #tpu.memory_space<vmem>>[vector<16xi32>, vector<16xi32>], vector<16xi32>,
      %lt3A_251 = vector.broadcast %min3A_238 : i32 to vector<16xi32>
      %lt3A_252 = arith.cmpi slt, %add3A_249, %lt3A_251 : vector<16xi32>
      %select_n3A_253 = arith.select %lt3A_252, %gather3A_250, %gather3A_239 : vector<16xi1>, vector<16xi32>
      tpu.vector_store_idx %arg20[%broadcast_in_dim3A, %add3A_249], %select_n3A_253 : memref<256x32xi32, #tpu.memory_space<vmem>>[vector<16xi32>, vector<16xi32>], vector<16xi32>,
      %min3A_254 = arith.constant 128 : i32
      %min3A_255 = arith.minsi %scan3A_224#2, %min3A_254 : i32
      %gather3A_256 = tpu.vector_load_idx %arg21[%broadcast_in_dim3A, %broadcast_in_dim3A_227] : memref<256x128xi32, #tpu.memory_space<vmem>>[vector<16xi32>, vector<16xi32>], vector<16xi32>,
      %add3A_257 = arith.constant 0 : i32
      %add3A_258 = vector.broadcast %add3A_257 : i32 to vector<16xi32>
      %add3A_259 = arith.addi %iota3A, %add3A_258 : vector<16xi32>
      %gather3A_260 = tpu.vector_load_idx %arg21[%broadcast_in_dim3A, %add3A_259] : memref<256x128xi32, #tpu.memory_space<vmem>>[vector<16xi32>, vector<16xi32>], vector<16xi32>,
      %lt3A_261 = vector.broadcast %min3A_255 : i32 to vector<16xi32>
      %lt3A_262 = arith.cmpi slt, %add3A_259, %lt3A_261 : vector<16xi32>
      %select_n3A_263 = arith.select %lt3A_262, %gather3A_260, %gather3A_256 : vector<16xi1>, vector<16xi32>
      tpu.vector_store_idx %arg21[%broadcast_in_dim3A, %add3A_259], %select_n3A_263 : memref<256x128xi32, #tpu.memory_space<vmem>>[vector<16xi32>, vector<16xi32>], vector<16xi32>,
      %add3A_264 = arith.constant 16 : i32
      %add3A_265 = vector.broadcast %add3A_264 : i32 to vector<16xi32>
      %add3A_266 = arith.addi %iota3A, %add3A_265 : vector<16xi32>
      %gather3A_267 = tpu.vector_load_idx %arg21[%broadcast_in_dim3A, %add3A_266] : memref<256x128xi32, #tpu.memory_space<vmem>>[vector<16xi32>, vector<16xi32>], vector<16xi32>,
      %lt3A_268 = vector.broadcast %min3A_255 : i32 to vector<16xi32>
      %lt3A_269 = arith.cmpi slt, %add3A_266, %lt3A_268 : vector<16xi32>
      %select_n3A_270 = arith.select %lt3A_269, %gather3A_267, %gather3A_256 : vector<16xi1>, vector<16xi32>
      tpu.vector_store_idx %arg21[%broadcast_in_dim3A, %add3A_266], %select_n3A_270 : memref<256x128xi32, #tpu.memory_space<vmem>>[vector<16xi32>, vector<16xi32>], vector<16xi32>,
      %add3A_271 = arith.constant 32 : i32
      %add3A_272 = vector.broadcast %add3A_271 : i32 to vector<16xi32>
      %add3A_273 = arith.addi %iota3A, %add3A_272 : vector<16xi32>
      %gather3A_274 = tpu.vector_load_idx %arg21[%broadcast_in_dim3A, %add3A_273] : memref<256x128xi32, #tpu.memory_space<vmem>>[vector<16xi32>, vector<16xi32>], vector<16xi32>,
      %lt3A_275 = vector.broadcast %min3A_255 : i32 to vector<16xi32>
      %lt3A_276 = arith.cmpi slt, %add3A_273, %lt3A_275 : vector<16xi32>
      %select_n3A_277 = arith.select %lt3A_276, %gather3A_274, %gather3A_256 : vector<16xi1>, vector<16xi32>
      tpu.vector_store_idx %arg21[%broadcast_in_dim3A, %add3A_273], %select_n3A_277 : memref<256x128xi32, #tpu.memory_space<vmem>>[vector<16xi32>, vector<16xi32>], vector<16xi32>,
      %add3A_278 = arith.constant 48 : i32
      %add3A_279 = vector.broadcast %add3A_278 : i32 to vector<16xi32>
      %add3A_280 = arith.addi %iota3A, %add3A_279 : vector<16xi32>
      %gather3A_281 = tpu.vector_load_idx %arg21[%broadcast_in_dim3A, %add3A_280] : memref<256x128xi32, #tpu.memory_space<vmem>>[vector<16xi32>, vector<16xi32>], vector<16xi32>,
      %lt3A_282 = vector.broadcast %min3A_255 : i32 to vector<16xi32>
      %lt3A_283 = arith.cmpi slt, %add3A_280, %lt3A_282 : vector<16xi32>
      %select_n3A_284 = arith.select %lt3A_283, %gather3A_281, %gather3A_256 : vector<16xi1>, vector<16xi32>
      tpu.vector_store_idx %arg21[%broadcast_in_dim3A, %add3A_280], %select_n3A_284 : memref<256x128xi32, #tpu.memory_space<vmem>>[vector<16xi32>, vector<16xi32>], vector<16xi32>,
      %add3A_285 = arith.constant 64 : i32
      %add3A_286 = vector.broadcast %add3A_285 : i32 to vector<16xi32>
      %add3A_287 = arith.addi %iota3A, %add3A_286 : vector<16xi32>
      %gather3A_288 = tpu.vector_load_idx %arg21[%broadcast_in_dim3A, %add3A_287] : memref<256x128xi32, #tpu.memory_space<vmem>>[vector<16xi32>, vector<16xi32>], vector<16xi32>,
      %lt3A_289 = vector.broadcast %min3A_255 : i32 to vector<16xi32>
      %lt3A_290 = arith.cmpi slt, %add3A_287, %lt3A_289 : vector<16xi32>
      %select_n3A_291 = arith.select %lt3A_290, %gather3A_288, %gather3A_256 : vector<16xi1>, vector<16xi32>
      tpu.vector_store_idx %arg21[%broadcast_in_dim3A, %add3A_287], %select_n3A_291 : memref<256x128xi32, #tpu.memory_space<vmem>>[vector<16xi32>, vector<16xi32>], vector<16xi32>,
      %add3A_292 = arith.constant 80 : i32
      %add3A_293 = vector.broadcast %add3A_292 : i32 to vector<16xi32>
      %add3A_294 = arith.addi %iota3A, %add3A_293 : vector<16xi32>
      %gather3A_295 = tpu.vector_load_idx %arg21[%broadcast_in_dim3A, %add3A_294] : memref<256x128xi32, #tpu.memory_space<vmem>>[vector<16xi32>, vector<16xi32>], vector<16xi32>,
      %lt3A_296 = vector.broadcast %min3A_255 : i32 to vector<16xi32>
      %lt3A_297 = arith.cmpi slt, %add3A_294, %lt3A_296 : vector<16xi32>
      %select_n3A_298 = arith.select %lt3A_297, %gather3A_295, %gather3A_256 : vector<16xi1>, vector<16xi32>
      tpu.vector_store_idx %arg21[%broadcast_in_dim3A, %add3A_294], %select_n3A_298 : memref<256x128xi32, #tpu.memory_space<vmem>>[vector<16xi32>, vector<16xi32>], vector<16xi32>,
      %add3A_299 = arith.constant 96 : i32
      %add3A_300 = vector.broadcast %add3A_299 : i32 to vector<16xi32>
      %add3A_301 = arith.addi %iota3A, %add3A_300 : vector<16xi32>
      %gather3A_302 = tpu.vector_load_idx %arg21[%broadcast_in_dim3A, %add3A_301] : memref<256x128xi32, #tpu.memory_space<vmem>>[vector<16xi32>, vector<16xi32>], vector<16xi32>,
      %lt3A_303 = vector.broadcast %min3A_255 : i32 to vector<16xi32>
      %lt3A_304 = arith.cmpi slt, %add3A_301, %lt3A_303 : vector<16xi32>
      %select_n3A_305 = arith.select %lt3A_304, %gather3A_302, %gather3A_256 : vector<16xi1>, vector<16xi32>
      tpu.vector_store_idx %arg21[%broadcast_in_dim3A, %add3A_301], %select_n3A_305 : memref<256x128xi32, #tpu.memory_space<vmem>>[vector<16xi32>, vector<16xi32>], vector<16xi32>,
      %add3A_306 = arith.constant 112 : i32
      %add3A_307 = vector.broadcast %add3A_306 : i32 to vector<16xi32>
      %add3A_308 = arith.addi %iota3A, %add3A_307 : vector<16xi32>
      %gather3A_309 = tpu.vector_load_idx %arg21[%broadcast_in_dim3A, %add3A_308] : memref<256x128xi32, #tpu.memory_space<vmem>>[vector<16xi32>, vector<16xi32>], vector<16xi32>,
      %lt3A_310 = vector.broadcast %min3A_255 : i32 to vector<16xi32>
      %lt3A_311 = arith.cmpi slt, %add3A_308, %lt3A_310 : vector<16xi32>
      %select_n3A_312 = arith.select %lt3A_311, %gather3A_309, %gather3A_256 : vector<16xi1>, vector<16xi32>
      tpu.vector_store_idx %arg21[%broadcast_in_dim3A, %add3A_308], %select_n3A_312 : memref<256x128xi32, #tpu.memory_space<vmem>>[vector<16xi32>, vector<16xi32>], vector<16xi32>,
      %scan3A_313 = arith.constant 0 : i32
      scf.yield %scan3A_313 : i32
    }
    %scan3A_211 = arith.constant 256 : i32
    "tpu.region"() ({
      %run_scoped3A = tpu.sem_alloc : memref<!tpu.dma_semaphore, #tpu.memory_space<semaphore_mem>>
      %dma_start3A = arith.constant 0 : i32
      %dma_start3A_212 = tpu.memref_slice %arg6[%select_n3A, %mul3A_32, %dma_start3A] : memref<16x512x16xi32, #tpu.memory_space<hbm>> -> memref<1x256x16xi32, #tpu.memory_space<hbm>>
      %dma_start3A_213 = tpu.memref_squeeze %dma_start3A_212 : memref<1x256x16xi32, #tpu.memory_space<hbm>> -> memref<256x16xi32, #tpu.memory_space<hbm>>
      %dma_start3A_214 = arith.constant 0 : i32
      %dma_start3A_215 = tpu.memref_slice %arg6[%select_n3A, %mul3A_32, %dma_start3A_214] : memref<16x512x16xi32, #tpu.memory_space<hbm>> -> memref<1x256x16xi32, #tpu.memory_space<hbm>>
      %dma_start3A_216 = tpu.memref_squeeze %dma_start3A_215 : memref<1x256x16xi32, #tpu.memory_space<hbm>> -> memref<256x16xi32, #tpu.memory_space<hbm>>
      tpu.enqueue_dma source(%arg19 : memref<256x16xi32, #tpu.memory_space<vmem>>) target(%dma_start3A_216 : memref<256x16xi32, #tpu.memory_space<hbm>>) target_semaphore(%run_scoped3A : memref<!tpu.dma_semaphore, #tpu.memory_space<semaphore_mem>>)
      %dma_wait3A = arith.constant 0 : i32
      %dma_wait3A_217 = tpu.memref_slice %arg6[%select_n3A, %mul3A_32, %dma_wait3A] : memref<16x512x16xi32, #tpu.memory_space<hbm>> -> memref<1x256x16xi32, #tpu.memory_space<hbm>>
      %dma_wait3A_218 = tpu.memref_squeeze %dma_wait3A_217 : memref<1x256x16xi32, #tpu.memory_space<hbm>> -> memref<256x16xi32, #tpu.memory_space<hbm>>
      %dma_wait3A_219 = arith.constant 0 : i32
      %dma_wait3A_220 = tpu.memref_slice %arg6[%select_n3A, %mul3A_32, %dma_wait3A_219] : memref<16x512x16xi32, #tpu.memory_space<hbm>> -> memref<1x256x16xi32, #tpu.memory_space<hbm>>
      %dma_wait3A_221 = tpu.memref_squeeze %dma_wait3A_220 : memref<1x256x16xi32, #tpu.memory_space<hbm>> -> memref<256x16xi32, #tpu.memory_space<hbm>>
      tpu.wait_dma2 semaphore(%run_scoped3A : memref<!tpu.dma_semaphore, #tpu.memory_space<semaphore_mem>>) src(%arg19 : memref<256x16xi32, #tpu.memory_space<vmem>>) dst(%dma_wait3A_221 : memref<256x16xi32, #tpu.memory_space<hbm>>)
      tpu.yield
    }) : () -> ()
    "tpu.region"() ({
      %run_scoped3A = tpu.sem_alloc : memref<!tpu.dma_semaphore, #tpu.memory_space<semaphore_mem>>
      %dma_start3A = arith.constant 0 : i32
      %dma_start3A_212 = tpu.memref_slice %arg7[%select_n3A, %mul3A_32, %dma_start3A] : memref<16x512x32xi32, #tpu.memory_space<hbm>> -> memref<1x256x32xi32, #tpu.memory_space<hbm>>
      %dma_start3A_213 = tpu.memref_squeeze %dma_start3A_212 : memref<1x256x32xi32, #tpu.memory_space<hbm>> -> memref<256x32xi32, #tpu.memory_space<hbm>>
      %dma_start3A_214 = arith.constant 0 : i32
      %dma_start3A_215 = tpu.memref_slice %arg7[%select_n3A, %mul3A_32, %dma_start3A_214] : memref<16x512x32xi32, #tpu.memory_space<hbm>> -> memref<1x256x32xi32, #tpu.memory_space<hbm>>
      %dma_start3A_216 = tpu.memref_squeeze %dma_start3A_215 : memref<1x256x32xi32, #tpu.memory_space<hbm>> -> memref<256x32xi32, #tpu.memory_space<hbm>>
      tpu.enqueue_dma source(%arg20 : memref<256x32xi32, #tpu.memory_space<vmem>>) target(%dma_start3A_216 : memref<256x32xi32, #tpu.memory_space<hbm>>) target_semaphore(%run_scoped3A : memref<!tpu.dma_semaphore, #tpu.memory_space<semaphore_mem>>)
      %dma_wait3A = arith.constant 0 : i32
      %dma_wait3A_217 = tpu.memref_slice %arg7[%select_n3A, %mul3A_32, %dma_wait3A] : memref<16x512x32xi32, #tpu.memory_space<hbm>> -> memref<1x256x32xi32, #tpu.memory_space<hbm>>
      %dma_wait3A_218 = tpu.memref_squeeze %dma_wait3A_217 : memref<1x256x32xi32, #tpu.memory_space<hbm>> -> memref<256x32xi32, #tpu.memory_space<hbm>>
      %dma_wait3A_219 = arith.constant 0 : i32
      %dma_wait3A_220 = tpu.memref_slice %arg7[%select_n3A, %mul3A_32, %dma_wait3A_219] : memref<16x512x32xi32, #tpu.memory_space<hbm>> -> memref<1x256x32xi32, #tpu.memory_space<hbm>>
      %dma_wait3A_221 = tpu.memref_squeeze %dma_wait3A_220 : memref<1x256x32xi32, #tpu.memory_space<hbm>> -> memref<256x32xi32, #tpu.memory_space<hbm>>
      tpu.wait_dma2 semaphore(%run_scoped3A : memref<!tpu.dma_semaphore, #tpu.memory_space<semaphore_mem>>) src(%arg20 : memref<256x32xi32, #tpu.memory_space<vmem>>) dst(%dma_wait3A_221 : memref<256x32xi32, #tpu.memory_space<hbm>>)
      tpu.yield
    }) : () -> ()
    "tpu.region"() ({
      %run_scoped3A = tpu.sem_alloc : memref<!tpu.dma_semaphore, #tpu.memory_space<semaphore_mem>>
      %dma_start3A = arith.constant 0 : i32
      %dma_start3A_212 = tpu.memref_slice %arg8[%select_n3A, %mul3A_32, %dma_start3A] : memref<16x512x128xi32, #tpu.memory_space<hbm>> -> memref<1x256x128xi32, #tpu.memory_space<hbm>>
      %dma_start3A_213 = tpu.memref_squeeze %dma_start3A_212 : memref<1x256x128xi32, #tpu.memory_space<hbm>> -> memref<256x128xi32, #tpu.memory_space<hbm>>
      %dma_start3A_214 = arith.constant 0 : i32
      %dma_start3A_215 = tpu.memref_slice %arg8[%select_n3A, %mul3A_32, %dma_start3A_214] : memref<16x512x128xi32, #tpu.memory_space<hbm>> -> memref<1x256x128xi32, #tpu.memory_space<hbm>>
      %dma_start3A_216 = tpu.memref_squeeze %dma_start3A_215 : memref<1x256x128xi32, #tpu.memory_space<hbm>> -> memref<256x128xi32, #tpu.memory_space<hbm>>
      tpu.enqueue_dma source(%arg21 : memref<256x128xi32, #tpu.memory_space<vmem>>) target(%dma_start3A_216 : memref<256x128xi32, #tpu.memory_space<hbm>>) target_semaphore(%run_scoped3A : memref<!tpu.dma_semaphore, #tpu.memory_space<semaphore_mem>>)
      %dma_wait3A = arith.constant 0 : i32
      %dma_wait3A_217 = tpu.memref_slice %arg8[%select_n3A, %mul3A_32, %dma_wait3A] : memref<16x512x128xi32, #tpu.memory_space<hbm>> -> memref<1x256x128xi32, #tpu.memory_space<hbm>>
      %dma_wait3A_218 = tpu.memref_squeeze %dma_wait3A_217 : memref<1x256x128xi32, #tpu.memory_space<hbm>> -> memref<256x128xi32, #tpu.memory_space<hbm>>
      %dma_wait3A_219 = arith.constant 0 : i32
      %dma_wait3A_220 = tpu.memref_slice %arg8[%select_n3A, %mul3A_32, %dma_wait3A_219] : memref<16x512x128xi32, #tpu.memory_space<hbm>> -> memref<1x256x128xi32, #tpu.memory_space<hbm>>
      %dma_wait3A_221 = tpu.memref_squeeze %dma_wait3A_220 : memref<1x256x128xi32, #tpu.memory_space<hbm>> -> memref<256x128xi32, #tpu.memory_space<hbm>>
      tpu.wait_dma2 semaphore(%run_scoped3A : memref<!tpu.dma_semaphore, #tpu.memory_space<semaphore_mem>>) src(%arg21 : memref<256x128xi32, #tpu.memory_space<vmem>>) dst(%dma_wait3A_221 : memref<256x128xi32, #tpu.memory_space<hbm>>)
      tpu.yield
    }) : () -> ()
    "tpu.region"() ({
      %run_scoped3A = tpu.sem_alloc : memref<!tpu.dma_semaphore, #tpu.memory_space<semaphore_mem>>
      %dma_start3A = tpu.memref_slice %arg9[%select_n3A, %mul3A_32] : memref<16x512xf32, #tpu.memory_space<hbm>> -> memref<1x256xf32, #tpu.memory_space<hbm>>
      %dma_start3A_212 = tpu.memref_squeeze %dma_start3A : memref<1x256xf32, #tpu.memory_space<hbm>> -> memref<256xf32, #tpu.memory_space<hbm>>
      %dma_start3A_213 = tpu.memref_slice %arg9[%select_n3A, %mul3A_32] : memref<16x512xf32, #tpu.memory_space<hbm>> -> memref<1x256xf32, #tpu.memory_space<hbm>>
      %dma_start3A_214 = tpu.memref_squeeze %dma_start3A_213 : memref<1x256xf32, #tpu.memory_space<hbm>> -> memref<256xf32, #tpu.memory_space<hbm>>
      tpu.enqueue_dma source(%arg16 : memref<256xf32, #tpu.memory_space<vmem>>) target(%dma_start3A_214 : memref<256xf32, #tpu.memory_space<hbm>>) target_semaphore(%run_scoped3A : memref<!tpu.dma_semaphore, #tpu.memory_space<semaphore_mem>>)
      %dma_wait3A = tpu.memref_slice %arg9[%select_n3A, %mul3A_32] : memref<16x512xf32, #tpu.memory_space<hbm>> -> memref<1x256xf32, #tpu.memory_space<hbm>>
      %dma_wait3A_215 = tpu.memref_squeeze %dma_wait3A : memref<1x256xf32, #tpu.memory_space<hbm>> -> memref<256xf32, #tpu.memory_space<hbm>>
      %dma_wait3A_216 = tpu.memref_slice %arg9[%select_n3A, %mul3A_32] : memref<16x512xf32, #tpu.memory_space<hbm>> -> memref<1x256xf32, #tpu.memory_space<hbm>>
      %dma_wait3A_217 = tpu.memref_squeeze %dma_wait3A_216 : memref<1x256xf32, #tpu.memory_space<hbm>> -> memref<256xf32, #tpu.memory_space<hbm>>
      tpu.wait_dma2 semaphore(%run_scoped3A : memref<!tpu.dma_semaphore, #tpu.memory_space<semaphore_mem>>) src(%arg16 : memref<256xf32, #tpu.memory_space<vmem>>) dst(%dma_wait3A_217 : memref<256xf32, #tpu.memory_space<hbm>>)
      tpu.yield
    }) : () -> ()
    "tpu.region"() ({
      %run_scoped3A = tpu.sem_alloc : memref<!tpu.dma_semaphore, #tpu.memory_space<semaphore_mem>>
      %dma_start3A = tpu.memref_slice %arg10[%select_n3A, %mul3A_32] : memref<16x512xf32, #tpu.memory_space<hbm>> -> memref<1x256xf32, #tpu.memory_space<hbm>>
      %dma_start3A_212 = tpu.memref_squeeze %dma_start3A : memref<1x256xf32, #tpu.memory_space<hbm>> -> memref<256xf32, #tpu.memory_space<hbm>>
      %dma_start3A_213 = tpu.memref_slice %arg10[%select_n3A, %mul3A_32] : memref<16x512xf32, #tpu.memory_space<hbm>> -> memref<1x256xf32, #tpu.memory_space<hbm>>
      %dma_start3A_214 = tpu.memref_squeeze %dma_start3A_213 : memref<1x256xf32, #tpu.memory_space<hbm>> -> memref<256xf32, #tpu.memory_space<hbm>>
      tpu.enqueue_dma source(%arg17 : memref<256xf32, #tpu.memory_space<vmem>>) target(%dma_start3A_214 : memref<256xf32, #tpu.memory_space<hbm>>) target_semaphore(%run_scoped3A : memref<!tpu.dma_semaphore, #tpu.memory_space<semaphore_mem>>)
      %dma_wait3A = tpu.memref_slice %arg10[%select_n3A, %mul3A_32] : memref<16x512xf32, #tpu.memory_space<hbm>> -> memref<1x256xf32, #tpu.memory_space<hbm>>
      %dma_wait3A_215 = tpu.memref_squeeze %dma_wait3A : memref<1x256xf32, #tpu.memory_space<hbm>> -> memref<256xf32, #tpu.memory_space<hbm>>
      %dma_wait3A_216 = tpu.memref_slice %arg10[%select_n3A, %mul3A_32] : memref<16x512xf32, #tpu.memory_space<hbm>> -> memref<1x256xf32, #tpu.memory_space<hbm>>
      %dma_wait3A_217 = tpu.memref_squeeze %dma_wait3A_216 : memref<1x256xf32, #tpu.memory_space<hbm>> -> memref<256xf32, #tpu.memory_space<hbm>>
      tpu.wait_dma2 semaphore(%run_scoped3A : memref<!tpu.dma_semaphore, #tpu.memory_space<semaphore_mem>>) src(%arg17 : memref<256xf32, #tpu.memory_space<vmem>>) dst(%dma_wait3A_217 : memref<256xf32, #tpu.memory_space<hbm>>)
      tpu.yield
    }) : () -> ()
    "tpu.region"() ({
      %run_scoped3A = tpu.sem_alloc : memref<!tpu.dma_semaphore, #tpu.memory_space<semaphore_mem>>
      %dma_start3A = tpu.memref_slice %arg11[%select_n3A, %mul3A_32] : memref<16x512xf32, #tpu.memory_space<hbm>> -> memref<1x256xf32, #tpu.memory_space<hbm>>
      %dma_start3A_212 = tpu.memref_squeeze %dma_start3A : memref<1x256xf32, #tpu.memory_space<hbm>> -> memref<256xf32, #tpu.memory_space<hbm>>
      %dma_start3A_213 = tpu.memref_slice %arg11[%select_n3A, %mul3A_32] : memref<16x512xf32, #tpu.memory_space<hbm>> -> memref<1x256xf32, #tpu.memory_space<hbm>>
      %dma_start3A_214 = tpu.memref_squeeze %dma_start3A_213 : memref<1x256xf32, #tpu.memory_space<hbm>> -> memref<256xf32, #tpu.memory_space<hbm>>
      tpu.enqueue_dma source(%arg18 : memref<256xf32, #tpu.memory_space<vmem>>) target(%dma_start3A_214 : memref<256xf32, #tpu.memory_space<hbm>>) target_semaphore(%run_scoped3A : memref<!tpu.dma_semaphore, #tpu.memory_space<semaphore_mem>>)
      %dma_wait3A = tpu.memref_slice %arg11[%select_n3A, %mul3A_32] : memref<16x512xf32, #tpu.memory_space<hbm>> -> memref<1x256xf32, #tpu.memory_space<hbm>>
      %dma_wait3A_215 = tpu.memref_squeeze %dma_wait3A : memref<1x256xf32, #tpu.memory_space<hbm>> -> memref<256xf32, #tpu.memory_space<hbm>>
      %dma_wait3A_216 = tpu.memref_slice %arg11[%select_n3A, %mul3A_32] : memref<16x512xf32, #tpu.memory_space<hbm>> -> memref<1x256xf32, #tpu.memory_space<hbm>>
      %dma_wait3A_217 = tpu.memref_squeeze %dma_wait3A_216 : memref<1x256xf32, #tpu.memory_space<hbm>> -> memref<256xf32, #tpu.memory_space<hbm>>
      tpu.wait_dma2 semaphore(%run_scoped3A : memref<!tpu.dma_semaphore, #tpu.memory_space<semaphore_mem>>) src(%arg18 : memref<256xf32, #tpu.memory_space<vmem>>) dst(%dma_wait3A_217 : memref<256xf32, #tpu.memory_space<hbm>>)
      tpu.yield
    }) : () -> ()
    return
  }
}

#map = affine_map<(d0, d1) -> (0, 0)>
#map1 = affine_map<(d0, d1) -> (0, 0, 0)>
module attributes {stable_mosaic.version = 14 : i64} {
  func.func @ballq(%arg0: i32, %arg1: i32, %arg2: memref<16x512xf32, #tpu.memory_space<hbm>>, %arg3: memref<16x512xf32, #tpu.memory_space<hbm>>, %arg4: memref<16x512xf32, #tpu.memory_space<hbm>>, %arg5: memref<16x128xi32, #tpu.memory_space<hbm>>, %arg6: memref<16x128x32xi32, #tpu.memory_space<hbm>>, %arg7: memref<16x128x64xi32, #tpu.memory_space<hbm>>, %arg8: memref<16x128x128xi32, #tpu.memory_space<hbm>>, %arg9: memref<16x128xf32, #tpu.memory_space<hbm>>, %arg10: memref<16x128xf32, #tpu.memory_space<hbm>>, %arg11: memref<16x128xf32, #tpu.memory_space<hbm>>, %arg12: memref<512xf32, #tpu.memory_space<vmem>>, %arg13: memref<512xf32, #tpu.memory_space<vmem>>, %arg14: memref<512xf32, #tpu.memory_space<vmem>>, %arg15: memref<64xi32, #tpu.memory_space<vmem>>, %arg16: memref<64xf32, #tpu.memory_space<vmem>>, %arg17: memref<64xf32, #tpu.memory_space<vmem>>, %arg18: memref<64xf32, #tpu.memory_space<vmem>>, %arg19: memref<64x32xi32, #tpu.memory_space<vmem>>, %arg20: memref<64x64xi32, #tpu.memory_space<vmem>>, %arg21: memref<64x128xi32, #tpu.memory_space<vmem>>) attributes {dimension_semantics = [#tpu.dimension_semantics<core_parallel>, #tpu.dimension_semantics<subcore_parallel>], iteration_bounds = array<i64: 2, 16>, scalar_prefetch = 0 : i64, scratch_operands = 10 : i64, tpu.core_type = #tpu.core_type<sc_vector_subcore>, window_params = [{transform_indices = #map}, {transform_indices = #map}, {transform_indices = #map}, {transform_indices = #map}, {transform_indices = #map1}, {transform_indices = #map1}, {transform_indices = #map1}, {transform_indices = #map}, {transform_indices = #map}, {transform_indices = #map}]} {
    %mul3A = arith.constant 2 : i32
    %mul3A_0 = arith.muli %arg1, %mul3A : i32
    %add3A = arith.addi %mul3A_0, %arg0 : i32
    %jit3A = arith.constant 2 : i32
    %div3A = arith.divsi %add3A, %jit3A : i32
    %sign3A = arith.constant 0 : i32
    %sign3A_1 = arith.cmpi sgt, %add3A, %sign3A : i32
    %sign3A_2 = arith.extui %sign3A_1 : i1 to i32
    %sign3A_3 = arith.constant 0 : i32
    %sign3A_4 = arith.cmpi slt, %add3A, %sign3A_3 : i32
    %sign3A_5 = arith.extui %sign3A_4 : i1 to i32
    %sign3A_6 = arith.subi %sign3A_2, %sign3A_5 : i32
    %sign3A_7 = arith.constant 0 : i32
    %sign3A_8 = arith.cmpi sgt, %jit3A, %sign3A_7 : i32
    %sign3A_9 = arith.extui %sign3A_8 : i1 to i32
    %sign3A_10 = arith.constant 0 : i32
    %sign3A_11 = arith.cmpi slt, %jit3A, %sign3A_10 : i32
    %sign3A_12 = arith.extui %sign3A_11 : i1 to i32
    %sign3A_13 = arith.subi %sign3A_9, %sign3A_12 : i32
    %ne3A = arith.cmpi ne, %sign3A_6, %sign3A_13 : i32
    %rem3A = arith.remsi %add3A, %jit3A : i32
    %ne3A_14 = arith.constant 0 : i32
    %ne3A_15 = arith.cmpi ne, %rem3A, %ne3A_14 : i32
    %and3A = arith.andi %ne3A, %ne3A_15 : i1
    %sub3A = arith.constant 1 : i32
    %sub3A_16 = arith.subi %div3A, %sub3A : i32
    %select_n3A = arith.select %and3A, %sub3A_16, %div3A : i32
    %jit3A_17 = arith.constant 2 : i32
    %eq3A = arith.constant 0 : i32
    %eq3A_18 = arith.cmpi eq, %jit3A_17, %eq3A : i32
    %jit3A_19 = arith.constant 1 : i32
    %select_n3A_20 = arith.select %eq3A_18, %jit3A_19, %jit3A_17 : i32
    %rem3A_21 = arith.remsi %add3A, %select_n3A_20 : i32
    %ne3A_22 = arith.constant 0 : i32
    %ne3A_23 = arith.cmpi ne, %rem3A_21, %ne3A_22 : i32
    %lt3A = arith.constant 0 : i32
    %lt3A_24 = arith.cmpi slt, %rem3A_21, %lt3A : i32
    %lt3A_25 = arith.constant 0 : i32
    %lt3A_26 = arith.cmpi slt, %select_n3A_20, %lt3A_25 : i32
    %ne3A_27 = arith.xori %lt3A_24, %lt3A_26 : i1
    %and3A_28 = arith.andi %ne3A_27, %ne3A_23 : i1
    %add3A_29 = arith.addi %rem3A_21, %select_n3A_20 : i32
    %select_n3A_30 = arith.select %and3A_28, %add3A_29, %rem3A_21 : i32
    %mul3A_31 = arith.constant 64 : i32
    %mul3A_32 = arith.muli %select_n3A_30, %mul3A_31 : i32
    "tpu.region"() ({
      %run_scoped3A = tpu.sem_alloc : memref<!tpu.dma_semaphore, #tpu.memory_space<semaphore_mem>>
      %dma_start3A = arith.constant 0 : i32
      %dma_start3A_80 = tpu.memref_slice %arg2[%select_n3A, %dma_start3A] : memref<16x512xf32, #tpu.memory_space<hbm>> -> memref<1x512xf32, #tpu.memory_space<hbm>>
      %dma_start3A_81 = tpu.memref_squeeze %dma_start3A_80 : memref<1x512xf32, #tpu.memory_space<hbm>> -> memref<512xf32, #tpu.memory_space<hbm>>
      %dma_start3A_82 = arith.constant 0 : i32
      %dma_start3A_83 = tpu.memref_slice %arg2[%select_n3A, %dma_start3A_82] : memref<16x512xf32, #tpu.memory_space<hbm>> -> memref<1x512xf32, #tpu.memory_space<hbm>>
      %dma_start3A_84 = tpu.memref_squeeze %dma_start3A_83 : memref<1x512xf32, #tpu.memory_space<hbm>> -> memref<512xf32, #tpu.memory_space<hbm>>
      tpu.enqueue_dma source(%dma_start3A_84 : memref<512xf32, #tpu.memory_space<hbm>>) target(%arg12 : memref<512xf32, #tpu.memory_space<vmem>>) target_semaphore(%run_scoped3A : memref<!tpu.dma_semaphore, #tpu.memory_space<semaphore_mem>>)
      %dma_wait3A = arith.constant 0 : i32
      %dma_wait3A_85 = tpu.memref_slice %arg2[%select_n3A, %dma_wait3A] : memref<16x512xf32, #tpu.memory_space<hbm>> -> memref<1x512xf32, #tpu.memory_space<hbm>>
      %dma_wait3A_86 = tpu.memref_squeeze %dma_wait3A_85 : memref<1x512xf32, #tpu.memory_space<hbm>> -> memref<512xf32, #tpu.memory_space<hbm>>
      %dma_wait3A_87 = arith.constant 0 : i32
      %dma_wait3A_88 = tpu.memref_slice %arg2[%select_n3A, %dma_wait3A_87] : memref<16x512xf32, #tpu.memory_space<hbm>> -> memref<1x512xf32, #tpu.memory_space<hbm>>
      %dma_wait3A_89 = tpu.memref_squeeze %dma_wait3A_88 : memref<1x512xf32, #tpu.memory_space<hbm>> -> memref<512xf32, #tpu.memory_space<hbm>>
      tpu.wait_dma2 semaphore(%run_scoped3A : memref<!tpu.dma_semaphore, #tpu.memory_space<semaphore_mem>>) src(%dma_wait3A_89 : memref<512xf32, #tpu.memory_space<hbm>>) dst(%arg12 : memref<512xf32, #tpu.memory_space<vmem>>)
      tpu.yield
    }) : () -> ()
    "tpu.region"() ({
      %run_scoped3A = tpu.sem_alloc : memref<!tpu.dma_semaphore, #tpu.memory_space<semaphore_mem>>
      %dma_start3A = arith.constant 0 : i32
      %dma_start3A_80 = tpu.memref_slice %arg3[%select_n3A, %dma_start3A] : memref<16x512xf32, #tpu.memory_space<hbm>> -> memref<1x512xf32, #tpu.memory_space<hbm>>
      %dma_start3A_81 = tpu.memref_squeeze %dma_start3A_80 : memref<1x512xf32, #tpu.memory_space<hbm>> -> memref<512xf32, #tpu.memory_space<hbm>>
      %dma_start3A_82 = arith.constant 0 : i32
      %dma_start3A_83 = tpu.memref_slice %arg3[%select_n3A, %dma_start3A_82] : memref<16x512xf32, #tpu.memory_space<hbm>> -> memref<1x512xf32, #tpu.memory_space<hbm>>
      %dma_start3A_84 = tpu.memref_squeeze %dma_start3A_83 : memref<1x512xf32, #tpu.memory_space<hbm>> -> memref<512xf32, #tpu.memory_space<hbm>>
      tpu.enqueue_dma source(%dma_start3A_84 : memref<512xf32, #tpu.memory_space<hbm>>) target(%arg13 : memref<512xf32, #tpu.memory_space<vmem>>) target_semaphore(%run_scoped3A : memref<!tpu.dma_semaphore, #tpu.memory_space<semaphore_mem>>)
      %dma_wait3A = arith.constant 0 : i32
      %dma_wait3A_85 = tpu.memref_slice %arg3[%select_n3A, %dma_wait3A] : memref<16x512xf32, #tpu.memory_space<hbm>> -> memref<1x512xf32, #tpu.memory_space<hbm>>
      %dma_wait3A_86 = tpu.memref_squeeze %dma_wait3A_85 : memref<1x512xf32, #tpu.memory_space<hbm>> -> memref<512xf32, #tpu.memory_space<hbm>>
      %dma_wait3A_87 = arith.constant 0 : i32
      %dma_wait3A_88 = tpu.memref_slice %arg3[%select_n3A, %dma_wait3A_87] : memref<16x512xf32, #tpu.memory_space<hbm>> -> memref<1x512xf32, #tpu.memory_space<hbm>>
      %dma_wait3A_89 = tpu.memref_squeeze %dma_wait3A_88 : memref<1x512xf32, #tpu.memory_space<hbm>> -> memref<512xf32, #tpu.memory_space<hbm>>
      tpu.wait_dma2 semaphore(%run_scoped3A : memref<!tpu.dma_semaphore, #tpu.memory_space<semaphore_mem>>) src(%dma_wait3A_89 : memref<512xf32, #tpu.memory_space<hbm>>) dst(%arg13 : memref<512xf32, #tpu.memory_space<vmem>>)
      tpu.yield
    }) : () -> ()
    "tpu.region"() ({
      %run_scoped3A = tpu.sem_alloc : memref<!tpu.dma_semaphore, #tpu.memory_space<semaphore_mem>>
      %dma_start3A = arith.constant 0 : i32
      %dma_start3A_80 = tpu.memref_slice %arg4[%select_n3A, %dma_start3A] : memref<16x512xf32, #tpu.memory_space<hbm>> -> memref<1x512xf32, #tpu.memory_space<hbm>>
      %dma_start3A_81 = tpu.memref_squeeze %dma_start3A_80 : memref<1x512xf32, #tpu.memory_space<hbm>> -> memref<512xf32, #tpu.memory_space<hbm>>
      %dma_start3A_82 = arith.constant 0 : i32
      %dma_start3A_83 = tpu.memref_slice %arg4[%select_n3A, %dma_start3A_82] : memref<16x512xf32, #tpu.memory_space<hbm>> -> memref<1x512xf32, #tpu.memory_space<hbm>>
      %dma_start3A_84 = tpu.memref_squeeze %dma_start3A_83 : memref<1x512xf32, #tpu.memory_space<hbm>> -> memref<512xf32, #tpu.memory_space<hbm>>
      tpu.enqueue_dma source(%dma_start3A_84 : memref<512xf32, #tpu.memory_space<hbm>>) target(%arg14 : memref<512xf32, #tpu.memory_space<vmem>>) target_semaphore(%run_scoped3A : memref<!tpu.dma_semaphore, #tpu.memory_space<semaphore_mem>>)
      %dma_wait3A = arith.constant 0 : i32
      %dma_wait3A_85 = tpu.memref_slice %arg4[%select_n3A, %dma_wait3A] : memref<16x512xf32, #tpu.memory_space<hbm>> -> memref<1x512xf32, #tpu.memory_space<hbm>>
      %dma_wait3A_86 = tpu.memref_squeeze %dma_wait3A_85 : memref<1x512xf32, #tpu.memory_space<hbm>> -> memref<512xf32, #tpu.memory_space<hbm>>
      %dma_wait3A_87 = arith.constant 0 : i32
      %dma_wait3A_88 = tpu.memref_slice %arg4[%select_n3A, %dma_wait3A_87] : memref<16x512xf32, #tpu.memory_space<hbm>> -> memref<1x512xf32, #tpu.memory_space<hbm>>
      %dma_wait3A_89 = tpu.memref_squeeze %dma_wait3A_88 : memref<1x512xf32, #tpu.memory_space<hbm>> -> memref<512xf32, #tpu.memory_space<hbm>>
      tpu.wait_dma2 semaphore(%run_scoped3A : memref<!tpu.dma_semaphore, #tpu.memory_space<semaphore_mem>>) src(%dma_wait3A_89 : memref<512xf32, #tpu.memory_space<hbm>>) dst(%arg14 : memref<512xf32, #tpu.memory_space<vmem>>)
      tpu.yield
    }) : () -> ()
    "tpu.region"() ({
      %run_scoped3A = tpu.sem_alloc : memref<!tpu.dma_semaphore, #tpu.memory_space<semaphore_mem>>
      %dma_start3A = tpu.memref_slice %arg5[%select_n3A, %mul3A_32] : memref<16x128xi32, #tpu.memory_space<hbm>> -> memref<1x64xi32, #tpu.memory_space<hbm>>
      %dma_start3A_80 = tpu.memref_squeeze %dma_start3A : memref<1x64xi32, #tpu.memory_space<hbm>> -> memref<64xi32, #tpu.memory_space<hbm>>
      %dma_start3A_81 = tpu.memref_slice %arg5[%select_n3A, %mul3A_32] : memref<16x128xi32, #tpu.memory_space<hbm>> -> memref<1x64xi32, #tpu.memory_space<hbm>>
      %dma_start3A_82 = tpu.memref_squeeze %dma_start3A_81 : memref<1x64xi32, #tpu.memory_space<hbm>> -> memref<64xi32, #tpu.memory_space<hbm>>
      tpu.enqueue_dma source(%dma_start3A_82 : memref<64xi32, #tpu.memory_space<hbm>>) target(%arg15 : memref<64xi32, #tpu.memory_space<vmem>>) target_semaphore(%run_scoped3A : memref<!tpu.dma_semaphore, #tpu.memory_space<semaphore_mem>>)
      %dma_wait3A = tpu.memref_slice %arg5[%select_n3A, %mul3A_32] : memref<16x128xi32, #tpu.memory_space<hbm>> -> memref<1x64xi32, #tpu.memory_space<hbm>>
      %dma_wait3A_83 = tpu.memref_squeeze %dma_wait3A : memref<1x64xi32, #tpu.memory_space<hbm>> -> memref<64xi32, #tpu.memory_space<hbm>>
      %dma_wait3A_84 = tpu.memref_slice %arg5[%select_n3A, %mul3A_32] : memref<16x128xi32, #tpu.memory_space<hbm>> -> memref<1x64xi32, #tpu.memory_space<hbm>>
      %dma_wait3A_85 = tpu.memref_squeeze %dma_wait3A_84 : memref<1x64xi32, #tpu.memory_space<hbm>> -> memref<64xi32, #tpu.memory_space<hbm>>
      tpu.wait_dma2 semaphore(%run_scoped3A : memref<!tpu.dma_semaphore, #tpu.memory_space<semaphore_mem>>) src(%dma_wait3A_85 : memref<64xi32, #tpu.memory_space<hbm>>) dst(%arg15 : memref<64xi32, #tpu.memory_space<vmem>>)
      tpu.yield
    }) : () -> ()
    %iota3A = tpu.iota {dimensions = array<i32: 0>} : vector<16xi32>
    %get3A = arith.constant 0 : index
    %get3A_33 = tpu.vector_load %arg15[%get3A] {strides = array<i32>} : memref<64xi32, #tpu.memory_space<vmem>>, vector<16xi32>,
    %gather3A = tpu.vector_load_idx %arg12[%get3A_33] : memref<512xf32, #tpu.memory_space<vmem>>[vector<16xi32>], vector<16xf32>,
    %swap3A = arith.constant 0 : index
    %swap3A_34 = tpu.vector_load %arg16[%swap3A] {strides = array<i32>} : memref<64xf32, #tpu.memory_space<vmem>>, vector<16xf32>,
    tpu.vector_store %arg16[%swap3A], %gather3A {strides = array<i32>} : memref<64xf32, #tpu.memory_space<vmem>>, vector<16xf32>,
    %gather3A_35 = tpu.vector_load_idx %arg13[%get3A_33] : memref<512xf32, #tpu.memory_space<vmem>>[vector<16xi32>], vector<16xf32>,
    %swap3A_36 = arith.constant 0 : index
    %swap3A_37 = tpu.vector_load %arg17[%swap3A_36] {strides = array<i32>} : memref<64xf32, #tpu.memory_space<vmem>>, vector<16xf32>,
    tpu.vector_store %arg17[%swap3A_36], %gather3A_35 {strides = array<i32>} : memref<64xf32, #tpu.memory_space<vmem>>, vector<16xf32>,
    %gather3A_38 = tpu.vector_load_idx %arg14[%get3A_33] : memref<512xf32, #tpu.memory_space<vmem>>[vector<16xi32>], vector<16xf32>,
    %swap3A_39 = arith.constant 0 : index
    %swap3A_40 = tpu.vector_load %arg18[%swap3A_39] {strides = array<i32>} : memref<64xf32, #tpu.memory_space<vmem>>, vector<16xf32>,
    tpu.vector_store %arg18[%swap3A_39], %gather3A_38 {strides = array<i32>} : memref<64xf32, #tpu.memory_space<vmem>>, vector<16xf32>,
    %get3A_41 = arith.constant 16 : index
    %get3A_42 = tpu.vector_load %arg15[%get3A_41] {strides = array<i32>} : memref<64xi32, #tpu.memory_space<vmem>>, vector<16xi32>,
    %gather3A_43 = tpu.vector_load_idx %arg12[%get3A_42] : memref<512xf32, #tpu.memory_space<vmem>>[vector<16xi32>], vector<16xf32>,
    %swap3A_44 = arith.constant 16 : index
    %swap3A_45 = tpu.vector_load %arg16[%swap3A_44] {strides = array<i32>} : memref<64xf32, #tpu.memory_space<vmem>>, vector<16xf32>,
    tpu.vector_store %arg16[%swap3A_44], %gather3A_43 {strides = array<i32>} : memref<64xf32, #tpu.memory_space<vmem>>, vector<16xf32>,
    %gather3A_46 = tpu.vector_load_idx %arg13[%get3A_42] : memref<512xf32, #tpu.memory_space<vmem>>[vector<16xi32>], vector<16xf32>,
    %swap3A_47 = arith.constant 16 : index
    %swap3A_48 = tpu.vector_load %arg17[%swap3A_47] {strides = array<i32>} : memref<64xf32, #tpu.memory_space<vmem>>, vector<16xf32>,
    tpu.vector_store %arg17[%swap3A_47], %gather3A_46 {strides = array<i32>} : memref<64xf32, #tpu.memory_space<vmem>>, vector<16xf32>,
    %gather3A_49 = tpu.vector_load_idx %arg14[%get3A_42] : memref<512xf32, #tpu.memory_space<vmem>>[vector<16xi32>], vector<16xf32>,
    %swap3A_50 = arith.constant 16 : index
    %swap3A_51 = tpu.vector_load %arg18[%swap3A_50] {strides = array<i32>} : memref<64xf32, #tpu.memory_space<vmem>>, vector<16xf32>,
    tpu.vector_store %arg18[%swap3A_50], %gather3A_49 {strides = array<i32>} : memref<64xf32, #tpu.memory_space<vmem>>, vector<16xf32>,
    %get3A_52 = arith.constant 32 : index
    %get3A_53 = tpu.vector_load %arg15[%get3A_52] {strides = array<i32>} : memref<64xi32, #tpu.memory_space<vmem>>, vector<16xi32>,
    %gather3A_54 = tpu.vector_load_idx %arg12[%get3A_53] : memref<512xf32, #tpu.memory_space<vmem>>[vector<16xi32>], vector<16xf32>,
    %swap3A_55 = arith.constant 32 : index
    %swap3A_56 = tpu.vector_load %arg16[%swap3A_55] {strides = array<i32>} : memref<64xf32, #tpu.memory_space<vmem>>, vector<16xf32>,
    tpu.vector_store %arg16[%swap3A_55], %gather3A_54 {strides = array<i32>} : memref<64xf32, #tpu.memory_space<vmem>>, vector<16xf32>,
    %gather3A_57 = tpu.vector_load_idx %arg13[%get3A_53] : memref<512xf32, #tpu.memory_space<vmem>>[vector<16xi32>], vector<16xf32>,
    %swap3A_58 = arith.constant 32 : index
    %swap3A_59 = tpu.vector_load %arg17[%swap3A_58] {strides = array<i32>} : memref<64xf32, #tpu.memory_space<vmem>>, vector<16xf32>,
    tpu.vector_store %arg17[%swap3A_58], %gather3A_57 {strides = array<i32>} : memref<64xf32, #tpu.memory_space<vmem>>, vector<16xf32>,
    %gather3A_60 = tpu.vector_load_idx %arg14[%get3A_53] : memref<512xf32, #tpu.memory_space<vmem>>[vector<16xi32>], vector<16xf32>,
    %swap3A_61 = arith.constant 32 : index
    %swap3A_62 = tpu.vector_load %arg18[%swap3A_61] {strides = array<i32>} : memref<64xf32, #tpu.memory_space<vmem>>, vector<16xf32>,
    tpu.vector_store %arg18[%swap3A_61], %gather3A_60 {strides = array<i32>} : memref<64xf32, #tpu.memory_space<vmem>>, vector<16xf32>,
    %get3A_63 = arith.constant 48 : index
    %get3A_64 = tpu.vector_load %arg15[%get3A_63] {strides = array<i32>} : memref<64xi32, #tpu.memory_space<vmem>>, vector<16xi32>,
    %gather3A_65 = tpu.vector_load_idx %arg12[%get3A_64] : memref<512xf32, #tpu.memory_space<vmem>>[vector<16xi32>], vector<16xf32>,
    %swap3A_66 = arith.constant 48 : index
    %swap3A_67 = tpu.vector_load %arg16[%swap3A_66] {strides = array<i32>} : memref<64xf32, #tpu.memory_space<vmem>>, vector<16xf32>,
    tpu.vector_store %arg16[%swap3A_66], %gather3A_65 {strides = array<i32>} : memref<64xf32, #tpu.memory_space<vmem>>, vector<16xf32>,
    %gather3A_68 = tpu.vector_load_idx %arg13[%get3A_64] : memref<512xf32, #tpu.memory_space<vmem>>[vector<16xi32>], vector<16xf32>,
    %swap3A_69 = arith.constant 48 : index
    %swap3A_70 = tpu.vector_load %arg17[%swap3A_69] {strides = array<i32>} : memref<64xf32, #tpu.memory_space<vmem>>, vector<16xf32>,
    tpu.vector_store %arg17[%swap3A_69], %gather3A_68 {strides = array<i32>} : memref<64xf32, #tpu.memory_space<vmem>>, vector<16xf32>,
    %gather3A_71 = tpu.vector_load_idx %arg14[%get3A_64] : memref<512xf32, #tpu.memory_space<vmem>>[vector<16xi32>], vector<16xf32>,
    %swap3A_72 = arith.constant 48 : index
    %swap3A_73 = tpu.vector_load %arg18[%swap3A_72] {strides = array<i32>} : memref<64xf32, #tpu.memory_space<vmem>>, vector<16xf32>,
    tpu.vector_store %arg18[%swap3A_72], %gather3A_71 {strides = array<i32>} : memref<64xf32, #tpu.memory_space<vmem>>, vector<16xf32>,
    %scan3A = arith.constant 0 : i32
    %scan3A_74 = arith.constant 0 : i32
    %scan3A_75 = arith.constant 64 : i32
    %scan3A_76 = arith.addi %scan3A_74, %scan3A_75 : i32
    %scan3A_77 = arith.constant 1 : i32
    %scan3A_78 = scf.for %scan3A_80 = %scan3A_74 to %scan3A_76 step %scan3A_77 iter_args(%scan3A_81 = %scan3A) -> (i32)  : i32 {
      %broadcast_in_dim3A = vector.broadcast %scan3A_80 : i32 to vector<16xi32>
      %gather3A_82 = tpu.vector_load_idx %arg16[%broadcast_in_dim3A] : memref<64xf32, #tpu.memory_space<vmem>>[vector<16xi32>], vector<16xf32>,
      %gather3A_83 = tpu.vector_load_idx %arg17[%broadcast_in_dim3A] : memref<64xf32, #tpu.memory_space<vmem>>[vector<16xi32>], vector<16xf32>,
      %gather3A_84 = tpu.vector_load_idx %arg18[%broadcast_in_dim3A] : memref<64xf32, #tpu.memory_space<vmem>>[vector<16xi32>], vector<16xf32>,
      %scan3A_85 = arith.constant 0 : i32
      %scan3A_86 = arith.constant 0 : i32
      %scan3A_87 = arith.constant 0 : i32
      %scan3A_88 = arith.constant 0 : i32
      %scan3A_89 = arith.constant 32 : i32
      %scan3A_90 = arith.addi %scan3A_88, %scan3A_89 : i32
      %scan3A_91 = arith.constant 1 : i32
      %scan3A_92:3 = scf.for %scan3A_203 = %scan3A_88 to %scan3A_90 step %scan3A_91 iter_args(%scan3A_204 = %scan3A_85, %scan3A_205 = %scan3A_86, %scan3A_206 = %scan3A_87) -> (i32, i32, i32)  : i32 {
        %mul3A_207 = arith.constant 16 : i32
        %mul3A_208 = arith.muli %scan3A_203, %mul3A_207 : i32
        %add3A_209 = vector.broadcast %mul3A_208 : i32 to vector<16xi32>
        %add3A_210 = arith.addi %add3A_209, %iota3A : vector<16xi32>
        %gather3A_211 = tpu.vector_load_idx %arg12[%add3A_210] : memref<512xf32, #tpu.memory_space<vmem>>[vector<16xi32>], vector<16xf32>,
        %gather3A_212 = tpu.vector_load_idx %arg13[%add3A_210] : memref<512xf32, #tpu.memory_space<vmem>>[vector<16xi32>], vector<16xf32>,
        %gather3A_213 = tpu.vector_load_idx %arg14[%add3A_210] : memref<512xf32, #tpu.memory_space<vmem>>[vector<16xi32>], vector<16xf32>,
        %sub3A_214 = arith.subf %gather3A_211, %gather3A_82 : vector<16xf32>
        %sub3A_215 = arith.subf %gather3A_212, %gather3A_83 : vector<16xf32>
        %sub3A_216 = arith.subf %gather3A_213, %gather3A_84 : vector<16xf32>
        %mul3A_217 = arith.mulf %sub3A_214, %sub3A_214 : vector<16xf32>
        %mul3A_218 = arith.mulf %sub3A_215, %sub3A_215 : vector<16xf32>
        %add3A_219 = arith.addf %mul3A_217, %mul3A_218 : vector<16xf32>
        %mul3A_220 = arith.mulf %sub3A_216, %sub3A_216 : vector<16xf32>
        %add3A_221 = arith.addf %add3A_219, %mul3A_220 : vector<16xf32>
        %le3A = arith.constant 6.400000e-01 : f32
        %le3A_222 = vector.broadcast %le3A : f32 to vector<16xf32>
        %le3A_223 = arith.cmpf ole, %add3A_221, %le3A_222 : vector<16xf32>
        %jit3A_224 = arith.constant 1 : i32
        %jit3A_225 = arith.constant 0 : i32
        %broadcast_in_dim3A_226 = vector.broadcast %jit3A_224 : i32 to vector<16xi32>
        %broadcast_in_dim3A_227 = vector.broadcast %jit3A_225 : i32 to vector<16xi32>
        %select_n3A_228 = arith.select %le3A_223, %broadcast_in_dim3A_226, %broadcast_in_dim3A_227 : vector<16xi1>, vector<16xi32>
        %broadcast_in_dim3A_229 = arith.constant true
        %broadcast_in_dim3A_230 = vector.broadcast %broadcast_in_dim3A_229 : i1 to vector<16xi1>
        %masked_cumsum3A = tpu.scan <sum>, %select_n3A_228 masked %broadcast_in_dim3A_230 : vector<16xi32>, vector<16xi1> -> vector<16xi32>
        %reduce_max3A = arith.constant true
        %reduce_max3A_231 = vector.broadcast %reduce_max3A : i1 to vector<16xi1>
        %reduce_max3A_232 = arith.constant -2147483648 : i32
        %reduce_max3A_233 = vector.broadcast %reduce_max3A_232 : i32 to vector<16xi32>
        %reduce_max3A_234 = arith.xori %masked_cumsum3A, %reduce_max3A_233 : vector<16xi32>
        %reduce_max3A_235 = tpu.scan <max>, %reduce_max3A_234 masked %reduce_max3A_231 : vector<16xi32>, vector<16xi1> -> vector<16xi32>
        %reduce_max3A_236 = arith.xori %reduce_max3A_235, %reduce_max3A_233 : vector<16xi32>
        %reduce_max3A_237 = vector.extract %reduce_max3A_236[15] : i32 from vector<16xi32>
        %gt3A = arith.constant 0 : i32
        %gt3A_238 = arith.cmpi sgt, %reduce_max3A_237, %gt3A : i32
        %convert_element_type3A = arith.extui %gt3A_238 : i1 to i32
        %cond3A = arith.constant 0 : i32
        %cond3A_239 = arith.cmpi ne, %convert_element_type3A, %cond3A : i32
        %cond3A_240:3 = scf.if %cond3A_239 -> (i32, i32, i32) {
          %le3A_241 = arith.constant 4.000000e-02 : f32
          %le3A_242 = vector.broadcast %le3A_241 : f32 to vector<16xf32>
          %le3A_243 = arith.cmpf ole, %add3A_221, %le3A_242 : vector<16xf32>
          %jit3A_244 = arith.constant 1 : i32
          %jit3A_245 = arith.constant 0 : i32
          %broadcast_in_dim3A_246 = vector.broadcast %jit3A_244 : i32 to vector<16xi32>
          %broadcast_in_dim3A_247 = vector.broadcast %jit3A_245 : i32 to vector<16xi32>
          %select_n3A_248 = arith.select %le3A_243, %broadcast_in_dim3A_246, %broadcast_in_dim3A_247 : vector<16xi1>, vector<16xi32>
          %broadcast_in_dim3A_249 = arith.constant true
          %broadcast_in_dim3A_250 = vector.broadcast %broadcast_in_dim3A_249 : i1 to vector<16xi1>
          %masked_cumsum3A_251 = tpu.scan <sum>, %select_n3A_248 masked %broadcast_in_dim3A_250 : vector<16xi32>, vector<16xi1> -> vector<16xi32>
          %reduce_max3A_252 = arith.constant true
          %reduce_max3A_253 = vector.broadcast %reduce_max3A_252 : i1 to vector<16xi1>
          %reduce_max3A_254 = arith.constant -2147483648 : i32
          %reduce_max3A_255 = vector.broadcast %reduce_max3A_254 : i32 to vector<16xi32>
          %reduce_max3A_256 = arith.xori %masked_cumsum3A_251, %reduce_max3A_255 : vector<16xi32>
          %reduce_max3A_257 = tpu.scan <max>, %reduce_max3A_256 masked %reduce_max3A_253 : vector<16xi32>, vector<16xi1> -> vector<16xi32>
          %reduce_max3A_258 = arith.xori %reduce_max3A_257, %reduce_max3A_255 : vector<16xi32>
          %reduce_max3A_259 = vector.extract %reduce_max3A_258[15] : i32 from vector<16xi32>
          %add3A_260 = vector.broadcast %scan3A_204 : i32 to vector<16xi32>
          %add3A_261 = arith.addi %add3A_260, %masked_cumsum3A_251 : vector<16xi32>
          %sub3A_262 = arith.constant 1 : i32
          %sub3A_263 = vector.broadcast %sub3A_262 : i32 to vector<16xi32>
          %sub3A_264 = arith.subi %add3A_261, %sub3A_263 : vector<16xi32>
          %lt3A_265 = arith.constant 32 : i32
          %lt3A_266 = vector.broadcast %lt3A_265 : i32 to vector<16xi32>
          %lt3A_267 = arith.cmpi slt, %sub3A_264, %lt3A_266 : vector<16xi32>
          %and3A_268 = arith.andi %le3A_243, %lt3A_267 : vector<16xi1>
          tpu.vector_store_idx %arg19[%broadcast_in_dim3A, %sub3A_264], %add3A_210 masked %and3A_268 : memref<64x32xi32, #tpu.memory_space<vmem>>[vector<16xi32>, vector<16xi32>], vector<16xi32>, vector<16xi1>
          %add3A_269 = arith.addi %scan3A_204, %reduce_max3A_259 : i32
          %le3A_270 = arith.constant 1.600000e-01 : f32
          %le3A_271 = vector.broadcast %le3A_270 : f32 to vector<16xf32>
          %le3A_272 = arith.cmpf ole, %add3A_221, %le3A_271 : vector<16xf32>
          %jit3A_273 = arith.constant 1 : i32
          %jit3A_274 = arith.constant 0 : i32
          %broadcast_in_dim3A_275 = vector.broadcast %jit3A_273 : i32 to vector<16xi32>
          %broadcast_in_dim3A_276 = vector.broadcast %jit3A_274 : i32 to vector<16xi32>
          %select_n3A_277 = arith.select %le3A_272, %broadcast_in_dim3A_275, %broadcast_in_dim3A_276 : vector<16xi1>, vector<16xi32>
          %broadcast_in_dim3A_278 = arith.constant true
          %broadcast_in_dim3A_279 = vector.broadcast %broadcast_in_dim3A_278 : i1 to vector<16xi1>
          %masked_cumsum3A_280 = tpu.scan <sum>, %select_n3A_277 masked %broadcast_in_dim3A_279 : vector<16xi32>, vector<16xi1> -> vector<16xi32>
          %reduce_max3A_281 = arith.constant true
          %reduce_max3A_282 = vector.broadcast %reduce_max3A_281 : i1 to vector<16xi1>
          %reduce_max3A_283 = arith.constant -2147483648 : i32
          %reduce_max3A_284 = vector.broadcast %reduce_max3A_283 : i32 to vector<16xi32>
          %reduce_max3A_285 = arith.xori %masked_cumsum3A_280, %reduce_max3A_284 : vector<16xi32>
          %reduce_max3A_286 = tpu.scan <max>, %reduce_max3A_285 masked %reduce_max3A_282 : vector<16xi32>, vector<16xi1> -> vector<16xi32>
          %reduce_max3A_287 = arith.xori %reduce_max3A_286, %reduce_max3A_284 : vector<16xi32>
          %reduce_max3A_288 = vector.extract %reduce_max3A_287[15] : i32 from vector<16xi32>
          %add3A_289 = vector.broadcast %scan3A_205 : i32 to vector<16xi32>
          %add3A_290 = arith.addi %add3A_289, %masked_cumsum3A_280 : vector<16xi32>
          %sub3A_291 = arith.constant 1 : i32
          %sub3A_292 = vector.broadcast %sub3A_291 : i32 to vector<16xi32>
          %sub3A_293 = arith.subi %add3A_290, %sub3A_292 : vector<16xi32>
          %lt3A_294 = arith.constant 64 : i32
          %lt3A_295 = vector.broadcast %lt3A_294 : i32 to vector<16xi32>
          %lt3A_296 = arith.cmpi slt, %sub3A_293, %lt3A_295 : vector<16xi32>
          %and3A_297 = arith.andi %le3A_272, %lt3A_296 : vector<16xi1>
          tpu.vector_store_idx %arg20[%broadcast_in_dim3A, %sub3A_293], %add3A_210 masked %and3A_297 : memref<64x64xi32, #tpu.memory_space<vmem>>[vector<16xi32>, vector<16xi32>], vector<16xi32>, vector<16xi1>
          %add3A_298 = arith.addi %scan3A_205, %reduce_max3A_288 : i32
          %add3A_299 = vector.broadcast %scan3A_206 : i32 to vector<16xi32>
          %add3A_300 = arith.addi %add3A_299, %masked_cumsum3A : vector<16xi32>
          %sub3A_301 = arith.constant 1 : i32
          %sub3A_302 = vector.broadcast %sub3A_301 : i32 to vector<16xi32>
          %sub3A_303 = arith.subi %add3A_300, %sub3A_302 : vector<16xi32>
          %lt3A_304 = arith.constant 128 : i32
          %lt3A_305 = vector.broadcast %lt3A_304 : i32 to vector<16xi32>
          %lt3A_306 = arith.cmpi slt, %sub3A_303, %lt3A_305 : vector<16xi32>
          %and3A_307 = arith.andi %le3A_223, %lt3A_306 : vector<16xi1>
          tpu.vector_store_idx %arg21[%broadcast_in_dim3A, %sub3A_303], %add3A_210 masked %and3A_307 : memref<64x128xi32, #tpu.memory_space<vmem>>[vector<16xi32>, vector<16xi32>], vector<16xi32>, vector<16xi1>
          %add3A_308 = arith.addi %scan3A_206, %reduce_max3A_237 : i32
          scf.yield %add3A_269, %add3A_298, %add3A_308 : i32, i32, i32
        } else {
          scf.yield %scan3A_204, %scan3A_205, %scan3A_206 : i32, i32, i32
        }
        scf.yield %cond3A_240#0, %cond3A_240#1, %cond3A_240#2 : i32, i32, i32
      }
      %scan3A_93 = arith.constant 32 : i32
      %broadcast_in_dim3A_94 = arith.constant 0 : i32
      %broadcast_in_dim3A_95 = vector.broadcast %broadcast_in_dim3A_94 : i32 to vector<16xi32>
      %min3A = arith.constant 32 : i32
      %min3A_96 = arith.minsi %scan3A_92#0, %min3A : i32
      %gather3A_97 = tpu.vector_load_idx %arg19[%broadcast_in_dim3A, %broadcast_in_dim3A_95] : memref<64x32xi32, #tpu.memory_space<vmem>>[vector<16xi32>, vector<16xi32>], vector<16xi32>,
      %add3A_98 = arith.constant 0 : i32
      %add3A_99 = vector.broadcast %add3A_98 : i32 to vector<16xi32>
      %add3A_100 = arith.addi %iota3A, %add3A_99 : vector<16xi32>
      %gather3A_101 = tpu.vector_load_idx %arg19[%broadcast_in_dim3A, %add3A_100] : memref<64x32xi32, #tpu.memory_space<vmem>>[vector<16xi32>, vector<16xi32>], vector<16xi32>,
      %lt3A_102 = vector.broadcast %min3A_96 : i32 to vector<16xi32>
      %lt3A_103 = arith.cmpi slt, %add3A_100, %lt3A_102 : vector<16xi32>
      %select_n3A_104 = arith.select %lt3A_103, %gather3A_101, %gather3A_97 : vector<16xi1>, vector<16xi32>
      tpu.vector_store_idx %arg19[%broadcast_in_dim3A, %add3A_100], %select_n3A_104 : memref<64x32xi32, #tpu.memory_space<vmem>>[vector<16xi32>, vector<16xi32>], vector<16xi32>,
      %add3A_105 = arith.constant 16 : i32
      %add3A_106 = vector.broadcast %add3A_105 : i32 to vector<16xi32>
      %add3A_107 = arith.addi %iota3A, %add3A_106 : vector<16xi32>
      %gather3A_108 = tpu.vector_load_idx %arg19[%broadcast_in_dim3A, %add3A_107] : memref<64x32xi32, #tpu.memory_space<vmem>>[vector<16xi32>, vector<16xi32>], vector<16xi32>,
      %lt3A_109 = vector.broadcast %min3A_96 : i32 to vector<16xi32>
      %lt3A_110 = arith.cmpi slt, %add3A_107, %lt3A_109 : vector<16xi32>
      %select_n3A_111 = arith.select %lt3A_110, %gather3A_108, %gather3A_97 : vector<16xi1>, vector<16xi32>
      tpu.vector_store_idx %arg19[%broadcast_in_dim3A, %add3A_107], %select_n3A_111 : memref<64x32xi32, #tpu.memory_space<vmem>>[vector<16xi32>, vector<16xi32>], vector<16xi32>,
      %min3A_112 = arith.constant 64 : i32
      %min3A_113 = arith.minsi %scan3A_92#1, %min3A_112 : i32
      %gather3A_114 = tpu.vector_load_idx %arg20[%broadcast_in_dim3A, %broadcast_in_dim3A_95] : memref<64x64xi32, #tpu.memory_space<vmem>>[vector<16xi32>, vector<16xi32>], vector<16xi32>,
      %add3A_115 = arith.constant 0 : i32
      %add3A_116 = vector.broadcast %add3A_115 : i32 to vector<16xi32>
      %add3A_117 = arith.addi %iota3A, %add3A_116 : vector<16xi32>
      %gather3A_118 = tpu.vector_load_idx %arg20[%broadcast_in_dim3A, %add3A_117] : memref<64x64xi32, #tpu.memory_space<vmem>>[vector<16xi32>, vector<16xi32>], vector<16xi32>,
      %lt3A_119 = vector.broadcast %min3A_113 : i32 to vector<16xi32>
      %lt3A_120 = arith.cmpi slt, %add3A_117, %lt3A_119 : vector<16xi32>
      %select_n3A_121 = arith.select %lt3A_120, %gather3A_118, %gather3A_114 : vector<16xi1>, vector<16xi32>
      tpu.vector_store_idx %arg20[%broadcast_in_dim3A, %add3A_117], %select_n3A_121 : memref<64x64xi32, #tpu.memory_space<vmem>>[vector<16xi32>, vector<16xi32>], vector<16xi32>,
      %add3A_122 = arith.constant 16 : i32
      %add3A_123 = vector.broadcast %add3A_122 : i32 to vector<16xi32>
      %add3A_124 = arith.addi %iota3A, %add3A_123 : vector<16xi32>
      %gather3A_125 = tpu.vector_load_idx %arg20[%broadcast_in_dim3A, %add3A_124] : memref<64x64xi32, #tpu.memory_space<vmem>>[vector<16xi32>, vector<16xi32>], vector<16xi32>,
      %lt3A_126 = vector.broadcast %min3A_113 : i32 to vector<16xi32>
      %lt3A_127 = arith.cmpi slt, %add3A_124, %lt3A_126 : vector<16xi32>
      %select_n3A_128 = arith.select %lt3A_127, %gather3A_125, %gather3A_114 : vector<16xi1>, vector<16xi32>
      tpu.vector_store_idx %arg20[%broadcast_in_dim3A, %add3A_124], %select_n3A_128 : memref<64x64xi32, #tpu.memory_space<vmem>>[vector<16xi32>, vector<16xi32>], vector<16xi32>,
      %add3A_129 = arith.constant 32 : i32
      %add3A_130 = vector.broadcast %add3A_129 : i32 to vector<16xi32>
      %add3A_131 = arith.addi %iota3A, %add3A_130 : vector<16xi32>
      %gather3A_132 = tpu.vector_load_idx %arg20[%broadcast_in_dim3A, %add3A_131] : memref<64x64xi32, #tpu.memory_space<vmem>>[vector<16xi32>, vector<16xi32>], vector<16xi32>,
      %lt3A_133 = vector.broadcast %min3A_113 : i32 to vector<16xi32>
      %lt3A_134 = arith.cmpi slt, %add3A_131, %lt3A_133 : vector<16xi32>
      %select_n3A_135 = arith.select %lt3A_134, %gather3A_132, %gather3A_114 : vector<16xi1>, vector<16xi32>
      tpu.vector_store_idx %arg20[%broadcast_in_dim3A, %add3A_131], %select_n3A_135 : memref<64x64xi32, #tpu.memory_space<vmem>>[vector<16xi32>, vector<16xi32>], vector<16xi32>,
      %add3A_136 = arith.constant 48 : i32
      %add3A_137 = vector.broadcast %add3A_136 : i32 to vector<16xi32>
      %add3A_138 = arith.addi %iota3A, %add3A_137 : vector<16xi32>
      %gather3A_139 = tpu.vector_load_idx %arg20[%broadcast_in_dim3A, %add3A_138] : memref<64x64xi32, #tpu.memory_space<vmem>>[vector<16xi32>, vector<16xi32>], vector<16xi32>,
      %lt3A_140 = vector.broadcast %min3A_113 : i32 to vector<16xi32>
      %lt3A_141 = arith.cmpi slt, %add3A_138, %lt3A_140 : vector<16xi32>
      %select_n3A_142 = arith.select %lt3A_141, %gather3A_139, %gather3A_114 : vector<16xi1>, vector<16xi32>
      tpu.vector_store_idx %arg20[%broadcast_in_dim3A, %add3A_138], %select_n3A_142 : memref<64x64xi32, #tpu.memory_space<vmem>>[vector<16xi32>, vector<16xi32>], vector<16xi32>,
      %min3A_143 = arith.constant 128 : i32
      %min3A_144 = arith.minsi %scan3A_92#2, %min3A_143 : i32
      %gather3A_145 = tpu.vector_load_idx %arg21[%broadcast_in_dim3A, %broadcast_in_dim3A_95] : memref<64x128xi32, #tpu.memory_space<vmem>>[vector<16xi32>, vector<16xi32>], vector<16xi32>,
      %add3A_146 = arith.constant 0 : i32
      %add3A_147 = vector.broadcast %add3A_146 : i32 to vector<16xi32>
      %add3A_148 = arith.addi %iota3A, %add3A_147 : vector<16xi32>
      %gather3A_149 = tpu.vector_load_idx %arg21[%broadcast_in_dim3A, %add3A_148] : memref<64x128xi32, #tpu.memory_space<vmem>>[vector<16xi32>, vector<16xi32>], vector<16xi32>,
      %lt3A_150 = vector.broadcast %min3A_144 : i32 to vector<16xi32>
      %lt3A_151 = arith.cmpi slt, %add3A_148, %lt3A_150 : vector<16xi32>
      %select_n3A_152 = arith.select %lt3A_151, %gather3A_149, %gather3A_145 : vector<16xi1>, vector<16xi32>
      tpu.vector_store_idx %arg21[%broadcast_in_dim3A, %add3A_148], %select_n3A_152 : memref<64x128xi32, #tpu.memory_space<vmem>>[vector<16xi32>, vector<16xi32>], vector<16xi32>,
      %add3A_153 = arith.constant 16 : i32
      %add3A_154 = vector.broadcast %add3A_153 : i32 to vector<16xi32>
      %add3A_155 = arith.addi %iota3A, %add3A_154 : vector<16xi32>
      %gather3A_156 = tpu.vector_load_idx %arg21[%broadcast_in_dim3A, %add3A_155] : memref<64x128xi32, #tpu.memory_space<vmem>>[vector<16xi32>, vector<16xi32>], vector<16xi32>,
      %lt3A_157 = vector.broadcast %min3A_144 : i32 to vector<16xi32>
      %lt3A_158 = arith.cmpi slt, %add3A_155, %lt3A_157 : vector<16xi32>
      %select_n3A_159 = arith.select %lt3A_158, %gather3A_156, %gather3A_145 : vector<16xi1>, vector<16xi32>
      tpu.vector_store_idx %arg21[%broadcast_in_dim3A, %add3A_155], %select_n3A_159 : memref<64x128xi32, #tpu.memory_space<vmem>>[vector<16xi32>, vector<16xi32>], vector<16xi32>,
      %add3A_160 = arith.constant 32 : i32
      %add3A_161 = vector.broadcast %add3A_160 : i32 to vector<16xi32>
      %add3A_162 = arith.addi %iota3A, %add3A_161 : vector<16xi32>
      %gather3A_163 = tpu.vector_load_idx %arg21[%broadcast_in_dim3A, %add3A_162] : memref<64x128xi32, #tpu.memory_space<vmem>>[vector<16xi32>, vector<16xi32>], vector<16xi32>,
      %lt3A_164 = vector.broadcast %min3A_144 : i32 to vector<16xi32>
      %lt3A_165 = arith.cmpi slt, %add3A_162, %lt3A_164 : vector<16xi32>
      %select_n3A_166 = arith.select %lt3A_165, %gather3A_163, %gather3A_145 : vector<16xi1>, vector<16xi32>
      tpu.vector_store_idx %arg21[%broadcast_in_dim3A, %add3A_162], %select_n3A_166 : memref<64x128xi32, #tpu.memory_space<vmem>>[vector<16xi32>, vector<16xi32>], vector<16xi32>,
      %add3A_167 = arith.constant 48 : i32
      %add3A_168 = vector.broadcast %add3A_167 : i32 to vector<16xi32>
      %add3A_169 = arith.addi %iota3A, %add3A_168 : vector<16xi32>
      %gather3A_170 = tpu.vector_load_idx %arg21[%broadcast_in_dim3A, %add3A_169] : memref<64x128xi32, #tpu.memory_space<vmem>>[vector<16xi32>, vector<16xi32>], vector<16xi32>,
      %lt3A_171 = vector.broadcast %min3A_144 : i32 to vector<16xi32>
      %lt3A_172 = arith.cmpi slt, %add3A_169, %lt3A_171 : vector<16xi32>
      %select_n3A_173 = arith.select %lt3A_172, %gather3A_170, %gather3A_145 : vector<16xi1>, vector<16xi32>
      tpu.vector_store_idx %arg21[%broadcast_in_dim3A, %add3A_169], %select_n3A_173 : memref<64x128xi32, #tpu.memory_space<vmem>>[vector<16xi32>, vector<16xi32>], vector<16xi32>,
      %add3A_174 = arith.constant 64 : i32
      %add3A_175 = vector.broadcast %add3A_174 : i32 to vector<16xi32>
      %add3A_176 = arith.addi %iota3A, %add3A_175 : vector<16xi32>
      %gather3A_177 = tpu.vector_load_idx %arg21[%broadcast_in_dim3A, %add3A_176] : memref<64x128xi32, #tpu.memory_space<vmem>>[vector<16xi32>, vector<16xi32>], vector<16xi32>,
      %lt3A_178 = vector.broadcast %min3A_144 : i32 to vector<16xi32>
      %lt3A_179 = arith.cmpi slt, %add3A_176, %lt3A_178 : vector<16xi32>
      %select_n3A_180 = arith.select %lt3A_179, %gather3A_177, %gather3A_145 : vector<16xi1>, vector<16xi32>
      tpu.vector_store_idx %arg21[%broadcast_in_dim3A, %add3A_176], %select_n3A_180 : memref<64x128xi32, #tpu.memory_space<vmem>>[vector<16xi32>, vector<16xi32>], vector<16xi32>,
      %add3A_181 = arith.constant 80 : i32
      %add3A_182 = vector.broadcast %add3A_181 : i32 to vector<16xi32>
      %add3A_183 = arith.addi %iota3A, %add3A_182 : vector<16xi32>
      %gather3A_184 = tpu.vector_load_idx %arg21[%broadcast_in_dim3A, %add3A_183] : memref<64x128xi32, #tpu.memory_space<vmem>>[vector<16xi32>, vector<16xi32>], vector<16xi32>,
      %lt3A_185 = vector.broadcast %min3A_144 : i32 to vector<16xi32>
      %lt3A_186 = arith.cmpi slt, %add3A_183, %lt3A_185 : vector<16xi32>
      %select_n3A_187 = arith.select %lt3A_186, %gather3A_184, %gather3A_145 : vector<16xi1>, vector<16xi32>
      tpu.vector_store_idx %arg21[%broadcast_in_dim3A, %add3A_183], %select_n3A_187 : memref<64x128xi32, #tpu.memory_space<vmem>>[vector<16xi32>, vector<16xi32>], vector<16xi32>,
      %add3A_188 = arith.constant 96 : i32
      %add3A_189 = vector.broadcast %add3A_188 : i32 to vector<16xi32>
      %add3A_190 = arith.addi %iota3A, %add3A_189 : vector<16xi32>
      %gather3A_191 = tpu.vector_load_idx %arg21[%broadcast_in_dim3A, %add3A_190] : memref<64x128xi32, #tpu.memory_space<vmem>>[vector<16xi32>, vector<16xi32>], vector<16xi32>,
      %lt3A_192 = vector.broadcast %min3A_144 : i32 to vector<16xi32>
      %lt3A_193 = arith.cmpi slt, %add3A_190, %lt3A_192 : vector<16xi32>
      %select_n3A_194 = arith.select %lt3A_193, %gather3A_191, %gather3A_145 : vector<16xi1>, vector<16xi32>
      tpu.vector_store_idx %arg21[%broadcast_in_dim3A, %add3A_190], %select_n3A_194 : memref<64x128xi32, #tpu.memory_space<vmem>>[vector<16xi32>, vector<16xi32>], vector<16xi32>,
      %add3A_195 = arith.constant 112 : i32
      %add3A_196 = vector.broadcast %add3A_195 : i32 to vector<16xi32>
      %add3A_197 = arith.addi %iota3A, %add3A_196 : vector<16xi32>
      %gather3A_198 = tpu.vector_load_idx %arg21[%broadcast_in_dim3A, %add3A_197] : memref<64x128xi32, #tpu.memory_space<vmem>>[vector<16xi32>, vector<16xi32>], vector<16xi32>,
      %lt3A_199 = vector.broadcast %min3A_144 : i32 to vector<16xi32>
      %lt3A_200 = arith.cmpi slt, %add3A_197, %lt3A_199 : vector<16xi32>
      %select_n3A_201 = arith.select %lt3A_200, %gather3A_198, %gather3A_145 : vector<16xi1>, vector<16xi32>
      tpu.vector_store_idx %arg21[%broadcast_in_dim3A, %add3A_197], %select_n3A_201 : memref<64x128xi32, #tpu.memory_space<vmem>>[vector<16xi32>, vector<16xi32>], vector<16xi32>,
      %scan3A_202 = arith.constant 0 : i32
      scf.yield %scan3A_202 : i32
    }
    %scan3A_79 = arith.constant 64 : i32
    "tpu.region"() ({
      %run_scoped3A = tpu.sem_alloc : memref<!tpu.dma_semaphore, #tpu.memory_space<semaphore_mem>>
      %dma_start3A = arith.constant 0 : i32
      %dma_start3A_80 = tpu.memref_slice %arg6[%select_n3A, %mul3A_32, %dma_start3A] : memref<16x128x32xi32, #tpu.memory_space<hbm>> -> memref<1x64x32xi32, #tpu.memory_space<hbm>>
      %dma_start3A_81 = tpu.memref_squeeze %dma_start3A_80 : memref<1x64x32xi32, #tpu.memory_space<hbm>> -> memref<64x32xi32, #tpu.memory_space<hbm>>
      %dma_start3A_82 = arith.constant 0 : i32
      %dma_start3A_83 = tpu.memref_slice %arg6[%select_n3A, %mul3A_32, %dma_start3A_82] : memref<16x128x32xi32, #tpu.memory_space<hbm>> -> memref<1x64x32xi32, #tpu.memory_space<hbm>>
      %dma_start3A_84 = tpu.memref_squeeze %dma_start3A_83 : memref<1x64x32xi32, #tpu.memory_space<hbm>> -> memref<64x32xi32, #tpu.memory_space<hbm>>
      tpu.enqueue_dma source(%arg19 : memref<64x32xi32, #tpu.memory_space<vmem>>) target(%dma_start3A_84 : memref<64x32xi32, #tpu.memory_space<hbm>>) target_semaphore(%run_scoped3A : memref<!tpu.dma_semaphore, #tpu.memory_space<semaphore_mem>>)
      %dma_wait3A = arith.constant 0 : i32
      %dma_wait3A_85 = tpu.memref_slice %arg6[%select_n3A, %mul3A_32, %dma_wait3A] : memref<16x128x32xi32, #tpu.memory_space<hbm>> -> memref<1x64x32xi32, #tpu.memory_space<hbm>>
      %dma_wait3A_86 = tpu.memref_squeeze %dma_wait3A_85 : memref<1x64x32xi32, #tpu.memory_space<hbm>> -> memref<64x32xi32, #tpu.memory_space<hbm>>
      %dma_wait3A_87 = arith.constant 0 : i32
      %dma_wait3A_88 = tpu.memref_slice %arg6[%select_n3A, %mul3A_32, %dma_wait3A_87] : memref<16x128x32xi32, #tpu.memory_space<hbm>> -> memref<1x64x32xi32, #tpu.memory_space<hbm>>
      %dma_wait3A_89 = tpu.memref_squeeze %dma_wait3A_88 : memref<1x64x32xi32, #tpu.memory_space<hbm>> -> memref<64x32xi32, #tpu.memory_space<hbm>>
      tpu.wait_dma2 semaphore(%run_scoped3A : memref<!tpu.dma_semaphore, #tpu.memory_space<semaphore_mem>>) src(%arg19 : memref<64x32xi32, #tpu.memory_space<vmem>>) dst(%dma_wait3A_89 : memref<64x32xi32, #tpu.memory_space<hbm>>)
      tpu.yield
    }) : () -> ()
    "tpu.region"() ({
      %run_scoped3A = tpu.sem_alloc : memref<!tpu.dma_semaphore, #tpu.memory_space<semaphore_mem>>
      %dma_start3A = arith.constant 0 : i32
      %dma_start3A_80 = tpu.memref_slice %arg7[%select_n3A, %mul3A_32, %dma_start3A] : memref<16x128x64xi32, #tpu.memory_space<hbm>> -> memref<1x64x64xi32, #tpu.memory_space<hbm>>
      %dma_start3A_81 = tpu.memref_squeeze %dma_start3A_80 : memref<1x64x64xi32, #tpu.memory_space<hbm>> -> memref<64x64xi32, #tpu.memory_space<hbm>>
      %dma_start3A_82 = arith.constant 0 : i32
      %dma_start3A_83 = tpu.memref_slice %arg7[%select_n3A, %mul3A_32, %dma_start3A_82] : memref<16x128x64xi32, #tpu.memory_space<hbm>> -> memref<1x64x64xi32, #tpu.memory_space<hbm>>
      %dma_start3A_84 = tpu.memref_squeeze %dma_start3A_83 : memref<1x64x64xi32, #tpu.memory_space<hbm>> -> memref<64x64xi32, #tpu.memory_space<hbm>>
      tpu.enqueue_dma source(%arg20 : memref<64x64xi32, #tpu.memory_space<vmem>>) target(%dma_start3A_84 : memref<64x64xi32, #tpu.memory_space<hbm>>) target_semaphore(%run_scoped3A : memref<!tpu.dma_semaphore, #tpu.memory_space<semaphore_mem>>)
      %dma_wait3A = arith.constant 0 : i32
      %dma_wait3A_85 = tpu.memref_slice %arg7[%select_n3A, %mul3A_32, %dma_wait3A] : memref<16x128x64xi32, #tpu.memory_space<hbm>> -> memref<1x64x64xi32, #tpu.memory_space<hbm>>
      %dma_wait3A_86 = tpu.memref_squeeze %dma_wait3A_85 : memref<1x64x64xi32, #tpu.memory_space<hbm>> -> memref<64x64xi32, #tpu.memory_space<hbm>>
      %dma_wait3A_87 = arith.constant 0 : i32
      %dma_wait3A_88 = tpu.memref_slice %arg7[%select_n3A, %mul3A_32, %dma_wait3A_87] : memref<16x128x64xi32, #tpu.memory_space<hbm>> -> memref<1x64x64xi32, #tpu.memory_space<hbm>>
      %dma_wait3A_89 = tpu.memref_squeeze %dma_wait3A_88 : memref<1x64x64xi32, #tpu.memory_space<hbm>> -> memref<64x64xi32, #tpu.memory_space<hbm>>
      tpu.wait_dma2 semaphore(%run_scoped3A : memref<!tpu.dma_semaphore, #tpu.memory_space<semaphore_mem>>) src(%arg20 : memref<64x64xi32, #tpu.memory_space<vmem>>) dst(%dma_wait3A_89 : memref<64x64xi32, #tpu.memory_space<hbm>>)
      tpu.yield
    }) : () -> ()
    "tpu.region"() ({
      %run_scoped3A = tpu.sem_alloc : memref<!tpu.dma_semaphore, #tpu.memory_space<semaphore_mem>>
      %dma_start3A = arith.constant 0 : i32
      %dma_start3A_80 = tpu.memref_slice %arg8[%select_n3A, %mul3A_32, %dma_start3A] : memref<16x128x128xi32, #tpu.memory_space<hbm>> -> memref<1x64x128xi32, #tpu.memory_space<hbm>>
      %dma_start3A_81 = tpu.memref_squeeze %dma_start3A_80 : memref<1x64x128xi32, #tpu.memory_space<hbm>> -> memref<64x128xi32, #tpu.memory_space<hbm>>
      %dma_start3A_82 = arith.constant 0 : i32
      %dma_start3A_83 = tpu.memref_slice %arg8[%select_n3A, %mul3A_32, %dma_start3A_82] : memref<16x128x128xi32, #tpu.memory_space<hbm>> -> memref<1x64x128xi32, #tpu.memory_space<hbm>>
      %dma_start3A_84 = tpu.memref_squeeze %dma_start3A_83 : memref<1x64x128xi32, #tpu.memory_space<hbm>> -> memref<64x128xi32, #tpu.memory_space<hbm>>
      tpu.enqueue_dma source(%arg21 : memref<64x128xi32, #tpu.memory_space<vmem>>) target(%dma_start3A_84 : memref<64x128xi32, #tpu.memory_space<hbm>>) target_semaphore(%run_scoped3A : memref<!tpu.dma_semaphore, #tpu.memory_space<semaphore_mem>>)
      %dma_wait3A = arith.constant 0 : i32
      %dma_wait3A_85 = tpu.memref_slice %arg8[%select_n3A, %mul3A_32, %dma_wait3A] : memref<16x128x128xi32, #tpu.memory_space<hbm>> -> memref<1x64x128xi32, #tpu.memory_space<hbm>>
      %dma_wait3A_86 = tpu.memref_squeeze %dma_wait3A_85 : memref<1x64x128xi32, #tpu.memory_space<hbm>> -> memref<64x128xi32, #tpu.memory_space<hbm>>
      %dma_wait3A_87 = arith.constant 0 : i32
      %dma_wait3A_88 = tpu.memref_slice %arg8[%select_n3A, %mul3A_32, %dma_wait3A_87] : memref<16x128x128xi32, #tpu.memory_space<hbm>> -> memref<1x64x128xi32, #tpu.memory_space<hbm>>
      %dma_wait3A_89 = tpu.memref_squeeze %dma_wait3A_88 : memref<1x64x128xi32, #tpu.memory_space<hbm>> -> memref<64x128xi32, #tpu.memory_space<hbm>>
      tpu.wait_dma2 semaphore(%run_scoped3A : memref<!tpu.dma_semaphore, #tpu.memory_space<semaphore_mem>>) src(%arg21 : memref<64x128xi32, #tpu.memory_space<vmem>>) dst(%dma_wait3A_89 : memref<64x128xi32, #tpu.memory_space<hbm>>)
      tpu.yield
    }) : () -> ()
    "tpu.region"() ({
      %run_scoped3A = tpu.sem_alloc : memref<!tpu.dma_semaphore, #tpu.memory_space<semaphore_mem>>
      %dma_start3A = tpu.memref_slice %arg9[%select_n3A, %mul3A_32] : memref<16x128xf32, #tpu.memory_space<hbm>> -> memref<1x64xf32, #tpu.memory_space<hbm>>
      %dma_start3A_80 = tpu.memref_squeeze %dma_start3A : memref<1x64xf32, #tpu.memory_space<hbm>> -> memref<64xf32, #tpu.memory_space<hbm>>
      %dma_start3A_81 = tpu.memref_slice %arg9[%select_n3A, %mul3A_32] : memref<16x128xf32, #tpu.memory_space<hbm>> -> memref<1x64xf32, #tpu.memory_space<hbm>>
      %dma_start3A_82 = tpu.memref_squeeze %dma_start3A_81 : memref<1x64xf32, #tpu.memory_space<hbm>> -> memref<64xf32, #tpu.memory_space<hbm>>
      tpu.enqueue_dma source(%arg16 : memref<64xf32, #tpu.memory_space<vmem>>) target(%dma_start3A_82 : memref<64xf32, #tpu.memory_space<hbm>>) target_semaphore(%run_scoped3A : memref<!tpu.dma_semaphore, #tpu.memory_space<semaphore_mem>>)
      %dma_wait3A = tpu.memref_slice %arg9[%select_n3A, %mul3A_32] : memref<16x128xf32, #tpu.memory_space<hbm>> -> memref<1x64xf32, #tpu.memory_space<hbm>>
      %dma_wait3A_83 = tpu.memref_squeeze %dma_wait3A : memref<1x64xf32, #tpu.memory_space<hbm>> -> memref<64xf32, #tpu.memory_space<hbm>>
      %dma_wait3A_84 = tpu.memref_slice %arg9[%select_n3A, %mul3A_32] : memref<16x128xf32, #tpu.memory_space<hbm>> -> memref<1x64xf32, #tpu.memory_space<hbm>>
      %dma_wait3A_85 = tpu.memref_squeeze %dma_wait3A_84 : memref<1x64xf32, #tpu.memory_space<hbm>> -> memref<64xf32, #tpu.memory_space<hbm>>
      tpu.wait_dma2 semaphore(%run_scoped3A : memref<!tpu.dma_semaphore, #tpu.memory_space<semaphore_mem>>) src(%arg16 : memref<64xf32, #tpu.memory_space<vmem>>) dst(%dma_wait3A_85 : memref<64xf32, #tpu.memory_space<hbm>>)
      tpu.yield
    }) : () -> ()
    "tpu.region"() ({
      %run_scoped3A = tpu.sem_alloc : memref<!tpu.dma_semaphore, #tpu.memory_space<semaphore_mem>>
      %dma_start3A = tpu.memref_slice %arg10[%select_n3A, %mul3A_32] : memref<16x128xf32, #tpu.memory_space<hbm>> -> memref<1x64xf32, #tpu.memory_space<hbm>>
      %dma_start3A_80 = tpu.memref_squeeze %dma_start3A : memref<1x64xf32, #tpu.memory_space<hbm>> -> memref<64xf32, #tpu.memory_space<hbm>>
      %dma_start3A_81 = tpu.memref_slice %arg10[%select_n3A, %mul3A_32] : memref<16x128xf32, #tpu.memory_space<hbm>> -> memref<1x64xf32, #tpu.memory_space<hbm>>
      %dma_start3A_82 = tpu.memref_squeeze %dma_start3A_81 : memref<1x64xf32, #tpu.memory_space<hbm>> -> memref<64xf32, #tpu.memory_space<hbm>>
      tpu.enqueue_dma source(%arg17 : memref<64xf32, #tpu.memory_space<vmem>>) target(%dma_start3A_82 : memref<64xf32, #tpu.memory_space<hbm>>) target_semaphore(%run_scoped3A : memref<!tpu.dma_semaphore, #tpu.memory_space<semaphore_mem>>)
      %dma_wait3A = tpu.memref_slice %arg10[%select_n3A, %mul3A_32] : memref<16x128xf32, #tpu.memory_space<hbm>> -> memref<1x64xf32, #tpu.memory_space<hbm>>
      %dma_wait3A_83 = tpu.memref_squeeze %dma_wait3A : memref<1x64xf32, #tpu.memory_space<hbm>> -> memref<64xf32, #tpu.memory_space<hbm>>
      %dma_wait3A_84 = tpu.memref_slice %arg10[%select_n3A, %mul3A_32] : memref<16x128xf32, #tpu.memory_space<hbm>> -> memref<1x64xf32, #tpu.memory_space<hbm>>
      %dma_wait3A_85 = tpu.memref_squeeze %dma_wait3A_84 : memref<1x64xf32, #tpu.memory_space<hbm>> -> memref<64xf32, #tpu.memory_space<hbm>>
      tpu.wait_dma2 semaphore(%run_scoped3A : memref<!tpu.dma_semaphore, #tpu.memory_space<semaphore_mem>>) src(%arg17 : memref<64xf32, #tpu.memory_space<vmem>>) dst(%dma_wait3A_85 : memref<64xf32, #tpu.memory_space<hbm>>)
      tpu.yield
    }) : () -> ()
    "tpu.region"() ({
      %run_scoped3A = tpu.sem_alloc : memref<!tpu.dma_semaphore, #tpu.memory_space<semaphore_mem>>
      %dma_start3A = tpu.memref_slice %arg11[%select_n3A, %mul3A_32] : memref<16x128xf32, #tpu.memory_space<hbm>> -> memref<1x64xf32, #tpu.memory_space<hbm>>
      %dma_start3A_80 = tpu.memref_squeeze %dma_start3A : memref<1x64xf32, #tpu.memory_space<hbm>> -> memref<64xf32, #tpu.memory_space<hbm>>
      %dma_start3A_81 = tpu.memref_slice %arg11[%select_n3A, %mul3A_32] : memref<16x128xf32, #tpu.memory_space<hbm>> -> memref<1x64xf32, #tpu.memory_space<hbm>>
      %dma_start3A_82 = tpu.memref_squeeze %dma_start3A_81 : memref<1x64xf32, #tpu.memory_space<hbm>> -> memref<64xf32, #tpu.memory_space<hbm>>
      tpu.enqueue_dma source(%arg18 : memref<64xf32, #tpu.memory_space<vmem>>) target(%dma_start3A_82 : memref<64xf32, #tpu.memory_space<hbm>>) target_semaphore(%run_scoped3A : memref<!tpu.dma_semaphore, #tpu.memory_space<semaphore_mem>>)
      %dma_wait3A = tpu.memref_slice %arg11[%select_n3A, %mul3A_32] : memref<16x128xf32, #tpu.memory_space<hbm>> -> memref<1x64xf32, #tpu.memory_space<hbm>>
      %dma_wait3A_83 = tpu.memref_squeeze %dma_wait3A : memref<1x64xf32, #tpu.memory_space<hbm>> -> memref<64xf32, #tpu.memory_space<hbm>>
      %dma_wait3A_84 = tpu.memref_slice %arg11[%select_n3A, %mul3A_32] : memref<16x128xf32, #tpu.memory_space<hbm>> -> memref<1x64xf32, #tpu.memory_space<hbm>>
      %dma_wait3A_85 = tpu.memref_squeeze %dma_wait3A_84 : memref<1x64xf32, #tpu.memory_space<hbm>> -> memref<64xf32, #tpu.memory_space<hbm>>
      tpu.wait_dma2 semaphore(%run_scoped3A : memref<!tpu.dma_semaphore, #tpu.memory_space<semaphore_mem>>) src(%arg18 : memref<64xf32, #tpu.memory_space<vmem>>) dst(%dma_wait3A_85 : memref<64xf32, #tpu.memory_space<hbm>>)
      tpu.yield
    }) : () -> ()
    return
  }
}

module attributes {stable_mosaic.version = 14 : i64} {
  func.func @_fps_body(%arg0: memref<16x512xf32, #tpu.memory_space<vmem>>, %arg1: memref<16x512xf32, #tpu.memory_space<vmem>>, %arg2: memref<16x512xf32, #tpu.memory_space<vmem>>, %arg3: memref<16x128xi32, #tpu.memory_space<vmem>>, %arg4: memref<16x512xf32, #tpu.memory_space<vmem>>) attributes {dimension_semantics = [], scalar_prefetch = 0 : i64, scratch_operands = 1 : i64, tpu.core_type = #tpu.core_type<tc>} {
    %broadcast_in_dim3A = arith.constant 1.000000e+10 : f32
    %broadcast_in_dim3A_0 = vector.broadcast %broadcast_in_dim3A : f32 to vector<16x512xf32>
    %swap3A = arith.constant 0 : index
    %swap3A_1 = arith.constant 0 : index
    %swap3A_2 = vector.load %arg4[%swap3A, %swap3A_1] : memref<16x512xf32, #tpu.memory_space<vmem>>, vector<16x512xf32>
    tpu.vector_store %arg4[%swap3A, %swap3A_1], %broadcast_in_dim3A_0 {strides = array<i32>} : memref<16x512xf32, #tpu.memory_space<vmem>>, vector<16x512xf32>,
    %broadcast_in_dim3A_3 = arith.constant 0 : i32
    %broadcast_in_dim3A_4 = vector.broadcast %broadcast_in_dim3A_3 : i32 to vector<16x128xi32>
    %swap3A_5 = arith.constant 0 : index
    %swap3A_6 = arith.constant 0 : index
    %swap3A_7 = vector.load %arg3[%swap3A_5, %swap3A_6] : memref<16x128xi32, #tpu.memory_space<vmem>>, vector<16x128xi32>
    tpu.vector_store %arg3[%swap3A_5, %swap3A_6], %broadcast_in_dim3A_4 {strides = array<i32>} : memref<16x128xi32, #tpu.memory_space<vmem>>, vector<16x128xi32>,
    %iota3A = tpu.iota {dimensions = array<i32: 1>} : vector<16x512xi32>
    %iota3A_8 = tpu.iota {dimensions = array<i32: 1>} : vector<16x128xi32>
    %get3A = arith.constant 0 : index
    %get3A_9 = arith.constant 0 : index
    %get3A_10 = vector.load %arg0[%get3A, %get3A_9] : memref<16x512xf32, #tpu.memory_space<vmem>>, vector<16x512xf32>
    %get3A_11 = arith.constant 0 : index
    %get3A_12 = arith.constant 0 : index
    %get3A_13 = vector.load %arg1[%get3A_11, %get3A_12] : memref<16x512xf32, #tpu.memory_space<vmem>>, vector<16x512xf32>
    %get3A_14 = arith.constant 0 : index
    %get3A_15 = arith.constant 0 : index
    %get3A_16 = vector.load %arg2[%get3A_14, %get3A_15] : memref<16x512xf32, #tpu.memory_space<vmem>>, vector<16x512xf32>
    %broadcast_in_dim3A_17 = arith.constant 0 : i32
    %broadcast_in_dim3A_18 = vector.broadcast %broadcast_in_dim3A_17 : i32 to vector<16x1xi32>
    %scan3A = arith.constant 0 : i32
    %scan3A_19 = arith.constant 128 : i32
    %scan3A_20 = arith.addi %scan3A, %scan3A_19 : i32
    %scan3A_21 = arith.constant 1 : i32
    %scan3A_22 = scf.for %scan3A_24 = %scan3A to %scan3A_20 step %scan3A_21 iter_args(%scan3A_25 = %broadcast_in_dim3A_18) -> (vector<16x1xi32>)  : i32 {
      %eq3A = vector.broadcast %scan3A_25 : vector<16x1xi32> to vector<16x512xi32>
      %eq3A_26 = arith.cmpi eq, %iota3A, %eq3A : vector<16x512xi32>
      %convert_element_type3A = arith.extui %eq3A_26 : vector<16x512xi1> to vector<16x512xi32>
      %convert_element_type3A_27 = arith.sitofp %convert_element_type3A : vector<16x512xi32> to vector<16x512xf32>
      %mul3A = arith.mulf %get3A_10, %convert_element_type3A_27 : vector<16x512xf32>
      %reduce_sum3A = arith.constant dense<0.000000e+00> : vector<16xf32>
      %reduce_sum3A_28 = vector.multi_reduction <add>, %mul3A, %reduce_sum3A [1] : vector<16x512xf32> to vector<16xf32>
      %broadcast_in_dim3A_29 = vector.shape_cast %reduce_sum3A_28 : vector<16xf32> to vector<16x1xf32>
      %mul3A_30 = arith.mulf %get3A_13, %convert_element_type3A_27 : vector<16x512xf32>
      %reduce_sum3A_31 = arith.constant dense<0.000000e+00> : vector<16xf32>
      %reduce_sum3A_32 = vector.multi_reduction <add>, %mul3A_30, %reduce_sum3A_31 [1] : vector<16x512xf32> to vector<16xf32>
      %broadcast_in_dim3A_33 = vector.shape_cast %reduce_sum3A_32 : vector<16xf32> to vector<16x1xf32>
      %mul3A_34 = arith.mulf %get3A_16, %convert_element_type3A_27 : vector<16x512xf32>
      %reduce_sum3A_35 = arith.constant dense<0.000000e+00> : vector<16xf32>
      %reduce_sum3A_36 = vector.multi_reduction <add>, %mul3A_34, %reduce_sum3A_35 [1] : vector<16x512xf32> to vector<16xf32>
      %broadcast_in_dim3A_37 = vector.shape_cast %reduce_sum3A_36 : vector<16xf32> to vector<16x1xf32>
      %sub3A = vector.broadcast %broadcast_in_dim3A_29 : vector<16x1xf32> to vector<16x512xf32>
      %sub3A_38 = arith.subf %get3A_10, %sub3A : vector<16x512xf32>
      %integer_pow3A = arith.mulf %sub3A_38, %sub3A_38 : vector<16x512xf32>
      %sub3A_39 = vector.broadcast %broadcast_in_dim3A_33 : vector<16x1xf32> to vector<16x512xf32>
      %sub3A_40 = arith.subf %get3A_13, %sub3A_39 : vector<16x512xf32>
      %integer_pow3A_41 = arith.mulf %sub3A_40, %sub3A_40 : vector<16x512xf32>
      %add3A = arith.addf %integer_pow3A, %integer_pow3A_41 : vector<16x512xf32>
      %sub3A_42 = vector.broadcast %broadcast_in_dim3A_37 : vector<16x1xf32> to vector<16x512xf32>
      %sub3A_43 = arith.subf %get3A_16, %sub3A_42 : vector<16x512xf32>
      %integer_pow3A_44 = arith.mulf %sub3A_43, %sub3A_43 : vector<16x512xf32>
      %add3A_45 = arith.addf %add3A, %integer_pow3A_44 : vector<16x512xf32>
      %get3A_46 = arith.constant 0 : index
      %get3A_47 = arith.constant 0 : index
      %get3A_48 = vector.load %arg4[%get3A_46, %get3A_47] : memref<16x512xf32, #tpu.memory_space<vmem>>, vector<16x512xf32>
      %min3A = arith.minimumf %get3A_48, %add3A_45 : vector<16x512xf32>
      %swap3A_49 = arith.constant 0 : index
      %swap3A_50 = arith.constant 0 : index
      %swap3A_51 = vector.load %arg4[%swap3A_49, %swap3A_50] : memref<16x512xf32, #tpu.memory_space<vmem>>, vector<16x512xf32>
      tpu.vector_store %arg4[%swap3A_49, %swap3A_50], %min3A {strides = array<i32>} : memref<16x512xf32, #tpu.memory_space<vmem>>, vector<16x512xf32>,
      %reduce_max3A = arith.constant dense<0xFF800000> : vector<16xf32>
      %reduce_max3A_52 = vector.multi_reduction <maximumf>, %min3A, %reduce_max3A [1] : vector<16x512xf32> to vector<16xf32>
      %broadcast_in_dim3A_53 = vector.shape_cast %reduce_max3A_52 : vector<16xf32> to vector<16x1xf32>
      %eq3A_54 = vector.broadcast %broadcast_in_dim3A_53 : vector<16x1xf32> to vector<16x512xf32>
      %eq3A_55 = arith.cmpf oeq, %min3A, %eq3A_54 : vector<16x512xf32>
      %jit3A = arith.constant 512 : i32
      %broadcast_in_dim3A_56 = vector.broadcast %jit3A : i32 to vector<16x512xi32>
      %select_n3A = arith.select %eq3A_55, %iota3A, %broadcast_in_dim3A_56 : vector<16x512xi1>, vector<16x512xi32>
      %reduce_min3A = arith.constant dense<2147483647> : vector<16xi32>
      %reduce_min3A_57 = vector.multi_reduction <minsi>, %select_n3A, %reduce_min3A [1] : vector<16x512xi32> to vector<16xi32>
      %broadcast_in_dim3A_58 = vector.shape_cast %reduce_min3A_57 : vector<16xi32> to vector<16x1xi32>
      %get3A_59 = arith.constant 0 : index
      %get3A_60 = arith.constant 0 : index
      %get3A_61 = vector.load %arg3[%get3A_59, %get3A_60] : memref<16x128xi32, #tpu.memory_space<vmem>>, vector<16x128xi32>
      %eq3A_62 = vector.broadcast %scan3A_24 : i32 to vector<16x128xi32>
      %eq3A_63 = arith.cmpi eq, %iota3A_8, %eq3A_62 : vector<16x128xi32>
      %jit3A_64 = arith.constant 0 : i32
      %broadcast_in_dim3A_65 = vector.shape_cast %scan3A_25 : vector<16x1xi32> to vector<16x1xi32>
      %broadcast_in_dim3A_66 = vector.broadcast %broadcast_in_dim3A_65 : vector<16x1xi32> to vector<16x128xi32>
      %broadcast_in_dim3A_67 = vector.broadcast %jit3A_64 : i32 to vector<16x128xi32>
      %select_n3A_68 = arith.select %eq3A_63, %broadcast_in_dim3A_66, %broadcast_in_dim3A_67 : vector<16x128xi1>, vector<16x128xi32>
      %add3A_69 = arith.addi %get3A_61, %select_n3A_68 : vector<16x128xi32>
      %swap3A_70 = arith.constant 0 : index
      %swap3A_71 = arith.constant 0 : index
      %swap3A_72 = vector.load %arg3[%swap3A_70, %swap3A_71] : memref<16x128xi32, #tpu.memory_space<vmem>>, vector<16x128xi32>
      tpu.vector_store %arg3[%swap3A_70, %swap3A_71], %add3A_69 {strides = array<i32>} : memref<16x128xi32, #tpu.memory_space<vmem>>, vector<16x128xi32>,
      scf.yield %broadcast_in_dim3A_58 : vector<16x1xi32>
    }
    %scan3A_23 = arith.constant 128 : i32
    return
  }
}

module attributes {stable_mosaic.version = 14 : i64} {
  func.func @_gather_body(%arg0: i32, %arg1: i32, %arg2: memref<1x64x16xi32, #tpu.memory_space<vmem>>, %arg3: memref<1x2048x3xf32, #tpu.memory_space<vmem>>, %arg4: memref<1x3x1024xf32, #tpu.memory_space<vmem>>) attributes {dimension_semantics = [#tpu.dimension_semantics<arbitrary>, #tpu.dimension_semantics<arbitrary>], iteration_bounds = array<i64: 16, 8>, scalar_prefetch = 0 : i64, scratch_operands = 0 : i64, tpu.core_type = #tpu.core_type<tc>, window_params = [{transform_indices = @transform_0, window_bounds = array<i64: 1, 64, 16>}, {transform_indices = @transform_1, window_bounds = array<i64: 1, 2048, 3>}, {transform_indices = @transform_2, window_bounds = array<i64: 1, 3, 1024>}]} {
    %get3A = arith.constant 0 : index
    %get3A_0 = arith.constant 0 : index
    %get3A_1 = arith.constant 0 : index
    %get3A_2 = vector.load %arg2[%get3A, %get3A_0, %get3A_1] : memref<1x64x16xi32, #tpu.memory_space<vmem>>, vector<1x64x16xi32>
    %get3A_3 = vector.shape_cast %get3A_2 : vector<1x64x16xi32> to vector<64x16xi32>
    %broadcast_in_dim3A = vector.shape_cast %get3A_3 : vector<64x16xi32> to vector<64x16x1xi32>
    %iota3A = tpu.iota {dimensions = array<i32: 2>} : vector<64x16x2048xi32>
    %eq3A = vector.broadcast %broadcast_in_dim3A : vector<64x16x1xi32> to vector<64x16x2048xi32>
    %eq3A_4 = arith.cmpi eq, %eq3A, %iota3A : vector<64x16x2048xi32>
    %convert_element_type3A = arith.extui %eq3A_4 : vector<64x16x2048xi1> to vector<64x16x2048xi32>
    %convert_element_type3A_5 = arith.sitofp %convert_element_type3A : vector<64x16x2048xi32> to vector<64x16x2048xf32>
    %reshape3A = vector.shape_cast %convert_element_type3A_5 : vector<64x16x2048xf32> to vector<1024x2048xf32>
    %get3A_6 = arith.constant 0 : index
    %get3A_7 = arith.constant 0 : index
    %get3A_8 = arith.constant 0 : index
    %get3A_9 = vector.load %arg3[%get3A_6, %get3A_7, %get3A_8] : memref<1x2048x3xf32, #tpu.memory_space<vmem>>, vector<1x2048x3xf32>
    %get3A_10 = vector.shape_cast %get3A_9 : vector<1x2048x3xf32> to vector<2048x3xf32>
    %dot_general3A = arith.constant dense<0.000000e+00> : vector<1024x3xf32>
    %dot_general3A_11 = tpu.matmul %reshape3A, %get3A_10, %dot_general3A {dimension_numbers = #tpu.dot_dimension_numbers<[1], [0], [0], [1], [0, 0, 1, 1], [], []>, precision = #tpu.contract_precision<fp32>, transpose_lhs_hint = false} : vector<1024x2048xf32>, vector<2048x3xf32>, vector<1024x3xf32> -> vector<1024x3xf32>
    %transpose3A = tpu.transpose %dot_general3A_11, [1, 0] : vector<1024x3xf32> -> vector<3x1024xf32>
    %swap3A = arith.constant 0 : index
    %swap3A_12 = arith.constant 0 : index
    %swap3A_13 = arith.constant 0 : index
    %swap3A_14 = vector.load %arg4[%swap3A, %swap3A_12, %swap3A_13] : memref<1x3x1024xf32, #tpu.memory_space<vmem>>, vector<1x3x1024xf32>
    %swap3A_15 = vector.shape_cast %swap3A_14 : vector<1x3x1024xf32> to vector<3x1024xf32>
    %swap3A_16 = vector.shape_cast %transpose3A : vector<3x1024xf32> to vector<1x3x1024xf32>
    tpu.vector_store %arg4[%swap3A, %swap3A_12, %swap3A_13], %swap3A_16 {strides = array<i32>} : memref<1x3x1024xf32, #tpu.memory_space<vmem>>, vector<1x3x1024xf32>,
    return
  }
  func.func @transform_0(%arg0: i32, %arg1: i32) -> (i32, i32, i32) {
    %c0_i32 = arith.constant 0 : i32
    %c0_i32_0 = arith.constant 0 : i32
    return %arg0, %arg1, %c0_i32 : i32, i32, i32
  }
  func.func @transform_1(%arg0: i32, %arg1: i32) -> (i32, i32, i32) {
    %c0_i32 = arith.constant 0 : i32
    %c0_i32_0 = arith.constant 0 : i32
    %c0_i32_1 = arith.constant 0 : i32
    return %arg0, %c0_i32, %c0_i32_0 : i32, i32, i32
  }
  func.func @transform_2(%arg0: i32, %arg1: i32) -> (i32, i32, i32) {
    %c0_i32 = arith.constant 0 : i32
    %c0_i32_0 = arith.constant 0 : i32
    return %arg0, %c0_i32, %arg1 : i32, i32, i32
  }
}

module attributes {stable_mosaic.version = 14 : i64} {
  func.func @_fps_body(%arg0: memref<16x2048xf32, #tpu.memory_space<vmem>>, %arg1: memref<16x2048xf32, #tpu.memory_space<vmem>>, %arg2: memref<16x2048xf32, #tpu.memory_space<vmem>>, %arg3: memref<16x512xi32, #tpu.memory_space<vmem>>, %arg4: memref<16x2048xf32, #tpu.memory_space<vmem>>) attributes {dimension_semantics = [], scalar_prefetch = 0 : i64, scratch_operands = 1 : i64, tpu.core_type = #tpu.core_type<tc>} {
    %broadcast_in_dim3A = arith.constant 1.000000e+10 : f32
    %broadcast_in_dim3A_0 = vector.broadcast %broadcast_in_dim3A : f32 to vector<16x2048xf32>
    %swap3A = arith.constant 0 : index
    %swap3A_1 = arith.constant 0 : index
    %swap3A_2 = vector.load %arg4[%swap3A, %swap3A_1] : memref<16x2048xf32, #tpu.memory_space<vmem>>, vector<16x2048xf32>
    tpu.vector_store %arg4[%swap3A, %swap3A_1], %broadcast_in_dim3A_0 {strides = array<i32>} : memref<16x2048xf32, #tpu.memory_space<vmem>>, vector<16x2048xf32>,
    %broadcast_in_dim3A_3 = arith.constant 0 : i32
    %broadcast_in_dim3A_4 = vector.broadcast %broadcast_in_dim3A_3 : i32 to vector<16x512xi32>
    %swap3A_5 = arith.constant 0 : index
    %swap3A_6 = arith.constant 0 : index
    %swap3A_7 = vector.load %arg3[%swap3A_5, %swap3A_6] : memref<16x512xi32, #tpu.memory_space<vmem>>, vector<16x512xi32>
    tpu.vector_store %arg3[%swap3A_5, %swap3A_6], %broadcast_in_dim3A_4 {strides = array<i32>} : memref<16x512xi32, #tpu.memory_space<vmem>>, vector<16x512xi32>,
    %iota3A = tpu.iota {dimensions = array<i32: 1>} : vector<16x2048xi32>
    %iota3A_8 = tpu.iota {dimensions = array<i32: 1>} : vector<16x512xi32>
    %get3A = arith.constant 0 : index
    %get3A_9 = arith.constant 0 : index
    %get3A_10 = vector.load %arg0[%get3A, %get3A_9] : memref<16x2048xf32, #tpu.memory_space<vmem>>, vector<16x2048xf32>
    %get3A_11 = arith.constant 0 : index
    %get3A_12 = arith.constant 0 : index
    %get3A_13 = vector.load %arg1[%get3A_11, %get3A_12] : memref<16x2048xf32, #tpu.memory_space<vmem>>, vector<16x2048xf32>
    %get3A_14 = arith.constant 0 : index
    %get3A_15 = arith.constant 0 : index
    %get3A_16 = vector.load %arg2[%get3A_14, %get3A_15] : memref<16x2048xf32, #tpu.memory_space<vmem>>, vector<16x2048xf32>
    %broadcast_in_dim3A_17 = arith.constant 0 : i32
    %broadcast_in_dim3A_18 = vector.broadcast %broadcast_in_dim3A_17 : i32 to vector<16x1xi32>
    %scan3A = arith.constant 0 : i32
    %scan3A_19 = arith.constant 512 : i32
    %scan3A_20 = arith.addi %scan3A, %scan3A_19 : i32
    %scan3A_21 = arith.constant 1 : i32
    %scan3A_22 = scf.for %scan3A_24 = %scan3A to %scan3A_20 step %scan3A_21 iter_args(%scan3A_25 = %broadcast_in_dim3A_18) -> (vector<16x1xi32>)  : i32 {
      %eq3A = vector.broadcast %scan3A_25 : vector<16x1xi32> to vector<16x2048xi32>
      %eq3A_26 = arith.cmpi eq, %iota3A, %eq3A : vector<16x2048xi32>
      %convert_element_type3A = arith.extui %eq3A_26 : vector<16x2048xi1> to vector<16x2048xi32>
      %convert_element_type3A_27 = arith.sitofp %convert_element_type3A : vector<16x2048xi32> to vector<16x2048xf32>
      %mul3A = arith.mulf %get3A_10, %convert_element_type3A_27 : vector<16x2048xf32>
      %reduce_sum3A = arith.constant dense<0.000000e+00> : vector<16xf32>
      %reduce_sum3A_28 = vector.multi_reduction <add>, %mul3A, %reduce_sum3A [1] : vector<16x2048xf32> to vector<16xf32>
      %broadcast_in_dim3A_29 = vector.shape_cast %reduce_sum3A_28 : vector<16xf32> to vector<16x1xf32>
      %mul3A_30 = arith.mulf %get3A_13, %convert_element_type3A_27 : vector<16x2048xf32>
      %reduce_sum3A_31 = arith.constant dense<0.000000e+00> : vector<16xf32>
      %reduce_sum3A_32 = vector.multi_reduction <add>, %mul3A_30, %reduce_sum3A_31 [1] : vector<16x2048xf32> to vector<16xf32>
      %broadcast_in_dim3A_33 = vector.shape_cast %reduce_sum3A_32 : vector<16xf32> to vector<16x1xf32>
      %mul3A_34 = arith.mulf %get3A_16, %convert_element_type3A_27 : vector<16x2048xf32>
      %reduce_sum3A_35 = arith.constant dense<0.000000e+00> : vector<16xf32>
      %reduce_sum3A_36 = vector.multi_reduction <add>, %mul3A_34, %reduce_sum3A_35 [1] : vector<16x2048xf32> to vector<16xf32>
      %broadcast_in_dim3A_37 = vector.shape_cast %reduce_sum3A_36 : vector<16xf32> to vector<16x1xf32>
      %sub3A = vector.broadcast %broadcast_in_dim3A_29 : vector<16x1xf32> to vector<16x2048xf32>
      %sub3A_38 = arith.subf %get3A_10, %sub3A : vector<16x2048xf32>
      %integer_pow3A = arith.mulf %sub3A_38, %sub3A_38 : vector<16x2048xf32>
      %sub3A_39 = vector.broadcast %broadcast_in_dim3A_33 : vector<16x1xf32> to vector<16x2048xf32>
      %sub3A_40 = arith.subf %get3A_13, %sub3A_39 : vector<16x2048xf32>
      %integer_pow3A_41 = arith.mulf %sub3A_40, %sub3A_40 : vector<16x2048xf32>
      %add3A = arith.addf %integer_pow3A, %integer_pow3A_41 : vector<16x2048xf32>
      %sub3A_42 = vector.broadcast %broadcast_in_dim3A_37 : vector<16x1xf32> to vector<16x2048xf32>
      %sub3A_43 = arith.subf %get3A_16, %sub3A_42 : vector<16x2048xf32>
      %integer_pow3A_44 = arith.mulf %sub3A_43, %sub3A_43 : vector<16x2048xf32>
      %add3A_45 = arith.addf %add3A, %integer_pow3A_44 : vector<16x2048xf32>
      %get3A_46 = arith.constant 0 : index
      %get3A_47 = arith.constant 0 : index
      %get3A_48 = vector.load %arg4[%get3A_46, %get3A_47] : memref<16x2048xf32, #tpu.memory_space<vmem>>, vector<16x2048xf32>
      %min3A = arith.minimumf %get3A_48, %add3A_45 : vector<16x2048xf32>
      %swap3A_49 = arith.constant 0 : index
      %swap3A_50 = arith.constant 0 : index
      %swap3A_51 = vector.load %arg4[%swap3A_49, %swap3A_50] : memref<16x2048xf32, #tpu.memory_space<vmem>>, vector<16x2048xf32>
      tpu.vector_store %arg4[%swap3A_49, %swap3A_50], %min3A {strides = array<i32>} : memref<16x2048xf32, #tpu.memory_space<vmem>>, vector<16x2048xf32>,
      %reduce_max3A = arith.constant dense<0xFF800000> : vector<16xf32>
      %reduce_max3A_52 = vector.multi_reduction <maximumf>, %min3A, %reduce_max3A [1] : vector<16x2048xf32> to vector<16xf32>
      %broadcast_in_dim3A_53 = vector.shape_cast %reduce_max3A_52 : vector<16xf32> to vector<16x1xf32>
      %eq3A_54 = vector.broadcast %broadcast_in_dim3A_53 : vector<16x1xf32> to vector<16x2048xf32>
      %eq3A_55 = arith.cmpf oeq, %min3A, %eq3A_54 : vector<16x2048xf32>
      %jit3A = arith.constant 2048 : i32
      %broadcast_in_dim3A_56 = vector.broadcast %jit3A : i32 to vector<16x2048xi32>
      %select_n3A = arith.select %eq3A_55, %iota3A, %broadcast_in_dim3A_56 : vector<16x2048xi1>, vector<16x2048xi32>
      %reduce_min3A = arith.constant dense<2147483647> : vector<16xi32>
      %reduce_min3A_57 = vector.multi_reduction <minsi>, %select_n3A, %reduce_min3A [1] : vector<16x2048xi32> to vector<16xi32>
      %broadcast_in_dim3A_58 = vector.shape_cast %reduce_min3A_57 : vector<16xi32> to vector<16x1xi32>
      %get3A_59 = arith.constant 0 : index
      %get3A_60 = arith.constant 0 : index
      %get3A_61 = vector.load %arg3[%get3A_59, %get3A_60] : memref<16x512xi32, #tpu.memory_space<vmem>>, vector<16x512xi32>
      %eq3A_62 = vector.broadcast %scan3A_24 : i32 to vector<16x512xi32>
      %eq3A_63 = arith.cmpi eq, %iota3A_8, %eq3A_62 : vector<16x512xi32>
      %jit3A_64 = arith.constant 0 : i32
      %broadcast_in_dim3A_65 = vector.shape_cast %scan3A_25 : vector<16x1xi32> to vector<16x1xi32>
      %broadcast_in_dim3A_66 = vector.broadcast %broadcast_in_dim3A_65 : vector<16x1xi32> to vector<16x512xi32>
      %broadcast_in_dim3A_67 = vector.broadcast %jit3A_64 : i32 to vector<16x512xi32>
      %select_n3A_68 = arith.select %eq3A_63, %broadcast_in_dim3A_66, %broadcast_in_dim3A_67 : vector<16x512xi1>, vector<16x512xi32>
      %add3A_69 = arith.addi %get3A_61, %select_n3A_68 : vector<16x512xi32>
      %swap3A_70 = arith.constant 0 : index
      %swap3A_71 = arith.constant 0 : index
      %swap3A_72 = vector.load %arg3[%swap3A_70, %swap3A_71] : memref<16x512xi32, #tpu.memory_space<vmem>>, vector<16x512xi32>
      tpu.vector_store %arg3[%swap3A_70, %swap3A_71], %add3A_69 {strides = array<i32>} : memref<16x512xi32, #tpu.memory_space<vmem>>, vector<16x512xi32>,
      scf.yield %broadcast_in_dim3A_58 : vector<16x1xi32>
    }
    %scan3A_23 = arith.constant 512 : i32
    return
  }
}

module attributes {stable_mosaic.version = 14 : i64} {
  func.func @_gather_body(%arg0: i32, %arg1: i32, %arg2: memref<1x32x32xi32, #tpu.memory_space<vmem>>, %arg3: memref<1x2048x3xf32, #tpu.memory_space<vmem>>, %arg4: memref<1x3x1024xf32, #tpu.memory_space<vmem>>) attributes {dimension_semantics = [#tpu.dimension_semantics<arbitrary>, #tpu.dimension_semantics<arbitrary>], iteration_bounds = array<i64: 16, 16>, scalar_prefetch = 0 : i64, scratch_operands = 0 : i64, tpu.core_type = #tpu.core_type<tc>, window_params = [{transform_indices = @transform_0, window_bounds = array<i64: 1, 32, 32>}, {transform_indices = @transform_1, window_bounds = array<i64: 1, 2048, 3>}, {transform_indices = @transform_2, window_bounds = array<i64: 1, 3, 1024>}]} {
    %get3A = arith.constant 0 : index
    %get3A_0 = arith.constant 0 : index
    %get3A_1 = arith.constant 0 : index
    %get3A_2 = vector.load %arg2[%get3A, %get3A_0, %get3A_1] : memref<1x32x32xi32, #tpu.memory_space<vmem>>, vector<1x32x32xi32>
    %get3A_3 = vector.shape_cast %get3A_2 : vector<1x32x32xi32> to vector<32x32xi32>
    %broadcast_in_dim3A = vector.shape_cast %get3A_3 : vector<32x32xi32> to vector<32x32x1xi32>
    %iota3A = tpu.iota {dimensions = array<i32: 2>} : vector<32x32x2048xi32>
    %eq3A = vector.broadcast %broadcast_in_dim3A : vector<32x32x1xi32> to vector<32x32x2048xi32>
    %eq3A_4 = arith.cmpi eq, %eq3A, %iota3A : vector<32x32x2048xi32>
    %convert_element_type3A = arith.extui %eq3A_4 : vector<32x32x2048xi1> to vector<32x32x2048xi32>
    %convert_element_type3A_5 = arith.sitofp %convert_element_type3A : vector<32x32x2048xi32> to vector<32x32x2048xf32>
    %reshape3A = vector.shape_cast %convert_element_type3A_5 : vector<32x32x2048xf32> to vector<1024x2048xf32>
    %get3A_6 = arith.constant 0 : index
    %get3A_7 = arith.constant 0 : index
    %get3A_8 = arith.constant 0 : index
    %get3A_9 = vector.load %arg3[%get3A_6, %get3A_7, %get3A_8] : memref<1x2048x3xf32, #tpu.memory_space<vmem>>, vector<1x2048x3xf32>
    %get3A_10 = vector.shape_cast %get3A_9 : vector<1x2048x3xf32> to vector<2048x3xf32>
    %dot_general3A = arith.constant dense<0.000000e+00> : vector<1024x3xf32>
    %dot_general3A_11 = tpu.matmul %reshape3A, %get3A_10, %dot_general3A {dimension_numbers = #tpu.dot_dimension_numbers<[1], [0], [0], [1], [0, 0, 1, 1], [], []>, precision = #tpu.contract_precision<fp32>, transpose_lhs_hint = false} : vector<1024x2048xf32>, vector<2048x3xf32>, vector<1024x3xf32> -> vector<1024x3xf32>
    %transpose3A = tpu.transpose %dot_general3A_11, [1, 0] : vector<1024x3xf32> -> vector<3x1024xf32>
    %swap3A = arith.constant 0 : index
    %swap3A_12 = arith.constant 0 : index
    %swap3A_13 = arith.constant 0 : index
    %swap3A_14 = vector.load %arg4[%swap3A, %swap3A_12, %swap3A_13] : memref<1x3x1024xf32, #tpu.memory_space<vmem>>, vector<1x3x1024xf32>
    %swap3A_15 = vector.shape_cast %swap3A_14 : vector<1x3x1024xf32> to vector<3x1024xf32>
    %swap3A_16 = vector.shape_cast %transpose3A : vector<3x1024xf32> to vector<1x3x1024xf32>
    tpu.vector_store %arg4[%swap3A, %swap3A_12, %swap3A_13], %swap3A_16 {strides = array<i32>} : memref<1x3x1024xf32, #tpu.memory_space<vmem>>, vector<1x3x1024xf32>,
    return
  }
  func.func @transform_0(%arg0: i32, %arg1: i32) -> (i32, i32, i32) {
    %c0_i32 = arith.constant 0 : i32
    %c0_i32_0 = arith.constant 0 : i32
    return %arg0, %arg1, %c0_i32 : i32, i32, i32
  }
  func.func @transform_1(%arg0: i32, %arg1: i32) -> (i32, i32, i32) {
    %c0_i32 = arith.constant 0 : i32
    %c0_i32_0 = arith.constant 0 : i32
    %c0_i32_1 = arith.constant 0 : i32
    return %arg0, %c0_i32, %c0_i32_0 : i32, i32, i32
  }
  func.func @transform_2(%arg0: i32, %arg1: i32) -> (i32, i32, i32) {
    %c0_i32 = arith.constant 0 : i32
    %c0_i32_0 = arith.constant 0 : i32
    return %arg0, %c0_i32, %arg1 : i32, i32, i32
  }
}

module attributes {stable_mosaic.version = 14 : i64} {
  func.func @_gather_body(%arg0: i32, %arg1: i32, %arg2: memref<1x8x128xi32, #tpu.memory_space<vmem>>, %arg3: memref<1x2048x3xf32, #tpu.memory_space<vmem>>, %arg4: memref<1x3x1024xf32, #tpu.memory_space<vmem>>) attributes {dimension_semantics = [#tpu.dimension_semantics<arbitrary>, #tpu.dimension_semantics<arbitrary>], iteration_bounds = array<i64: 16, 64>, scalar_prefetch = 0 : i64, scratch_operands = 0 : i64, tpu.core_type = #tpu.core_type<tc>, window_params = [{transform_indices = @transform_0, window_bounds = array<i64: 1, 8, 128>}, {transform_indices = @transform_1, window_bounds = array<i64: 1, 2048, 3>}, {transform_indices = @transform_2, window_bounds = array<i64: 1, 3, 1024>}]} {
    %get3A = arith.constant 0 : index
    %get3A_0 = arith.constant 0 : index
    %get3A_1 = arith.constant 0 : index
    %get3A_2 = vector.load %arg2[%get3A, %get3A_0, %get3A_1] : memref<1x8x128xi32, #tpu.memory_space<vmem>>, vector<1x8x128xi32>
    %get3A_3 = vector.shape_cast %get3A_2 : vector<1x8x128xi32> to vector<8x128xi32>
    %broadcast_in_dim3A = vector.shape_cast %get3A_3 : vector<8x128xi32> to vector<8x128x1xi32>
    %iota3A = tpu.iota {dimensions = array<i32: 2>} : vector<8x128x2048xi32>
    %eq3A = vector.broadcast %broadcast_in_dim3A : vector<8x128x1xi32> to vector<8x128x2048xi32>
    %eq3A_4 = arith.cmpi eq, %eq3A, %iota3A : vector<8x128x2048xi32>
    %convert_element_type3A = arith.extui %eq3A_4 : vector<8x128x2048xi1> to vector<8x128x2048xi32>
    %convert_element_type3A_5 = arith.sitofp %convert_element_type3A : vector<8x128x2048xi32> to vector<8x128x2048xf32>
    %reshape3A = vector.shape_cast %convert_element_type3A_5 : vector<8x128x2048xf32> to vector<1024x2048xf32>
    %get3A_6 = arith.constant 0 : index
    %get3A_7 = arith.constant 0 : index
    %get3A_8 = arith.constant 0 : index
    %get3A_9 = vector.load %arg3[%get3A_6, %get3A_7, %get3A_8] : memref<1x2048x3xf32, #tpu.memory_space<vmem>>, vector<1x2048x3xf32>
    %get3A_10 = vector.shape_cast %get3A_9 : vector<1x2048x3xf32> to vector<2048x3xf32>
    %dot_general3A = arith.constant dense<0.000000e+00> : vector<1024x3xf32>
    %dot_general3A_11 = tpu.matmul %reshape3A, %get3A_10, %dot_general3A {dimension_numbers = #tpu.dot_dimension_numbers<[1], [0], [0], [1], [0, 0, 1, 1], [], []>, precision = #tpu.contract_precision<fp32>, transpose_lhs_hint = false} : vector<1024x2048xf32>, vector<2048x3xf32>, vector<1024x3xf32> -> vector<1024x3xf32>
    %transpose3A = tpu.transpose %dot_general3A_11, [1, 0] : vector<1024x3xf32> -> vector<3x1024xf32>
    %swap3A = arith.constant 0 : index
    %swap3A_12 = arith.constant 0 : index
    %swap3A_13 = arith.constant 0 : index
    %swap3A_14 = vector.load %arg4[%swap3A, %swap3A_12, %swap3A_13] : memref<1x3x1024xf32, #tpu.memory_space<vmem>>, vector<1x3x1024xf32>
    %swap3A_15 = vector.shape_cast %swap3A_14 : vector<1x3x1024xf32> to vector<3x1024xf32>
    %swap3A_16 = vector.shape_cast %transpose3A : vector<3x1024xf32> to vector<1x3x1024xf32>
    tpu.vector_store %arg4[%swap3A, %swap3A_12, %swap3A_13], %swap3A_16 {strides = array<i32>} : memref<1x3x1024xf32, #tpu.memory_space<vmem>>, vector<1x3x1024xf32>,
    return
  }
  func.func @transform_0(%arg0: i32, %arg1: i32) -> (i32, i32, i32) {
    %c0_i32 = arith.constant 0 : i32
    %c0_i32_0 = arith.constant 0 : i32
    return %arg0, %arg1, %c0_i32 : i32, i32, i32
  }
  func.func @transform_1(%arg0: i32, %arg1: i32) -> (i32, i32, i32) {
    %c0_i32 = arith.constant 0 : i32
    %c0_i32_0 = arith.constant 0 : i32
    %c0_i32_1 = arith.constant 0 : i32
    return %arg0, %c0_i32, %c0_i32_0 : i32, i32, i32
  }
  func.func @transform_2(%arg0: i32, %arg1: i32) -> (i32, i32, i32) {
    %c0_i32 = arith.constant 0 : i32
    %c0_i32_0 = arith.constant 0 : i32
    return %arg0, %c0_i32, %arg1 : i32, i32, i32
  }
}

module attributes {stable_mosaic.version = 14 : i64} {
  func.func @_gather_body(%arg0: i32, %arg1: i32, %arg2: memref<1x32x32xi32, #tpu.memory_space<vmem>>, %arg3: memref<1x512x323xf32, #tpu.memory_space<vmem>>, %arg4: memref<1x323x1024xf32, #tpu.memory_space<vmem>>) attributes {dimension_semantics = [#tpu.dimension_semantics<arbitrary>, #tpu.dimension_semantics<arbitrary>], iteration_bounds = array<i64: 16, 4>, scalar_prefetch = 0 : i64, scratch_operands = 0 : i64, tpu.core_type = #tpu.core_type<tc>, window_params = [{transform_indices = @transform_0, window_bounds = array<i64: 1, 32, 32>}, {transform_indices = @transform_1, window_bounds = array<i64: 1, 512, 323>}, {transform_indices = @transform_2, window_bounds = array<i64: 1, 323, 1024>}]} {
    %get3A = arith.constant 0 : index
    %get3A_0 = arith.constant 0 : index
    %get3A_1 = arith.constant 0 : index
    %get3A_2 = vector.load %arg2[%get3A, %get3A_0, %get3A_1] : memref<1x32x32xi32, #tpu.memory_space<vmem>>, vector<1x32x32xi32>
    %get3A_3 = vector.shape_cast %get3A_2 : vector<1x32x32xi32> to vector<32x32xi32>
    %broadcast_in_dim3A = vector.shape_cast %get3A_3 : vector<32x32xi32> to vector<32x32x1xi32>
    %iota3A = tpu.iota {dimensions = array<i32: 2>} : vector<32x32x512xi32>
    %eq3A = vector.broadcast %broadcast_in_dim3A : vector<32x32x1xi32> to vector<32x32x512xi32>
    %eq3A_4 = arith.cmpi eq, %eq3A, %iota3A : vector<32x32x512xi32>
    %convert_element_type3A = arith.extui %eq3A_4 : vector<32x32x512xi1> to vector<32x32x512xi32>
    %convert_element_type3A_5 = arith.sitofp %convert_element_type3A : vector<32x32x512xi32> to vector<32x32x512xf32>
    %reshape3A = vector.shape_cast %convert_element_type3A_5 : vector<32x32x512xf32> to vector<1024x512xf32>
    %get3A_6 = arith.constant 0 : index
    %get3A_7 = arith.constant 0 : index
    %get3A_8 = arith.constant 0 : index
    %get3A_9 = vector.load %arg3[%get3A_6, %get3A_7, %get3A_8] : memref<1x512x323xf32, #tpu.memory_space<vmem>>, vector<1x512x323xf32>
    %get3A_10 = vector.shape_cast %get3A_9 : vector<1x512x323xf32> to vector<512x323xf32>
    %dot_general3A = arith.constant dense<0.000000e+00> : vector<1024x323xf32>
    %dot_general3A_11 = tpu.matmul %reshape3A, %get3A_10, %dot_general3A {dimension_numbers = #tpu.dot_dimension_numbers<[1], [0], [0], [1], [0, 0, 1, 1], [], []>, precision = #tpu.contract_precision<fp32>, transpose_lhs_hint = false} : vector<1024x512xf32>, vector<512x323xf32>, vector<1024x323xf32> -> vector<1024x323xf32>
    %transpose3A = tpu.transpose %dot_general3A_11, [1, 0] : vector<1024x323xf32> -> vector<323x1024xf32>
    %swap3A = arith.constant 0 : index
    %swap3A_12 = arith.constant 0 : index
    %swap3A_13 = arith.constant 0 : index
    %swap3A_14 = vector.load %arg4[%swap3A, %swap3A_12, %swap3A_13] : memref<1x323x1024xf32, #tpu.memory_space<vmem>>, vector<1x323x1024xf32>
    %swap3A_15 = vector.shape_cast %swap3A_14 : vector<1x323x1024xf32> to vector<323x1024xf32>
    %swap3A_16 = vector.shape_cast %transpose3A : vector<323x1024xf32> to vector<1x323x1024xf32>
    tpu.vector_store %arg4[%swap3A, %swap3A_12, %swap3A_13], %swap3A_16 {strides = array<i32>} : memref<1x323x1024xf32, #tpu.memory_space<vmem>>, vector<1x323x1024xf32>,
    return
  }
  func.func @transform_0(%arg0: i32, %arg1: i32) -> (i32, i32, i32) {
    %c0_i32 = arith.constant 0 : i32
    %c0_i32_0 = arith.constant 0 : i32
    return %arg0, %arg1, %c0_i32 : i32, i32, i32
  }
  func.func @transform_1(%arg0: i32, %arg1: i32) -> (i32, i32, i32) {
    %c0_i32 = arith.constant 0 : i32
    %c0_i32_0 = arith.constant 0 : i32
    %c0_i32_1 = arith.constant 0 : i32
    return %arg0, %c0_i32, %c0_i32_0 : i32, i32, i32
  }
  func.func @transform_2(%arg0: i32, %arg1: i32) -> (i32, i32, i32) {
    %c0_i32 = arith.constant 0 : i32
    %c0_i32_0 = arith.constant 0 : i32
    return %arg0, %c0_i32, %arg1 : i32, i32, i32
  }
}

module attributes {stable_mosaic.version = 14 : i64} {
  func.func @_gather_body(%arg0: i32, %arg1: i32, %arg2: memref<1x16x64xi32, #tpu.memory_space<vmem>>, %arg3: memref<1x512x323xf32, #tpu.memory_space<vmem>>, %arg4: memref<1x323x1024xf32, #tpu.memory_space<vmem>>) attributes {dimension_semantics = [#tpu.dimension_semantics<arbitrary>, #tpu.dimension_semantics<arbitrary>], iteration_bounds = array<i64: 16, 8>, scalar_prefetch = 0 : i64, scratch_operands = 0 : i64, tpu.core_type = #tpu.core_type<tc>, window_params = [{transform_indices = @transform_0, window_bounds = array<i64: 1, 16, 64>}, {transform_indices = @transform_1, window_bounds = array<i64: 1, 512, 323>}, {transform_indices = @transform_2, window_bounds = array<i64: 1, 323, 1024>}]} {
    %get3A = arith.constant 0 : index
    %get3A_0 = arith.constant 0 : index
    %get3A_1 = arith.constant 0 : index
    %get3A_2 = vector.load %arg2[%get3A, %get3A_0, %get3A_1] : memref<1x16x64xi32, #tpu.memory_space<vmem>>, vector<1x16x64xi32>
    %get3A_3 = vector.shape_cast %get3A_2 : vector<1x16x64xi32> to vector<16x64xi32>
    %broadcast_in_dim3A = vector.shape_cast %get3A_3 : vector<16x64xi32> to vector<16x64x1xi32>
    %iota3A = tpu.iota {dimensions = array<i32: 2>} : vector<16x64x512xi32>
    %eq3A = vector.broadcast %broadcast_in_dim3A : vector<16x64x1xi32> to vector<16x64x512xi32>
    %eq3A_4 = arith.cmpi eq, %eq3A, %iota3A : vector<16x64x512xi32>
    %convert_element_type3A = arith.extui %eq3A_4 : vector<16x64x512xi1> to vector<16x64x512xi32>
    %convert_element_type3A_5 = arith.sitofp %convert_element_type3A : vector<16x64x512xi32> to vector<16x64x512xf32>
    %reshape3A = vector.shape_cast %convert_element_type3A_5 : vector<16x64x512xf32> to vector<1024x512xf32>
    %get3A_6 = arith.constant 0 : index
    %get3A_7 = arith.constant 0 : index
    %get3A_8 = arith.constant 0 : index
    %get3A_9 = vector.load %arg3[%get3A_6, %get3A_7, %get3A_8] : memref<1x512x323xf32, #tpu.memory_space<vmem>>, vector<1x512x323xf32>
    %get3A_10 = vector.shape_cast %get3A_9 : vector<1x512x323xf32> to vector<512x323xf32>
    %dot_general3A = arith.constant dense<0.000000e+00> : vector<1024x323xf32>
    %dot_general3A_11 = tpu.matmul %reshape3A, %get3A_10, %dot_general3A {dimension_numbers = #tpu.dot_dimension_numbers<[1], [0], [0], [1], [0, 0, 1, 1], [], []>, precision = #tpu.contract_precision<fp32>, transpose_lhs_hint = false} : vector<1024x512xf32>, vector<512x323xf32>, vector<1024x323xf32> -> vector<1024x323xf32>
    %transpose3A = tpu.transpose %dot_general3A_11, [1, 0] : vector<1024x323xf32> -> vector<323x1024xf32>
    %swap3A = arith.constant 0 : index
    %swap3A_12 = arith.constant 0 : index
    %swap3A_13 = arith.constant 0 : index
    %swap3A_14 = vector.load %arg4[%swap3A, %swap3A_12, %swap3A_13] : memref<1x323x1024xf32, #tpu.memory_space<vmem>>, vector<1x323x1024xf32>
    %swap3A_15 = vector.shape_cast %swap3A_14 : vector<1x323x1024xf32> to vector<323x1024xf32>
    %swap3A_16 = vector.shape_cast %transpose3A : vector<323x1024xf32> to vector<1x323x1024xf32>
    tpu.vector_store %arg4[%swap3A, %swap3A_12, %swap3A_13], %swap3A_16 {strides = array<i32>} : memref<1x323x1024xf32, #tpu.memory_space<vmem>>, vector<1x323x1024xf32>,
    return
  }
  func.func @transform_0(%arg0: i32, %arg1: i32) -> (i32, i32, i32) {
    %c0_i32 = arith.constant 0 : i32
    %c0_i32_0 = arith.constant 0 : i32
    return %arg0, %arg1, %c0_i32 : i32, i32, i32
  }
  func.func @transform_1(%arg0: i32, %arg1: i32) -> (i32, i32, i32) {
    %c0_i32 = arith.constant 0 : i32
    %c0_i32_0 = arith.constant 0 : i32
    %c0_i32_1 = arith.constant 0 : i32
    return %arg0, %c0_i32, %c0_i32_0 : i32, i32, i32
  }
  func.func @transform_2(%arg0: i32, %arg1: i32) -> (i32, i32, i32) {
    %c0_i32 = arith.constant 0 : i32
    %c0_i32_0 = arith.constant 0 : i32
    return %arg0, %c0_i32, %arg1 : i32, i32, i32
  }
}

module attributes {stable_mosaic.version = 14 : i64} {
  func.func @_gather_body(%arg0: i32, %arg1: i32, %arg2: memref<1x8x128xi32, #tpu.memory_space<vmem>>, %arg3: memref<1x512x323xf32, #tpu.memory_space<vmem>>, %arg4: memref<1x323x1024xf32, #tpu.memory_space<vmem>>) attributes {dimension_semantics = [#tpu.dimension_semantics<arbitrary>, #tpu.dimension_semantics<arbitrary>], iteration_bounds = array<i64: 16, 16>, scalar_prefetch = 0 : i64, scratch_operands = 0 : i64, tpu.core_type = #tpu.core_type<tc>, window_params = [{transform_indices = @transform_0, window_bounds = array<i64: 1, 8, 128>}, {transform_indices = @transform_1, window_bounds = array<i64: 1, 512, 323>}, {transform_indices = @transform_2, window_bounds = array<i64: 1, 323, 1024>}]} {
    %get3A = arith.constant 0 : index
    %get3A_0 = arith.constant 0 : index
    %get3A_1 = arith.constant 0 : index
    %get3A_2 = vector.load %arg2[%get3A, %get3A_0, %get3A_1] : memref<1x8x128xi32, #tpu.memory_space<vmem>>, vector<1x8x128xi32>
    %get3A_3 = vector.shape_cast %get3A_2 : vector<1x8x128xi32> to vector<8x128xi32>
    %broadcast_in_dim3A = vector.shape_cast %get3A_3 : vector<8x128xi32> to vector<8x128x1xi32>
    %iota3A = tpu.iota {dimensions = array<i32: 2>} : vector<8x128x512xi32>
    %eq3A = vector.broadcast %broadcast_in_dim3A : vector<8x128x1xi32> to vector<8x128x512xi32>
    %eq3A_4 = arith.cmpi eq, %eq3A, %iota3A : vector<8x128x512xi32>
    %convert_element_type3A = arith.extui %eq3A_4 : vector<8x128x512xi1> to vector<8x128x512xi32>
    %convert_element_type3A_5 = arith.sitofp %convert_element_type3A : vector<8x128x512xi32> to vector<8x128x512xf32>
    %reshape3A = vector.shape_cast %convert_element_type3A_5 : vector<8x128x512xf32> to vector<1024x512xf32>
    %get3A_6 = arith.constant 0 : index
    %get3A_7 = arith.constant 0 : index
    %get3A_8 = arith.constant 0 : index
    %get3A_9 = vector.load %arg3[%get3A_6, %get3A_7, %get3A_8] : memref<1x512x323xf32, #tpu.memory_space<vmem>>, vector<1x512x323xf32>
    %get3A_10 = vector.shape_cast %get3A_9 : vector<1x512x323xf32> to vector<512x323xf32>
    %dot_general3A = arith.constant dense<0.000000e+00> : vector<1024x323xf32>
    %dot_general3A_11 = tpu.matmul %reshape3A, %get3A_10, %dot_general3A {dimension_numbers = #tpu.dot_dimension_numbers<[1], [0], [0], [1], [0, 0, 1, 1], [], []>, precision = #tpu.contract_precision<fp32>, transpose_lhs_hint = false} : vector<1024x512xf32>, vector<512x323xf32>, vector<1024x323xf32> -> vector<1024x323xf32>
    %transpose3A = tpu.transpose %dot_general3A_11, [1, 0] : vector<1024x323xf32> -> vector<323x1024xf32>
    %swap3A = arith.constant 0 : index
    %swap3A_12 = arith.constant 0 : index
    %swap3A_13 = arith.constant 0 : index
    %swap3A_14 = vector.load %arg4[%swap3A, %swap3A_12, %swap3A_13] : memref<1x323x1024xf32, #tpu.memory_space<vmem>>, vector<1x323x1024xf32>
    %swap3A_15 = vector.shape_cast %swap3A_14 : vector<1x323x1024xf32> to vector<323x1024xf32>
    %swap3A_16 = vector.shape_cast %transpose3A : vector<323x1024xf32> to vector<1x323x1024xf32>
    tpu.vector_store %arg4[%swap3A, %swap3A_12, %swap3A_13], %swap3A_16 {strides = array<i32>} : memref<1x323x1024xf32, #tpu.memory_space<vmem>>, vector<1x323x1024xf32>,
    return
  }
  func.func @transform_0(%arg0: i32, %arg1: i32) -> (i32, i32, i32) {
    %c0_i32 = arith.constant 0 : i32
    %c0_i32_0 = arith.constant 0 : i32
    return %arg0, %arg1, %c0_i32 : i32, i32, i32
  }
  func.func @transform_1(%arg0: i32, %arg1: i32) -> (i32, i32, i32) {
    %c0_i32 = arith.constant 0 : i32
    %c0_i32_0 = arith.constant 0 : i32
    %c0_i32_1 = arith.constant 0 : i32
    return %arg0, %c0_i32, %c0_i32_0 : i32, i32, i32
  }
  func.func @transform_2(%arg0: i32, %arg1: i32) -> (i32, i32, i32) {
    %c0_i32 = arith.constant 0 : i32
    %c0_i32_0 = arith.constant 0 : i32
    return %arg0, %c0_i32, %arg1 : i32, i32, i32
  }
}

module attributes {stable_mosaic.version = 14 : i64} {
  func.func @_global_body(%arg0: memref<2048x3xf32, #tpu.memory_space<vmem>>, %arg1: memref<2048x640xf32, #tpu.memory_space<vmem>>, %arg2: memref<1x640xf32, #tpu.memory_space<vmem>>, %arg3: memref<1x640xf32, #tpu.memory_space<vmem>>, %arg4: memref<3x256xf32, #tpu.memory_space<vmem>>, %arg5: memref<640x256xf32, #tpu.memory_space<vmem>>, %arg6: memref<1x256xf32, #tpu.memory_space<vmem>>, %arg7: memref<256x512xf32, #tpu.memory_space<vmem>>, %arg8: memref<1x512xf32, #tpu.memory_space<vmem>>, %arg9: memref<512x1024xf32, #tpu.memory_space<vmem>>, %arg10: memref<1x1024xf32, #tpu.memory_space<vmem>>, %arg11: memref<16x1024xf32, #tpu.memory_space<vmem>>) attributes {dimension_semantics = [], scalar_prefetch = 0 : i64, scratch_operands = 0 : i64, tpu.core_type = #tpu.core_type<tc>} {
    %get3A = arith.constant 0 : index
    %get3A_0 = arith.constant 0 : index
    %get3A_1 = vector.load %arg1[%get3A, %get3A_0] : memref<2048x640xf32, #tpu.memory_space<vmem>>, vector<2048x640xf32>
    %get3A_2 = arith.constant 0 : index
    %get3A_3 = arith.constant 0 : index
    %get3A_4 = vector.load %arg2[%get3A_2, %get3A_3] : memref<1x640xf32, #tpu.memory_space<vmem>>, vector<1x640xf32>
    %mul3A = vector.broadcast %get3A_4 : vector<1x640xf32> to vector<2048x640xf32>
    %mul3A_5 = arith.mulf %get3A_1, %mul3A : vector<2048x640xf32>
    %get3A_6 = arith.constant 0 : index
    %get3A_7 = arith.constant 0 : index
    %get3A_8 = vector.load %arg3[%get3A_6, %get3A_7] : memref<1x640xf32, #tpu.memory_space<vmem>>, vector<1x640xf32>
    %add3A = vector.broadcast %get3A_8 : vector<1x640xf32> to vector<2048x640xf32>
    %add3A_9 = arith.addf %mul3A_5, %add3A : vector<2048x640xf32>
    %max3A = arith.constant 0.000000e+00 : f32
    %max3A_10 = vector.broadcast %max3A : f32 to vector<2048x640xf32>
    %max3A_11 = arith.maximumf %add3A_9, %max3A_10 : vector<2048x640xf32>
    %get3A_12 = arith.constant 0 : index
    %get3A_13 = arith.constant 0 : index
    %get3A_14 = vector.load %arg0[%get3A_12, %get3A_13] : memref<2048x3xf32, #tpu.memory_space<vmem>>, vector<2048x3xf32>
    %get3A_15 = arith.constant 0 : index
    %get3A_16 = arith.constant 0 : index
    %get3A_17 = vector.load %arg4[%get3A_15, %get3A_16] : memref<3x256xf32, #tpu.memory_space<vmem>>, vector<3x256xf32>
    %dot_general3A = arith.constant dense<0.000000e+00> : vector<2048x256xf32>
    %dot_general3A_18 = tpu.matmul %get3A_14, %get3A_17, %dot_general3A {dimension_numbers = #tpu.dot_dimension_numbers<[1], [0], [0], [1], [0, 0, 1, 1], [], []>, transpose_lhs_hint = false} : vector<2048x3xf32>, vector<3x256xf32>, vector<2048x256xf32> -> vector<2048x256xf32>
    %get3A_19 = arith.constant 0 : index
    %get3A_20 = arith.constant 0 : index
    %get3A_21 = vector.load %arg5[%get3A_19, %get3A_20] : memref<640x256xf32, #tpu.memory_space<vmem>>, vector<640x256xf32>
    %dot_general3A_22 = arith.constant dense<0.000000e+00> : vector<2048x256xf32>
    %dot_general3A_23 = tpu.matmul %max3A_11, %get3A_21, %dot_general3A_22 {dimension_numbers = #tpu.dot_dimension_numbers<[1], [0], [0], [1], [0, 0, 1, 1], [], []>, transpose_lhs_hint = false} : vector<2048x640xf32>, vector<640x256xf32>, vector<2048x256xf32> -> vector<2048x256xf32>
    %add3A_24 = arith.addf %dot_general3A_18, %dot_general3A_23 : vector<2048x256xf32>
    %get3A_25 = arith.constant 0 : index
    %get3A_26 = arith.constant 0 : index
    %get3A_27 = vector.load %arg6[%get3A_25, %get3A_26] : memref<1x256xf32, #tpu.memory_space<vmem>>, vector<1x256xf32>
    %add3A_28 = vector.broadcast %get3A_27 : vector<1x256xf32> to vector<2048x256xf32>
    %add3A_29 = arith.addf %add3A_24, %add3A_28 : vector<2048x256xf32>
    %reduce_sum3A = arith.constant dense<0.000000e+00> : vector<256xf32>
    %reduce_sum3A_30 = vector.multi_reduction <add>, %add3A_29, %reduce_sum3A [0] : vector<2048x256xf32> to vector<256xf32>
    %broadcast_in_dim3A = vector.shape_cast %reduce_sum3A_30 : vector<256xf32> to vector<1x256xf32>
    %div3A = arith.constant 2.048000e+03 : f32
    %div3A_31 = vector.broadcast %div3A : f32 to vector<1x256xf32>
    %div3A_32 = arith.divf %broadcast_in_dim3A, %div3A_31 : vector<1x256xf32>
    %mul3A_33 = arith.mulf %add3A_29, %add3A_29 : vector<2048x256xf32>
    %reduce_sum3A_34 = arith.constant dense<0.000000e+00> : vector<256xf32>
    %reduce_sum3A_35 = vector.multi_reduction <add>, %mul3A_33, %reduce_sum3A_34 [0] : vector<2048x256xf32> to vector<256xf32>
    %broadcast_in_dim3A_36 = vector.shape_cast %reduce_sum3A_35 : vector<256xf32> to vector<1x256xf32>
    %div3A_37 = arith.constant 2.048000e+03 : f32
    %div3A_38 = vector.broadcast %div3A_37 : f32 to vector<1x256xf32>
    %div3A_39 = arith.divf %broadcast_in_dim3A_36, %div3A_38 : vector<1x256xf32>
    %mul3A_40 = arith.mulf %div3A_32, %div3A_32 : vector<1x256xf32>
    %sub3A = arith.subf %div3A_39, %mul3A_40 : vector<1x256xf32>
    %sub3A_41 = vector.broadcast %div3A_32 : vector<1x256xf32> to vector<2048x256xf32>
    %sub3A_42 = arith.subf %add3A_29, %sub3A_41 : vector<2048x256xf32>
    %add3A_43 = arith.constant 9.99999974E-6 : f32
    %add3A_44 = vector.broadcast %add3A_43 : f32 to vector<1x256xf32>
    %add3A_45 = arith.addf %sub3A, %add3A_44 : vector<1x256xf32>
    %sqrt3A = math.sqrt %add3A_45 : vector<1x256xf32>
    %div3A_46 = vector.broadcast %sqrt3A : vector<1x256xf32> to vector<2048x256xf32>
    %div3A_47 = arith.divf %sub3A_42, %div3A_46 : vector<2048x256xf32>
    %max3A_48 = arith.constant 0.000000e+00 : f32
    %max3A_49 = vector.broadcast %max3A_48 : f32 to vector<2048x256xf32>
    %max3A_50 = arith.maximumf %div3A_47, %max3A_49 : vector<2048x256xf32>
    %get3A_51 = arith.constant 0 : index
    %get3A_52 = arith.constant 0 : index
    %get3A_53 = vector.load %arg7[%get3A_51, %get3A_52] : memref<256x512xf32, #tpu.memory_space<vmem>>, vector<256x512xf32>
    %dot_general3A_54 = arith.constant dense<0.000000e+00> : vector<2048x512xf32>
    %dot_general3A_55 = tpu.matmul %max3A_50, %get3A_53, %dot_general3A_54 {dimension_numbers = #tpu.dot_dimension_numbers<[1], [0], [0], [1], [0, 0, 1, 1], [], []>, transpose_lhs_hint = false} : vector<2048x256xf32>, vector<256x512xf32>, vector<2048x512xf32> -> vector<2048x512xf32>
    %get3A_56 = arith.constant 0 : index
    %get3A_57 = arith.constant 0 : index
    %get3A_58 = vector.load %arg8[%get3A_56, %get3A_57] : memref<1x512xf32, #tpu.memory_space<vmem>>, vector<1x512xf32>
    %add3A_59 = vector.broadcast %get3A_58 : vector<1x512xf32> to vector<2048x512xf32>
    %add3A_60 = arith.addf %dot_general3A_55, %add3A_59 : vector<2048x512xf32>
    %reduce_sum3A_61 = arith.constant dense<0.000000e+00> : vector<512xf32>
    %reduce_sum3A_62 = vector.multi_reduction <add>, %add3A_60, %reduce_sum3A_61 [0] : vector<2048x512xf32> to vector<512xf32>
    %broadcast_in_dim3A_63 = vector.shape_cast %reduce_sum3A_62 : vector<512xf32> to vector<1x512xf32>
    %div3A_64 = arith.constant 2.048000e+03 : f32
    %div3A_65 = vector.broadcast %div3A_64 : f32 to vector<1x512xf32>
    %div3A_66 = arith.divf %broadcast_in_dim3A_63, %div3A_65 : vector<1x512xf32>
    %mul3A_67 = arith.mulf %add3A_60, %add3A_60 : vector<2048x512xf32>
    %reduce_sum3A_68 = arith.constant dense<0.000000e+00> : vector<512xf32>
    %reduce_sum3A_69 = vector.multi_reduction <add>, %mul3A_67, %reduce_sum3A_68 [0] : vector<2048x512xf32> to vector<512xf32>
    %broadcast_in_dim3A_70 = vector.shape_cast %reduce_sum3A_69 : vector<512xf32> to vector<1x512xf32>
    %div3A_71 = arith.constant 2.048000e+03 : f32
    %div3A_72 = vector.broadcast %div3A_71 : f32 to vector<1x512xf32>
    %div3A_73 = arith.divf %broadcast_in_dim3A_70, %div3A_72 : vector<1x512xf32>
    %mul3A_74 = arith.mulf %div3A_66, %div3A_66 : vector<1x512xf32>
    %sub3A_75 = arith.subf %div3A_73, %mul3A_74 : vector<1x512xf32>
    %sub3A_76 = vector.broadcast %div3A_66 : vector<1x512xf32> to vector<2048x512xf32>
    %sub3A_77 = arith.subf %add3A_60, %sub3A_76 : vector<2048x512xf32>
    %add3A_78 = arith.constant 9.99999974E-6 : f32
    %add3A_79 = vector.broadcast %add3A_78 : f32 to vector<1x512xf32>
    %add3A_80 = arith.addf %sub3A_75, %add3A_79 : vector<1x512xf32>
    %sqrt3A_81 = math.sqrt %add3A_80 : vector<1x512xf32>
    %div3A_82 = vector.broadcast %sqrt3A_81 : vector<1x512xf32> to vector<2048x512xf32>
    %div3A_83 = arith.divf %sub3A_77, %div3A_82 : vector<2048x512xf32>
    %max3A_84 = arith.constant 0.000000e+00 : f32
    %max3A_85 = vector.broadcast %max3A_84 : f32 to vector<2048x512xf32>
    %max3A_86 = arith.maximumf %div3A_83, %max3A_85 : vector<2048x512xf32>
    %get3A_87 = arith.constant 0 : index
    %get3A_88 = arith.constant 0 : index
    %get3A_89 = vector.load %arg9[%get3A_87, %get3A_88] : memref<512x1024xf32, #tpu.memory_space<vmem>>, vector<512x1024xf32>
    %dot_general3A_90 = arith.constant dense<0.000000e+00> : vector<2048x1024xf32>
    %dot_general3A_91 = tpu.matmul %max3A_86, %get3A_89, %dot_general3A_90 {dimension_numbers = #tpu.dot_dimension_numbers<[1], [0], [0], [1], [0, 0, 1, 1], [], []>, transpose_lhs_hint = false} : vector<2048x512xf32>, vector<512x1024xf32>, vector<2048x1024xf32> -> vector<2048x1024xf32>
    %get3A_92 = arith.constant 0 : index
    %get3A_93 = arith.constant 0 : index
    %get3A_94 = vector.load %arg10[%get3A_92, %get3A_93] : memref<1x1024xf32, #tpu.memory_space<vmem>>, vector<1x1024xf32>
    %add3A_95 = vector.broadcast %get3A_94 : vector<1x1024xf32> to vector<2048x1024xf32>
    %add3A_96 = arith.addf %dot_general3A_91, %add3A_95 : vector<2048x1024xf32>
    %reduce_sum3A_97 = arith.constant dense<0.000000e+00> : vector<1024xf32>
    %reduce_sum3A_98 = vector.multi_reduction <add>, %add3A_96, %reduce_sum3A_97 [0] : vector<2048x1024xf32> to vector<1024xf32>
    %broadcast_in_dim3A_99 = vector.shape_cast %reduce_sum3A_98 : vector<1024xf32> to vector<1x1024xf32>
    %div3A_100 = arith.constant 2.048000e+03 : f32
    %div3A_101 = vector.broadcast %div3A_100 : f32 to vector<1x1024xf32>
    %div3A_102 = arith.divf %broadcast_in_dim3A_99, %div3A_101 : vector<1x1024xf32>
    %mul3A_103 = arith.mulf %add3A_96, %add3A_96 : vector<2048x1024xf32>
    %reduce_sum3A_104 = arith.constant dense<0.000000e+00> : vector<1024xf32>
    %reduce_sum3A_105 = vector.multi_reduction <add>, %mul3A_103, %reduce_sum3A_104 [0] : vector<2048x1024xf32> to vector<1024xf32>
    %broadcast_in_dim3A_106 = vector.shape_cast %reduce_sum3A_105 : vector<1024xf32> to vector<1x1024xf32>
    %div3A_107 = arith.constant 2.048000e+03 : f32
    %div3A_108 = vector.broadcast %div3A_107 : f32 to vector<1x1024xf32>
    %div3A_109 = arith.divf %broadcast_in_dim3A_106, %div3A_108 : vector<1x1024xf32>
    %mul3A_110 = arith.mulf %div3A_102, %div3A_102 : vector<1x1024xf32>
    %sub3A_111 = arith.subf %div3A_109, %mul3A_110 : vector<1x1024xf32>
    %sub3A_112 = vector.broadcast %div3A_102 : vector<1x1024xf32> to vector<2048x1024xf32>
    %sub3A_113 = arith.subf %add3A_96, %sub3A_112 : vector<2048x1024xf32>
    %add3A_114 = arith.constant 9.99999974E-6 : f32
    %add3A_115 = vector.broadcast %add3A_114 : f32 to vector<1x1024xf32>
    %add3A_116 = arith.addf %sub3A_111, %add3A_115 : vector<1x1024xf32>
    %sqrt3A_117 = math.sqrt %add3A_116 : vector<1x1024xf32>
    %div3A_118 = vector.broadcast %sqrt3A_117 : vector<1x1024xf32> to vector<2048x1024xf32>
    %div3A_119 = arith.divf %sub3A_113, %div3A_118 : vector<2048x1024xf32>
    %max3A_120 = arith.constant 0.000000e+00 : f32
    %max3A_121 = vector.broadcast %max3A_120 : f32 to vector<2048x1024xf32>
    %max3A_122 = arith.maximumf %div3A_119, %max3A_121 : vector<2048x1024xf32>
    %reshape3A = vector.shape_cast %max3A_122 : vector<2048x1024xf32> to vector<16x128x1024xf32>
    %reduce_max3A = arith.constant dense<0xFF800000> : vector<16x1024xf32>
    %reduce_max3A_123 = vector.multi_reduction <maximumf>, %reshape3A, %reduce_max3A [1] : vector<16x128x1024xf32> to vector<16x1024xf32>
    %swap3A = arith.constant 0 : index
    %swap3A_124 = arith.constant 0 : index
    %swap3A_125 = vector.load %arg11[%swap3A, %swap3A_124] : memref<16x1024xf32, #tpu.memory_space<vmem>>, vector<16x1024xf32>
    tpu.vector_store %arg11[%swap3A, %swap3A_124], %reduce_max3A_123 {strides = array<i32>} : memref<16x1024xf32, #tpu.memory_space<vmem>>, vector<16x1024xf32>,
    return
  }
}

module attributes {stable_mosaic.version = 14 : i64} {
  func.func @_head_kernel(%arg0: memref<16x1024xf32, #tpu.memory_space<vmem>>, %arg1: memref<512x1024xf32, #tpu.memory_space<vmem>>, %arg2: memref<512xf32, #tpu.memory_space<vmem>>, %arg3: memref<256x512xf32, #tpu.memory_space<vmem>>, %arg4: memref<256xf32, #tpu.memory_space<vmem>>, %arg5: memref<40x256xf32, #tpu.memory_space<vmem>>, %arg6: memref<40xf32, #tpu.memory_space<vmem>>, %arg7: memref<16x40xf32, #tpu.memory_space<vmem>>) attributes {dimension_semantics = [], scalar_prefetch = 0 : i64, scratch_operands = 0 : i64, tpu.core_type = #tpu.core_type<tc>} {
    %get3A = arith.constant 0 : index
    %get3A_0 = arith.constant 0 : index
    %get3A_1 = vector.load %arg0[%get3A, %get3A_0] : memref<16x1024xf32, #tpu.memory_space<vmem>>, vector<16x1024xf32>
    %get3A_2 = arith.constant 0 : index
    %get3A_3 = arith.constant 0 : index
    %get3A_4 = vector.load %arg1[%get3A_2, %get3A_3] : memref<512x1024xf32, #tpu.memory_space<vmem>>, vector<512x1024xf32>
    %transpose3A = tpu.transpose %get3A_4, [1, 0] : vector<512x1024xf32> -> vector<1024x512xf32>
    %dot_general3A = arith.constant dense<0.000000e+00> : vector<16x512xf32>
    %dot_general3A_5 = tpu.matmul %get3A_1, %transpose3A, %dot_general3A {dimension_numbers = #tpu.dot_dimension_numbers<[1], [0], [0], [1], [0, 0, 1, 1], [], []>, transpose_lhs_hint = false} : vector<16x1024xf32>, vector<1024x512xf32>, vector<16x512xf32> -> vector<16x512xf32>
    %get3A_6 = arith.constant 0 : index
    %get3A_7 = vector.load %arg2[%get3A_6] : memref<512xf32, #tpu.memory_space<vmem>>, vector<512xf32>
    %broadcast_in_dim3A = vector.shape_cast %get3A_7 : vector<512xf32> to vector<1x512xf32>
    %add3A = vector.broadcast %broadcast_in_dim3A : vector<1x512xf32> to vector<16x512xf32>
    %add3A_8 = arith.addf %dot_general3A_5, %add3A : vector<16x512xf32>
    %reduce_sum3A = arith.constant dense<0.000000e+00> : vector<512xf32>
    %reduce_sum3A_9 = vector.multi_reduction <add>, %add3A_8, %reduce_sum3A [0] : vector<16x512xf32> to vector<512xf32>
    %broadcast_in_dim3A_10 = vector.shape_cast %reduce_sum3A_9 : vector<512xf32> to vector<1x512xf32>
    %div3A = arith.constant 1.600000e+01 : f32
    %div3A_11 = vector.broadcast %div3A : f32 to vector<1x512xf32>
    %div3A_12 = arith.divf %broadcast_in_dim3A_10, %div3A_11 : vector<1x512xf32>
    %sub3A = vector.broadcast %div3A_12 : vector<1x512xf32> to vector<16x512xf32>
    %sub3A_13 = arith.subf %add3A_8, %sub3A : vector<16x512xf32>
    %integer_pow3A = arith.mulf %sub3A_13, %sub3A_13 : vector<16x512xf32>
    %reduce_sum3A_14 = arith.constant dense<0.000000e+00> : vector<512xf32>
    %reduce_sum3A_15 = vector.multi_reduction <add>, %integer_pow3A, %reduce_sum3A_14 [0] : vector<16x512xf32> to vector<512xf32>
    %broadcast_in_dim3A_16 = vector.shape_cast %reduce_sum3A_15 : vector<512xf32> to vector<1x512xf32>
    %div3A_17 = arith.constant 1.600000e+01 : f32
    %div3A_18 = vector.broadcast %div3A_17 : f32 to vector<1x512xf32>
    %div3A_19 = arith.divf %broadcast_in_dim3A_16, %div3A_18 : vector<1x512xf32>
    %sub3A_20 = vector.broadcast %div3A_12 : vector<1x512xf32> to vector<16x512xf32>
    %sub3A_21 = arith.subf %add3A_8, %sub3A_20 : vector<16x512xf32>
    %add3A_22 = arith.constant 9.99999974E-6 : f32
    %add3A_23 = vector.broadcast %add3A_22 : f32 to vector<1x512xf32>
    %add3A_24 = arith.addf %div3A_19, %add3A_23 : vector<1x512xf32>
    %sqrt3A = math.sqrt %add3A_24 : vector<1x512xf32>
    %div3A_25 = vector.broadcast %sqrt3A : vector<1x512xf32> to vector<16x512xf32>
    %div3A_26 = arith.divf %sub3A_21, %div3A_25 : vector<16x512xf32>
    %max3A = arith.constant 0.000000e+00 : f32
    %max3A_27 = vector.broadcast %max3A : f32 to vector<16x512xf32>
    %max3A_28 = arith.maximumf %div3A_26, %max3A_27 : vector<16x512xf32>
    %get3A_29 = arith.constant 0 : index
    %get3A_30 = arith.constant 0 : index
    %get3A_31 = vector.load %arg3[%get3A_29, %get3A_30] : memref<256x512xf32, #tpu.memory_space<vmem>>, vector<256x512xf32>
    %transpose3A_32 = tpu.transpose %get3A_31, [1, 0] : vector<256x512xf32> -> vector<512x256xf32>
    %dot_general3A_33 = arith.constant dense<0.000000e+00> : vector<16x256xf32>
    %dot_general3A_34 = tpu.matmul %max3A_28, %transpose3A_32, %dot_general3A_33 {dimension_numbers = #tpu.dot_dimension_numbers<[1], [0], [0], [1], [0, 0, 1, 1], [], []>, transpose_lhs_hint = false} : vector<16x512xf32>, vector<512x256xf32>, vector<16x256xf32> -> vector<16x256xf32>
    %get3A_35 = arith.constant 0 : index
    %get3A_36 = vector.load %arg4[%get3A_35] : memref<256xf32, #tpu.memory_space<vmem>>, vector<256xf32>
    %broadcast_in_dim3A_37 = vector.shape_cast %get3A_36 : vector<256xf32> to vector<1x256xf32>
    %add3A_38 = vector.broadcast %broadcast_in_dim3A_37 : vector<1x256xf32> to vector<16x256xf32>
    %add3A_39 = arith.addf %dot_general3A_34, %add3A_38 : vector<16x256xf32>
    %reduce_sum3A_40 = arith.constant dense<0.000000e+00> : vector<256xf32>
    %reduce_sum3A_41 = vector.multi_reduction <add>, %add3A_39, %reduce_sum3A_40 [0] : vector<16x256xf32> to vector<256xf32>
    %broadcast_in_dim3A_42 = vector.shape_cast %reduce_sum3A_41 : vector<256xf32> to vector<1x256xf32>
    %div3A_43 = arith.constant 1.600000e+01 : f32
    %div3A_44 = vector.broadcast %div3A_43 : f32 to vector<1x256xf32>
    %div3A_45 = arith.divf %broadcast_in_dim3A_42, %div3A_44 : vector<1x256xf32>
    %sub3A_46 = vector.broadcast %div3A_45 : vector<1x256xf32> to vector<16x256xf32>
    %sub3A_47 = arith.subf %add3A_39, %sub3A_46 : vector<16x256xf32>
    %integer_pow3A_48 = arith.mulf %sub3A_47, %sub3A_47 : vector<16x256xf32>
    %reduce_sum3A_49 = arith.constant dense<0.000000e+00> : vector<256xf32>
    %reduce_sum3A_50 = vector.multi_reduction <add>, %integer_pow3A_48, %reduce_sum3A_49 [0] : vector<16x256xf32> to vector<256xf32>
    %broadcast_in_dim3A_51 = vector.shape_cast %reduce_sum3A_50 : vector<256xf32> to vector<1x256xf32>
    %div3A_52 = arith.constant 1.600000e+01 : f32
    %div3A_53 = vector.broadcast %div3A_52 : f32 to vector<1x256xf32>
    %div3A_54 = arith.divf %broadcast_in_dim3A_51, %div3A_53 : vector<1x256xf32>
    %sub3A_55 = vector.broadcast %div3A_45 : vector<1x256xf32> to vector<16x256xf32>
    %sub3A_56 = arith.subf %add3A_39, %sub3A_55 : vector<16x256xf32>
    %add3A_57 = arith.constant 9.99999974E-6 : f32
    %add3A_58 = vector.broadcast %add3A_57 : f32 to vector<1x256xf32>
    %add3A_59 = arith.addf %div3A_54, %add3A_58 : vector<1x256xf32>
    %sqrt3A_60 = math.sqrt %add3A_59 : vector<1x256xf32>
    %div3A_61 = vector.broadcast %sqrt3A_60 : vector<1x256xf32> to vector<16x256xf32>
    %div3A_62 = arith.divf %sub3A_56, %div3A_61 : vector<16x256xf32>
    %max3A_63 = arith.constant 0.000000e+00 : f32
    %max3A_64 = vector.broadcast %max3A_63 : f32 to vector<16x256xf32>
    %max3A_65 = arith.maximumf %div3A_62, %max3A_64 : vector<16x256xf32>
    %get3A_66 = arith.constant 0 : index
    %get3A_67 = arith.constant 0 : index
    %get3A_68 = vector.load %arg5[%get3A_66, %get3A_67] : memref<40x256xf32, #tpu.memory_space<vmem>>, vector<40x256xf32>
    %transpose3A_69 = tpu.transpose %get3A_68, [1, 0] : vector<40x256xf32> -> vector<256x40xf32>
    %dot_general3A_70 = arith.constant dense<0.000000e+00> : vector<16x40xf32>
    %dot_general3A_71 = tpu.matmul %max3A_65, %transpose3A_69, %dot_general3A_70 {dimension_numbers = #tpu.dot_dimension_numbers<[1], [0], [0], [1], [0, 0, 1, 1], [], []>, transpose_lhs_hint = false} : vector<16x256xf32>, vector<256x40xf32>, vector<16x40xf32> -> vector<16x40xf32>
    %get3A_72 = arith.constant 0 : index
    %get3A_73 = vector.load %arg6[%get3A_72] : memref<40xf32, #tpu.memory_space<vmem>>, vector<40xf32>
    %broadcast_in_dim3A_74 = vector.shape_cast %get3A_73 : vector<40xf32> to vector<1x40xf32>
    %add3A_75 = vector.broadcast %broadcast_in_dim3A_74 : vector<1x40xf32> to vector<16x40xf32>
    %add3A_76 = arith.addf %dot_general3A_71, %add3A_75 : vector<16x40xf32>
    %swap3A = arith.constant 0 : index
    %swap3A_77 = arith.constant 0 : index
    %swap3A_78 = vector.load %arg7[%swap3A, %swap3A_77] : memref<16x40xf32, #tpu.memory_space<vmem>>, vector<16x40xf32>
    tpu.vector_store %arg7[%swap3A, %swap3A_77], %add3A_76 {strides = array<i32>} : memref<16x40xf32, #tpu.memory_space<vmem>>, vector<16x40xf32>,
    return
  }
}

</mosaic_0001>

<sc_bundles>
// kernel: kernel.14.cloned.1.call-start
scs
__scs_entry_jumppad:
0x0: {  	(pc) =	sbr.rel $0x88, $3  }
0x1: {  	(tag) =	ssettag $0x0;
	lr =	simm.s32 $0x1  }
0x2: {  	[smem:$0x3F70] =	sst lr;
	_ =	strace $0xD0000000  }
0x3: {  	_ = 	snop  }
0x4: {  	_ = 	snop  }
0x5: {  	_ = 	snop  }
0x6: {  	_ = 	snop  }
0x7: {  	_ = 	snop  }
__scs_overlays_trampoline_lowered:
0x8: {  	[smem:$0x3F7F] =	sst s0  }
0x9: {  	[smem:$0x3F80] =	sst s1  }
0xa: {  	[smem:$0x3F81] =	sst s2  }
0xb: {  	[smem:$0x3F82] =	sst s3  }
0xc: {  	[smem:$0x3F83] =	sst s4  }
0xd: {  	[smem:$0x3F84] =	sst s5  }
0xe: {  	[smem:$0x3F85] =	sst s6  }
0xf: {  	[smem:$0x3F86] =	sst s7  }
0x10: {  	[smem:$0x3F87] =	sst s8  }
0x11: {  	[smem:$0x3F88] =	sst s9;
	s0 =	simm.s32 @!p0 $0x0  }
0x12: {  	s1 =	sld [smem:$0x3F6E];
	s0 =	simm.s32 @p0 $0x1  }
0x13: {  	[smem:$0x3F89] =	sst s0;
	s0 =	simm.s32 @!p1 $0x0  }
0x14: {  	s2 =	sld [smem:$0x3F6D];
	s0 =	simm.s32 @p1 $0x1  }
0x15: {  	[smem:$0x3F8A] =	sst s0;
	s0 =	simm.s32 @!p2 $0x0  }
0x16: {  	s3 =	sld [smem:$0x3FDB];
	s0 =	simm.s32 @p2 $0x1  }
0x17: {  	s4 =	simm.s32 $0x1BF5;
	[smem:$0x3F8C] =	sst s0  }
0x18: {  	s0 =	sld [smem:$0x3F6F];
	_ =	swait.ge [sflag:s4], $0x0  }
0x19: {  	s7 =	sld [smem:$0x3F70]  }
0x1a: {  	s8 =	sadd.s32 $0xFFFFE003, lr  }
0x1b: {  	s9 =	sadd.s32 $0xFFFFFEF7, lr;
	s5 =	simm.s32 $0xFFFFFFFF;
	p2 =	slt.u32 s8, $0xFFFFF086  }
0x1c: {  	p1 =	slt.u32 s9, $0xF7A;
	s5 =	simm.s32 @!p2 $0x0  }
0x1d: {  	s5 =	simm.s32 @p1 $0x1;
	p0 =	seq.s32 s7, s2  }
0x1e: {  	s7 =	smul.u32 @!p0 $0xF7A, s2;
	p2 =	seq.s32 @!p0 s5, $0x0  }
0x1f: {  	s9 =	smul.u32 $0xF7A, s1;
	s8 =	simm.s32 @!p0 $0x1BF5;
	p2 =	por !p2, p0  }
0x20: {  	[sflag:s8] =	ssyncset.s32 @!p0 $0xFFFFF086;
	s6 =	sadd.s32 @!p0 s3, s7;
	s7 =	simm.s32 @!p0 $0x108  }
0x21: {  	s3 =	sadd.s32 s3, s9;
	s6 =	sadd.s32 @!p0 $0x88, s6;
	s7 =	simm.s32 @p2 $0x1082  }
0x22: {  	[simem:s7], [sflag:s8] =	dma.local @!p0 [hbm:s6], $0xF7A  }
0x23: {  	s9 =	sor.u32 $0xD0000000, s2;
	s6 =	simm.s32 $0x108;
	_ =	swait.ge @!p0 [sflag:s8], $0x0  }
0x24: {  	s3 =	sadd.s32 $0x88, s3;
	s6 =	simm.s32 @!p1 $0x1082;
	[sflag:s4] =	ssyncset.s32 $0xFFFFF086  }
0x25: {  	[simem:s6], [sflag:s4] =	dma.local [hbm:s3], $0xF7A  }
0x26: {  	[smem:$0x3F70] =	sst s1;
	(tag) =	ssettag s2;
	_ =	strace s9  }
0x27: {  	s1 =	sld [smem:$0x3F80]  }
0x28: {  	s2 =	sld [smem:$0x3F81]  }
0x29: {  	s4 =	sld [smem:$0x3F83]  }
0x2a: {  	p0 =	seq.s32 s5, $0x0;
	s5 =	sld [smem:$0x3F84]  }
0x2b: {  	s6 =	sld [smem:$0x3F85]  }
0x2c: {  	s7 =	sld [smem:$0x3F86]  }
0x2d: {  	s3 =	simm.s32 $0x108;
	s8 =	sld [smem:$0x3F87]  }
0x2e: {  	s3 =	simm.s32 @!p0 $0x1082;
	s9 =	sld [smem:$0x3F88]  }
0x2f: {  	lr =	sadd.s32 s0, s3;
	s0 =	sld [smem:$0x3F7F]  }
0x30: {  	s3 =	sld [smem:$0x3F82]  }
0x31: {  	[smem:$0x3F8B] =	sst s10  }
0x32: {  	s10 =	sld [smem:$0x3F89];
	_ =	sdelay $0x3  }
0x33: {  	p0 =	seq.s32 s10, $0x1;
	s10 =	sld [smem:$0x3F8B];
	_ =	sdelay $0x3  }
0x34: {  	[smem:$0x3F8B] =	sst s10  }
0x35: {  	s10 =	sld [smem:$0x3F8A];
	_ =	sdelay $0x3  }
0x36: {  	p1 =	seq.s32 s10, $0x1;
	s10 =	sld [smem:$0x3F8B];
	_ =	sdelay $0x3  }
0x37: {  	[smem:$0x3F8B] =	sst s10  }
0x38: {  	s10 =	sld [smem:$0x3F8C]  }
0x39: {  	_ = 	snop;
	(pc) =	sbr.ind lr, $3  }
0x3a: {  	_ = 	snop  }
0x3b: {  	_ = 	snop  }
0x3c: {  	p2 =	seq.s32 s10, $0x1;
	s10 =	sld [smem:$0x3F8B]  }
0x3d: {  	_ =	shalt  }
0x3e: {  	_ =	shalt  }
0x3f: {  	_ =	shalt  }
0x40: {  	_ =	shalt  }
0x41: {  	_ =	shalt  }
0x42: {  	_ =	shalt  }
0x43: {  	_ =	shalt  }
0x44: {  	_ =	shalt  }
0x45: {  	_ =	shalt  }
0x46: {  	_ =	shalt  }
0x47: {  	_ =	shalt  }
0x48: {  	_ =	shalt  }
0x49: {  	_ =	shalt  }
0x4a: {  	_ =	shalt  }
0x4b: {  	_ =	shalt  }
0x4c: {  	_ =	shalt  }
0x4d: {  	_ =	shalt  }
0x4e: {  	_ =	shalt  }
0x4f: {  	_ =	shalt  }
0x50: {  	_ =	shalt  }
0x51: {  	_ =	shalt  }
0x52: {  	_ =	shalt  }
0x53: {  	_ =	shalt  }
0x54: {  	_ =	shalt  }
0x55: {  	_ =	shalt  }
0x56: {  	_ =	shalt  }
0x57: {  	_ =	shalt  }
0x58: {  	_ =	shalt  }
0x59: {  	_ =	shalt  }
0x5a: {  	_ =	shalt  }
0x5b: {  	_ =	shalt  }
0x5c: {  	_ =	shalt  }
0x5d: {  	_ =	shalt  }
0x5e: {  	_ =	shalt  }
0x5f: {  	_ =	shalt  }
0x60: {  	_ =	shalt  }
0x61: {  	_ =	shalt  }
0x62: {  	_ =	shalt  }
0x63: {  	_ =	shalt  }
0x64: {  	_ =	shalt  }
0x65: {  	_ =	shalt  }
0x66: {  	_ =	shalt  }
0x67: {  	_ =	shalt  }
0x68: {  	_ =	shalt  }
0x69: {  	_ =	shalt  }
0x6a: {  	_ =	shalt  }
0x6b: {  	_ =	shalt  }
0x6c: {  	_ =	shalt  }
0x6d: {  	_ =	shalt  }
0x6e: {  	_ =	shalt  }
0x6f: {  	_ =	shalt  }
0x70: {  	_ =	shalt  }
0x71: {  	_ =	shalt  }
0x72: {  	_ =	shalt  }
0x73: {  	_ =	shalt  }
0x74: {  	_ =	shalt  }
0x75: {  	_ =	shalt  }
0x76: {  	_ =	shalt  }
0x77: {  	_ =	shalt  }
0x78: {  	_ =	shalt  }
0x79: {  	_ =	shalt  }
0x7a: {  	_ =	shalt  }
0x7b: {  	_ =	shalt  }
0x7c: {  	_ =	shalt  }
0x7d: {  	_ =	shalt  }
0x7e: {  	_ =	shalt  }
0x7f: {  	_ =	shalt  }
0x80: {  	_ =	shalt  }
0x81: {  	_ =	shalt  }
0x82: {  	_ =	shalt  }
0x83: {  	_ =	shalt  }
0x84: {  	_ =	shalt  }
0x85: {  	_ =	shalt  }
0x86: {  	_ =	shalt  }
0x87: {  	_ =	shalt  }
.Lfunc_end0:
.L_simem_size_0:
called_computation.4_lowered:
.L_overlay_start_0:
0x88: {  	s2 =	sld [smem:$0x3FD9]  }
0x89: {  	s3 =	sld [smem:$0x3FFE];
	_ =	sdelay $0x1  }
0x8a: {  	s1 =	srdreg.scid  }
0x8b: {  	s0 =	sand.u32 $0x1, s1  }
0x8c: {  	s16 =	sshll.u32 s0, $0xA;
	s2 =	sadd.s32 s3, s2  }
0x8d: {  	s2 =	sadd.s32 s2, s16  }
0x8e: {  	[smem:$0x3F97] =	sst s2  }
0x8f: {  	_ = 	snop  }
0x90: {  	(tm) =	ssettm $0x1  }
0x91: {  	s17 =	sld [smem:$0x3FFB];
	_ =	sdelay $0x3  }
0x92: {  	_ =	strace s17  }
0x93: {  	s2 =	sld [smem:$0x3FFC];
	_ =	sdelay $0x3  }
0x94: {  	_ =	strace s2  }
0x95: {  	s2 =	sld [smem:$0x3FFD];
	_ =	sdelay $0x3  }
0x96: {  	_ =	strace s2  }
0x97: {  	_ =	strace $0x8FFFFFFF  }
0x98: {  	s18 =	sld [smem:$0x3FDB];
	_ =	sdelay $0x1  }
0x99: {  	s19 =	simm.s32 $_scs_section_size  }
0x9a: {  	s4 =	simm.s32 $_size__tile_overlayer_lowered;
	s5 =	simm.s32 $_tile_overlayer_lowered  }
0x9b: {  	s22 =	simm.s32 $0x1BFF;
	s21 =	sshll.u32 s5, $0x1;
	s2 =	sadd.s32 s19, s18  }
0x9c: {  	s6 =	simm.s32 $0x0;
	s20 =	sshll.u32 s4, $0x1;
	s4 =	sadd.s32 s21, s2  }
0x9d: {  	[timem:s6], [sflag:s22] =	dma.local [hbm:s4], s20  }
0x9e: {  	_ =	swait.ge [sflag:s22], s20  }
0x9f: {  	s3 =	ssub.s32 $0x0, s20;
	[sflag:s22] =	ssyncset.done $0x0  }
0xa0: {  	[sflag:s22] =	ssyncadd.s32 s3;
	_ =	sdelay $0x1  }
0xa1: {  	s23 =	simm.s32 $0x1B8B  }
0xa2: {  	_ =	swait.ge [sflag:s23], $0x1  }
0xa3: {  	[sflag:s23] =	ssyncset.done $0x0  }
0xa4: {  	s25 =	simm.s32 $0x1B8E;
	s24 =	sld [smem:$0x3FFE];
	[sflag:s23] =	ssyncadd.s32 $0xFFFFFFFF  }
0xa5: {  	s26 =	simm.s32 $execute0_lowered;
	[smem:$0x3FD2] =	sst s25  }
0xa6: {  	s4 =	sshll.u32 s26, $0x1;
	_ =	strace $0x80000046;
	[dreg:$0x1] =	wrdreg $0xFFFFFFFF  }
0xa7: {  	s28 =	simm.s32 $_size_execute0_lowered;
	s2 =	sadd.s32 s2, s4;
	[dreg:$0x0] =	wrdreg $0x0  }
0xa8: {  	s4 =	sshll.u32 s28, $0x1;
	[dreg:$0x2] =	wrdreg s2  }
0xa9: {  	[dreg:$0x3] =	wrdreg s4  }
0xaa: {  	[dreg:$0x4] =	wrdreg $0xC0  }
0xab: {  	_ =	task [dreg:s6], $0x5FFFF  }
0xac: {  	[dreg:$0x1] =	wrdreg $0xFFFFFFFF  }
0xad: {  	[dreg:$0x0] =	wrdreg $0x60  }
0xae: {  	[dreg:$0x2] =	wrdreg s24  }
0xaf: {  	[dreg:$0x3] =	wrdreg $0x9  }
0xb0: {  	_ =	task.clear_ibuf [dreg:s6], $0x4FFFF;
	_ =	strace $0x90000046  }
0xb1: {  	s29 =	simm.s32 $0x9;
	_ =	strace $0x80000048  }
0xb2: {  	_ =	swait.ge [sflag:s29], $0x1  }
0xb3: {  	[sflag:s29] =	ssyncadd.s32 $0xFFFFFFFF  }
0xb4: {  	_ =	strace $0x90000048  }
0xb5: {  	_ =	sfence  }
0xb6: {  	s30 =	sld [smem:$0x0];
	_ =	sdelay $0x2  }
0xb7: {  	s31 =	sshll.u32 s1, $0xD;
	s1 =	sshrl.u32 s1, $0x2  }
0xb8: {  	s3 =	sand.u32 $0x4000, s31;
	s1 =	sadd.s32 s1, s30  }
0xb9: {  	s0 =	sor.u32 s3, s0;
	s1 =	sshll.u32 s1, $0x11  }
0xba: {  	s0 =	sor.u32 s1, s0  }
0xbb: {  	s0 =	sadd.s32 $0x8F2B, s0  }
0xbc: {  	[sflag:s0] =	ssyncadd.remote.s32 $0x1  }
0xbd: {  	_ =	sfence.sel $0xFFFF  }
0xbe: {  	[dreg:$0x0] =	wrdreg $0xFFFFFFFF;
	(pc) =	sbr.abs _section_cstart, $3  }
0xbf: {  	[dreg:$0x1] =	wrdreg $0xFFFFFFFF  }
0xc0: {  	_ =	task.clear_ibuf [dreg:s6], $0x2FFFF;
	_ =	strace $0x9FFFFFFF  }
0xc1: {  	(tm) =	ssettm $0x7FFFFFFF  }
tec
execute0_lowered:
.L_overlay_start_1:
0x0: {  	(tag) =	ssettag $0x1  }
0x1: {  	s0 =	srdreg.scid;
	s2 =	stileid.u32  }
0x2: {  	s5 =	rddreg [dreg:$0x0];
	s15 =	simm.s32 $0x80;
	s16 =	simm.s32 $0x400  }
0x3: {  	s17 =	simm.s32 $0x800;
	s18 =	simm.s32 $0x1000;
	s20 =	simm.s32 $0x1900  }
0x4: {  	s21 =	simm.s32 $0x1A00;
	s22 =	simm.s32 $0x1B00;
	s0 =	sand.u32 $0x1, s0  }
0x5: {  	s23 =	simm.s32 $0x1C00;
	s24 =	simm.s32 $0x9C00;
	s1 =	sor.u32 s0, s2  }
0x6: {  	p1 =	seq.s32 s0, $0x1;
	s4 =	sshll.u32 s0, $0xF;
	p0 =	seq.s32 s1, $0x0  }
0x7: {  	s6 =	sshll.u32 s0, $0xB;
	s0 =	ssub.s32 $0x2, s0;
	p0 =	por !p0, !p1  }
0x8: {  	s1 =	simm.s32 $0x1;
	s30 =	sshrl.u32 s0, $0x1;
	p0 =	por !p0, !p0  }
0x9: {  	s25 =	simm.s32 $0x11C00;
	s0 =	ssub.s32 s0, s30;
	s1 =	simm.s32 @!p0 $0x0  }
0xa: {  	s14 =	smax.u32 s0, $0x1;
	s1 =	ssub.s32 s2, s1;
	s2 =	simm.s32 $0x0  }
0xb: {  	s3 =	sshll.u32 s1, $0x10;
	[smem:$0x7FF] =	sst s2;
	s7 =	sshrl.u32 s1, $0x3  }
0xc: {  	s1 =	sshll.u32 s1, $0x7;
	s4 =	sor.u32 s4, s3;
	_ =	strace $0x80000047  }
0xd: {  	s3 =	simm.s32 $0x1;
	s1 =	sand.u32 $0x380, s1;
	s8 =	sshll.u32 s7, $0xC  }
0xe: {  	s7 =	sshll.u32 s7, $0xE;
	s4 =	sshrl.u32 s4, $0x3;
	s26 =	sor.u32 s6, s8  }
0xf: {  	s28 =	sor.u32 s1, s7;
	s10 =	sadd.s32 s4, s5;
	s1 =	sor.u32 s1, s26  }
0x10: {  	s29 =	sshrl.u32 s28, $0x3;
	s26 =	simm.s32 $0x0;
	s1 =	sshrl.u32 s1, $0x3  }
0x11: {  	v0 =	vlaneseq.u32;
	s4 =	sadd.s32 s5, s29;
	s8 =	sadd.s32 $0x3400, s10;
	s9 =	sadd.s32 $0x23400, s10  }
0x12: {  	v1 =	vimm.s32 $0x0;
	v2 =	vor.u32 $0x10, v0;
	s10 =	sadd.s32 $0x43400, s10;
	s1 =	sadd.s32 s1, s5;
	s31 =	sadd.s32 $0x2000, s4  }
0x13: {  	v3 =	vor.u32 $0x20, v0;
	v4 =	vor.u32 $0x30, v0;
	v5 =	vor.u32 $0x40, v0;
	s6 =	sadd.s32 $0x1000, s4;
	[dreg:$0x2] =	wrdreg s31;
	s7 =	sadd.s32 $0x3000, s1  }
0x14: {  	v6 =	vor.u32 $0x50, v0;
	v7 =	vor.u32 $0x60, v0;
	v8 =	vor.u32 $0x70, v0;
	s11 =	sadd.s32 $0x63400, s1;
	s12 =	sadd.s32 $0x63800, s1;
	s13 =	sadd.s32 $0x63C00, s1  }
.LBB2_1:
0x15: {  	[tilespmem:s2], [sflag:$0x1] =	stream.strided.gather [hbm4b:s4+s15], $0x800, s16, s15, $0x38;
	[tilespmem:$0x19C00] =	vst v63  }
0x16: {  	_ =	swait.ge [sflag:s3], $0x800  }
0x17: {  	[sflag:s3] =	ssyncset.done $0x0  }
0x18: {  	s0 =	rddreg [dreg:$0x2];
	[sflag:s3] =	ssyncadd.s32 $0xFFFFF800  }
0x19: {  	[tilespmem:s17], [sflag:$0x1] =	stream.strided.gather [hbm4b:s0+s15], $0x800, s16, s15, $0x38;
	[tilespmem:$0x19C00] =	vst v63  }
0x1a: {  	_ =	swait.ge [sflag:s3], $0x800  }
0x1b: {  	[sflag:s3] =	ssyncset.done $0x0  }
0x1c: {  	[sflag:s3] =	ssyncadd.s32 $0xFFFFF800  }
0x1d: {  	[tilespmem:s18], [sflag:$0x1] =	stream.strided.gather [hbm4b:s6+s15], $0x800, s16, s15, $0x38;
	[tilespmem:$0x19C00] =	vst v63  }
0x1e: {  	_ =	swait.ge [sflag:s3], $0x800  }
0x1f: {  	[sflag:s3] =	ssyncset.done $0x0  }
0x20: {  	s31 =	simm.s32 $0x1800;
	[sflag:s3] =	ssyncadd.s32 $0xFFFFF800  }
0x21: {  	[tilespmem:s31], [sflag:$0x1] =	stream.strided.gather [hbm4b:s7+s15], $0x100, s16, s15, $0x38;
	[tilespmem:$0x19C00] =	vst v63  }
0x22: {  	_ =	swait.ge [sflag:s3], $0x100  }
0x23: {  	[sflag:s3] =	ssyncset.done $0x0  }
0x24: {  	[sflag:s3] =	ssyncadd.s32 $0xFFFFFF00  }
0x25: {  	v9 =	vld [tilespmem:$0x1800];
	_ =	sdelay $0x7  }
0x26: {  	v10 =	vld.idx.msk [tilespmem:v9+s2+$0x0], $0xffff;
	_ =	sdelay $0x4  }
0x27: {  	[tilespmem:$0x1900] =	vst v10  }
0x28: {  	v10 =	vld.idx.msk [tilespmem:v9+s17+$0x0], $0xffff;
	_ =	sdelay $0x3  }
0x29: {  	v11 =	vld [tilespmem:$0x1810]  }
0x2a: {  	[tilespmem:$0x1A00] =	vst v10  }
0x2b: {  	v9 =	vld.idx.msk [tilespmem:v9+s18+$0x0], $0xffff;
	_ =	sdelay $0x4  }
0x2c: {  	[tilespmem:$0x1B00] =	vst v9  }
0x2d: {  	v9 =	vld.idx.msk [tilespmem:v11+s2+$0x0], $0xffff;
	_ =	sdelay $0x4  }
0x2e: {  	[tilespmem:$0x1910] =	vst v9  }
0x2f: {  	v9 =	vld.idx.msk [tilespmem:v11+s17+$0x0], $0xffff;
	_ =	sdelay $0x3  }
0x30: {  	v10 =	vld [tilespmem:$0x1820]  }
0x31: {  	[tilespmem:$0x1A10] =	vst v9  }
0x32: {  	v9 =	vld.idx.msk [tilespmem:v11+s18+$0x0], $0xffff;
	_ =	sdelay $0x4  }
0x33: {  	[tilespmem:$0x1B10] =	vst v9  }
0x34: {  	v9 =	vld.idx.msk [tilespmem:v10+s2+$0x0], $0xffff;
	_ =	sdelay $0x4  }
0x35: {  	[tilespmem:$0x1920] =	vst v9  }
0x36: {  	v9 =	vld.idx.msk [tilespmem:v10+s17+$0x0], $0xffff;
	_ =	sdelay $0x3  }
0x37: {  	v11 =	vld [tilespmem:$0x1830]  }
0x38: {  	[tilespmem:$0x1A20] =	vst v9  }
0x39: {  	v9 =	vld.idx.msk [tilespmem:v10+s18+$0x0], $0xffff;
	_ =	sdelay $0x4  }
0x3a: {  	[tilespmem:$0x1B20] =	vst v9  }
0x3b: {  	v9 =	vld.idx.msk [tilespmem:v11+s2+$0x0], $0xffff;
	_ =	sdelay $0x4  }
0x3c: {  	[tilespmem:$0x1930] =	vst v9  }
0x3d: {  	v9 =	vld.idx.msk [tilespmem:v11+s17+$0x0], $0xffff;
	_ =	sdelay $0x3  }
0x3e: {  	v10 =	vld [tilespmem:$0x1840]  }
0x3f: {  	[tilespmem:$0x1A30] =	vst v9  }
0x40: {  	v9 =	vld.idx.msk [tilespmem:v11+s18+$0x0], $0xffff;
	_ =	sdelay $0x4  }
0x41: {  	[tilespmem:$0x1B30] =	vst v9  }
0x42: {  	v9 =	vld.idx.msk [tilespmem:v10+s2+$0x0], $0xffff;
	_ =	sdelay $0x4  }
0x43: {  	[tilespmem:$0x1940] =	vst v9  }
0x44: {  	v9 =	vld.idx.msk [tilespmem:v10+s17+$0x0], $0xffff;
	_ =	sdelay $0x3  }
0x45: {  	v11 =	vld [tilespmem:$0x1850]  }
0x46: {  	[tilespmem:$0x1A40] =	vst v9  }
0x47: {  	v9 =	vld.idx.msk [tilespmem:v10+s18+$0x0], $0xffff;
	_ =	sdelay $0x4  }
0x48: {  	[tilespmem:$0x1B40] =	vst v9  }
0x49: {  	v9 =	vld.idx.msk [tilespmem:v11+s2+$0x0], $0xffff;
	_ =	sdelay $0x4  }
0x4a: {  	[tilespmem:$0x1950] =	vst v9  }
0x4b: {  	v9 =	vld.idx.msk [tilespmem:v11+s17+$0x0], $0xffff;
	_ =	sdelay $0x3  }
0x4c: {  	v10 =	vld [tilespmem:$0x1860]  }
0x4d: {  	[tilespmem:$0x1A50] =	vst v9  }
0x4e: {  	v9 =	vld.idx.msk [tilespmem:v11+s18+$0x0], $0xffff;
	_ =	sdelay $0x4  }
0x4f: {  	[tilespmem:$0x1B50] =	vst v9  }
0x50: {  	v9 =	vld.idx.msk [tilespmem:v10+s2+$0x0], $0xffff;
	_ =	sdelay $0x4  }
0x51: {  	[tilespmem:$0x1960] =	vst v9  }
0x52: {  	v9 =	vld.idx.msk [tilespmem:v10+s17+$0x0], $0xffff;
	_ =	sdelay $0x3  }
0x53: {  	v11 =	vld [tilespmem:$0x1870]  }
0x54: {  	[tilespmem:$0x1A60] =	vst v9  }
0x55: {  	v9 =	vld.idx.msk [tilespmem:v10+s18+$0x0], $0xffff;
	_ =	sdelay $0x4  }
0x56: {  	[tilespmem:$0x1B60] =	vst v9  }
0x57: {  	v9 =	vld.idx.msk [tilespmem:v11+s2+$0x0], $0xffff;
	_ =	sdelay $0x4  }
0x58: {  	[tilespmem:$0x1970] =	vst v9  }
0x59: {  	v9 =	vld.idx.msk [tilespmem:v11+s17+$0x0], $0xffff;
	_ =	sdelay $0x3  }
0x5a: {  	v10 =	vld [tilespmem:$0x1880]  }
0x5b: {  	[tilespmem:$0x1A70] =	vst v9  }
0x5c: {  	v9 =	vld.idx.msk [tilespmem:v11+s18+$0x0], $0xffff;
	_ =	sdelay $0x4  }
0x5d: {  	[tilespmem:$0x1B70] =	vst v9  }
0x5e: {  	v9 =	vld.idx.msk [tilespmem:v10+s2+$0x0], $0xffff;
	_ =	sdelay $0x4  }
0x5f: {  	[tilespmem:$0x1980] =	vst v9  }
0x60: {  	v9 =	vld.idx.msk [tilespmem:v10+s17+$0x0], $0xffff;
	_ =	sdelay $0x3  }
0x61: {  	v11 =	vld [tilespmem:$0x1890]  }
0x62: {  	[tilespmem:$0x1A80] =	vst v9  }
0x63: {  	v9 =	vld.idx.msk [tilespmem:v10+s18+$0x0], $0xffff;
	_ =	sdelay $0x4  }
0x64: {  	[tilespmem:$0x1B80] =	vst v9  }
0x65: {  	v9 =	vld.idx.msk [tilespmem:v11+s2+$0x0], $0xffff;
	_ =	sdelay $0x4  }
0x66: {  	[tilespmem:$0x1990] =	vst v9  }
0x67: {  	v9 =	vld.idx.msk [tilespmem:v11+s17+$0x0], $0xffff;
	_ =	sdelay $0x3  }
0x68: {  	v10 =	vld [tilespmem:$0x18A0]  }
0x69: {  	[tilespmem:$0x1A90] =	vst v9  }
0x6a: {  	v9 =	vld.idx.msk [tilespmem:v11+s18+$0x0], $0xffff;
	_ =	sdelay $0x4  }
0x6b: {  	[tilespmem:$0x1B90] =	vst v9  }
0x6c: {  	v9 =	vld.idx.msk [tilespmem:v10+s2+$0x0], $0xffff;
	_ =	sdelay $0x4  }
0x6d: {  	[tilespmem:$0x19A0] =	vst v9  }
0x6e: {  	v9 =	vld.idx.msk [tilespmem:v10+s17+$0x0], $0xffff;
	_ =	sdelay $0x3  }
0x6f: {  	v11 =	vld [tilespmem:$0x18B0]  }
0x70: {  	[tilespmem:$0x1AA0] =	vst v9  }
0x71: {  	v9 =	vld.idx.msk [tilespmem:v10+s18+$0x0], $0xffff;
	_ =	sdelay $0x4  }
0x72: {  	[tilespmem:$0x1BA0] =	vst v9  }
0x73: {  	v9 =	vld.idx.msk [tilespmem:v11+s2+$0x0], $0xffff;
	_ =	sdelay $0x4  }
0x74: {  	[tilespmem:$0x19B0] =	vst v9  }
0x75: {  	v9 =	vld.idx.msk [tilespmem:v11+s17+$0x0], $0xffff;
	_ =	sdelay $0x3  }
0x76: {  	v10 =	vld [tilespmem:$0x18C0]  }
0x77: {  	[tilespmem:$0x1AB0] =	vst v9  }
0x78: {  	v9 =	vld.idx.msk [tilespmem:v11+s18+$0x0], $0xffff;
	_ =	sdelay $0x4  }
0x79: {  	[tilespmem:$0x1BB0] =	vst v9  }
0x7a: {  	v9 =	vld.idx.msk [tilespmem:v10+s2+$0x0], $0xffff;
	_ =	sdelay $0x4  }
0x7b: {  	[tilespmem:$0x19C0] =	vst v9  }
0x7c: {  	v9 =	vld.idx.msk [tilespmem:v10+s17+$0x0], $0xffff;
	_ =	sdelay $0x3  }
0x7d: {  	v11 =	vld [tilespmem:$0x18D0]  }
0x7e: {  	[tilespmem:$0x1AC0] =	vst v9  }
0x7f: {  	v9 =	vld.idx.msk [tilespmem:v10+s18+$0x0], $0xffff;
	_ =	sdelay $0x4  }
0x80: {  	[tilespmem:$0x1BC0] =	vst v9  }
0x81: {  	v9 =	vld.idx.msk [tilespmem:v11+s2+$0x0], $0xffff;
	_ =	sdelay $0x4  }
0x82: {  	[tilespmem:$0x19D0] =	vst v9  }
0x83: {  	v9 =	vld.idx.msk [tilespmem:v11+s17+$0x0], $0xffff;
	_ =	sdelay $0x3  }
0x84: {  	v10 =	vld [tilespmem:$0x18E0]  }
0x85: {  	[tilespmem:$0x1AD0] =	vst v9  }
0x86: {  	v9 =	vld.idx.msk [tilespmem:v11+s18+$0x0], $0xffff;
	_ =	sdelay $0x4  }
0x87: {  	[tilespmem:$0x1BD0] =	vst v9  }
0x88: {  	v9 =	vld.idx.msk [tilespmem:v10+s2+$0x0], $0xffff;
	_ =	sdelay $0x4  }
0x89: {  	[tilespmem:$0x19E0] =	vst v9  }
0x8a: {  	v9 =	vld.idx.msk [tilespmem:v10+s17+$0x0], $0xffff;
	_ =	sdelay $0x3  }
0x8b: {  	v11 =	vld [tilespmem:$0x18F0]  }
0x8c: {  	[tilespmem:$0x1AE0] =	vst v9  }
0x8d: {  	v9 =	vld.idx.msk [tilespmem:v10+s18+$0x0], $0xffff;
	_ =	sdelay $0x4  }
0x8e: {  	[tilespmem:$0x1BE0] =	vst v9  }
0x8f: {  	v9 =	vld.idx.msk [tilespmem:v11+s2+$0x0], $0xffff;
	_ =	sdelay $0x4  }
0x90: {  	[tilespmem:$0x19F0] =	vst v9  }
0x91: {  	v9 =	vld.idx.msk [tilespmem:v11+s17+$0x0], $0xffff;
	_ =	sdelay $0x4  }
0x92: {  	[tilespmem:$0x1AF0] =	vst v9  }
0x93: {  	v9 =	vld.idx.msk [tilespmem:v11+s18+$0x0], $0xffff;
	_ =	sdelay $0x4  }
0x94: {  	s28 =	simm.s32 $0x0;
	[tilespmem:$0x1BF0] =	vst v9  }
.LBB2_2:
0x95: {  	v9 =	vmov s28  }
0x96: {  	s31 =	simm.s32 $0x0  }
0x97: {  	v10 =	vor.u32 s31, v0;
	_ =	sdelay $0x2  }
0x98: {  	v11 =	vld.idx.msk [tilespmem:v9+s20+$0x0], $0xffff  }
0x99: {  	v12 =	vld.idx.msk [tilespmem:v9+s21+$0x0], $0xffff  }
0x9a: {  	v14 =	vld.idx.msk [tilespmem:v10+s2+$0x0], $0xffff  }
0x9b: {  	v15 =	vld.idx.msk [tilespmem:v10+s17+$0x0], $0xffff  }
0x9c: {  	v13 =	vld.idx.msk [tilespmem:v9+s22+$0x0], $0xffff  }
0x9d: {  	v16 =	vld.idx.msk [tilespmem:v10+s18+$0x0], $0xffff;
	_ =	sdelay $0x2  }
0x9e: {  	v14 =	vsub.f32 v14, v11;
	v15 =	vsub.f32 v15, v12;
	_ =	sdelay $0x1  }
0x9f: {  	v16 =	vsub.f32 v16, v13;
	v14 =	vmul.f32 v14, v14;
	v15 =	vmul.f32 v15, v15;
	_ =	sdelay $0x1  }
0xa0: {  	v14 =	vadd.f32 v15, v14;
	v15 =	vmul.f32 v16, v16;
	_ =	sdelay $0x1  }
0xa1: {  	v14 =	vadd.f32 v15, v14;
	_ =	sdelay $0x1  }
0xa2: {  	vm0 =	vle.f32 v14, $1.599999960e-01  }
0xa3: {  	v15 =	vsel vm0, $0x1, v1  }
0xa4: {  	(xrf0) =	vadd.scan.msk.s32 $0xffff, v15;
	_ =	sdelay $0x5  }
0xa5: {  	v15, _, _ =	vpop (xrf0)  }
0xa6: {  	v16 =	vxor.u32 $0x80000000, v15  }
0xa7: {  	(xrf0) =	vmax.scan.msk.u32 $0xffff, v16;
	_ =	sdelay $0x5  }
0xa8: {  	v16, _, _ =	vpop (xrf0)  }
0xa9: {  	(v2sf) =	vpush v16, $0xF;
	_ =	sdelay $0xe  }
0xaa: {  	s0 =	spop (v2sf)  }
0xab: {  	s0 =	sxor.u32 $0x80000000, s0  }
0xac: {  	p0 =	slt.s32 s0, $0x1  }
0xad: {  	vm1 =	vle.f32 @!p0 v14, $9.999999770e-03;
	v16 =	vimm.s32 @!p0 $0x0  }
0xae: {  	vm0 =	vle.f32 @!p0 v14, $3.999999910e-02;
	v17 =	vsel @!p0 vm1, $0x1, v16  }
0xaf: {  	s29 =	simm.s32 $0x10;
	s1 =	sadd.s32 @!p0 $0x0, s0;
	v16 =	vsel @!p0 vm0, $0x1, v16;
	(xrf0) =	vadd.scan.msk.s32 @!p0 $0xffff, v17  }
0xb0: {  	s30 =	simm.s32 $0x0;
	v9 =	vshll.u32 v9, $0x7;
	s0 =	simm.s32 $0x0;
	s1 =	smov.u32 @p0 s31;
	(xrf0) =	vadd.scan.msk.s32 @!p0 $0xffff, v16  }
.LBB2_3:
0xb1: {  	s19 =	smov.u32 s0;
	s0 =	smov.u32 s31;
	s5 =	smov.u32 s1  }
0xb2: {  	v16 =	vmov @!p0 s30;
	s1 =	smov.u32 s29;
	s29 =	sadd.s32 $0x10, s29;
	s30 =	smov.u32 s5  }
0xb3: {  	p1 =	sne.s32 s29, $0x800;
	v16 =	vadd.s32 @!p0 $0xFFFFFFFF, v16  }
0xb4: {  	v17 =	vmov @!p0 s31;
	v18 =	vmov @!p0 s19;
	v19 =	vbroadcast @!p0 v16, $0x0  }
0xb5: {  	v17 =	vadd.s32 @!p0 $0xFFFFFFFF, v17;
	v18 =	vadd.s32 @!p0 $0xFFFFFFFF, v18  }
0xb6: {  	v17 =	vbroadcast @!p0 v17, $0x0;
	v18 =	vbroadcast @!p0 v18, $0x0;
	v15 =	vadd.s32 @!p0 v15, v19;
	v16, _, _ =	vpop @!p0 (xrf0)  }
0xb7: {  	vm2 =	vle.f32 @!p0 v14, $1.599999960e-01;
	v19 =	vand.u32 @!p0 $0x7F, v15;
	v14 =	vxor.u32 @!p0 $0x80000000, v16;
	v20, _, _ =	vpop @!p0 (xrf0)  }
0xb8: {  	vm3 =	vlt.s32 @!p0 v15, $0x80;
	v16 =	vadd.s32 @!p0 v16, v17;
	v17 =	vadd.s32 @!p0 v20, v18;
	(xrf0) =	vmax.scan.msk.u32 @!p0 $0xffff, v14  }
0xb9: {  	v15 =	vand.u32 @!p0 $0xFFFFFF80, v15;
	v14 =	vand.u32 @!p0 $0x7F, v16;
	v18 =	vand.u32 @!p0 $0x7F, v17  }
0xba: {  	vm4 =	vlt.s32 @!p0 v16, $0x10;
	v16 =	vand.u32 @!p0 $0xFFFFFF80, v16;
	vm5 =	vlt.s32 @!p0 v17, $0x20  }
0xbb: {  	vm1 =	vmand @!p0 vm1, vm4;
	v16 =	vadd.s32 @!p0 v9, v16;
	v17 =	vand.u32 @!p0 $0xFFFFFF80, v17  }
0xbc: {  	v14 =	vor.u32 @!p0 v14, v16;
	vm0 =	vmand @!p0 vm0, vm5;
	v16 =	vadd.s32 @!p0 v9, v17  }
0xbd: {  	vm2 =	vmand @!p0 vm2, vm3;
	v15 =	vadd.s32 @!p0 v9, v15;
	v16 =	vor.u32 @!p0 v18, v16  }
0xbe: {  	v15 =	vor.u32 @!p0 v19, v15;
	v17 =	vxor.u32 @!p0 $0x80000000, v20;
	v18, _, _ =	vpop @!p0 (xrf0)  }
0xbf: {  	v19 =	vor.u32 s1, v0;
	(v2sf) =	vpush @!p0 v18, $0xF;
	(xrf0) =	vmax.scan.msk.u32 @!p0 $0xffff, v17  }
0xc0: {  	s1 =	simm.s32 @!p0 $0x1C00  }
0xc1: {  	[tilespmem:v14+s1+$0x0] =	vst.idx.msk @!p0 vm1, v10;
	s1 =	simm.s32 @!p0 $0x9C00  }
0xc2: {  	[tilespmem:v16+s1+$0x0] =	vst.idx.msk @!p0 vm0, v10;
	s1 =	simm.s32 @!p0 $0x11C00  }
0xc3: {  	[tilespmem:v15+s1+$0x0] =	vst.idx.msk @!p0 vm2, v10;
	v10 =	vmov v19  }
0xc4: {  	v14 =	vld.idx.msk [tilespmem:v19+s2+$0x0], $0xffff  }
0xc5: {  	v15 =	vld.idx.msk [tilespmem:v19+s17+$0x0], $0xffff;
	v16, _, _ =	vpop @!p0 (xrf0)  }
0xc6: {  	v17 =	vld.idx.msk [tilespmem:v19+s18+$0x0], $0xffff;
	(v2sf) =	vpush @!p0 v16, $0xF;
	_ =	sdelay $0x4  }
0xc7: {  	v14 =	vsub.f32 v14, v11;
	v15 =	vsub.f32 v15, v12;
	_ =	sdelay $0x1  }
0xc8: {  	v16 =	vsub.f32 v17, v13;
	v14 =	vmul.f32 v14, v14;
	v15 =	vmul.f32 v15, v15  }
0xc9: {  	s1 =	spop @!p0 (v2sf)  }
0xca: {  	v14 =	vadd.f32 v15, v14;
	v15 =	vmul.f32 v16, v16;
	s1 =	sadd.s32 @!p0 s1, s31  }
0xcb: {  	s31 =	sadd.s32 @!p0 $0x80000000, s1  }
0xcc: {  	v14 =	vadd.f32 v15, v14;
	s31 =	smov.u32 @p0 s0;
	_ =	sdelay $0x1  }
0xcd: {  	vm0 =	vle.f32 v14, $1.599999960e-01  }
0xce: {  	v15 =	vsel vm0, $0x1, v1  }
0xcf: {  	(xrf0) =	vadd.scan.msk.s32 $0xffff, v15;
	s0 =	spop @!p0 (v2sf)  }
0xd0: {  	s0 =	sadd.s32 @!p0 s0, s19  }
0xd1: {  	s0 =	sadd.s32 @!p0 $0x80000000, s0  }
0xd2: {  	s0 =	smov.u32 @p0 s19;
	_ =	sdelay $0x2  }
0xd3: {  	v15, _, _ =	vpop (xrf0)  }
0xd4: {  	v16 =	vxor.u32 $0x80000000, v15  }
0xd5: {  	(xrf0) =	vmax.scan.msk.u32 $0xffff, v16;
	_ =	sdelay $0x5  }
0xd6: {  	v16, _, _ =	vpop (xrf0)  }
0xd7: {  	(v2sf) =	vpush v16, $0xF;
	_ =	sdelay $0xe  }
0xd8: {  	s1 =	spop (v2sf)  }
0xd9: {  	s1 =	sxor.u32 $0x80000000, s1  }
.Ltmp0:
0xda: {  	p0 =	slt.s32 s1, $0x1;
	(pc) =	sbr.rel @p1 .LBB2_3-.Ltmp0, $4  }
0xdb: {  	vm1 =	vle.f32 @!p0 v14, $9.999999770e-03;
	v16 =	vimm.s32 @!p0 $0x0;
	s1 =	sadd.s32 @!p0 s5, s1  }
0xdc: {  	vm0 =	vle.f32 @!p0 v14, $3.999999910e-02;
	v17 =	vsel @!p0 vm1, $0x1, v16;
	s1 =	smov.u32 @p0 s5  }
0xdd: {  	v16 =	vsel @!p0 vm0, $0x1, v16;
	(xrf0) =	vadd.scan.msk.s32 @!p0 $0xffff, v17  }
0xde: {  	(xrf0) =	vadd.scan.msk.s32 @!p0 $0xffff, v16  }
0xdf: {  	_ =	sdelay $0x3  }
0xe0: {  	v11, _, _ =	vpop @!p0 (xrf0)  }
0xe1: {  	v12 =	vxor.u32 @!p0 $0x80000000, v11  }
0xe2: {  	(xrf0) =	vmax.scan.msk.u32 @!p0 $0xffff, v12;
	_ =	sdelay $0x4  }
0xe3: {  	v17 =	vmov @!p0 s31;
	v13, _, _ =	vpop @!p0 (xrf0)  }
0xe4: {  	v17 =	vadd.s32 @!p0 $0xFFFFFFFF, v17;
	v16, _, _ =	vpop @!p0 (xrf0)  }
0xe5: {  	v17 =	vbroadcast @!p0 v17, $0x0;
	(v2sf) =	vpush @!p0 v16, $0xF;
	v16 =	vxor.u32 @!p0 $0x80000000, v13  }
0xe6: {  	v12 =	vmov @!p0 s30;
	(xrf0) =	vmax.scan.msk.u32 @!p0 $0xffff, v16  }
0xe7: {  	v11 =	vadd.s32 @!p0 v11, v17;
	v12 =	vadd.s32 @!p0 $0xFFFFFFFF, v12;
	v16 =	vmov @!p0 s0  }
0xe8: {  	vm4 =	vlt.s32 @!p0 v11, $0x10;
	v12 =	vbroadcast @!p0 v12, $0x0;
	v16 =	vadd.s32 @!p0 $0xFFFFFFFF, v16  }
0xe9: {  	vm2 =	vle.f32 @!p0 v14, $1.599999960e-01;
	vm1 =	vmand @!p0 vm1, vm4;
	v16 =	vbroadcast @!p0 v16, $0x0  }
0xea: {  	v12 =	vadd.s32 @!p0 v15, v12;
	v15 =	vand.u32 @!p0 $0x7F, v11;
	v11 =	vand.u32 @!p0 $0xFFFFFF80, v11  }
0xeb: {  	v14 =	vand.u32 @!p0 $0x7F, v12;
	vm3 =	vlt.s32 @!p0 v12, $0x80;
	v13 =	vadd.s32 @!p0 v13, v16  }
0xec: {  	v12 =	vand.u32 @!p0 $0xFFFFFF80, v12;
	v11 =	vadd.s32 @!p0 v9, v11;
	v16 =	vand.u32 @!p0 $0x7F, v13;
	v17, _, _ =	vpop @!p0 (xrf0)  }
0xed: {  	vm5 =	vlt.s32 @!p0 v13, $0x20;
	v13 =	vand.u32 @!p0 $0xFFFFFF80, v13;
	(v2sf) =	vpush @!p0 v17, $0xF  }
0xee: {  	v11 =	vor.u32 @!p0 v15, v11;
	vm0 =	vmand @!p0 vm0, vm5;
	v13 =	vadd.s32 @!p0 v9, v13  }
0xef: {  	vm2 =	vmand @!p0 vm2, vm3;
	v12 =	vadd.s32 @!p0 v9, v12;
	v13 =	vor.u32 @!p0 v16, v13  }
0xf0: {  	v12 =	vor.u32 @!p0 v14, v12;
	_ =	sdelay $0x1  }
0xf1: {  	s5 =	simm.s32 @!p0 $0x1C00;
	v54 =	vor.u32 v0, v9  }
0xf2: {  	[tilespmem:v11+s5+$0x0] =	vst.idx.msk @!p0 vm1, v10;
	s5 =	simm.s32 @!p0 $0x9C00  }
0xf3: {  	[tilespmem:v13+s5+$0x0] =	vst.idx.msk @!p0 vm0, v10;
	s5 =	simm.s32 @!p0 $0x11C00;
	s19 =	spop @!p0 (v2sf)  }
0xf4: {  	[tilespmem:v12+s5+$0x0] =	vst.idx.msk @!p0 vm2, v10;
	s5 =	sadd.s32 @!p0 s19, s31  }
0xf5: {  	v10 =	vld.idx.msk [tilespmem:v9+s23+$0x0], $0xffff;
	s5 =	sadd.s32 @!p0 $0x80000000, s5  }
0xf6: {  	v11 =	vld.idx.msk [tilespmem:v54+s23+$0x0], $0xffff;
	s5 =	smov.u32 @p0 s31  }
0xf7: {  	p1 =	slt.s32 s5, $0x10  }
0xf8: {  	s5 =	simm.s32 @!p1 $0x10  }
0xf9: {  	v55 =	vmov s5  }
0xfa: {  	vm5 =	vgt.s32 v55, v0  }
0xfb: {  	s5 =	spop @!p0 (v2sf);
	v10 =	vsel vm5, v11, v10  }
0xfc: {  	s5 =	sadd.s32 @!p0 s5, s0;
	[tilespmem:v54+s23+$0x0] =	vst.idx.msk $0xffff, v10  }
0xfd: {  	s5 =	sadd.s32 @!p0 $0x80000000, s5;
	v10 =	vld.idx.msk [tilespmem:v9+s24+$0x0], $0xffff  }
0xfe: {  	v11 =	vld.idx.msk [tilespmem:v54+s24+$0x0], $0xffff;
	s5 =	smov.u32 @p0 s0  }
0xff: {  	p0 =	slt.s32 s5, $0x20  }
0x100: {  	v56 =	vor.u32 v2, v9;
	s5 =	simm.s32 @!p0 $0x20  }
0x101: {  	v57 =	vmov s5  }
0x102: {  	vm6 =	vgt.s32 v57, v0  }
0x103: {  	v11 =	vsel vm6, v11, v10  }
0x104: {  	[tilespmem:v54+s24+$0x0] =	vst.idx.msk $0xffff, v11  }
0x105: {  	v11 =	vld.idx.msk [tilespmem:v56+s24+$0x0], $0xffff;
	_ =	sdelay $0x3  }
0x106: {  	vm7 =	vgt.s32 v57, v2  }
0x107: {  	v10 =	vsel vm7, v11, v10  }
0x108: {  	[tilespmem:v56+s24+$0x0] =	vst.idx.msk $0xffff, v10  }
0x109: {  	v10 =	vld.idx.msk [tilespmem:v9+s25+$0x0], $0xffff  }
0x10a: {  	v11 =	vld.idx.msk [tilespmem:v54+s25+$0x0], $0xffff  }
0x10b: {  	p0 =	slt.s32 s1, $0x80  }
0x10c: {  	s1 =	simm.s32 @!p0 $0x80  }
0x10d: {  	v58 =	vmov s1  }
0x10e: {  	vm8 =	vgt.s32 v58, v0  }
0x10f: {  	v11 =	vsel vm8, v11, v10  }
0x110: {  	[tilespmem:v54+s25+$0x0] =	vst.idx.msk $0xffff, v11  }
0x111: {  	v11 =	vld.idx.msk [tilespmem:v56+s25+$0x0], $0xffff;
	_ =	sdelay $0x1  }
0x112: {  	v59 =	vor.u32 v3, v9;
	_ =	sdelay $0x1  }
0x113: {  	vm9 =	vgt.s32 v58, v2  }
0x114: {  	v11 =	vsel vm9, v11, v10  }
0x115: {  	[tilespmem:v56+s25+$0x0] =	vst.idx.msk $0xffff, v11  }
0x116: {  	v11 =	vld.idx.msk [tilespmem:v59+s25+$0x0], $0xffff;
	_ =	sdelay $0x1  }
0x117: {  	v60 =	vor.u32 v4, v9;
	_ =	sdelay $0x1  }
0x118: {  	vm10 =	vgt.s32 v58, v3  }
0x119: {  	v11 =	vsel vm10, v11, v10  }
0x11a: {  	[tilespmem:v59+s25+$0x0] =	vst.idx.msk $0xffff, v11  }
0x11b: {  	v11 =	vld.idx.msk [tilespmem:v60+s25+$0x0], $0xffff;
	_ =	sdelay $0x1  }
0x11c: {  	v61 =	vor.u32 v5, v9;
	_ =	sdelay $0x1  }
0x11d: {  	vm11 =	vgt.s32 v58, v4  }
0x11e: {  	v11 =	vsel vm11, v11, v10  }
0x11f: {  	[tilespmem:v60+s25+$0x0] =	vst.idx.msk $0xffff, v11  }
0x120: {  	v11 =	vld.idx.msk [tilespmem:v61+s25+$0x0], $0xffff;
	_ =	sdelay $0x1  }
0x121: {  	v62 =	vor.u32 v6, v9;
	_ =	sdelay $0x1  }
0x122: {  	vm12 =	vgt.s32 v58, v5  }
0x123: {  	v11 =	vsel vm12, v11, v10  }
0x124: {  	[tilespmem:v61+s25+$0x0] =	vst.idx.msk $0xffff, v11  }
0x125: {  	v11 =	vld.idx.msk [tilespmem:v62+s25+$0x0], $0xffff;
	_ =	sdelay $0x1  }
0x126: {  	v63 =	vor.u32 v7, v9;
	_ =	sdelay $0x1  }
0x127: {  	vm13 =	vgt.s32 v58, v6  }
0x128: {  	v11 =	vsel vm13, v11, v10  }
0x129: {  	[tilespmem:v62+s25+$0x0] =	vst.idx.msk $0xffff, v11  }
0x12a: {  	v11 =	vld.idx.msk [tilespmem:v63+s25+$0x0], $0xffff;
	_ =	sdelay $0x1  }
0x12b: {  	v9 =	vor.u32 v8, v9;
	_ =	sdelay $0x1  }
0x12c: {  	vm14 =	vgt.s32 v58, v7  }
0x12d: {  	v11 =	vsel vm14, v11, v10  }
0x12e: {  	[tilespmem:v63+s25+$0x0] =	vst.idx.msk $0xffff, v11  }
0x12f: {  	s28 =	sadd.s32 $0x1, s28;
	v11 =	vld.idx.msk [tilespmem:v9+s25+$0x0], $0xffff  }
0x130: {  	p0 =	sne.s32 s28, $0x100  }
.Ltmp1:
0x131: {  	_ = 	snop;
	(pc) =	sbr.rel @p0 .LBB2_2-.Ltmp1, $4  }
0x132: {  	_ = 	snop  }
0x133: {  	vm15 =	vgt.s32 v58, v8  }
0x134: {  	v10 =	vsel vm15, v11, v10  }
0x135: {  	[tilespmem:v9+s25+$0x0] =	vst.idx.msk $0xffff, v10  }
0x136: {  	[hbm4b:s8+s2] =	stream.linear.scatter [tilespmem:s23], [sflag:$0x1], $0x8000, $0x38;
	[tilespmem:$0x19C00] =	vst v63  }
0x137: {  	_ =	swait.ge [sflag:s3], $0x8000  }
0x138: {  	[sflag:s3] =	ssyncset.done $0x0  }
0x139: {  	[sflag:s3] =	ssyncadd.s32 $0xFFFF8000  }
0x13a: {  	[hbm4b:s9+s2] =	stream.linear.scatter [tilespmem:s24], [sflag:$0x1], $0x8000, $0x38;
	[tilespmem:$0x19C00] =	vst v63  }
0x13b: {  	_ =	swait.ge [sflag:s3], $0x8000  }
0x13c: {  	[sflag:s3] =	ssyncset.done $0x0  }
0x13d: {  	[sflag:s3] =	ssyncadd.s32 $0xFFFF8000  }
0x13e: {  	[hbm4b:s10+s2] =	stream.linear.scatter [tilespmem:s25], [sflag:$0x1], $0x8000, $0x38;
	[tilespmem:$0x19C00] =	vst v63  }
0x13f: {  	_ =	swait.ge [sflag:s3], $0x8000  }
0x140: {  	[sflag:s3] =	ssyncset.done $0x0  }
0x141: {  	[sflag:s3] =	ssyncadd.s32 $0xFFFF8000  }
0x142: {  	[hbm4b:s11+s15] =	stream.strided.scatter [tilespmem:s20], [sflag:$0x1], $0x100, s16, s15, $0x38;
	[tilespmem:$0x19C00] =	vst v63  }
0x143: {  	_ =	swait.ge [sflag:s3], $0x100  }
0x144: {  	[sflag:s3] =	ssyncset.done $0x0  }
0x145: {  	[sflag:s3] =	ssyncadd.s32 $0xFFFFFF00  }
0x146: {  	[hbm4b:s12+s15] =	stream.strided.scatter [tilespmem:s21], [sflag:$0x1], $0x100, s16, s15, $0x38;
	[tilespmem:$0x19C00] =	vst v63  }
0x147: {  	s26 =	sadd.s32 $0x1, s26;
	_ =	swait.ge [sflag:s3], $0x100  }
0x148: {  	p0 =	sne.s32 s26, s14;
	[sflag:s3] =	ssyncset.done $0x0  }
.Ltmp2:
0x149: {  	[sflag:s3] =	ssyncadd.s32 $0xFFFFFF00;
	(pc) =	sbr.rel @p0 .LBB2_1-.Ltmp2, $4  }
0x14a: {  	[hbm4b:s13+s15] =	stream.strided.scatter [tilespmem:s22], [sflag:$0x1], $0x100, s16, s15, $0x38;
	[tilespmem:$0x19C00] =	vst v63  }
0x14b: {  	_ =	swait.ge [sflag:s3], $0x100  }
0x14c: {  	[sflag:s3] =	ssyncset.done $0x0  }
0x14d: {  	[sflag:s3] =	ssyncadd.s32 $0xFFFFFF00  }
0x14e: {  	_ =	sfence.sel $0x180000  }
0x14f: {  	[bflag:$0x0] =	sbarrier.arrive $0xFFFF  }
0x150: {  	_ =	strace $0x90000047  }
0x151: {  	s0 =	stileid.u32;
	[bflag:$0x2] =	sbarrier.arrive $0xFFFF  }
0x152: {  	p0 =	sne.s32 s0, $0x0;
	s0 =	rddreg [dreg:$0x1]  }
0x153: {  	s0 =	sadd.s32 @!p0 $0x100000, s0  }
0x154: {  	[sflag:s0] =	ssyncadd.tile.s32 @!p0 $0x1;
	_ =	shalt  }
.Lfunc_end2:
_tile_overlayer_lowered:
.L_overlay_start_2:
0x155: {  	(tag) =	ssettag $0x2  }
0x156: {  	s0 =	rddreg [dreg:$0x0];
	s2 =	stileid.u32  }
0x157: {  	s1 =	rddreg [dreg:$0x1];
	p0 =	sne.s32 s2, $0x0  }
0x158: {  	s3 =	rddreg [dreg:$0x2];
	[bflag:$0x3] =	sbarrier.arrive $0xFFFF;
	s2 =	simm.s32 @!p0 $0x1C01  }
0x159: {  	[timem:s3], [sflag:s2] =	dma.local @!p0 [hbm:s0], s1  }
0x15a: {  	s0 =	simm.s32 @!p0 $0x1  }
0x15b: {  	_ =	swait.ge @!p0 [sflag:s0], s1  }
0x15c: {  	s1 =	ssub.s32 @!p0 $0x0, s1;
	[sflag:s0] =	ssyncset.done @!p0 $0x0  }
0x15d: {  	[sflag:s0] =	ssyncadd.s32 @!p0 s1  }
0x15e: {  	[bflag:$0x3] =	sbarrier.arrive $0xFFFF  }
0x15f: {  	_ =	shalt  }

// kernel: kernel.17.cloned.1.call-start
scs
__scs_entry_jumppad:
0x0: {  	(pc) =	sbr.rel $0x88, $3  }
0x1: {  	(tag) =	ssettag $0x0;
	lr =	simm.s32 $0x1  }
0x2: {  	[smem:$0x3F70] =	sst lr;
	_ =	strace $0xD0000000  }
0x3: {  	_ = 	snop  }
0x4: {  	_ = 	snop  }
0x5: {  	_ = 	snop  }
0x6: {  	_ = 	snop  }
0x7: {  	_ = 	snop  }
__scs_overlays_trampoline_lowered:
0x8: {  	[smem:$0x3F7F] =	sst s0  }
0x9: {  	[smem:$0x3F80] =	sst s1  }
0xa: {  	[smem:$0x3F81] =	sst s2  }
0xb: {  	[smem:$0x3F82] =	sst s3  }
0xc: {  	[smem:$0x3F83] =	sst s4  }
0xd: {  	[smem:$0x3F84] =	sst s5  }
0xe: {  	[smem:$0x3F85] =	sst s6  }
0xf: {  	[smem:$0x3F86] =	sst s7  }
0x10: {  	[smem:$0x3F87] =	sst s8  }
0x11: {  	[smem:$0x3F88] =	sst s9;
	s0 =	simm.s32 @!p0 $0x0  }
0x12: {  	s1 =	sld [smem:$0x3F6E];
	s0 =	simm.s32 @p0 $0x1  }
0x13: {  	[smem:$0x3F89] =	sst s0;
	s0 =	simm.s32 @!p1 $0x0  }
0x14: {  	s2 =	sld [smem:$0x3F6D];
	s0 =	simm.s32 @p1 $0x1  }
0x15: {  	[smem:$0x3F8A] =	sst s0;
	s0 =	simm.s32 @!p2 $0x0  }
0x16: {  	s3 =	sld [smem:$0x3FDB];
	s0 =	simm.s32 @p2 $0x1  }
0x17: {  	s4 =	simm.s32 $0x1BF5;
	[smem:$0x3F8C] =	sst s0  }
0x18: {  	s0 =	sld [smem:$0x3F6F];
	_ =	swait.ge [sflag:s4], $0x0  }
0x19: {  	s7 =	sld [smem:$0x3F70]  }
0x1a: {  	s8 =	sadd.s32 $0xFFFFE003, lr  }
0x1b: {  	s9 =	sadd.s32 $0xFFFFFEF7, lr;
	s5 =	simm.s32 $0xFFFFFFFF;
	p2 =	slt.u32 s8, $0xFFFFF086  }
0x1c: {  	p1 =	slt.u32 s9, $0xF7A;
	s5 =	simm.s32 @!p2 $0x0  }
0x1d: {  	s5 =	simm.s32 @p1 $0x1;
	p0 =	seq.s32 s7, s2  }
0x1e: {  	s7 =	smul.u32 @!p0 $0xF7A, s2;
	p2 =	seq.s32 @!p0 s5, $0x0  }
0x1f: {  	s9 =	smul.u32 $0xF7A, s1;
	s8 =	simm.s32 @!p0 $0x1BF5;
	p2 =	por !p2, p0  }
0x20: {  	[sflag:s8] =	ssyncset.s32 @!p0 $0xFFFFF086;
	s6 =	sadd.s32 @!p0 s3, s7;
	s7 =	simm.s32 @!p0 $0x108  }
0x21: {  	s3 =	sadd.s32 s3, s9;
	s6 =	sadd.s32 @!p0 $0x88, s6;
	s7 =	simm.s32 @p2 $0x1082  }
0x22: {  	[simem:s7], [sflag:s8] =	dma.local @!p0 [hbm:s6], $0xF7A  }
0x23: {  	s9 =	sor.u32 $0xD0000000, s2;
	s6 =	simm.s32 $0x108;
	_ =	swait.ge @!p0 [sflag:s8], $0x0  }
0x24: {  	s3 =	sadd.s32 $0x88, s3;
	s6 =	simm.s32 @!p1 $0x1082;
	[sflag:s4] =	ssyncset.s32 $0xFFFFF086  }
0x25: {  	[simem:s6], [sflag:s4] =	dma.local [hbm:s3], $0xF7A  }
0x26: {  	[smem:$0x3F70] =	sst s1;
	(tag) =	ssettag s2;
	_ =	strace s9  }
0x27: {  	s1 =	sld [smem:$0x3F80]  }
0x28: {  	s2 =	sld [smem:$0x3F81]  }
0x29: {  	s4 =	sld [smem:$0x3F83]  }
0x2a: {  	p0 =	seq.s32 s5, $0x0;
	s5 =	sld [smem:$0x3F84]  }
0x2b: {  	s6 =	sld [smem:$0x3F85]  }
0x2c: {  	s7 =	sld [smem:$0x3F86]  }
0x2d: {  	s3 =	simm.s32 $0x108;
	s8 =	sld [smem:$0x3F87]  }
0x2e: {  	s3 =	simm.s32 @!p0 $0x1082;
	s9 =	sld [smem:$0x3F88]  }
0x2f: {  	lr =	sadd.s32 s0, s3;
	s0 =	sld [smem:$0x3F7F]  }
0x30: {  	s3 =	sld [smem:$0x3F82]  }
0x31: {  	[smem:$0x3F8B] =	sst s10  }
0x32: {  	s10 =	sld [smem:$0x3F89];
	_ =	sdelay $0x3  }
0x33: {  	p0 =	seq.s32 s10, $0x1;
	s10 =	sld [smem:$0x3F8B];
	_ =	sdelay $0x3  }
0x34: {  	[smem:$0x3F8B] =	sst s10  }
0x35: {  	s10 =	sld [smem:$0x3F8A];
	_ =	sdelay $0x3  }
0x36: {  	p1 =	seq.s32 s10, $0x1;
	s10 =	sld [smem:$0x3F8B];
	_ =	sdelay $0x3  }
0x37: {  	[smem:$0x3F8B] =	sst s10  }
0x38: {  	s10 =	sld [smem:$0x3F8C]  }
0x39: {  	_ = 	snop;
	(pc) =	sbr.ind lr, $3  }
0x3a: {  	_ = 	snop  }
0x3b: {  	_ = 	snop  }
0x3c: {  	p2 =	seq.s32 s10, $0x1;
	s10 =	sld [smem:$0x3F8B]  }
0x3d: {  	_ =	shalt  }
0x3e: {  	_ =	shalt  }
0x3f: {  	_ =	shalt  }
0x40: {  	_ =	shalt  }
0x41: {  	_ =	shalt  }
0x42: {  	_ =	shalt  }
0x43: {  	_ =	shalt  }
0x44: {  	_ =	shalt  }
0x45: {  	_ =	shalt  }
0x46: {  	_ =	shalt  }
0x47: {  	_ =	shalt  }
0x48: {  	_ =	shalt  }
0x49: {  	_ =	shalt  }
0x4a: {  	_ =	shalt  }
0x4b: {  	_ =	shalt  }
0x4c: {  	_ =	shalt  }
0x4d: {  	_ =	shalt  }
0x4e: {  	_ =	shalt  }
0x4f: {  	_ =	shalt  }
0x50: {  	_ =	shalt  }
0x51: {  	_ =	shalt  }
0x52: {  	_ =	shalt  }
0x53: {  	_ =	shalt  }
0x54: {  	_ =	shalt  }
0x55: {  	_ =	shalt  }
0x56: {  	_ =	shalt  }
0x57: {  	_ =	shalt  }
0x58: {  	_ =	shalt  }
0x59: {  	_ =	shalt  }
0x5a: {  	_ =	shalt  }
0x5b: {  	_ =	shalt  }
0x5c: {  	_ =	shalt  }
0x5d: {  	_ =	shalt  }
0x5e: {  	_ =	shalt  }
0x5f: {  	_ =	shalt  }
0x60: {  	_ =	shalt  }
0x61: {  	_ =	shalt  }
0x62: {  	_ =	shalt  }
0x63: {  	_ =	shalt  }
0x64: {  	_ =	shalt  }
0x65: {  	_ =	shalt  }
0x66: {  	_ =	shalt  }
0x67: {  	_ =	shalt  }
0x68: {  	_ =	shalt  }
0x69: {  	_ =	shalt  }
0x6a: {  	_ =	shalt  }
0x6b: {  	_ =	shalt  }
0x6c: {  	_ =	shalt  }
0x6d: {  	_ =	shalt  }
0x6e: {  	_ =	shalt  }
0x6f: {  	_ =	shalt  }
0x70: {  	_ =	shalt  }
0x71: {  	_ =	shalt  }
0x72: {  	_ =	shalt  }
0x73: {  	_ =	shalt  }
0x74: {  	_ =	shalt  }
0x75: {  	_ =	shalt  }
0x76: {  	_ =	shalt  }
0x77: {  	_ =	shalt  }
0x78: {  	_ =	shalt  }
0x79: {  	_ =	shalt  }
0x7a: {  	_ =	shalt  }
0x7b: {  	_ =	shalt  }
0x7c: {  	_ =	shalt  }
0x7d: {  	_ =	shalt  }
0x7e: {  	_ =	shalt  }
0x7f: {  	_ =	shalt  }
0x80: {  	_ =	shalt  }
0x81: {  	_ =	shalt  }
0x82: {  	_ =	shalt  }
0x83: {  	_ =	shalt  }
0x84: {  	_ =	shalt  }
0x85: {  	_ =	shalt  }
0x86: {  	_ =	shalt  }
0x87: {  	_ =	shalt  }
.Lfunc_end0:
.L_simem_size_0:
called_computation.5_lowered:
.L_overlay_start_0:
0x88: {  	s2 =	sld [smem:$0x3FD9]  }
0x89: {  	s3 =	sld [smem:$0x3FFE];
	_ =	sdelay $0x1  }
0x8a: {  	s1 =	srdreg.scid  }
0x8b: {  	s0 =	sand.u32 $0x1, s1  }
0x8c: {  	s17 =	sshll.u32 s0, $0xA;
	s2 =	sadd.s32 s3, s2  }
0x8d: {  	s2 =	sadd.s32 s2, s17  }
0x8e: {  	[smem:$0x3F97] =	sst s2  }
0x8f: {  	_ = 	snop  }
0x90: {  	s2 =	sld [smem:$0x3FD0];
	(tm) =	ssettm $0x1  }
0x91: {  	s18 =	sld [smem:$0x3FFB];
	_ =	sdelay $0x3  }
0x92: {  	_ =	strace s18  }
0x93: {  	s3 =	sld [smem:$0x3FFC];
	_ =	sdelay $0x3  }
0x94: {  	_ =	strace s3  }
0x95: {  	s3 =	sld [smem:$0x3FFD];
	_ =	sdelay $0x3  }
0x96: {  	_ =	strace s3  }
0x97: {  	_ =	strace $0x8FFFFFFF  }
0x98: {  	s19 =	sld [smem:$0x3FDB];
	_ =	sdelay $0x1  }
0x99: {  	s4 =	simm.s32 $_scs_section_size  }
0x9a: {  	s5 =	simm.s32 $_size__tile_overlayer_lowered;
	s6 =	simm.s32 $_tile_overlayer_lowered  }
0x9b: {  	s22 =	simm.s32 $0x1BFF;
	s21 =	sshll.u32 s6, $0x1;
	s3 =	sadd.s32 s4, s19  }
0x9c: {  	s7 =	simm.s32 $0x0;
	s20 =	sshll.u32 s5, $0x1;
	s5 =	sadd.s32 s21, s3  }
0x9d: {  	[timem:s7], [sflag:s22] =	dma.local [hbm:s5], s20  }
0x9e: {  	_ =	swait.ge [sflag:s22], s20  }
0x9f: {  	s4 =	ssub.s32 $0x0, s20;
	[sflag:s22] =	ssyncset.done $0x0  }
0xa0: {  	[sflag:s22] =	ssyncadd.s32 s4;
	_ =	sdelay $0x1  }
0xa1: {  	s23 =	simm.s32 $0x1B8B  }
0xa2: {  	_ =	swait.ge [sflag:s23], $0x1  }
0xa3: {  	[sflag:s23] =	ssyncset.done $0x0  }
0xa4: {  	s25 =	simm.s32 $0x1B8E;
	s24 =	sld [smem:$0x3FFE];
	[sflag:s23] =	ssyncadd.s32 $0xFFFFFFFF  }
0xa5: {  	s26 =	simm.s32 $execute0_lowered;
	[smem:$0x3FD2] =	sst s25  }
0xa6: {  	s5 =	sshll.u32 s26, $0x1;
	_ =	strace $0x80000049;
	[dreg:$0x1] =	wrdreg $0xFFFFFFFF  }
0xa7: {  	s28 =	simm.s32 $_size_execute0_lowered;
	s3 =	sadd.s32 s3, s5;
	[dreg:$0x0] =	wrdreg $0x0  }
0xa8: {  	s5 =	sshll.u32 s28, $0x1;
	[dreg:$0x2] =	wrdreg s3  }
0xa9: {  	[dreg:$0x3] =	wrdreg s5  }
0xaa: {  	[dreg:$0x4] =	wrdreg $0xC0  }
0xab: {  	_ =	task [dreg:s7], $0x5FFFF  }
0xac: {  	[dreg:$0x1] =	wrdreg $0xFFFFFFFF  }
0xad: {  	[dreg:$0x0] =	wrdreg $0x60  }
0xae: {  	[dreg:$0x2] =	wrdreg s24  }
0xaf: {  	[dreg:$0x3] =	wrdreg s2  }
0xb0: {  	[dreg:$0x4] =	wrdreg $0x9  }
0xb1: {  	_ =	task.clear_ibuf [dreg:s7], $0x5FFFF;
	_ =	strace $0x90000049  }
0xb2: {  	s29 =	simm.s32 $0x9;
	_ =	strace $0x8000004B  }
0xb3: {  	_ =	swait.ge [sflag:s29], $0x1  }
0xb4: {  	[sflag:s29] =	ssyncadd.s32 $0xFFFFFFFF  }
0xb5: {  	_ =	strace $0x9000004B  }
0xb6: {  	_ =	sfence  }
0xb7: {  	s30 =	sld [smem:$0x0];
	_ =	sdelay $0x2  }
0xb8: {  	s31 =	sshll.u32 s1, $0xD;
	s1 =	sshrl.u32 s1, $0x2  }
0xb9: {  	s3 =	sand.u32 $0x4000, s31;
	s1 =	sadd.s32 s1, s30  }
0xba: {  	s0 =	sor.u32 s3, s0;
	s1 =	sshll.u32 s1, $0x11  }
0xbb: {  	s0 =	sor.u32 s1, s0  }
0xbc: {  	s0 =	sadd.s32 $0x8F2B, s0  }
0xbd: {  	[sflag:s0] =	ssyncadd.remote.s32 $0x1  }
0xbe: {  	_ =	sfence.sel $0xFFFF  }
0xbf: {  	[dreg:$0x0] =	wrdreg $0xFFFFFFFF;
	(pc) =	sbr.abs _section_cstart, $3  }
0xc0: {  	[dreg:$0x1] =	wrdreg $0xFFFFFFFF  }
0xc1: {  	_ =	task.clear_ibuf [dreg:s7], $0x2FFFF;
	_ =	strace $0x9FFFFFFF  }
0xc2: {  	(tm) =	ssettm $0x7FFFFFFF  }
0xc3: {  	_ =	shalt  }
tec
execute0_lowered:
.L_overlay_start_1:
0x0: {  	(tag) =	ssettag $0x1  }
0x1: {  	s0 =	srdreg.scid;
	s10 =	rddreg [dreg:$0x0]  }
0x2: {  	s2 =	stileid.u32;
	s7 =	rddreg [dreg:$0x1]  }
0x3: {  	s15 =	simm.s32 $0x80;
	s16 =	simm.s32 $0x400;
	s17 =	simm.s32 $0x200  }
0x4: {  	s19 =	simm.s32 $0x680;
	s20 =	simm.s32 $0x700;
	s0 =	sand.u32 $0x1, s0  }
0x5: {  	s21 =	simm.s32 $0x780;
	s22 =	simm.s32 $0x800;
	s1 =	sor.u32 s0, s2  }
0x6: {  	s23 =	simm.s32 $0x2800;
	p1 =	seq.s32 s0, $0x1;
	p0 =	seq.s32 s1, $0x0  }
0x7: {  	s8 =	sshll.u32 s0, $0xD;
	s30 =	sshll.u32 s0, $0x6;
	p0 =	por !p0, !p1  }
0x8: {  	s0 =	ssub.s32 $0x2, s0;
	s1 =	simm.s32 $0x1;
	p0 =	por !p0, !p0  }
0x9: {  	s24 =	simm.s32 $0x4800;
	s31 =	sshrl.u32 s0, $0x1;
	s1 =	simm.s32 @!p0 $0x0  }
0xa: {  	s25 =	simm.s32 $0x0;
	s0 =	ssub.s32 s0, s31;
	s1 =	ssub.s32 s2, s1  }
0xb: {  	s14 =	smax.u32 s0, $0x1;
	s2 =	simm.s32 $0x0;
	s4 =	sshrl.u32 s1, $0x3  }
0xc: {  	s3 =	sshll.u32 s1, $0x7;
	[smem:$0x7FF] =	sst s2;
	s1 =	sshll.u32 s1, $0xE  }
0xd: {  	s5 =	sand.u32 $0x380, s3;
	s29 =	sshll.u32 s4, $0xC;
	_ =	strace $0x8000004A  }
0xe: {  	s3 =	simm.s32 $0x1;
	s1 =	sor.u32 s8, s1;
	s4 =	sshll.u32 s4, $0xA  }
0xf: {  	s6 =	sor.u32 s5, s29;
	s1 =	sshrl.u32 s1, $0x3;
	s4 =	sor.u32 s30, s4  }
0x10: {  	s6 =	sshrl.u32 s6, $0x3;
	s1 =	sadd.s32 s1, s10;
	s5 =	sor.u32 s5, s4  }
0x11: {  	v0 =	vlaneseq.u32;
	s6 =	sadd.s32 s6, s10;
	s11 =	sshrl.u32 s5, $0x3;
	s8 =	sadd.s32 $0x64000, s1  }
0x12: {  	v1 =	vimm.s32 $0x0;
	v2 =	vor.u32 $0x10, v0;
	s9 =	sadd.s32 $0x6C000, s1;
	s4 =	sadd.s32 $0x63400, s6;
	s5 =	sadd.s32 $0x63800, s6  }
0x13: {  	v3 =	vor.u32 $0x20, v0;
	v4 =	vor.u32 $0x30, v0;
	v5 =	vor.u32 $0x40, v0;
	s6 =	sadd.s32 $0x63C00, s6;
	s7 =	sadd.s32 s7, s11;
	s10 =	sadd.s32 s10, s11  }
0x14: {  	v6 =	vor.u32 $0x50, v0;
	v7 =	vor.u32 $0x60, v0;
	v8 =	vor.u32 $0x70, v0;
	s11 =	sadd.s32 $0x74000, s1;
	s12 =	sadd.s32 $0x200, s10;
	s13 =	sadd.s32 $0x400, s10  }
.LBB2_1:
0x15: {  	[tilespmem:s2], [sflag:$0x1] =	stream.strided.gather [hbm4b:s4+s15], $0x200, s16, s15, $0x38;
	[tilespmem:$0x6800] =	vst v63  }
0x16: {  	_ =	swait.ge [sflag:s3], $0x200  }
0x17: {  	[sflag:s3] =	ssyncset.done $0x0  }
0x18: {  	[sflag:s3] =	ssyncadd.s32 $0xFFFFFE00  }
0x19: {  	[tilespmem:s17], [sflag:$0x1] =	stream.strided.gather [hbm4b:s5+s15], $0x200, s16, s15, $0x38;
	[tilespmem:$0x6800] =	vst v63  }
0x1a: {  	_ =	swait.ge [sflag:s3], $0x200  }
0x1b: {  	[sflag:s3] =	ssyncset.done $0x0  }
0x1c: {  	[sflag:s3] =	ssyncadd.s32 $0xFFFFFE00  }
0x1d: {  	[tilespmem:s16], [sflag:$0x1] =	stream.strided.gather [hbm4b:s6+s15], $0x200, s16, s15, $0x38;
	[tilespmem:$0x6800] =	vst v63  }
0x1e: {  	_ =	swait.ge [sflag:s3], $0x200  }
0x1f: {  	[sflag:s3] =	ssyncset.done $0x0  }
0x20: {  	s0 =	simm.s32 $0x600;
	[sflag:s3] =	ssyncadd.s32 $0xFFFFFE00  }
0x21: {  	[tilespmem:s0], [sflag:$0x1] =	stream.linear.gather [hbm4b:s7+s2], $0x40, $0x38;
	[tilespmem:$0x6800] =	vst v63  }
0x22: {  	_ =	swait.ge [sflag:s3], $0x40  }
0x23: {  	[sflag:s3] =	ssyncset.done $0x0  }
0x24: {  	[sflag:s3] =	ssyncadd.s32 $0xFFFFFFC0  }
0x25: {  	v9 =	vld [tilespmem:$0x600];
	_ =	sdelay $0x7  }
0x26: {  	v10 =	vld.idx.msk [tilespmem:v9+s2+$0x0], $0xffff;
	_ =	sdelay $0x4  }
0x27: {  	[tilespmem:$0x680] =	vst v10  }
0x28: {  	v10 =	vld.idx.msk [tilespmem:v9+s17+$0x0], $0xffff;
	_ =	sdelay $0x3  }
0x29: {  	v11 =	vld [tilespmem:$0x610]  }
0x2a: {  	[tilespmem:$0x700] =	vst v10  }
0x2b: {  	v9 =	vld.idx.msk [tilespmem:v9+s16+$0x0], $0xffff;
	_ =	sdelay $0x4  }
0x2c: {  	[tilespmem:$0x780] =	vst v9  }
0x2d: {  	v9 =	vld.idx.msk [tilespmem:v11+s2+$0x0], $0xffff;
	_ =	sdelay $0x4  }
0x2e: {  	[tilespmem:$0x690] =	vst v9  }
0x2f: {  	v9 =	vld.idx.msk [tilespmem:v11+s17+$0x0], $0xffff;
	_ =	sdelay $0x3  }
0x30: {  	v10 =	vld [tilespmem:$0x620]  }
0x31: {  	[tilespmem:$0x710] =	vst v9  }
0x32: {  	v9 =	vld.idx.msk [tilespmem:v11+s16+$0x0], $0xffff;
	_ =	sdelay $0x4  }
0x33: {  	[tilespmem:$0x790] =	vst v9  }
0x34: {  	v9 =	vld.idx.msk [tilespmem:v10+s2+$0x0], $0xffff;
	_ =	sdelay $0x4  }
0x35: {  	[tilespmem:$0x6A0] =	vst v9  }
0x36: {  	v9 =	vld.idx.msk [tilespmem:v10+s17+$0x0], $0xffff;
	_ =	sdelay $0x3  }
0x37: {  	v11 =	vld [tilespmem:$0x630]  }
0x38: {  	[tilespmem:$0x720] =	vst v9  }
0x39: {  	v9 =	vld.idx.msk [tilespmem:v10+s16+$0x0], $0xffff;
	_ =	sdelay $0x4  }
0x3a: {  	[tilespmem:$0x7A0] =	vst v9  }
0x3b: {  	v9 =	vld.idx.msk [tilespmem:v11+s2+$0x0], $0xffff;
	_ =	sdelay $0x4  }
0x3c: {  	[tilespmem:$0x6B0] =	vst v9  }
0x3d: {  	v9 =	vld.idx.msk [tilespmem:v11+s17+$0x0], $0xffff;
	_ =	sdelay $0x4  }
0x3e: {  	[tilespmem:$0x730] =	vst v9  }
0x3f: {  	v9 =	vld.idx.msk [tilespmem:v11+s16+$0x0], $0xffff;
	_ =	sdelay $0x4  }
0x40: {  	s26 =	simm.s32 $0x0;
	[tilespmem:$0x7B0] =	vst v9  }
.LBB2_2:
0x41: {  	v9 =	vmov s26  }
0x42: {  	s30 =	simm.s32 $0x0  }
0x43: {  	v10 =	vor.u32 s30, v0;
	_ =	sdelay $0x2  }
0x44: {  	v11 =	vld.idx.msk [tilespmem:v9+s19+$0x0], $0xffff  }
0x45: {  	v12 =	vld.idx.msk [tilespmem:v9+s20+$0x0], $0xffff  }
0x46: {  	v14 =	vld.idx.msk [tilespmem:v10+s2+$0x0], $0xffff  }
0x47: {  	v15 =	vld.idx.msk [tilespmem:v10+s17+$0x0], $0xffff  }
0x48: {  	v13 =	vld.idx.msk [tilespmem:v9+s21+$0x0], $0xffff  }
0x49: {  	v16 =	vld.idx.msk [tilespmem:v10+s16+$0x0], $0xffff;
	_ =	sdelay $0x2  }
0x4a: {  	v14 =	vsub.f32 v14, v11;
	v15 =	vsub.f32 v15, v12;
	_ =	sdelay $0x1  }
0x4b: {  	v16 =	vsub.f32 v16, v13;
	v14 =	vmul.f32 v14, v14;
	v15 =	vmul.f32 v15, v15;
	_ =	sdelay $0x1  }
0x4c: {  	v14 =	vadd.f32 v15, v14;
	v15 =	vmul.f32 v16, v16;
	_ =	sdelay $0x1  }
0x4d: {  	v14 =	vadd.f32 v15, v14;
	_ =	sdelay $0x1  }
0x4e: {  	vm0 =	vle.f32 v14, $6.399999860e-01  }
0x4f: {  	v15 =	vsel vm0, $0x1, v1  }
0x50: {  	(xrf0) =	vadd.scan.msk.s32 $0xffff, v15;
	_ =	sdelay $0x5  }
0x51: {  	v15, _, _ =	vpop (xrf0)  }
0x52: {  	v16 =	vxor.u32 $0x80000000, v15  }
0x53: {  	(xrf0) =	vmax.scan.msk.u32 $0xffff, v16;
	_ =	sdelay $0x5  }
0x54: {  	v16, _, _ =	vpop (xrf0)  }
0x55: {  	(v2sf) =	vpush v16, $0xF;
	_ =	sdelay $0xe  }
0x56: {  	s0 =	spop (v2sf)  }
0x57: {  	s0 =	sxor.u32 $0x80000000, s0  }
0x58: {  	p0 =	slt.s32 s0, $0x1  }
0x59: {  	vm1 =	vle.f32 @!p0 v14, $3.999999910e-02;
	v16 =	vimm.s32 @!p0 $0x0  }
0x5a: {  	vm0 =	vle.f32 @!p0 v14, $1.599999960e-01;
	v17 =	vsel @!p0 vm1, $0x1, v16  }
0x5b: {  	s28 =	simm.s32 $0x10;
	s31 =	sadd.s32 @!p0 $0x0, s0;
	v16 =	vsel @!p0 vm0, $0x1, v16;
	(xrf0) =	vadd.scan.msk.s32 @!p0 $0xffff, v17  }
0x5c: {  	s29 =	simm.s32 $0x0;
	s1 =	simm.s32 $0x0;
	v9 =	vshll.u32 v9, $0x7;
	s31 =	smov.u32 @p0 s30;
	(xrf0) =	vadd.scan.msk.s32 @!p0 $0xffff, v16  }
.LBB2_3:
0x5d: {  	s18 =	smov.u32 s1;
	s1 =	smov.u32 s30;
	s0 =	smov.u32 s31  }
0x5e: {  	v16 =	vmov @!p0 s29;
	s30 =	smov.u32 s28;
	s28 =	sadd.s32 $0x10, s28;
	s29 =	smov.u32 s31  }
0x5f: {  	p1 =	sne.s32 s28, $0x200;
	v16 =	vadd.s32 @!p0 $0xFFFFFFFF, v16  }
0x60: {  	v17 =	vmov @!p0 s1;
	v18 =	vmov @!p0 s18;
	v19 =	vbroadcast @!p0 v16, $0x0  }
0x61: {  	v17 =	vadd.s32 @!p0 $0xFFFFFFFF, v17;
	v18 =	vadd.s32 @!p0 $0xFFFFFFFF, v18  }
0x62: {  	v17 =	vbroadcast @!p0 v17, $0x0;
	v18 =	vbroadcast @!p0 v18, $0x0;
	v15 =	vadd.s32 @!p0 v15, v19;
	v16, _, _ =	vpop @!p0 (xrf0)  }
0x63: {  	vm2 =	vle.f32 @!p0 v14, $6.399999860e-01;
	v19 =	vand.u32 @!p0 $0x7F, v15;
	v14 =	vxor.u32 @!p0 $0x80000000, v16;
	v20, _, _ =	vpop @!p0 (xrf0)  }
0x64: {  	vm3 =	vlt.s32 @!p0 v15, $0x80;
	v16 =	vadd.s32 @!p0 v16, v17;
	v17 =	vadd.s32 @!p0 v20, v18;
	(xrf0) =	vmax.scan.msk.u32 @!p0 $0xffff, v14  }
0x65: {  	v15 =	vand.u32 @!p0 $0xFFFFFF80, v15;
	v14 =	vand.u32 @!p0 $0x7F, v16;
	v18 =	vand.u32 @!p0 $0x7F, v17  }
0x66: {  	vm4 =	vlt.s32 @!p0 v16, $0x20;
	v16 =	vand.u32 @!p0 $0xFFFFFF80, v16;
	vm5 =	vlt.s32 @!p0 v17, $0x40  }
0x67: {  	vm1 =	vmand @!p0 vm1, vm4;
	v16 =	vadd.s32 @!p0 v9, v16;
	v17 =	vand.u32 @!p0 $0xFFFFFF80, v17  }
0x68: {  	v14 =	vor.u32 @!p0 v14, v16;
	vm0 =	vmand @!p0 vm0, vm5;
	v16 =	vadd.s32 @!p0 v9, v17  }
0x69: {  	vm2 =	vmand @!p0 vm2, vm3;
	v15 =	vadd.s32 @!p0 v9, v15;
	v16 =	vor.u32 @!p0 v18, v16  }
0x6a: {  	v15 =	vor.u32 @!p0 v19, v15;
	v17 =	vxor.u32 @!p0 $0x80000000, v20;
	v18, _, _ =	vpop @!p0 (xrf0)  }
0x6b: {  	v19 =	vor.u32 s30, v0;
	(v2sf) =	vpush @!p0 v18, $0xF;
	(xrf0) =	vmax.scan.msk.u32 @!p0 $0xffff, v17  }
0x6c: {  	s30 =	simm.s32 @!p0 $0x800  }
0x6d: {  	[tilespmem:v14+s30+$0x0] =	vst.idx.msk @!p0 vm1, v10;
	s30 =	simm.s32 @!p0 $0x2800  }
0x6e: {  	[tilespmem:v16+s30+$0x0] =	vst.idx.msk @!p0 vm0, v10;
	s30 =	simm.s32 @!p0 $0x4800  }
0x6f: {  	[tilespmem:v15+s30+$0x0] =	vst.idx.msk @!p0 vm2, v10;
	v10 =	vmov v19  }
0x70: {  	v14 =	vld.idx.msk [tilespmem:v19+s2+$0x0], $0xffff  }
0x71: {  	v15 =	vld.idx.msk [tilespmem:v19+s17+$0x0], $0xffff;
	v16, _, _ =	vpop @!p0 (xrf0)  }
0x72: {  	v17 =	vld.idx.msk [tilespmem:v19+s16+$0x0], $0xffff;
	(v2sf) =	vpush @!p0 v16, $0xF;
	_ =	sdelay $0x4  }
0x73: {  	v14 =	vsub.f32 v14, v11;
	v15 =	vsub.f32 v15, v12;
	_ =	sdelay $0x1  }
0x74: {  	v16 =	vsub.f32 v17, v13;
	v14 =	vmul.f32 v14, v14;
	v15 =	vmul.f32 v15, v15  }
0x75: {  	s30 =	spop @!p0 (v2sf)  }
0x76: {  	v14 =	vadd.f32 v15, v14;
	v15 =	vmul.f32 v16, v16;
	s30 =	sadd.s32 @!p0 s30, s1  }
0x77: {  	s30 =	sadd.s32 @!p0 $0x80000000, s30  }
0x78: {  	v14 =	vadd.f32 v15, v14;
	s30 =	smov.u32 @p0 s1;
	_ =	sdelay $0x1  }
0x79: {  	vm0 =	vle.f32 v14, $6.399999860e-01  }
0x7a: {  	v15 =	vsel vm0, $0x1, v1  }
0x7b: {  	(xrf0) =	vadd.scan.msk.s32 $0xffff, v15;
	s1 =	spop @!p0 (v2sf)  }
0x7c: {  	s1 =	sadd.s32 @!p0 s1, s18  }
0x7d: {  	s1 =	sadd.s32 @!p0 $0x80000000, s1  }
0x7e: {  	s1 =	smov.u32 @p0 s18;
	_ =	sdelay $0x2  }
0x7f: {  	v15, _, _ =	vpop (xrf0)  }
0x80: {  	v16 =	vxor.u32 $0x80000000, v15  }
0x81: {  	(xrf0) =	vmax.scan.msk.u32 $0xffff, v16;
	_ =	sdelay $0x5  }
0x82: {  	v16, _, _ =	vpop (xrf0)  }
0x83: {  	(v2sf) =	vpush v16, $0xF;
	_ =	sdelay $0xe  }
0x84: {  	s18 =	spop (v2sf)  }
0x85: {  	s18 =	sxor.u32 $0x80000000, s18  }
.Ltmp0:
0x86: {  	p0 =	slt.s32 s18, $0x1;
	(pc) =	sbr.rel @p1 .LBB2_3-.Ltmp0, $4  }
0x87: {  	vm1 =	vle.f32 @!p0 v14, $3.999999910e-02;
	v16 =	vimm.s32 @!p0 $0x0;
	s31 =	sadd.s32 @!p0 s31, s18  }
0x88: {  	vm0 =	vle.f32 @!p0 v14, $1.599999960e-01;
	v17 =	vsel @!p0 vm1, $0x1, v16;
	s31 =	smov.u32 @p0 s0  }
0x89: {  	v16 =	vsel @!p0 vm0, $0x1, v16;
	(xrf0) =	vadd.scan.msk.s32 @!p0 $0xffff, v17  }
0x8a: {  	(xrf0) =	vadd.scan.msk.s32 @!p0 $0xffff, v16  }
0x8b: {  	_ =	sdelay $0x3  }
0x8c: {  	v11, _, _ =	vpop @!p0 (xrf0)  }
0x8d: {  	v12 =	vxor.u32 @!p0 $0x80000000, v11  }
0x8e: {  	(xrf0) =	vmax.scan.msk.u32 @!p0 $0xffff, v12;
	_ =	sdelay $0x4  }
0x8f: {  	v12, _, _ =	vpop @!p0 (xrf0)  }
0x90: {  	v13 =	vmov @!p0 s29;
	v16, _, _ =	vpop @!p0 (xrf0)  }
0x91: {  	v17 =	vmov @!p0 s30;
	v13 =	vadd.s32 @!p0 $0xFFFFFFFF, v13;
	(v2sf) =	vpush @!p0 v16, $0xF  }
0x92: {  	v17 =	vadd.s32 @!p0 $0xFFFFFFFF, v17;
	v13 =	vbroadcast @!p0 v13, $0x0  }
0x93: {  	v17 =	vbroadcast @!p0 v17, $0x0;
	v16 =	vmov @!p0 s1  }
0x94: {  	vm2 =	vle.f32 @!p0 v14, $6.399999860e-01;
	v13 =	vadd.s32 @!p0 v15, v13;
	v16 =	vadd.s32 @!p0 $0xFFFFFFFF, v16  }
0x95: {  	v14 =	vand.u32 @!p0 $0x7F, v13;
	v11 =	vadd.s32 @!p0 v11, v17;
	v16 =	vbroadcast @!p0 v16, $0x0  }
0x96: {  	vm3 =	vlt.s32 @!p0 v13, $0x80;
	v13 =	vand.u32 @!p0 $0xFFFFFF80, v13;
	vm4 =	vlt.s32 @!p0 v11, $0x20  }
0x97: {  	vm1 =	vmand @!p0 vm1, vm4;
	v15 =	vadd.s32 @!p0 v12, v16;
	v16 =	vand.u32 @!p0 $0x7F, v11  }
0x98: {  	v11 =	vand.u32 @!p0 $0xFFFFFF80, v11;
	v12 =	vxor.u32 @!p0 $0x80000000, v12;
	v17 =	vand.u32 @!p0 $0x7F, v15  }
0x99: {  	vm5 =	vlt.s32 @!p0 v15, $0x40;
	v11 =	vadd.s32 @!p0 v9, v11;
	v15 =	vand.u32 @!p0 $0xFFFFFF80, v15;
	(xrf0) =	vmax.scan.msk.u32 @!p0 $0xffff, v12  }
0x9a: {  	v11 =	vor.u32 @!p0 v16, v11;
	vm0 =	vmand @!p0 vm0, vm5;
	v12 =	vadd.s32 @!p0 v9, v15  }
0x9b: {  	vm2 =	vmand @!p0 vm2, vm3;
	v13 =	vadd.s32 @!p0 v9, v13;
	v12 =	vor.u32 @!p0 v17, v12  }
0x9c: {  	v13 =	vor.u32 @!p0 v14, v13;
	_ =	sdelay $0x1  }
0x9d: {  	s0 =	simm.s32 @!p0 $0x800;
	v54 =	vor.u32 v0, v9  }
0x9e: {  	[tilespmem:v11+s0+$0x0] =	vst.idx.msk @!p0 vm1, v10;
	s0 =	simm.s32 @!p0 $0x2800;
	v11, _, _ =	vpop @!p0 (xrf0)  }
0x9f: {  	[tilespmem:v12+s0+$0x0] =	vst.idx.msk @!p0 vm0, v10;
	s0 =	simm.s32 @!p0 $0x4800;
	(v2sf) =	vpush @!p0 v11, $0xF;
	s18 =	spop @!p0 (v2sf)  }
0xa0: {  	[tilespmem:v13+s0+$0x0] =	vst.idx.msk @!p0 vm2, v10;
	s0 =	sadd.s32 @!p0 s18, s30  }
0xa1: {  	v10 =	vld.idx.msk [tilespmem:v9+s22+$0x0], $0xffff;
	s0 =	sadd.s32 @!p0 $0x80000000, s0  }
0xa2: {  	v11 =	vld.idx.msk [tilespmem:v54+s22+$0x0], $0xffff;
	s0 =	smov.u32 @p0 s30  }
0xa3: {  	p1 =	slt.s32 s0, $0x20  }
0xa4: {  	v55 =	vor.u32 v2, v9;
	s0 =	simm.s32 @!p1 $0x20  }
0xa5: {  	v56 =	vmov s0  }
0xa6: {  	vm14 =	vgt.s32 v56, v0  }
0xa7: {  	v11 =	vsel vm14, v11, v10  }
0xa8: {  	[tilespmem:v54+s22+$0x0] =	vst.idx.msk $0xffff, v11  }
0xa9: {  	v11 =	vld.idx.msk [tilespmem:v55+s22+$0x0], $0xffff;
	_ =	sdelay $0x3  }
0xaa: {  	vm15 =	vgt.s32 v56, v2  }
0xab: {  	s0 =	spop @!p0 (v2sf);
	v10 =	vsel vm15, v11, v10  }
0xac: {  	s0 =	sadd.s32 @!p0 s0, s1;
	[tilespmem:v55+s22+$0x0] =	vst.idx.msk $0xffff, v10  }
0xad: {  	s0 =	sadd.s32 @!p0 $0x80000000, s0;
	v10 =	vld.idx.msk [tilespmem:v9+s23+$0x0], $0xffff  }
0xae: {  	s0 =	smov.u32 @p0 s1;
	v11 =	vld.idx.msk [tilespmem:v54+s23+$0x0], $0xffff  }
0xaf: {  	p0 =	slt.s32 s0, $0x40  }
0xb0: {  	s0 =	simm.s32 @!p0 $0x40  }
0xb1: {  	v57 =	vmov s0  }
0xb2: {  	vm4 =	vgt.s32 v57, v0  }
0xb3: {  	v11 =	vsel vm4, v11, v10  }
0xb4: {  	[tilespmem:v54+s23+$0x0] =	vst.idx.msk $0xffff, v11  }
0xb5: {  	v11 =	vld.idx.msk [tilespmem:v55+s23+$0x0], $0xffff;
	_ =	sdelay $0x1  }
0xb6: {  	v58 =	vor.u32 v3, v9;
	_ =	sdelay $0x1  }
0xb7: {  	vm5 =	vgt.s32 v57, v2  }
0xb8: {  	v11 =	vsel vm5, v11, v10  }
0xb9: {  	[tilespmem:v55+s23+$0x0] =	vst.idx.msk $0xffff, v11  }
0xba: {  	v11 =	vld.idx.msk [tilespmem:v58+s23+$0x0], $0xffff;
	_ =	sdelay $0x1  }
0xbb: {  	v59 =	vor.u32 v4, v9;
	_ =	sdelay $0x1  }
0xbc: {  	vm6 =	vgt.s32 v57, v3  }
0xbd: {  	v11 =	vsel vm6, v11, v10  }
0xbe: {  	[tilespmem:v58+s23+$0x0] =	vst.idx.msk $0xffff, v11  }
0xbf: {  	v11 =	vld.idx.msk [tilespmem:v59+s23+$0x0], $0xffff;
	_ =	sdelay $0x3  }
0xc0: {  	vm7 =	vgt.s32 v57, v4  }
0xc1: {  	v10 =	vsel vm7, v11, v10  }
0xc2: {  	[tilespmem:v59+s23+$0x0] =	vst.idx.msk $0xffff, v10  }
0xc3: {  	v10 =	vld.idx.msk [tilespmem:v9+s24+$0x0], $0xffff  }
0xc4: {  	v11 =	vld.idx.msk [tilespmem:v54+s24+$0x0], $0xffff  }
0xc5: {  	p0 =	slt.s32 s31, $0x80  }
0xc6: {  	s31 =	simm.s32 @!p0 $0x80  }
0xc7: {  	v60 =	vmov s31  }
0xc8: {  	vm8 =	vgt.s32 v60, v0  }
0xc9: {  	v11 =	vsel vm8, v11, v10  }
0xca: {  	[tilespmem:v54+s24+$0x0] =	vst.idx.msk $0xffff, v11  }
0xcb: {  	v11 =	vld.idx.msk [tilespmem:v55+s24+$0x0], $0xffff;
	_ =	sdelay $0x3  }
0xcc: {  	vm9 =	vgt.s32 v60, v2  }
0xcd: {  	v11 =	vsel vm9, v11, v10  }
0xce: {  	[tilespmem:v55+s24+$0x0] =	vst.idx.msk $0xffff, v11  }
0xcf: {  	v11 =	vld.idx.msk [tilespmem:v58+s24+$0x0], $0xffff;
	_ =	sdelay $0x3  }
0xd0: {  	vm10 =	vgt.s32 v60, v3  }
0xd1: {  	v11 =	vsel vm10, v11, v10  }
0xd2: {  	[tilespmem:v58+s24+$0x0] =	vst.idx.msk $0xffff, v11  }
0xd3: {  	v11 =	vld.idx.msk [tilespmem:v59+s24+$0x0], $0xffff;
	_ =	sdelay $0x1  }
0xd4: {  	v61 =	vor.u32 v5, v9;
	_ =	sdelay $0x1  }
0xd5: {  	vm11 =	vgt.s32 v60, v4  }
0xd6: {  	v11 =	vsel vm11, v11, v10  }
0xd7: {  	[tilespmem:v59+s24+$0x0] =	vst.idx.msk $0xffff, v11  }
0xd8: {  	v11 =	vld.idx.msk [tilespmem:v61+s24+$0x0], $0xffff;
	_ =	sdelay $0x1  }
0xd9: {  	v62 =	vor.u32 v6, v9;
	_ =	sdelay $0x1  }
0xda: {  	vm12 =	vgt.s32 v60, v5  }
0xdb: {  	v11 =	vsel vm12, v11, v10  }
0xdc: {  	[tilespmem:v61+s24+$0x0] =	vst.idx.msk $0xffff, v11  }
0xdd: {  	v11 =	vld.idx.msk [tilespmem:v62+s24+$0x0], $0xffff;
	_ =	sdelay $0x1  }
0xde: {  	v63 =	vor.u32 v7, v9;
	_ =	sdelay $0x1  }
0xdf: {  	vm13 =	vgt.s32 v60, v6  }
0xe0: {  	v11 =	vsel vm13, v11, v10  }
0xe1: {  	[tilespmem:v62+s24+$0x0] =	vst.idx.msk $0xffff, v11  }
0xe2: {  	v11 =	vld.idx.msk [tilespmem:v63+s24+$0x0], $0xffff;
	_ =	sdelay $0x1  }
0xe3: {  	v9 =	vor.u32 v8, v9;
	_ =	sdelay $0x1  }
0xe4: {  	vm14 =	vgt.s32 v60, v7  }
0xe5: {  	v11 =	vsel vm14, v11, v10  }
0xe6: {  	[tilespmem:v63+s24+$0x0] =	vst.idx.msk $0xffff, v11  }
0xe7: {  	s26 =	sadd.s32 $0x1, s26;
	v11 =	vld.idx.msk [tilespmem:v9+s24+$0x0], $0xffff  }
0xe8: {  	p0 =	sne.s32 s26, $0x40  }
.Ltmp1:
0xe9: {  	_ = 	snop;
	(pc) =	sbr.rel @p0 .LBB2_2-.Ltmp1, $4  }
0xea: {  	_ = 	snop  }
0xeb: {  	vm15 =	vgt.s32 v60, v8  }
0xec: {  	v10 =	vsel vm15, v11, v10  }
0xed: {  	[tilespmem:v9+s24+$0x0] =	vst.idx.msk $0xffff, v10  }
0xee: {  	[hbm4b:s8+s2] =	stream.linear.scatter [tilespmem:s22], [sflag:$0x1], $0x2000, $0x38;
	[tilespmem:$0x6800] =	vst v63  }
0xef: {  	_ =	swait.ge [sflag:s3], $0x2000  }
0xf0: {  	[sflag:s3] =	ssyncset.done $0x0  }
0xf1: {  	[sflag:s3] =	ssyncadd.s32 $0xFFFFE000  }
0xf2: {  	[hbm4b:s9+s2] =	stream.linear.scatter [tilespmem:s23], [sflag:$0x1], $0x2000, $0x38;
	[tilespmem:$0x6800] =	vst v63  }
0xf3: {  	_ =	swait.ge [sflag:s3], $0x2000  }
0xf4: {  	[sflag:s3] =	ssyncset.done $0x0  }
0xf5: {  	[sflag:s3] =	ssyncadd.s32 $0xFFFFE000  }
0xf6: {  	[hbm4b:s11+s2] =	stream.linear.scatter [tilespmem:s24], [sflag:$0x1], $0x2000, $0x38;
	[tilespmem:$0x6800] =	vst v63  }
0xf7: {  	_ =	swait.ge [sflag:s3], $0x2000  }
0xf8: {  	[sflag:s3] =	ssyncset.done $0x0  }
0xf9: {  	[sflag:s3] =	ssyncadd.s32 $0xFFFFE000  }
0xfa: {  	[hbm4b:s10+s2] =	stream.linear.scatter [tilespmem:s19], [sflag:$0x1], $0x40, $0x38;
	[tilespmem:$0x6800] =	vst v63  }
0xfb: {  	_ =	swait.ge [sflag:s3], $0x40  }
0xfc: {  	[sflag:s3] =	ssyncset.done $0x0  }
0xfd: {  	[sflag:s3] =	ssyncadd.s32 $0xFFFFFFC0  }
0xfe: {  	[hbm4b:s12+s2] =	stream.linear.scatter [tilespmem:s20], [sflag:$0x1], $0x40, $0x38;
	[tilespmem:$0x6800] =	vst v63  }
0xff: {  	s25 =	sadd.s32 $0x1, s25;
	_ =	swait.ge [sflag:s3], $0x40  }
0x100: {  	p0 =	sne.s32 s25, s14;
	[sflag:s3] =	ssyncset.done $0x0  }
.Ltmp2:
0x101: {  	[sflag:s3] =	ssyncadd.s32 $0xFFFFFFC0;
	(pc) =	sbr.rel @p0 .LBB2_1-.Ltmp2, $4  }
0x102: {  	[hbm4b:s13+s2] =	stream.linear.scatter [tilespmem:s21], [sflag:$0x1], $0x40, $0x38;
	[tilespmem:$0x6800] =	vst v63  }
0x103: {  	_ =	swait.ge [sflag:s3], $0x40  }
0x104: {  	[sflag:s3] =	ssyncset.done $0x0  }
0x105: {  	[sflag:s3] =	ssyncadd.s32 $0xFFFFFFC0  }
0x106: {  	_ =	sfence.sel $0x180000  }
0x107: {  	[bflag:$0x0] =	sbarrier.arrive $0xFFFF  }
0x108: {  	_ =	strace $0x9000004A  }
0x109: {  	s0 =	stileid.u32;
	[bflag:$0x2] =	sbarrier.arrive $0xFFFF  }
0x10a: {  	p0 =	sne.s32 s0, $0x0;
	s0 =	rddreg [dreg:$0x2]  }
0x10b: {  	s0 =	sadd.s32 @!p0 $0x100000, s0  }
0x10c: {  	[sflag:s0] =	ssyncadd.tile.s32 @!p0 $0x1;
	_ =	shalt  }
.Lfunc_end2:
_tile_overlayer_lowered:
.L_overlay_start_2:
0x10d: {  	(tag) =	ssettag $0x2  }
0x10e: {  	s0 =	rddreg [dreg:$0x0];
	s2 =	stileid.u32  }
0x10f: {  	s1 =	rddreg [dreg:$0x1];
	p0 =	sne.s32 s2, $0x0  }
0x110: {  	s3 =	rddreg [dreg:$0x2];
	[bflag:$0x3] =	sbarrier.arrive $0xFFFF;
	s2 =	simm.s32 @!p0 $0x1C01  }
0x111: {  	[timem:s3], [sflag:s2] =	dma.local @!p0 [hbm:s0], s1  }
0x112: {  	s0 =	simm.s32 @!p0 $0x1  }
0x113: {  	_ =	swait.ge @!p0 [sflag:s0], s1  }
0x114: {  	s1 =	ssub.s32 @!p0 $0x0, s1;
	[sflag:s0] =	ssyncset.done @!p0 $0x0  }
0x115: {  	[sflag:s0] =	ssyncadd.s32 @!p0 s1  }
0x116: {  	[bflag:$0x3] =	sbarrier.arrive $0xFFFF  }
0x117: {  	_ =	shalt  }

// kernel: sparse-core-data-format-call.1.cloned.1.call-start
scs
called_computation.1_lowered:
.L_overlay_start_0:
0x0: {  	s2 =	sld [smem:$0x3FD9]  }
0x1: {  	s3 =	sld [smem:$0x3FFE];
	_ =	sdelay $0x1  }
0x2: {  	s1 =	srdreg.scid  }
0x3: {  	s0 =	sand.u32 $0x1, s1  }
0x4: {  	s18 =	sshll.u32 s0, $0xA;
	s2 =	sadd.s32 s3, s2  }
0x5: {  	s2 =	sadd.s32 s2, s18  }
0x6: {  	[smem:$0x3F97] =	sst s2  }
0x7: {  	_ = 	snop  }
0x8: {  	(tm) =	ssettm $0x1  }
0x9: {  	s19 =	sld [smem:$0x3FFB];
	_ =	sdelay $0x3  }
0xa: {  	_ =	strace s19  }
0xb: {  	s2 =	sld [smem:$0x3FFC];
	_ =	sdelay $0x3  }
0xc: {  	_ =	strace s2  }
0xd: {  	s2 =	sld [smem:$0x3FFD];
	_ =	sdelay $0x3  }
0xe: {  	_ =	strace s2  }
0xf: {  	_ =	strace $0x8FFFFFFF  }
0x10: {  	s20 =	sld [smem:$0x3FDB];
	_ =	sdelay $0x1  }
0x11: {  	s21 =	simm.s32 $_scs_section_size  }
0x12: {  	s4 =	simm.s32 $_size__tile_overlayer_lowered;
	s5 =	simm.s32 $_tile_overlayer_lowered  }
0x13: {  	s6 =	simm.s32 $0x1BFF;
	s22 =	sshll.u32 s5, $0x1;
	s3 =	sadd.s32 s21, s20  }
0x14: {  	s23 =	simm.s32 $0x0;
	s4 =	sshll.u32 s4, $0x1;
	s5 =	sadd.s32 s22, s3  }
0x15: {  	[timem:s23], [sflag:s6] =	dma.local [hbm:s5], s4  }
0x16: {  	_ =	swait.ge [sflag:s6], s4  }
0x17: {  	s4 =	ssub.s32 $0x0, s4;
	[sflag:s6] =	ssyncset.done $0x0  }
0x18: {  	[sflag:s6] =	ssyncadd.s32 s4;
	_ =	sdelay $0x1  }
0x19: {  	s24 =	simm.s32 $0x1B8B  }
0x1a: {  	_ =	swait.ge [sflag:s24], $0x1  }
0x1b: {  	[sflag:s24] =	ssyncset.done $0x0  }
0x1c: {  	[sflag:s24] =	ssyncadd.s32 $0xFFFFFFFF  }
0x1d: {  	s4 =	sld [smem:$0x0]  }
0x1e: {  	s5 =	sand.u32 $0xFFFFFFFE, s1  }
0x1f: {  	p0 =	sne.s32 s1, s5  }
0x20: {  	s5 =	sshll.u32 @p0 s5, $0xE  }
0x21: {  	s5 =	sadd.s32 @p0 $0x11B8D, s5;
	s6 =	sshll.u32 @p0 s4, $0x11  }
0x22: {  	s5 =	sor.u32 @p0 s6, s5  }
0x23: {  	[sflag:s5] =	ssyncadd.remote.s32 @p0 $0x1;
	_ =	sdelay $0x1  }
0x24: {  	s5 =	simm.s32 @p0 $0x1B8D  }
0x25: {  	_ =	swait.eq @p0 [sflag:s5], $0x1  }
0x26: {  	[sflag:s5] =	ssyncadd.s32 @p0 $0xFFFFFFFF  }
0x27: {  	s6 =	sshll.u32 @!p0 s1, $0xE  }
0x28: {  	s6 =	sor.u32 @!p0 $0x4000, s6;
	s5 =	simm.s32 @!p0 $0x1B8D  }
0x29: {  	s4 =	sshll.u32 @!p0 s4, $0x11;
	s6 =	sadd.s32 @!p0 $0x11B8D, s6;
	_ =	swait.eq @!p0 [sflag:s5], $0x1  }
0x2a: {  	s4 =	sor.u32 @!p0 s4, s6;
	[sflag:s5] =	ssyncadd.s32 @!p0 $0xFFFFFFFF  }
0x2b: {  	s26 =	simm.s32 $0x1B8E;
	s25 =	sld [smem:$0x3FFE];
	[sflag:s4] =	ssyncadd.remote.s32 @!p0 $0x1  }
0x2c: {  	s27 =	simm.s32 $execute0_lowered;
	[smem:$0x3FD2] =	sst s26  }
0x2d: {  	s5 =	sshll.u32 s27, $0x1;
	_ =	strace $0x8000004F;
	[dreg:$0x1] =	wrdreg $0xFFFFFFFF  }
0x2e: {  	s28 =	simm.s32 $_size_execute0_lowered;
	s3 =	sadd.s32 s3, s5;
	[dreg:$0x0] =	wrdreg $0x0  }
0x2f: {  	s5 =	sshll.u32 s28, $0x1;
	[dreg:$0x2] =	wrdreg s3  }
0x30: {  	[dreg:$0x3] =	wrdreg s5  }
0x31: {  	[dreg:$0x4] =	wrdreg $0xC0  }
0x32: {  	_ =	task [dreg:s23], $0x5FFFF  }
0x33: {  	[dreg:$0x1] =	wrdreg $0xFFFFFFFF  }
0x34: {  	[dreg:$0x0] =	wrdreg $0x60  }
0x35: {  	[dreg:$0x2] =	wrdreg s25  }
0x36: {  	[dreg:$0x3] =	wrdreg $0xA  }
0x37: {  	_ =	task.clear_ibuf [dreg:s23], $0x4FFFF;
	_ =	strace $0x9000004F  }
0x38: {  	s29 =	simm.s32 $0xA;
	_ =	strace $0x80000051  }
0x39: {  	_ =	swait.ge [sflag:s29], $0x1  }
0x3a: {  	[sflag:s29] =	ssyncadd.s32 $0xFFFFFFFF  }
0x3b: {  	_ =	strace $0x90000051  }
0x3c: {  	_ =	sfence  }
0x3d: {  	s30 =	sld [smem:$0x0];
	_ =	sdelay $0x2  }
0x3e: {  	s31 =	sshll.u32 s1, $0xD;
	s1 =	sshrl.u32 s1, $0x2  }
0x3f: {  	s4 =	sand.u32 $0x4000, s31;
	s1 =	sadd.s32 s1, s30  }
0x40: {  	s0 =	sor.u32 s4, s0;
	s1 =	sshll.u32 s1, $0x11  }
0x41: {  	s0 =	sor.u32 s1, s0  }
0x42: {  	s0 =	sadd.s32 $0x8F2B, s0  }
0x43: {  	[sflag:s0] =	ssyncadd.remote.s32 $0x1  }
0x44: {  	_ =	sfence.sel $0xFFFF  }
0x45: {  	[dreg:$0x0] =	wrdreg $0xFFFFFFFF;
	(pc) =	sbr.abs _section_cstart, $3  }
0x46: {  	[dreg:$0x1] =	wrdreg $0xFFFFFFFF  }
0x47: {  	_ =	task.clear_ibuf [dreg:s23], $0x2FFFF;
	_ =	strace $0x9FFFFFFF  }
0x48: {  	(tm) =	ssettm $0x7FFFFFFF  }
0x49: {  	_ =	shalt  }
tec
execute0_lowered:
.L_overlay_start_1:
0x0: {  	(tag) =	ssettag $0x1  }
0x1: {  	s1 =	srdreg.scid;
	s0 =	stileid.u32  }
0x2: {  	s8 =	rddreg [dreg:$0x0];
	s9 =	simm.s32 $0x2;
	s1 =	sshll.u32 s1, $0x4  }
0x3: {  	s19 =	simm.s32 $0x0;
	s31 =	sshll.u32 s0, $0x1;
	s2 =	sor.u32 s0, s1  }
0x4: {  	s10 =	simm.s32 $0x5000;
	s1 =	sand.u32 $0xE, s31;
	s2 =	sshrl.u32 s2, $0x2  }
0x5: {  	s17 =	simm.s32 $0x0;
	s3 =	ssub.s32 $0x10, s1;
	s2 =	sand.u32 $0x6, s2  }
0x6: {  	s16 =	simm.s32 $0x0;
	s4 =	sand.u32 $0xE, s3;
	s5 =	ssub.s32 $0x40, s2  }
0x7: {  	p0 =	sne.s32 s4, $0x0;
	s4 =	simm.s32 $0x1;
	s6 =	sand.u32 $0x6, s5  }
0x8: {  	s4 =	simm.s32 @!p0 $0x0;
	p0 =	sne.s32 s6, $0x0;
	s6 =	simm.s32 $0x1  }
0x9: {  	s3 =	sshrl.u32 s3, $0x4;
	s5 =	sshrl.u32 s5, $0x3;
	s6 =	simm.s32 @!p0 $0x0  }
0xa: {  	s18 =	simm.s32 $0x0;
	s4 =	sadd.s32 s4, s3;
	s5 =	sadd.s32 s6, s5  }
0xb: {  	s11 =	simm.s32 $0x0;
	s13 =	simm.s32 $0x0;
	s6 =	smul.u32 s5, s4  }
.Ltmp0:
0xc: {  	s15 =	simm.s32 $0x0;
	s7 =	sadd.s32 $0x126C000, s8;
	(pc) =	sbr.rel .LBB1_1-.Ltmp0, $4  }
0xd: {  	s14 =	smov.u32 s1;
	s12 =	smov.u32 s2;
	s3 =	rddreg [dreg:$0x1]  }
0xe: {  	_ =	strace $0x80000050;
	s5 =	simm.s32 $0x1;
	s6 =	smul.u32 $0x5, s6  }
0xf: {  	p0 =	por $0x0, $0x0;
	s4 =	sadd.s32 $0x74C000, s8;
	[sflag:s5] =	ssyncpa.u1 $0x0  }
0x10: {  	s8 =	sadd.s32 $0x1294000, s8;
	[sflag:s9] =	ssyncpa.u1 $0x0;
	s9 =	sadd.s32 $0x1, s6  }
.LBB1_7:
0x11: {  	s20 =	sadd.s32 $0x40, s11  }
0x12: {  	s16 =	sadd.s32 $0x8, s12;
	s21 =	smov.u32 s12;
	p2 =	sgt.s32 s20, $0x13F  }
0x13: {  	s21 =	smov.u32 @p2 s16  }
0x14: {  	s22 =	smov.u32 s13;
	s16 =	sadd.s32 $0x80, s13;
	p3 =	sgt.s32 s21, $0x3F  }
0x15: {  	s22 =	smov.u32 @p3 s16  }
0x16: {  	s23 =	smov.u32 s14;
	s16 =	sadd.s32 $0x10, s14;
	p4 =	sgt.s32 s22, $0x7F  }
0x17: {  	p1 =	slt.u32 s15, $0x2;
	s23 =	smov.u32 @p4 s16  }
0x18: {  	s19 =	smov.u32 s11;
	s20 =	simm.s32 @p2 $0x0;
	p2 =	sgt.s32 s23, $0xF  }
0x19: {  	s24 =	simm.s32 @!p1 $0x2;
	s23 =	smov.u32 @p2 s1;
	p2 =	sne.s32 s15, s9  }
.Ltmp1:
0x1a: {  	s17 =	smov.u32 s12;
	_ =	swait.ge @!p1 [sflag:s24], $0x4000;
	(pc) =	sbr.rel @!p2 .LBB1_8-.Ltmp1, $4  }
0x1b: {  	s18 =	smov.u32 s14;
	p0 =	por !p0, !p0;
	[sflag:s24] =	ssyncset.done @!p1 $0x0  }
0x1c: {  	s11 =	smov.u32 s20;
	s21 =	smov.u32 @p3 s2;
	[sflag:s24] =	ssyncadd.s32 @!p1 $0xFFFFC000  }
0x1d: {  	s12 =	smov.u32 s21;
	s22 =	simm.s32 @p4 $0x0;
	s16 =	smov.u32 s13  }
0x1e: {  	s13 =	smov.u32 s22;
	s15 =	sadd.s32 $0x1, s15;
	s14 =	smov.u32 s23  }
.LBB1_1:
0x1f: {  	p1 =	sge.u32 s15, s6  }
0x20: {  	s20 =	sshrl.u32 @!p1 s12, $0x3  }
0x21: {  	s21 =	sshll.u32 @!p1 s11, $0x3;
	s20 =	smul.u32 @!p1 $0xC00, s20  }
0x22: {  	s22 =	sshll.u32 @!p1 s12, $0x7;
	s21 =	sand.u32 @!p1 $0xFFFFFC00, s21  }
0x23: {  	s20 =	sadd.s32 @!p1 s20, s21;
	s21 =	sand.u32 @!p1 $0x300, s22;
	s22 =	sshll.u32 @!p1 s11, $0x1  }
0x24: {  	s20 =	sor.u32 @!p1 s21, s20;
	s21 =	sand.u32 @!p1 $0xFE, s22  }
0x25: {  	s22 =	sand.u32 @!p1 $0x1, s12;
	s20 =	sor.u32 @!p1 s21, s20  }
0x26: {  	s21 =	sor.u32 @!p1 s22, s20;
	s20 =	smulhi.u32 @!p1 $0xAAAAAAAB, s20  }
0x27: {  	s22 =	smulhi.u32 @!p1 $0xAAAAAAAB, s21  }
0x28: {  	s23 =	smul.u32 @!p1 $0x30000, s14  }
0x29: {  	s24 =	smul.u32 @!p1 $0x600, s13;
	s20 =	sshrl.u32 @!p1 s20, $0x8;
	s22 =	sshrl.u32 @!p1 s22, $0x8  }
0x2a: {  	s20 =	sand.u32 @!p1 $0x3F, s20;
	s22 =	smul.u32 @!p1 $0x180, s22  }
0x2b: {  	s31 =	sadd.s32 $0xFFFFFFFF, s15;
	s23 =	sadd.s32 @!p1 s4, s23;
	s20 =	smul.u32 @!p1 $0x18, s20  }
0x2c: {  	s25 =	sxor.u32 @!p1 $0xFFFFFFFF, s15;
	s21 =	ssub.s32 @!p1 s21, s22;
	s22 =	sadd.s32 @!p1 s24, s23  }
0x2d: {  	s23 =	sshrl.u32 @!p1 s21, $0x4;
	s20 =	sadd.s32 @!p1 s20, s22;
	s21 =	sshll.u32 @!p1 s21, $0x11  }
0x2e: {  	s22 =	sshll.u32 @!p1 s25, $0xE;
	s20 =	sadd.s32 @!p1 s23, s20;
	s21 =	sand.u32 @!p1 $0x1C0000, s21  }
0x2f: {  	s22 =	sand.u32 @!p1 $0x4000, s22;
	s23 =	simm.s32 @!p1 $0x3000;
	s21 =	sor.u32 @!p1 $0x40, s21  }
0x30: {  	[tilespmem:s22], [sflag:$0x1] =	stream.strided.gather @!p1 [hbm4b:s20+s21], $0x4000, s23, s21, $0x38;
	[tilespmem:$0x10100] =	vst v63  }
0x31: {  	p1 =	sge.u32 s31, s6  }
.Ltmp2:
0x32: {  	_ = 	snop;
	(pc) =	sbr.rel @p1 .LBB1_7-.Ltmp2, $1  }
0x33: {  	_ =	sdelay $0x3  }
0x34: {  	s20 =	simm.s32 $0x1;
	s22 =	sand.u32 $0x1, s15  }
0x35: {  	_ =	swait.ge [sflag:s5], $0x4000;
	s20 =	simm.s32 @!p0 $0x0;
	s22 =	smul.u32 $0x10200, s22  }
0x36: {  	s24 =	simm.s32 $0x0;
	[sflag:s5] =	ssyncset.done $0x0;
	s21 =	smul.u32 $0x10200, s20  }
0x37: {  	p2 =	por $0x1, $0x1;
	s23 =	sshll.u32 s20, $0x10;
	[sflag:s5] =	ssyncadd.s32 $0xFFFFC000  }
0x38: {  	s20 =	sshrl.u32 s22, $0x2;
	s23 =	sshrl.u32 s23, $0x2;
	s31 =	sshrl.u32 s21, $0x2  }
0x39: {  	s21 =	sor.u32 $0x8000, s20;
	s23 =	sadd.s32 $0x20, s23;
	s22 =	sor.u32 $0x8000, s31  }
.LBB1_3:
0x3a: {  	s25 =	sshll.u32 s24, $0xD  }
0x3b: {  	s25 =	sand.u32 $0x3FFFE000, s25  }
0x3c: {  	s25 =	sadd.s32 s25, s23  }
0x3d: {  	v0 =	vld [tilespmem:s25+$0x0]  }
0x3e: {  	v1 =	vld [tilespmem:s25+$0x10]  }
0x3f: {  	v2 =	vld [tilespmem:s25+$0xFFFFFFF0]  }
0x40: {  	v3 =	vld [tilespmem:s25+$0xFFFFFFE0];
	_ =	sdelay $0x2  }
0x41: {  	s31 =	smul.u32 $0x8100, s24;
	s28 =	sadd.s32 $0x40, s25  }
0x42: {  	v1 =	vperm.xlane.i2c.b16 v1;
	v4 =	vperm.xlane.i2c.b16 v0;
	v0 =	vld [tilespmem:s28+$0x0]  }
0x43: {  	s24 =	sshra.s32 s31, $0x2;
	v6 =	vperm.xlane.i2c.b16 v2;
	v2 =	vld [tilespmem:s28+$0x10];
	v7 =	vperm.xlane.i2c.b16 v3  }
0x44: {  	s24 =	sadd.s32 s24, s22;
	v5 =	vcombine.low v4, v1;
	v8 =	vcombine.high v4, v1;
	v1 =	vld [tilespmem:s28+$0xFFFFFFF0]  }
0x45: {  	s25 =	sadd.s32 $0x0, s24;
	v3 =	vld [tilespmem:s28+$0xFFFFFFE0]  }
0x46: {  	p1 =	por p2, p2;
	[tilespmem:s25+$0x810 ss:$0x81] =	vst.msk $0xffff, v5;
	v5 =	vcombine.low v7, v6  }
0x47: {  	s26 =	simm.s32 $0x4;
	s27 =	simm.s32 $0x8;
	v4 =	vcombine.high v7, v6;
	s28 =	sadd.s32 $0x40, s28;
	[tilespmem:s25+$0x1830 ss:$0x81] =	vst.msk $0xffff, v8  }
.LBB1_4:
0x48: {  	v6 =	vperm.xlane.i2c.b16 v2;
	v7 =	vperm.xlane.i2c.b16 v0;
	v0 =	vld [tilespmem:s28+$0x0];
	[tilespmem:s25+$0x0 ss:$0x81] =	vst.msk $0xffff, v5;
	s29 =	smov.u32 s27;
	p2 =	sne.s32 s27, $0x1FC  }
.Ltmp3:
0x49: {  	v2 =	vld [tilespmem:s28+$0x10];
	v8 =	vperm.xlane.i2c.b16 v1;
	[tilespmem:s25+$0x1020 ss:$0x81] =	vst.msk $0xffff, v4;
	(pc) =	sbr.rel @p2 .LBB1_4-.Ltmp3, $4  }
0x4a: {  	s27 =	sadd.s32 $0x4, s27;
	s25 =	sshra.s32 s26, $0x2;
	v1 =	vld [tilespmem:s28+$0xFFFFFFF0];
	v4 =	vperm.xlane.i2c.b16 v3;
	v9 =	vcombine.low v7, v6  }
0x4b: {  	s26 =	smov.u32 s29;
	s25 =	sadd.s32 s25, s24;
	v6 =	vcombine.high v7, v6;
	v3 =	vld [tilespmem:s28+$0xFFFFFFE0]  }
0x4c: {  	v5 =	vcombine.low v4, v8;
	v4 =	vcombine.high v4, v8;
	[tilespmem:s25+$0x810 ss:$0x81] =	vst.msk $0xffff, v9  }
0x4d: {  	s28 =	sadd.s32 $0x40, s28;
	[tilespmem:s25+$0x1830 ss:$0x81] =	vst.msk $0xffff, v6  }
0x4e: {  	v2 =	vperm.xlane.i2c.b16 v2;
	v0 =	vperm.xlane.i2c.b16 v0  }
0x4f: {  	v1 =	vperm.xlane.i2c.b16 v1  }
0x50: {  	[tilespmem:s25+$0x0 ss:$0x81] =	vst.msk $0xffff, v5;
	s26 =	sshra.s32 s26, $0x2;
	v3 =	vperm.xlane.i2c.b16 v3;
	v62 =	vcombine.low v0, v2  }
.Ltmp4:
0x51: {  	[tilespmem:s25+$0x1020 ss:$0x81] =	vst.msk $0xffff, v4;
	s24 =	sadd.s32 s26, s24;
	v0 =	vcombine.high v0, v2;
	(pc) =	sbr.rel @p1 .LBB1_3-.Ltmp4, $4  }
0x52: {  	v63 =	vcombine.low v3, v1;
	[tilespmem:s24+$0x810 ss:$0x81] =	vst.msk $0xffff, v62  }
0x53: {  	v1 =	vcombine.high v3, v1;
	[tilespmem:s24+$0x1830 ss:$0x81] =	vst.msk $0xffff, v0  }
0x54: {  	[tilespmem:s24+$0x0 ss:$0x81] =	vst.msk $0xffff, v63  }
0x55: {  	p2 =	por $0x0, $0x0;
	[tilespmem:s24+$0x1020 ss:$0x81] =	vst.msk $0xffff, v1;
	s24 =	simm.s32 $0x1  }
0x56: {  	s19 =	sshll.u32 s19, $0x7;
	s22 =	sshll.u32 s16, $0x3  }
0x57: {  	s23 =	sand.u32 $0xFFFFFC00, s19;
	s22 =	sand.u32 $0xFFFFFC00, s22  }
0x58: {  	s25 =	sshll.u32 s16, $0x1;
	s19 =	sand.u32 $0x300, s19;
	s22 =	sadd.s32 s22, s23  }
0x59: {  	s26 =	sand.u32 $0x80, s25;
	s19 =	sor.u32 s19, s22  }
0x5a: {  	s18 =	smul.u32 $0x28000, s18;
	s19 =	sor.u32 s26, s19  }
0x5b: {  	s17 =	smul.u32 $0xA00, s17;
	s19 =	sshrl.u32 s19, $0x7  }
0x5c: {  	s27 =	smulhi.u32 $0xCCCCCD, s19  }
0x5d: {  	s28 =	sshrl.u32 s16, $0x3  }
0x5e: {  	s30 =	sand.u32 $0x7, s16;
	s29 =	sadd.s32 s18, s17;
	s22 =	smul.u32 $0x140, s27  }
0x5f: {  	s16 =	sshll.u32 s30, $0x12;
	s18 =	sadd.s32 s18, s8;
	s23 =	sadd.s32 s7, s29  }
0x60: {  	s17 =	sadd.s32 s17, s18;
	s19 =	ssub.s32 s19, s22;
	s22 =	sand.u32 $0x7, s28  }
.Ltmp5:
0x61: {  	s19 =	sshll.u32 s19, $0x3;
	s23 =	sadd.s32 s22, s23;
	(pc) =	sbr.rel .LBB1_7-.Ltmp5, $4  }
0x62: {  	s16 =	sor.u32 $0x1000, s16;
	s17 =	sadd.s32 s22, s17;
	s23 =	sadd.s32 s19, s23  }
0x63: {  	[hbm4b:s23+s16] =	stream.strided.scatter [tilespmem:s21], [sflag:$0x2], $0x2000, s10, s16, $0x20;
	[tilespmem:$0x10100] =	vst v63  }
0x64: {  	s31 =	sadd.s32 $0xA040, s20;
	s17 =	sadd.s32 s19, s17  }
0x65: {  	[hbm4b:s17+s16] =	stream.strided.scatter [tilespmem:s31], [sflag:$0x2], $0x2000, s10, s16, $0x20;
	[tilespmem:$0x10100] =	vst v63  }
.LBB1_8:
0x66: {  	_ =	sfence.sel $0x180000  }
0x67: {  	s1 =	simm.s32 $0x1;
	[bflag:$0x0] =	sbarrier.arrive $0xFFFF  }
0x68: {  	s31 =	simm.s32 $0x2;
	[sflag:s1] =	ssyncpa.u1 $0x1  }
0x69: {  	[sflag:s31] =	ssyncpa.u1 $0x1  }
0x6a: {  	p0 =	sne.s32 s0, $0x0;
	_ =	strace $0x90000050  }
0x6b: {  	s0 =	sadd.s32 @!p0 $0x100000, s3;
	[bflag:$0x2] =	sbarrier.arrive $0xFFFF  }
0x6c: {  	[sflag:s0] =	ssyncadd.tile.s32 @!p0 $0x1;
	_ =	shalt  }
.Lfunc_end1:
_tile_overlayer_lowered:
.L_overlay_start_2:
0x6d: {  	(tag) =	ssettag $0x2  }
0x6e: {  	s0 =	rddreg [dreg:$0x0];
	s2 =	stileid.u32  }
0x6f: {  	s1 =	rddreg [dreg:$0x1];
	p0 =	sne.s32 s2, $0x0  }
0x70: {  	s3 =	rddreg [dreg:$0x2];
	[bflag:$0x3] =	sbarrier.arrive $0xFFFF;
	s2 =	simm.s32 @!p0 $0x1C01  }
0x71: {  	[timem:s3], [sflag:s2] =	dma.local @!p0 [hbm:s0], s1  }
0x72: {  	s0 =	simm.s32 @!p0 $0x1  }
0x73: {  	_ =	swait.ge @!p0 [sflag:s0], s1  }
0x74: {  	s1 =	ssub.s32 @!p0 $0x0, s1;
	[sflag:s0] =	ssyncset.done @!p0 $0x0  }
0x75: {  	[sflag:s0] =	ssyncadd.s32 @!p0 s1  }
0x76: {  	[bflag:$0x3] =	sbarrier.arrive $0xFFFF  }
0x77: {  	_ =	shalt  }

// kernel: sparse-core-data-format-call.2.cloned.1.call-start
scs
called_computation.2_lowered:
.L_overlay_start_0:
0x0: {  	s1 =	sld [smem:$0x3FD9]  }
0x1: {  	s2 =	sld [smem:$0x3FFE];
	_ =	sdelay $0x1  }
0x2: {  	s3 =	srdreg.scid  }
0x3: {  	s0 =	sand.u32 $0x1, s3  }
0x4: {  	s17 =	sshll.u32 s0, $0xA;
	s1 =	sadd.s32 s2, s1  }
0x5: {  	s1 =	sadd.s32 s1, s17  }
0x6: {  	[smem:$0x3F97] =	sst s1  }
0x7: {  	_ = 	snop  }
0x8: {  	(tm) =	ssettm $0x1  }
0x9: {  	s18 =	sld [smem:$0x3FFB];
	_ =	sdelay $0x3  }
0xa: {  	_ =	strace s18  }
0xb: {  	s1 =	sld [smem:$0x3FFC];
	_ =	sdelay $0x3  }
0xc: {  	_ =	strace s1  }
0xd: {  	s1 =	sld [smem:$0x3FFD];
	_ =	sdelay $0x3  }
0xe: {  	_ =	strace s1  }
0xf: {  	_ =	strace $0x8FFFFFFF  }
0x10: {  	s19 =	sld [smem:$0x3FDB];
	_ =	sdelay $0x1  }
0x11: {  	s20 =	simm.s32 $_scs_section_size  }
0x12: {  	s4 =	simm.s32 $_size__tile_overlayer_lowered;
	s5 =	simm.s32 $_tile_overlayer_lowered  }
0x13: {  	s23 =	simm.s32 $0x1BFF;
	s22 =	sshll.u32 s5, $0x1;
	s1 =	sadd.s32 s20, s19  }
0x14: {  	s6 =	simm.s32 $0x0;
	s21 =	sshll.u32 s4, $0x1;
	s4 =	sadd.s32 s22, s1  }
0x15: {  	[timem:s6], [sflag:s23] =	dma.local [hbm:s4], s21  }
0x16: {  	_ =	swait.ge [sflag:s23], s21  }
0x17: {  	s2 =	ssub.s32 $0x0, s21;
	[sflag:s23] =	ssyncset.done $0x0  }
0x18: {  	[sflag:s23] =	ssyncadd.s32 s2;
	_ =	sdelay $0x1  }
0x19: {  	s24 =	simm.s32 $0x1B8B  }
0x1a: {  	_ =	swait.ge [sflag:s24], $0x1  }
0x1b: {  	[sflag:s24] =	ssyncset.done $0x0  }
0x1c: {  	s26 =	simm.s32 $0x1B8E;
	s25 =	sld [smem:$0x3FFE];
	[sflag:s24] =	ssyncadd.s32 $0xFFFFFFFF  }
0x1d: {  	s27 =	simm.s32 $execute0_lowered;
	[smem:$0x3FD2] =	sst s26  }
0x1e: {  	s4 =	sshll.u32 s27, $0x1;
	_ =	strace $0x80000055;
	[dreg:$0x1] =	wrdreg $0xFFFFFFFF  }
0x1f: {  	s28 =	simm.s32 $_size_execute0_lowered;
	s1 =	sadd.s32 s1, s4;
	[dreg:$0x0] =	wrdreg $0x0  }
0x20: {  	s4 =	sshll.u32 s28, $0x1;
	[dreg:$0x2] =	wrdreg s1  }
0x21: {  	[dreg:$0x3] =	wrdreg s4  }
0x22: {  	[dreg:$0x4] =	wrdreg $0xC0  }
0x23: {  	_ =	task [dreg:s6], $0x5FFFF  }
0x24: {  	[dreg:$0x1] =	wrdreg $0xFFFFFFFF  }
0x25: {  	[dreg:$0x0] =	wrdreg $0x60  }
0x26: {  	[dreg:$0x2] =	wrdreg s25  }
0x27: {  	[dreg:$0x3] =	wrdreg $0x9  }
0x28: {  	_ =	task.clear_ibuf [dreg:s6], $0x4FFFF;
	_ =	strace $0x90000055  }
0x29: {  	s29 =	simm.s32 $0x9;
	_ =	strace $0x80000057  }
0x2a: {  	_ =	swait.ge [sflag:s29], $0x1  }
0x2b: {  	[sflag:s29] =	ssyncadd.s32 $0xFFFFFFFF  }
0x2c: {  	_ =	strace $0x90000057  }
0x2d: {  	_ =	sfence  }
0x2e: {  	s30 =	sld [smem:$0x0];
	_ =	sdelay $0x2  }
0x2f: {  	s31 =	sshll.u32 s3, $0xD;
	s3 =	sshrl.u32 s3, $0x2  }
0x30: {  	s2 =	sand.u32 $0x4000, s31;
	s1 =	sadd.s32 s3, s30  }
0x31: {  	s0 =	sor.u32 s2, s0;
	s1 =	sshll.u32 s1, $0x11  }
0x32: {  	s0 =	sor.u32 s1, s0  }
0x33: {  	s0 =	sadd.s32 $0x8F2B, s0  }
0x34: {  	[sflag:s0] =	ssyncadd.remote.s32 $0x1  }
0x35: {  	_ =	sfence.sel $0xFFFF  }
0x36: {  	[dreg:$0x0] =	wrdreg $0xFFFFFFFF;
	(pc) =	sbr.abs _section_cstart, $3  }
0x37: {  	[dreg:$0x1] =	wrdreg $0xFFFFFFFF  }
0x38: {  	_ =	task.clear_ibuf [dreg:s6], $0x2FFFF;
	_ =	strace $0x9FFFFFFF  }
0x39: {  	(tm) =	ssettm $0x7FFFFFFF  }
tec
execute0_lowered:
.L_overlay_start_1:
0x0: {  	(tag) =	ssettag $0x1  }
0x1: {  	s0 =	srdreg.scid  }
0x2: {  	s4 =	rddreg [dreg:$0x0];
	s1 =	sshll.u32 s0, $0x4  }
0x3: {  	s6 =	simm.s32 $0x1;
	s0 =	stileid.u32;
	s1 =	sand.u32 $0x10, s1  }
0x4: {  	s31 =	simm.s32 $0x2;
	s14 =	simm.s32 $0x0;
	s1 =	sor.u32 s0, s1  }
0x5: {  	s8 =	simm.s32 $0x80;
	s9 =	simm.s32 $0x5000;
	s2 =	sshll.u32 s1, $0x1  }
0x6: {  	s10 =	simm.s32 $0x0;
	s15 =	simm.s32 $0x0;
	s5 =	ssub.s32 $0x140, s2  }
0x7: {  	s11 =	simm.s32 $0x0;
	s13 =	simm.s32 $0x0;
	s3 =	sand.u32 $0x3E, s5  }
.Ltmp0:
0x8: {  	s1 =	rddreg [dreg:$0x1];
	p0 =	sne.s32 s3, $0x0;
	(pc) =	sbr.rel .LBB1_1-.Ltmp0, $4  }
0x9: {  	_ =	strace $0x80000056;
	s7 =	sshrl.u32 s5, $0x6;
	s6 =	simm.s32 @!p0 $0x0  }
0xa: {  	s12 =	smov.u32 s2;
	s5 =	simm.s32 $0x1;
	s6 =	sadd.s32 s6, s7  }
0xb: {  	s3 =	sadd.s32 $0xB0D000, s4;
	[sflag:s5] =	ssyncpa.u1 $0x0;
	s6 =	sshll.u32 s6, $0x4  }
0xc: {  	s4 =	sadd.s32 $0x1F0C000, s4;
	[sflag:s31] =	ssyncpa.u1 $0x0;
	s7 =	sor.u32 $0x1, s6  }
.LBB1_4:
0xd: {  	[tilespmem:s16+$0x30] =	vst v10;
	v8 =	vpack.i.b32.b16 v11, v8  }
0xe: {  	v51 =	vunpack.i.l.s16.s32 v4;
	v7 =	vpack.i.b32.b16 v9, v7;
	v52 =	vunpack.i.l.s16.s32 v5;
	s15 =	sand.u32 $0x1FFFFFE, s15;
	[tilespmem:s16+$0xFFFFFFC0] =	vst v8  }
0xf: {  	v53 =	vunpack.i.u.s16.s32 v4;
	v54 =	vunpack.i.u.s16.s32 v5;
	[tilespmem:s16+$0x40] =	vst v7;
	v55 =	vpack.i.b32.b16 v52, v51;
	s19 =	smulhi.u32 $0xCCCCCD, s15  }
0x10: {  	v56 =	vunpack.i.l.s16.s32 v2;
	v57 =	vunpack.i.l.s16.s32 v3;
	v4 =	vpack.i.b32.b16 v54, v53;
	[tilespmem:s16+$0xFFFFFFD0] =	vst v55  }
0x11: {  	v58 =	vunpack.i.l.s16.s32 v6;
	v59 =	vpack.i.b32.b16 v57, v56;
	[tilespmem:s16+$0x50] =	vst v4;
	s19 =	smul.u32 $0x140, s19  }
0x12: {  	v60 =	vunpack.i.u.s16.s32 v6;
	s14 =	smul.u32 $0x50000, s14;
	v1 =	vpack.i.b32.b16 v1, v58;
	[tilespmem:s16+$0xFFFFFFE0] =	vst v59  }
0x13: {  	v61 =	vunpack.i.u.s16.s32 v2;
	v62 =	vunpack.i.u.s16.s32 v3;
	v0 =	vpack.i.b32.b16 v0, v60;
	[tilespmem:s16+$0xFFFFFF80] =	vst v1;
	s15 =	ssub.s32 s15, s19  }
0x14: {  	v63 =	vpack.i.b32.b16 v62, v61;
	s14 =	sadd.s32 s4, s14;
	[tilespmem:s18+$0x0] =	vst v0;
	s15 =	sshll.u32 s15, $0x3  }
0x15: {  	[tilespmem:s18+$0x60] =	vst v63;
	s14 =	sadd.s32 s15, s14  }
0x16: {  	[hbm4b:s14+s8] =	stream.strided.scatter [tilespmem:s17], [sflag:$0x2], $0x4000, s9, s8, $0x38;
	[tilespmem:$0x10000] =	vst v63  }
.LBB1_5:
0x17: {  	s16 =	sadd.s32 $0x1, s11  }
0x18: {  	s14 =	sadd.s32 $0x40, s12;
	s18 =	smov.u32 s12;
	p1 =	sgt.s32 s16, $0xF  }
0x19: {  	s18 =	smov.u32 @p1 s14  }
0x1a: {  	s16 =	simm.s32 @p1 $0x0;
	p1 =	sgt.s32 s18, $0x13F  }
0x1b: {  	s18 =	smov.u32 @p1 s2;
	p1 =	sne.s32 s13, s7  }
.Ltmp1:
0x1c: {  	p0 =	slt.u32 s13, $0x2;
	(pc) =	sbr.rel @!p1 .LBB1_6-.Ltmp1, $4  }
0x1d: {  	s17 =	simm.s32 @!p0 $0x2  }
0x1e: {  	s15 =	smov.u32 s12;
	s10 =	sadd.s32 $0x8000, s10;
	_ =	swait.ge @!p0 [sflag:s17], $0x4000  }
0x1f: {  	s14 =	smov.u32 s11;
	[sflag:s17] =	ssyncset.done @!p0 $0x0;
	s11 =	smov.u32 s16  }
0x20: {  	s13 =	sadd.s32 $0x1, s13;
	[sflag:s17] =	ssyncadd.s32 @!p0 $0xFFFFC000;
	s12 =	smov.u32 s18  }
.LBB1_1:
0x21: {  	p0 =	sge.u32 s13, s6;
	s31 =	sadd.s32 $0xFFFFFFFF, s13  }
0x22: {  	s16 =	sshll.u32 @!p0 s12, $0xE;
	s17 =	sxor.u32 @!p0 $0xFFFFFFFF, s13;
	s18 =	sshll.u32 @!p0 s11, $0xA  }
0x23: {  	s19 =	simm.s32 @!p0 $0x20000;
	s16 =	sadd.s32 @!p0 s3, s16;
	s17 =	sshll.u32 @!p0 s17, $0xE  }
0x24: {  	s16 =	sadd.s32 @!p0 s18, s16;
	s17 =	sand.u32 @!p0 $0x4000, s17;
	s18 =	simm.s32 @!p0 $0x2000  }
0x25: {  	[tilespmem:s17], [sflag:$0x1] =	stream.strided.gather @!p0 [hbm4b:s16+s18], $0x4000, s19, s18, $0x38;
	[tilespmem:$0x10000] =	vst v63  }
0x26: {  	p0 =	sge.u32 s31, s6  }
.Ltmp2:
0x27: {  	_ = 	snop;
	(pc) =	sbr.rel @p0 .LBB1_5-.Ltmp2, $1  }
0x28: {  	_ =	sdelay $0x3  }
0x29: {  	s16 =	sshrl.u32 s10, $0x1;
	_ =	swait.ge [sflag:s5], $0x4000  }
0x2a: {  	s16 =	sand.u32 $0x4000, s16;
	[sflag:s5] =	ssyncset.done $0x0  }
0x2b: {  	s18 =	sor.u32 $0x2000, s16;
	[sflag:s5] =	ssyncadd.s32 $0xFFFFC000  }
0x2c: {  	v0 =	vld [tilespmem:s18+$0xFFFFE070]  }
0x2d: {  	v1 =	vld [tilespmem:s18+$0x70]  }
0x2e: {  	v2 =	vld [tilespmem:s18+$0x0]  }
0x2f: {  	v3 =	vld [tilespmem:s18+$0xFFFFE010]  }
0x30: {  	v4 =	vld [tilespmem:s18+$0x10]  }
0x31: {  	v5 =	vld [tilespmem:s18+$0xFFFFE020]  }
0x32: {  	v7 =	vld [tilespmem:s18+$0x20]  }
0x33: {  	v12 =	vld [tilespmem:s18+$0xFFFFE040];
	v6 =	vunpack.i.l.s16.s32 v0;
	v8 =	vunpack.i.u.s16.s32 v0;
	v9 =	vunpack.i.u.s16.s32 v1  }
0x34: {  	v10 =	vunpack.i.l.s16.s32 v1;
	v0 =	vunpack.i.u.s16.s32 v2;
	v1 =	vunpack.i.l.s16.s32 v2;
	v2 =	vld [tilespmem:s18+$0xFFFFE030]  }
0x35: {  	s16 =	sor.u32 $0x8080, s16;
	v11 =	vld [tilespmem:s18+$0x30];
	v8 =	vpack.i.b32.b16 v9, v8;
	v9 =	vunpack.i.u.s16.s32 v3;
	v3 =	vunpack.i.l.s16.s32 v3  }
0x36: {  	v6 =	vpack.i.b32.b16 v10, v6;
	[tilespmem:s16+$0x70] =	vst v8;
	v8 =	vunpack.i.u.s16.s32 v4;
	v4 =	vunpack.i.l.s16.s32 v4  }
0x37: {  	v13 =	vld [tilespmem:s18+$0x40];
	v10 =	vunpack.i.u.s16.s32 v5;
	v5 =	vunpack.i.l.s16.s32 v5;
	[tilespmem:s16+$0xFFFFFFF0] =	vst v6;
	v3 =	vpack.i.b32.b16 v4, v3  }
0x38: {  	v6 =	vunpack.i.u.s16.s32 v7;
	v7 =	vunpack.i.l.s16.s32 v7;
	v4 =	vld [tilespmem:s18+$0xFFFFE050];
	[tilespmem:s16+$0xFFFFFF90] =	vst v3;
	v3 =	vpack.i.b32.b16 v8, v9  }
0x39: {  	v8 =	vunpack.i.l.s16.s32 v12;
	[tilespmem:s16+$0x10] =	vst v3;
	v3 =	vpack.i.b32.b16 v7, v5;
	v9 =	vunpack.i.u.s16.s32 v2;
	v5 =	vld [tilespmem:s18+$0x50]  }
0x3a: {  	s17 =	sshll.u32 s13, $0xE;
	v7 =	vunpack.i.l.s16.s32 v2;
	v2 =	vld [tilespmem:s18+$0xFFFFE060];
	[tilespmem:s16+$0xFFFFFFA0] =	vst v3;
	v3 =	vpack.i.b32.b16 v6, v10;
	v6 =	vunpack.i.l.s16.s32 v11  }
0x3b: {  	s19 =	simm.s32 $0x0;
	s17 =	sand.u32 $0x4000, s17;
	v10 =	vunpack.i.u.s16.s32 v11;
	[tilespmem:s16+$0x20] =	vst v3;
	v11 =	vpack.i.b32.b16 v6, v7;
	v7 =	vunpack.i.u.s16.s32 v12;
	v3 =	vld [tilespmem:s18+$0x60]  }
0x3c: {  	s17 =	sor.u32 $0x8000, s17;
	s20 =	sadd.s32 $0x80, s18;
	v6 =	vld [tilespmem:s18+$0xFFFFE000];
	v10 =	vpack.i.b32.b16 v10, v9;
	v9 =	vunpack.i.u.s16.s32 v13;
	s18 =	smov.u32 s16;
	[tilespmem:s16+$0xFFFFFFB0] =	vst v11;
	v11 =	vunpack.i.l.s16.s32 v13  }
.LBB1_3:
0x3d: {  	v12 =	vld [tilespmem:s20+$0xFFFFE070];
	[tilespmem:s16+$0x30] =	vst v10;
	v8 =	vpack.i.b32.b16 v11, v8;
	v10 =	vunpack.i.u.s16.s32 v4;
	v4 =	vunpack.i.l.s16.s32 v4  }
0x3e: {  	s19 =	sadd.s32 $0x2, s19;
	v7 =	vpack.i.b32.b16 v9, v7;
	v11 =	vld [tilespmem:s20+$0x70];
	[tilespmem:s16+$0xFFFFFFC0] =	vst v8;
	v8 =	vunpack.i.u.s16.s32 v5;
	v5 =	vunpack.i.l.s16.s32 v5  }
0x3f: {  	p0 =	slt.u32 s19, $0x7E;
	v9 =	vld [tilespmem:s20+$0x0];
	[tilespmem:s16+$0x40] =	vst v7;
	v4 =	vpack.i.b32.b16 v5, v4;
	v5 =	vunpack.i.u.s16.s32 v2;
	v2 =	vunpack.i.l.s16.s32 v2  }
0x40: {  	v7 =	vld [tilespmem:s20+$0xFFFFE010];
	[tilespmem:s16+$0xFFFFFFD0] =	vst v4;
	v4 =	vpack.i.b32.b16 v8, v10;
	v8 =	vunpack.i.u.s16.s32 v3;
	v3 =	vunpack.i.l.s16.s32 v3  }
0x41: {  	v13 =	vunpack.i.u.s16.s32 v6;
	v6 =	vunpack.i.l.s16.s32 v6;
	v10 =	vld [tilespmem:s20+$0x10];
	[tilespmem:s16+$0x50] =	vst v4;
	v2 =	vpack.i.b32.b16 v3, v2  }
0x42: {  	v1 =	vpack.i.b32.b16 v1, v6;
	v6 =	vpack.i.b32.b16 v0, v13;
	v3 =	vld [tilespmem:s20+$0xFFFFE020];
	v4 =	vunpack.i.l.s16.s32 v12;
	[tilespmem:s16+$0xFFFFFFE0] =	vst v2  }
0x43: {  	v12 =	vunpack.i.u.s16.s32 v12;
	v2 =	vld [tilespmem:s20+$0x20];
	v13 =	vunpack.i.u.s16.s32 v11;
	v11 =	vunpack.i.l.s16.s32 v11;
	[tilespmem:s16+$0xFFFFFF80] =	vst v1  }
0x44: {  	s16 =	sadd.s32 $0x100, s16;
	v0 =	vunpack.i.u.s16.s32 v9;
	v1 =	vunpack.i.l.s16.s32 v9;
	v9 =	vld [tilespmem:s20+$0xFFFFE030];
	v12 =	vpack.i.b32.b16 v13, v12;
	[tilespmem:s18+$0x0] =	vst v6  }
0x45: {  	v5 =	vpack.i.b32.b16 v8, v5;
	v6 =	vunpack.i.u.s16.s32 v7;
	v7 =	vunpack.i.l.s16.s32 v7;
	v13 =	vld [tilespmem:s20+$0x30];
	[tilespmem:s16+$0x70] =	vst v12  }
0x46: {  	v4 =	vpack.i.b32.b16 v11, v4;
	v8 =	vunpack.i.u.s16.s32 v10;
	v10 =	vunpack.i.l.s16.s32 v10;
	v12 =	vld [tilespmem:s20+$0xFFFFE040];
	[tilespmem:s18+$0x60] =	vst v5;
	s18 =	smov.u32 s16  }
0x47: {  	v5 =	vpack.i.b32.b16 v10, v7;
	v7 =	vunpack.i.u.s16.s32 v3;
	v3 =	vunpack.i.l.s16.s32 v3;
	v11 =	vld [tilespmem:s20+$0x40];
	[tilespmem:s16+$0xFFFFFFF0] =	vst v4  }
.Ltmp3:
0x48: {  	[tilespmem:s16+$0xFFFFFF90] =	vst v5;
	v5 =	vpack.i.b32.b16 v8, v6;
	v6 =	vunpack.i.u.s16.s32 v2;
	v2 =	vunpack.i.l.s16.s32 v2;
	v4 =	vld [tilespmem:s20+$0xFFFFE050];
	(pc) =	sbr.rel @p0 .LBB1_3-.Ltmp3, $4  }
0x49: {  	[tilespmem:s16+$0x10] =	vst v5;
	v2 =	vpack.i.b32.b16 v2, v3;
	v10 =	vunpack.i.u.s16.s32 v9;
	v3 =	vunpack.i.l.s16.s32 v9;
	v5 =	vld [tilespmem:s20+$0x50]  }
0x4a: {  	v6 =	vpack.i.b32.b16 v6, v7;
	[tilespmem:s16+$0xFFFFFFA0] =	vst v2;
	v9 =	vunpack.i.u.s16.s32 v13;
	v7 =	vunpack.i.l.s16.s32 v13;
	v2 =	vld [tilespmem:s20+$0xFFFFE060]  }
0x4b: {  	[tilespmem:s16+$0x20] =	vst v6;
	v13 =	vpack.i.b32.b16 v7, v3;
	v7 =	vunpack.i.u.s16.s32 v12;
	v8 =	vunpack.i.l.s16.s32 v12;
	v3 =	vld [tilespmem:s20+$0x60]  }
0x4c: {  	v10 =	vpack.i.b32.b16 v9, v10;
	v6 =	vld [tilespmem:s20+$0xFFFFE000];
	[tilespmem:s16+$0xFFFFFFB0] =	vst v13;
	v9 =	vunpack.i.u.s16.s32 v11;
	v11 =	vunpack.i.l.s16.s32 v11;
	s20 =	sadd.s32 $0x80, s20  }
.Ltmp4:
0x4d: {  	_ = 	snop;
	(pc) =	sbr.rel .LBB1_4-.Ltmp4, $1  }
0x4e: {  	_ =	sdelay $0x3  }
.LBB1_6:
0x4f: {  	_ =	sfence.sel $0x180000  }
0x50: {  	s2 =	simm.s32 $0x1;
	[bflag:$0x0] =	sbarrier.arrive $0xFFFF  }
0x51: {  	s31 =	simm.s32 $0x2;
	[sflag:s2] =	ssyncpa.u1 $0x1  }
0x52: {  	[sflag:s31] =	ssyncpa.u1 $0x1  }
0x53: {  	p0 =	sne.s32 s0, $0x0;
	_ =	strace $0x90000056  }
0x54: {  	s0 =	sadd.s32 @!p0 $0x100000, s1;
	[bflag:$0x2] =	sbarrier.arrive $0xFFFF  }
0x55: {  	[sflag:s0] =	ssyncadd.tile.s32 @!p0 $0x1;
	_ =	shalt  }
.Lfunc_end1:
_tile_overlayer_lowered:
.L_overlay_start_2:
0x56: {  	(tag) =	ssettag $0x2  }
0x57: {  	s0 =	rddreg [dreg:$0x0];
	s2 =	stileid.u32  }
0x58: {  	s1 =	rddreg [dreg:$0x1];
	p0 =	sne.s32 s2, $0x0  }
0x59: {  	s3 =	rddreg [dreg:$0x2];
	[bflag:$0x3] =	sbarrier.arrive $0xFFFF;
	s2 =	simm.s32 @!p0 $0x1C01  }
0x5a: {  	[timem:s3], [sflag:s2] =	dma.local @!p0 [hbm:s0], s1  }
0x5b: {  	s0 =	simm.s32 @!p0 $0x1  }
0x5c: {  	_ =	swait.ge @!p0 [sflag:s0], s1  }
0x5d: {  	s1 =	ssub.s32 @!p0 $0x0, s1;
	[sflag:s0] =	ssyncset.done @!p0 $0x0  }
0x5e: {  	[sflag:s0] =	ssyncadd.s32 @!p0 s1  }
0x5f: {  	[bflag:$0x3] =	sbarrier.arrive $0xFFFF  }
0x60: {  	_ =	shalt  }

// kernel: sparse-core-data-format-call.3.cloned.1.call-start
scs
called_computation.3_lowered:
.L_overlay_start_0:
0x0: {  	s2 =	sld [smem:$0x3FD9]  }
0x1: {  	s3 =	sld [smem:$0x3FFE];
	_ =	sdelay $0x1  }
0x2: {  	s1 =	srdreg.scid  }
0x3: {  	s0 =	sand.u32 $0x1, s1  }
0x4: {  	s18 =	sshll.u32 s0, $0xA;
	s2 =	sadd.s32 s3, s2  }
0x5: {  	s2 =	sadd.s32 s2, s18  }
0x6: {  	[smem:$0x3F97] =	sst s2  }
0x7: {  	_ = 	snop  }
0x8: {  	(tm) =	ssettm $0x1  }
0x9: {  	s19 =	sld [smem:$0x3FFB];
	_ =	sdelay $0x3  }
0xa: {  	_ =	strace s19  }
0xb: {  	s2 =	sld [smem:$0x3FFC];
	_ =	sdelay $0x3  }
0xc: {  	_ =	strace s2  }
0xd: {  	s2 =	sld [smem:$0x3FFD];
	_ =	sdelay $0x3  }
0xe: {  	_ =	strace s2  }
0xf: {  	_ =	strace $0x8FFFFFFF  }
0x10: {  	s20 =	sld [smem:$0x3FDB];
	_ =	sdelay $0x1  }
0x11: {  	s21 =	simm.s32 $_scs_section_size  }
0x12: {  	s4 =	simm.s32 $_size__tile_overlayer_lowered;
	s5 =	simm.s32 $_tile_overlayer_lowered  }
0x13: {  	s6 =	simm.s32 $0x1BFF;
	s22 =	sshll.u32 s5, $0x1;
	s3 =	sadd.s32 s21, s20  }
0x14: {  	s23 =	simm.s32 $0x0;
	s4 =	sshll.u32 s4, $0x1;
	s5 =	sadd.s32 s22, s3  }
0x15: {  	[timem:s23], [sflag:s6] =	dma.local [hbm:s5], s4  }
0x16: {  	_ =	swait.ge [sflag:s6], s4  }
0x17: {  	s4 =	ssub.s32 $0x0, s4;
	[sflag:s6] =	ssyncset.done $0x0  }
0x18: {  	[sflag:s6] =	ssyncadd.s32 s4;
	_ =	sdelay $0x1  }
0x19: {  	s24 =	simm.s32 $0x1B8B  }
0x1a: {  	_ =	swait.ge [sflag:s24], $0x1  }
0x1b: {  	[sflag:s24] =	ssyncset.done $0x0  }
0x1c: {  	[sflag:s24] =	ssyncadd.s32 $0xFFFFFFFF  }
0x1d: {  	s4 =	sld [smem:$0x0]  }
0x1e: {  	s5 =	sand.u32 $0xFFFFFFFE, s1  }
0x1f: {  	p0 =	sne.s32 s1, s5  }
0x20: {  	s5 =	sshll.u32 @p0 s5, $0xE  }
0x21: {  	s5 =	sadd.s32 @p0 $0x11B8D, s5;
	s6 =	sshll.u32 @p0 s4, $0x11  }
0x22: {  	s5 =	sor.u32 @p0 s6, s5  }
0x23: {  	[sflag:s5] =	ssyncadd.remote.s32 @p0 $0x1;
	_ =	sdelay $0x1  }
0x24: {  	s5 =	simm.s32 @p0 $0x1B8D  }
0x25: {  	_ =	swait.eq @p0 [sflag:s5], $0x1  }
0x26: {  	[sflag:s5] =	ssyncadd.s32 @p0 $0xFFFFFFFF  }
0x27: {  	s6 =	sshll.u32 @!p0 s1, $0xE  }
0x28: {  	s6 =	sor.u32 @!p0 $0x4000, s6;
	s5 =	simm.s32 @!p0 $0x1B8D  }
0x29: {  	s4 =	sshll.u32 @!p0 s4, $0x11;
	s6 =	sadd.s32 @!p0 $0x11B8D, s6;
	_ =	swait.eq @!p0 [sflag:s5], $0x1  }
0x2a: {  	s4 =	sor.u32 @!p0 s4, s6;
	[sflag:s5] =	ssyncadd.s32 @!p0 $0xFFFFFFFF  }
0x2b: {  	s26 =	simm.s32 $0x1B8E;
	s25 =	sld [smem:$0x3FFE];
	[sflag:s4] =	ssyncadd.remote.s32 @!p0 $0x1  }
0x2c: {  	s27 =	simm.s32 $execute0_lowered;
	[smem:$0x3FD2] =	sst s26  }
0x2d: {  	s5 =	sshll.u32 s27, $0x1;
	_ =	strace $0x80000052;
	[dreg:$0x1] =	wrdreg $0xFFFFFFFF  }
0x2e: {  	s28 =	simm.s32 $_size_execute0_lowered;
	s3 =	sadd.s32 s3, s5;
	[dreg:$0x0] =	wrdreg $0x0  }
0x2f: {  	s5 =	sshll.u32 s28, $0x1;
	[dreg:$0x2] =	wrdreg s3  }
0x30: {  	[dreg:$0x3] =	wrdreg s5  }
0x31: {  	[dreg:$0x4] =	wrdreg $0xC0  }
0x32: {  	_ =	task [dreg:s23], $0x5FFFF  }
0x33: {  	[dreg:$0x1] =	wrdreg $0xFFFFFFFF  }
0x34: {  	[dreg:$0x0] =	wrdreg $0x60  }
0x35: {  	[dreg:$0x2] =	wrdreg s25  }
0x36: {  	[dreg:$0x3] =	wrdreg $0xB  }
0x37: {  	_ =	task.clear_ibuf [dreg:s23], $0x4FFFF;
	_ =	strace $0x90000052  }
0x38: {  	s29 =	simm.s32 $0xB;
	_ =	strace $0x80000054  }
0x39: {  	_ =	swait.ge [sflag:s29], $0x1  }
0x3a: {  	[sflag:s29] =	ssyncadd.s32 $0xFFFFFFFF  }
0x3b: {  	_ =	strace $0x90000054  }
0x3c: {  	_ =	sfence  }
0x3d: {  	s30 =	sld [smem:$0x0];
	_ =	sdelay $0x2  }
0x3e: {  	s31 =	sshll.u32 s1, $0xD;
	s1 =	sshrl.u32 s1, $0x2  }
0x3f: {  	s4 =	sand.u32 $0x4000, s31;
	s1 =	sadd.s32 s1, s30  }
0x40: {  	s0 =	sor.u32 s4, s0;
	s1 =	sshll.u32 s1, $0x11  }
0x41: {  	s0 =	sor.u32 s1, s0  }
0x42: {  	s0 =	sadd.s32 $0x8F2B, s0  }
0x43: {  	[sflag:s0] =	ssyncadd.remote.s32 $0x1  }
0x44: {  	_ =	sfence.sel $0xFFFF  }
0x45: {  	[dreg:$0x0] =	wrdreg $0xFFFFFFFF;
	(pc) =	sbr.abs _section_cstart, $3  }
0x46: {  	[dreg:$0x1] =	wrdreg $0xFFFFFFFF  }
0x47: {  	_ =	task.clear_ibuf [dreg:s23], $0x2FFFF;
	_ =	strace $0x9FFFFFFF  }
0x48: {  	(tm) =	ssettm $0x7FFFFFFF  }
0x49: {  	_ =	shalt  }
tec
execute0_lowered:
.L_overlay_start_1:
0x0: {  	(tag) =	ssettag $0x1  }
0x1: {  	s1 =	rddreg [dreg:$0x0]  }
0x2: {  	s0 =	rddreg [dreg:$0x1]  }
0x3: {  	_ =	strace $0x80000053;
	s4 =	simm.s32 $0x1;
	s5 =	srdreg.scid  }
0x4: {  	s6 =	simm.s32 $0x2;
	s9 =	simm.s32 $0x0;
	p0 =	por $0x0, $0x0  }
.Ltmp0:
0x5: {  	s13 =	simm.s32 $0x0;
	s14 =	simm.s32 $0x0;
	(pc) =	sbr.rel .LBB1_1-.Ltmp0, $4  }
0x6: {  	s12 =	stileid.u32;
	s10 =	simm.s32 $0x0;
	s2 =	sadd.s32 $0x1F2C000, s1  }
0x7: {  	s3 =	sadd.s32 $0x14EC000, s1;
	[sflag:s4] =	ssyncpa.u1 $0x0;
	s5 =	sand.u32 $0x1, s5  }
0x8: {  	s1 =	stileid.u32;
	[sflag:s6] =	ssyncpa.u1 $0x0;
	s6 =	ssub.s32 $0xA2, s5  }
0x9: {  	s7 =	ssub.s32 $0xA4, s5;
	s8 =	sxor.u32 $0xA3, s5;
	s11 =	smov.u32 s5  }
.LBB1_5:
0xa: {  	s15 =	sadd.s32 $0x2, s11  }
0xb: {  	s13 =	sadd.s32 $0x10, s12;
	s17 =	smov.u32 s12;
	p2 =	sgt.s32 s15, $0x142  }
0xc: {  	p1 =	slt.u32 s10, $0x2;
	s17 =	smov.u32 @p2 s13  }
0xd: {  	s10 =	sadd.s32 $0x1, s10;
	s15 =	smov.u32 @p2 s5;
	p2 =	sgt.s32 s17, $0xF  }
0xe: {  	s17 =	smov.u32 @p2 s1;
	p2 =	sne.s32 s10, s7  }
.Ltmp1:
0xf: {  	_ = 	snop;
	(pc) =	sbr.rel @!p2 .LBB1_6-.Ltmp1, $4  }
0x10: {  	s16 =	simm.s32 @!p1 $0x2  }
0x11: {  	s14 =	smov.u32 s12;
	_ =	swait.ge @!p1 [sflag:s16], $0x4000  }
0x12: {  	p0 =	por !p0, !p0;
	s13 =	smov.u32 s11;
	[sflag:s16] =	ssyncset.done @!p1 $0x0  }
0x13: {  	s11 =	smov.u32 s15;
	[sflag:s16] =	ssyncadd.s32 @!p1 $0xFFFFC000;
	s12 =	smov.u32 s17  }
.LBB1_1:
0x14: {  	p1 =	sge.u32 s10, s6  }
0x15: {  	s15 =	smul.u32 @!p1 $0xA1800, s12  }
0x16: {  	s16 =	sxor.u32 @!p1 $0xFFFFFFFF, s10  }
0x17: {  	s17 =	sshll.u32 @!p1 s11, $0xB;
	s16 =	sshll.u32 @!p1 s16, $0xE;
	s15 =	sadd.s32 @!p1 s2, s15  }
0x18: {  	s16 =	sand.u32 @!p1 $0x4000, s16;
	s15 =	sadd.s32 @!p1 s17, s15;
	s17 =	simm.s32 @!p1 $0x0  }
0x19: {  	[tilespmem:s16], [sflag:$0x1] =	stream.linear.gather @!p1 [hbm4b:s15+s17], $0x4000, $0x38;
	[tilespmem:$0x10000] =	vst v63  }
0x1a: {  	p1 =	seq.s32 s10, $0x0  }
0x1b: {  	p2 =	sge.u32 @!p1 s10, s8  }
0x1c: {  	p1 =	por p1, p2  }
.Ltmp2:
0x1d: {  	_ = 	snop;
	(pc) =	sbr.rel @p1 .LBB1_5-.Ltmp2, $1  }
0x1e: {  	_ =	sdelay $0x3  }
0x1f: {  	s15 =	simm.s32 $0x1  }
0x20: {  	s15 =	simm.s32 @!p0 $0x0  }
0x21: {  	s15 =	sshll.u32 s15, $0xE  }
0x22: {  	s16 =	sor.u32 $0x40, s15  }
0x23: {  	v1 =	vmov s16;
	_ =	sdelay $0x1  }
0x24: {  	_ =	swait.ge [sflag:s4], $0x4000  }
0x25: {  	[sflag:s4] =	ssyncset.done $0x0  }
0x26: {  	[sflag:s4] =	ssyncadd.s32 $0xFFFFC000;
	s16 =	simm.s32 $0x0  }
0x27: {  	s15 =	sor.u32 $0x8070, s15;
	v7 =	vld.idx.msk [tilespmem:v1+s16+$0x30 ss:$0x1], $0xffff  }
0x28: {  	v0 =	vmov s15;
	v8 =	vld.idx.msk [tilespmem:v1+s16+$0xFFFFFFC0 ss:$0x1], $0xffff  }
0x29: {  	v6 =	vld.idx.msk [tilespmem:v1+s16+$0xFFFFFFD0 ss:$0x1], $0xffff  }
0x2a: {  	v4 =	vld.idx.msk [tilespmem:v1+s16+$0xFFFFFFE0 ss:$0x1], $0xffff  }
0x2b: {  	v2 =	vld.idx.msk [tilespmem:v1+s16+$0xFFFFFFF0 ss:$0x1], $0xffff  }
0x2c: {  	s31 =	sshll.u32 s10, $0xE;
	v3 =	vld.idx.msk [tilespmem:v1+s16+$0x0 ss:$0x1], $0xffff  }
0x2d: {  	s15 =	sand.u32 $0x4000, s31;
	v5 =	vld.idx.msk [tilespmem:v1+s16+$0x10 ss:$0x1], $0xffff;
	[tilespmem:v0+s16+$0x0 ss:$0x1] =	vst.idx.msk $0xffff, v7  }
0x2e: {  	s17 =	simm.s32 $0x80;
	s18 =	simm.s32 $0x400;
	s15 =	sor.u32 $0x8000, s15;
	[tilespmem:v0+s16+$0xFFFFFF90 ss:$0x1] =	vst.idx.msk $0xffff, v8;
	v7 =	vld.idx.msk [tilespmem:v1+s16+$0x20 ss:$0x1], $0xffff  }
.LBB1_3:
0x2f: {  	p1 =	sne.s32 s18, $0xFE00;
	v8 =	vld.idx.msk [tilespmem:v1+s17+$0x30 ss:$0x1], $0xffff;
	[tilespmem:v0+s16+$0xFFFFFFA0 ss:$0x1] =	vst.idx.msk $0xffff, v6  }
0x30: {  	v9 =	vld.idx.msk [tilespmem:v1+s17+$0xFFFFFFC0 ss:$0x1], $0xffff;
	[tilespmem:v0+s16+$0xFFFFFFB0 ss:$0x1] =	vst.idx.msk $0xffff, v4  }
0x31: {  	v6 =	vld.idx.msk [tilespmem:v1+s17+$0xFFFFFFD0 ss:$0x1], $0xffff;
	[tilespmem:v0+s16+$0xFFFFFFC0 ss:$0x1] =	vst.idx.msk $0xffff, v2  }
.Ltmp3:
0x32: {  	v4 =	vld.idx.msk [tilespmem:v1+s17+$0xFFFFFFE0 ss:$0x1], $0xffff;
	[tilespmem:v0+s16+$0xFFFFFFD0 ss:$0x1] =	vst.idx.msk $0xffff, v3;
	(pc) =	sbr.rel @p1 .LBB1_3-.Ltmp3, $4  }
0x33: {  	v2 =	vld.idx.msk [tilespmem:v1+s17+$0xFFFFFFF0 ss:$0x1], $0xffff;
	[tilespmem:v0+s16+$0xFFFFFFE0 ss:$0x1] =	vst.idx.msk $0xffff, v5  }
0x34: {  	v3 =	vld.idx.msk [tilespmem:v1+s17+$0x0 ss:$0x1], $0xffff;
	[tilespmem:v0+s16+$0xFFFFFFF0 ss:$0x1] =	vst.idx.msk $0xffff, v7;
	s16 =	smov.u32 s17  }
0x35: {  	v5 =	vld.idx.msk [tilespmem:v1+s16+$0x10 ss:$0x1], $0xffff;
	[tilespmem:v0+s16+$0x0 ss:$0x1] =	vst.idx.msk $0xffff, v8  }
0x36: {  	s17 =	sshra.s32 s18, $0x2;
	s18 =	sadd.s32 $0x200, s18;
	[tilespmem:v0+s16+$0xFFFFFF90 ss:$0x1] =	vst.idx.msk $0xffff, v9;
	v7 =	vld.idx.msk [tilespmem:v1+s16+$0x20 ss:$0x1], $0xffff  }
0x37: {  	_ =	sdelay $0x3  }
0x38: {  	[tilespmem:v0+s16+$0xFFFFFFA0 ss:$0x1] =	vst.idx.msk $0xffff, v6  }
0x39: {  	v56 =	vld.idx.msk [tilespmem:v1+s17+$0x30 ss:$0x1], $0xffff;
	[tilespmem:v0+s16+$0xFFFFFFB0 ss:$0x1] =	vst.idx.msk $0xffff, v4  }
0x3a: {  	v57 =	vld.idx.msk [tilespmem:v1+s17+$0xFFFFFFC0 ss:$0x1], $0xffff;
	[tilespmem:v0+s16+$0xFFFFFFC0 ss:$0x1] =	vst.idx.msk $0xffff, v2  }
0x3b: {  	v58 =	vld.idx.msk [tilespmem:v1+s17+$0xFFFFFFD0 ss:$0x1], $0xffff;
	[tilespmem:v0+s16+$0xFFFFFFD0 ss:$0x1] =	vst.idx.msk $0xffff, v3  }
0x3c: {  	v59 =	vld.idx.msk [tilespmem:v1+s17+$0xFFFFFFE0 ss:$0x1], $0xffff;
	[tilespmem:v0+s16+$0xFFFFFFE0 ss:$0x1] =	vst.idx.msk $0xffff, v5  }
0x3d: {  	v60 =	vld.idx.msk [tilespmem:v1+s17+$0xFFFFFFF0 ss:$0x1], $0xffff;
	[tilespmem:v0+s16+$0xFFFFFFF0 ss:$0x1] =	vst.idx.msk $0xffff, v7  }
0x3e: {  	v61 =	vld.idx.msk [tilespmem:v1+s17+$0x0 ss:$0x1], $0xffff;
	[tilespmem:v0+s17+$0x0 ss:$0x1] =	vst.idx.msk $0xffff, v56  }
0x3f: {  	v62 =	vld.idx.msk [tilespmem:v1+s17+$0x10 ss:$0x1], $0xffff;
	[tilespmem:v0+s17+$0xFFFFFF90 ss:$0x1] =	vst.idx.msk $0xffff, v57  }
0x40: {  	v63 =	vld.idx.msk [tilespmem:v1+s17+$0x20 ss:$0x1], $0xffff;
	[tilespmem:v0+s17+$0xFFFFFFA0 ss:$0x1] =	vst.idx.msk $0xffff, v58  }
0x41: {  	[tilespmem:v0+s17+$0xFFFFFFB0 ss:$0x1] =	vst.idx.msk $0xffff, v59  }
.Ltmp4:
0x42: {  	[tilespmem:v0+s17+$0xFFFFFFC0 ss:$0x1] =	vst.idx.msk $0xffff, v60;
	(pc) =	sbr.rel .LBB1_5-.Ltmp4, $4  }
0x43: {  	s14 =	sshll.u32 s14, $0xB;
	[tilespmem:v0+s17+$0xFFFFFFD0 ss:$0x1] =	vst.idx.msk $0xffff, v61  }
0x44: {  	s13 =	sshll.u32 s13, $0xF;
	s14 =	sadd.s32 s3, s14;
	[tilespmem:v0+s17+$0xFFFFFFE0 ss:$0x1] =	vst.idx.msk $0xffff, v62  }
0x45: {  	s13 =	sadd.s32 s13, s14;
	[tilespmem:v0+s17+$0xFFFFFFF0 ss:$0x1] =	vst.idx.msk $0xffff, v63  }
0x46: {  	[hbm4b:s13+s9] =	stream.linear.scatter [tilespmem:s15], [sflag:$0x2], $0x4000, $0x38;
	[tilespmem:$0x10000] =	vst v63  }
.LBB1_6:
0x47: {  	_ =	sfence.sel $0x180000  }
0x48: {  	s2 =	simm.s32 $0x1;
	[bflag:$0x0] =	sbarrier.arrive $0xFFFF  }
0x49: {  	s31 =	simm.s32 $0x2;
	[sflag:s2] =	ssyncpa.u1 $0x1  }
0x4a: {  	[sflag:s31] =	ssyncpa.u1 $0x1  }
0x4b: {  	p0 =	sne.s32 s1, $0x0;
	_ =	strace $0x90000053  }
0x4c: {  	s0 =	sadd.s32 @!p0 $0x100000, s0;
	[bflag:$0x2] =	sbarrier.arrive $0xFFFF  }
0x4d: {  	[sflag:s0] =	ssyncadd.tile.s32 @!p0 $0x1;
	_ =	shalt  }
.Lfunc_end1:
_tile_overlayer_lowered:
.L_overlay_start_2:
0x4e: {  	(tag) =	ssettag $0x2  }
0x4f: {  	s0 =	rddreg [dreg:$0x0];
	s2 =	stileid.u32  }
0x50: {  	s1 =	rddreg [dreg:$0x1];
	p0 =	sne.s32 s2, $0x0  }
0x51: {  	s3 =	rddreg [dreg:$0x2];
	[bflag:$0x3] =	sbarrier.arrive $0xFFFF;
	s2 =	simm.s32 @!p0 $0x1C01  }
0x52: {  	[timem:s3], [sflag:s2] =	dma.local @!p0 [hbm:s0], s1  }
0x53: {  	s0 =	simm.s32 @!p0 $0x1  }
0x54: {  	_ =	swait.ge @!p0 [sflag:s0], s1  }
0x55: {  	s1 =	ssub.s32 @!p0 $0x0, s1;
	[sflag:s0] =	ssyncset.done @!p0 $0x0  }
0x56: {  	[sflag:s0] =	ssyncadd.s32 @!p0 s1  }
0x57: {  	[bflag:$0x3] =	sbarrier.arrive $0xFFFF  }
0x58: {  	_ =	shalt  }

// kernel: sparse-core-data-format-call.cloned.1.call-start
scs
called_computation_lowered:
.L_overlay_start_0:
0x0: {  	s1 =	sld [smem:$0x3FD9]  }
0x1: {  	s2 =	sld [smem:$0x3FFE];
	_ =	sdelay $0x1  }
0x2: {  	s3 =	srdreg.scid  }
0x3: {  	s0 =	sand.u32 $0x1, s3  }
0x4: {  	s17 =	sshll.u32 s0, $0xA;
	s1 =	sadd.s32 s2, s1  }
0x5: {  	s1 =	sadd.s32 s1, s17  }
0x6: {  	[smem:$0x3F97] =	sst s1  }
0x7: {  	_ = 	snop  }
0x8: {  	(tm) =	ssettm $0x1  }
0x9: {  	s18 =	sld [smem:$0x3FFB];
	_ =	sdelay $0x3  }
0xa: {  	_ =	strace s18  }
0xb: {  	s1 =	sld [smem:$0x3FFC];
	_ =	sdelay $0x3  }
0xc: {  	_ =	strace s1  }
0xd: {  	s1 =	sld [smem:$0x3FFD];
	_ =	sdelay $0x3  }
0xe: {  	_ =	strace s1  }
0xf: {  	_ =	strace $0x8FFFFFFF  }
0x10: {  	s19 =	sld [smem:$0x3FDB];
	_ =	sdelay $0x1  }
0x11: {  	s20 =	simm.s32 $_scs_section_size  }
0x12: {  	s4 =	simm.s32 $_size__tile_overlayer_lowered;
	s5 =	simm.s32 $_tile_overlayer_lowered  }
0x13: {  	s23 =	simm.s32 $0x1BFF;
	s22 =	sshll.u32 s5, $0x1;
	s1 =	sadd.s32 s20, s19  }
0x14: {  	s6 =	simm.s32 $0x0;
	s21 =	sshll.u32 s4, $0x1;
	s4 =	sadd.s32 s22, s1  }
0x15: {  	[timem:s6], [sflag:s23] =	dma.local [hbm:s4], s21  }
0x16: {  	_ =	swait.ge [sflag:s23], s21  }
0x17: {  	s2 =	ssub.s32 $0x0, s21;
	[sflag:s23] =	ssyncset.done $0x0  }
0x18: {  	[sflag:s23] =	ssyncadd.s32 s2;
	_ =	sdelay $0x1  }
0x19: {  	s24 =	simm.s32 $0x1B8B  }
0x1a: {  	_ =	swait.ge [sflag:s24], $0x1  }
0x1b: {  	[sflag:s24] =	ssyncset.done $0x0  }
0x1c: {  	s26 =	simm.s32 $0x1B8E;
	s25 =	sld [smem:$0x3FFE];
	[sflag:s24] =	ssyncadd.s32 $0xFFFFFFFF  }
0x1d: {  	s27 =	simm.s32 $execute0_lowered;
	[smem:$0x3FD2] =	sst s26  }
0x1e: {  	s4 =	sshll.u32 s27, $0x1;
	_ =	strace $0x8000004C;
	[dreg:$0x1] =	wrdreg $0xFFFFFFFF  }
0x1f: {  	s28 =	simm.s32 $_size_execute0_lowered;
	s1 =	sadd.s32 s1, s4;
	[dreg:$0x0] =	wrdreg $0x0  }
0x20: {  	s4 =	sshll.u32 s28, $0x1;
	[dreg:$0x2] =	wrdreg s1  }
0x21: {  	[dreg:$0x3] =	wrdreg s4  }
0x22: {  	[dreg:$0x4] =	wrdreg $0xC0  }
0x23: {  	_ =	task [dreg:s6], $0x5FFFF  }
0x24: {  	[dreg:$0x1] =	wrdreg $0xFFFFFFFF  }
0x25: {  	[dreg:$0x0] =	wrdreg $0x60  }
0x26: {  	[dreg:$0x2] =	wrdreg s25  }
0x27: {  	[dreg:$0x3] =	wrdreg $0x9  }
0x28: {  	_ =	task.clear_ibuf [dreg:s6], $0x4FFFF;
	_ =	strace $0x9000004C  }
0x29: {  	s29 =	simm.s32 $0x9;
	_ =	strace $0x8000004E  }
0x2a: {  	_ =	swait.ge [sflag:s29], $0x1  }
0x2b: {  	[sflag:s29] =	ssyncadd.s32 $0xFFFFFFFF  }
0x2c: {  	_ =	strace $0x9000004E  }
0x2d: {  	_ =	sfence  }
0x2e: {  	s30 =	sld [smem:$0x0];
	_ =	sdelay $0x2  }
0x2f: {  	s31 =	sshll.u32 s3, $0xD;
	s3 =	sshrl.u32 s3, $0x2  }
0x30: {  	s2 =	sand.u32 $0x4000, s31;
	s1 =	sadd.s32 s3, s30  }
0x31: {  	s0 =	sor.u32 s2, s0;
	s1 =	sshll.u32 s1, $0x11  }
0x32: {  	s0 =	sor.u32 s1, s0  }
0x33: {  	s0 =	sadd.s32 $0x8F2B, s0  }
0x34: {  	[sflag:s0] =	ssyncadd.remote.s32 $0x1  }
0x35: {  	_ =	sfence.sel $0xFFFF  }
0x36: {  	[dreg:$0x0] =	wrdreg $0xFFFFFFFF;
	(pc) =	sbr.abs _section_cstart, $3  }
0x37: {  	[dreg:$0x1] =	wrdreg $0xFFFFFFFF  }
0x38: {  	_ =	task.clear_ibuf [dreg:s6], $0x2FFFF;
	_ =	strace $0x9FFFFFFF  }
0x39: {  	(tm) =	ssettm $0x7FFFFFFF  }
tec
execute0_lowered:
.L_overlay_start_1:
0x0: {  	(tag) =	ssettag $0x1  }
0x1: {  	s1 =	srdreg.scid;
	s0 =	stileid.u32  }
0x2: {  	s8 =	rddreg [dreg:$0x0];
	s9 =	simm.s32 $0x2;
	s1 =	sshll.u32 s1, $0x4  }
0x3: {  	s19 =	simm.s32 $0x0;
	s31 =	sshll.u32 s0, $0x1;
	s2 =	sor.u32 s0, s1  }
0x4: {  	s10 =	simm.s32 $0x5000;
	s1 =	sand.u32 $0xE, s31;
	s2 =	sshrl.u32 s2, $0x2  }
0x5: {  	s17 =	simm.s32 $0x0;
	s3 =	ssub.s32 $0x10, s1;
	s2 =	sand.u32 $0x6, s2  }
0x6: {  	s16 =	simm.s32 $0x0;
	s4 =	sand.u32 $0xE, s3;
	s5 =	ssub.s32 $0x20, s2  }
0x7: {  	p0 =	sne.s32 s4, $0x0;
	s4 =	simm.s32 $0x1;
	s6 =	sand.u32 $0x6, s5  }
0x8: {  	s4 =	simm.s32 @!p0 $0x0;
	p0 =	sne.s32 s6, $0x0;
	s6 =	simm.s32 $0x1  }
0x9: {  	s3 =	sshrl.u32 s3, $0x4;
	s5 =	sshrl.u32 s5, $0x3;
	s6 =	simm.s32 @!p0 $0x0  }
0xa: {  	s18 =	simm.s32 $0x0;
	s4 =	sadd.s32 s4, s3;
	s5 =	sadd.s32 s6, s5  }
0xb: {  	s11 =	simm.s32 $0x0;
	s13 =	simm.s32 $0x0;
	s6 =	smul.u32 s5, s4  }
.Ltmp0:
0xc: {  	s15 =	simm.s32 $0x0;
	s7 =	sadd.s32 $0x60C000, s8;
	(pc) =	sbr.rel .LBB1_1-.Ltmp0, $4  }
0xd: {  	s14 =	smov.u32 s1;
	s12 =	smov.u32 s2;
	s3 =	rddreg [dreg:$0x1]  }
0xe: {  	_ =	strace $0x8000004D;
	s5 =	simm.s32 $0x1;
	s6 =	smul.u32 $0x5, s6  }
0xf: {  	p0 =	por $0x0, $0x0;
	s4 =	sadd.s32 $0x7C000, s8;
	[sflag:s5] =	ssyncpa.u1 $0x0  }
0x10: {  	s8 =	sadd.s32 $0x620000, s8;
	[sflag:s9] =	ssyncpa.u1 $0x0;
	s9 =	sadd.s32 $0x1, s6  }
.LBB1_7:
0x11: {  	s20 =	sadd.s32 $0x40, s11  }
0x12: {  	s16 =	sadd.s32 $0x8, s12;
	s21 =	smov.u32 s12;
	p2 =	sgt.s32 s20, $0x13F  }
0x13: {  	s21 =	smov.u32 @p2 s16  }
0x14: {  	s22 =	smov.u32 s13;
	s16 =	sadd.s32 $0x80, s13;
	p3 =	sgt.s32 s21, $0x1F  }
0x15: {  	s22 =	smov.u32 @p3 s16  }
0x16: {  	s23 =	smov.u32 s14;
	s16 =	sadd.s32 $0x10, s14;
	p4 =	sgt.s32 s22, $0x7F  }
0x17: {  	p1 =	slt.u32 s15, $0x2;
	s23 =	smov.u32 @p4 s16  }
0x18: {  	s19 =	smov.u32 s11;
	s20 =	simm.s32 @p2 $0x0;
	p2 =	sgt.s32 s23, $0xF  }
0x19: {  	s24 =	simm.s32 @!p1 $0x2;
	s23 =	smov.u32 @p2 s1;
	p2 =	sne.s32 s15, s9  }
.Ltmp1:
0x1a: {  	s17 =	smov.u32 s12;
	_ =	swait.ge @!p1 [sflag:s24], $0x4000;
	(pc) =	sbr.rel @!p2 .LBB1_8-.Ltmp1, $4  }
0x1b: {  	s18 =	smov.u32 s14;
	p0 =	por !p0, !p0;
	[sflag:s24] =	ssyncset.done @!p1 $0x0  }
0x1c: {  	s11 =	smov.u32 s20;
	s21 =	smov.u32 @p3 s2;
	[sflag:s24] =	ssyncadd.s32 @!p1 $0xFFFFC000  }
0x1d: {  	s12 =	smov.u32 s21;
	s22 =	simm.s32 @p4 $0x0;
	s16 =	smov.u32 s13  }
0x1e: {  	s13 =	smov.u32 s22;
	s15 =	sadd.s32 $0x1, s15;
	s14 =	smov.u32 s23  }
.LBB1_1:
0x1f: {  	p1 =	sge.u32 s15, s6  }
0x20: {  	s20 =	sshrl.u32 @!p1 s12, $0x3  }
0x21: {  	s21 =	sshll.u32 @!p1 s11, $0x3;
	s20 =	smul.u32 @!p1 $0xC00, s20  }
0x22: {  	s22 =	sshll.u32 @!p1 s12, $0x7;
	s21 =	sand.u32 @!p1 $0xFFFFFC00, s21  }
0x23: {  	s20 =	sadd.s32 @!p1 s20, s21;
	s21 =	sand.u32 @!p1 $0x300, s22;
	s22 =	sshll.u32 @!p1 s11, $0x1  }
0x24: {  	s20 =	sor.u32 @!p1 s21, s20;
	s21 =	sand.u32 @!p1 $0xFE, s22  }
0x25: {  	s22 =	sand.u32 @!p1 $0x1, s12;
	s20 =	sor.u32 @!p1 s21, s20  }
0x26: {  	s21 =	sor.u32 @!p1 s22, s20;
	s20 =	smulhi.u32 @!p1 $0xAAAAAAAB, s20  }
0x27: {  	s22 =	smulhi.u32 @!p1 $0xAAAAAAAB, s21  }
0x28: {  	s23 =	smul.u32 @!p1 $0x18000, s14  }
0x29: {  	s24 =	smul.u32 @!p1 $0x300, s13;
	s20 =	sshrl.u32 @!p1 s20, $0x8;
	s22 =	sshrl.u32 @!p1 s22, $0x8  }
0x2a: {  	s20 =	sand.u32 @!p1 $0x1F, s20;
	s22 =	smul.u32 @!p1 $0x180, s22  }
0x2b: {  	s31 =	sadd.s32 $0xFFFFFFFF, s15;
	s23 =	sadd.s32 @!p1 s4, s23;
	s20 =	smul.u32 @!p1 $0x18, s20  }
0x2c: {  	s25 =	sxor.u32 @!p1 $0xFFFFFFFF, s15;
	s21 =	ssub.s32 @!p1 s21, s22;
	s22 =	sadd.s32 @!p1 s24, s23  }
0x2d: {  	s23 =	sshrl.u32 @!p1 s21, $0x4;
	s20 =	sadd.s32 @!p1 s20, s22;
	s21 =	sshll.u32 @!p1 s21, $0x11  }
0x2e: {  	s22 =	sshll.u32 @!p1 s25, $0xE;
	s20 =	sadd.s32 @!p1 s23, s20;
	s21 =	sand.u32 @!p1 $0x1C0000, s21  }
0x2f: {  	s22 =	sand.u32 @!p1 $0x4000, s22;
	s23 =	simm.s32 @!p1 $0x1800;
	s21 =	sor.u32 @!p1 $0x40, s21  }
0x30: {  	[tilespmem:s22], [sflag:$0x1] =	stream.strided.gather @!p1 [hbm4b:s20+s21], $0x4000, s23, s21, $0x38;
	[tilespmem:$0x10100] =	vst v63  }
0x31: {  	p1 =	sge.u32 s31, s6  }
.Ltmp2:
0x32: {  	_ = 	snop;
	(pc) =	sbr.rel @p1 .LBB1_7-.Ltmp2, $1  }
0x33: {  	_ =	sdelay $0x3  }
0x34: {  	s20 =	simm.s32 $0x1;
	s22 =	sand.u32 $0x1, s15  }
0x35: {  	_ =	swait.ge [sflag:s5], $0x4000;
	s20 =	simm.s32 @!p0 $0x0;
	s22 =	smul.u32 $0x10200, s22  }
0x36: {  	s24 =	simm.s32 $0x0;
	[sflag:s5] =	ssyncset.done $0x0;
	s21 =	smul.u32 $0x10200, s20  }
0x37: {  	p2 =	por $0x1, $0x1;
	s23 =	sshll.u32 s20, $0x10;
	[sflag:s5] =	ssyncadd.s32 $0xFFFFC000  }
0x38: {  	s20 =	sshrl.u32 s22, $0x2;
	s23 =	sshrl.u32 s23, $0x2;
	s31 =	sshrl.u32 s21, $0x2  }
0x39: {  	s21 =	sor.u32 $0x8000, s20;
	s23 =	sadd.s32 $0x20, s23;
	s22 =	sor.u32 $0x8000, s31  }
.LBB1_3:
0x3a: {  	s25 =	sshll.u32 s24, $0xD  }
0x3b: {  	s25 =	sand.u32 $0x3FFFE000, s25  }
0x3c: {  	s25 =	sadd.s32 s25, s23  }
0x3d: {  	v0 =	vld [tilespmem:s25+$0x0]  }
0x3e: {  	v1 =	vld [tilespmem:s25+$0x10]  }
0x3f: {  	v2 =	vld [tilespmem:s25+$0xFFFFFFF0]  }
0x40: {  	v3 =	vld [tilespmem:s25+$0xFFFFFFE0];
	_ =	sdelay $0x2  }
0x41: {  	s31 =	smul.u32 $0x8100, s24;
	s28 =	sadd.s32 $0x40, s25  }
0x42: {  	v1 =	vperm.xlane.i2c.b16 v1;
	v4 =	vperm.xlane.i2c.b16 v0;
	v0 =	vld [tilespmem:s28+$0x0]  }
0x43: {  	s24 =	sshra.s32 s31, $0x2;
	v6 =	vperm.xlane.i2c.b16 v2;
	v2 =	vld [tilespmem:s28+$0x10];
	v7 =	vperm.xlane.i2c.b16 v3  }
0x44: {  	s24 =	sadd.s32 s24, s22;
	v5 =	vcombine.low v4, v1;
	v8 =	vcombine.high v4, v1;
	v1 =	vld [tilespmem:s28+$0xFFFFFFF0]  }
0x45: {  	s25 =	sadd.s32 $0x0, s24;
	v3 =	vld [tilespmem:s28+$0xFFFFFFE0]  }
0x46: {  	p1 =	por p2, p2;
	[tilespmem:s25+$0x810 ss:$0x81] =	vst.msk $0xffff, v5;
	v5 =	vcombine.low v7, v6  }
0x47: {  	s26 =	simm.s32 $0x4;
	s27 =	simm.s32 $0x8;
	v4 =	vcombine.high v7, v6;
	s28 =	sadd.s32 $0x40, s28;
	[tilespmem:s25+$0x1830 ss:$0x81] =	vst.msk $0xffff, v8  }
.LBB1_4:
0x48: {  	v6 =	vperm.xlane.i2c.b16 v2;
	v7 =	vperm.xlane.i2c.b16 v0;
	v0 =	vld [tilespmem:s28+$0x0];
	[tilespmem:s25+$0x0 ss:$0x81] =	vst.msk $0xffff, v5;
	s29 =	smov.u32 s27;
	p2 =	sne.s32 s27, $0x1FC  }
.Ltmp3:
0x49: {  	v2 =	vld [tilespmem:s28+$0x10];
	v8 =	vperm.xlane.i2c.b16 v1;
	[tilespmem:s25+$0x1020 ss:$0x81] =	vst.msk $0xffff, v4;
	(pc) =	sbr.rel @p2 .LBB1_4-.Ltmp3, $4  }
0x4a: {  	s27 =	sadd.s32 $0x4, s27;
	s25 =	sshra.s32 s26, $0x2;
	v1 =	vld [tilespmem:s28+$0xFFFFFFF0];
	v4 =	vperm.xlane.i2c.b16 v3;
	v9 =	vcombine.low v7, v6  }
0x4b: {  	s26 =	smov.u32 s29;
	s25 =	sadd.s32 s25, s24;
	v6 =	vcombine.high v7, v6;
	v3 =	vld [tilespmem:s28+$0xFFFFFFE0]  }
0x4c: {  	v5 =	vcombine.low v4, v8;
	v4 =	vcombine.high v4, v8;
	[tilespmem:s25+$0x810 ss:$0x81] =	vst.msk $0xffff, v9  }
0x4d: {  	s28 =	sadd.s32 $0x40, s28;
	[tilespmem:s25+$0x1830 ss:$0x81] =	vst.msk $0xffff, v6  }
0x4e: {  	v2 =	vperm.xlane.i2c.b16 v2;
	v0 =	vperm.xlane.i2c.b16 v0  }
0x4f: {  	v1 =	vperm.xlane.i2c.b16 v1  }
0x50: {  	[tilespmem:s25+$0x0 ss:$0x81] =	vst.msk $0xffff, v5;
	s26 =	sshra.s32 s26, $0x2;
	v3 =	vperm.xlane.i2c.b16 v3;
	v62 =	vcombine.low v0, v2  }
.Ltmp4:
0x51: {  	[tilespmem:s25+$0x1020 ss:$0x81] =	vst.msk $0xffff, v4;
	s24 =	sadd.s32 s26, s24;
	v0 =	vcombine.high v0, v2;
	(pc) =	sbr.rel @p1 .LBB1_3-.Ltmp4, $4  }
0x52: {  	v63 =	vcombine.low v3, v1;
	[tilespmem:s24+$0x810 ss:$0x81] =	vst.msk $0xffff, v62  }
0x53: {  	v1 =	vcombine.high v3, v1;
	[tilespmem:s24+$0x1830 ss:$0x81] =	vst.msk $0xffff, v0  }
0x54: {  	[tilespmem:s24+$0x0 ss:$0x81] =	vst.msk $0xffff, v63  }
0x55: {  	p2 =	por $0x0, $0x0;
	[tilespmem:s24+$0x1020 ss:$0x81] =	vst.msk $0xffff, v1;
	s24 =	simm.s32 $0x1  }
0x56: {  	s19 =	sshll.u32 s19, $0x7;
	s22 =	sshll.u32 s16, $0x3  }
0x57: {  	s23 =	sand.u32 $0xFFFFFC00, s19;
	s22 =	sand.u32 $0xFFFFFC00, s22  }
0x58: {  	s25 =	sshll.u32 s16, $0x1;
	s19 =	sand.u32 $0x300, s19;
	s22 =	sadd.s32 s22, s23  }
0x59: {  	s26 =	sand.u32 $0x80, s25;
	s19 =	sor.u32 s19, s22  }
0x5a: {  	s18 =	smul.u32 $0x14000, s18;
	s19 =	sor.u32 s26, s19  }
0x5b: {  	s17 =	smul.u32 $0xA00, s17;
	s19 =	sshrl.u32 s19, $0x7  }
0x5c: {  	s27 =	smulhi.u32 $0xCCCCCD, s19  }
0x5d: {  	s28 =	sshrl.u32 s16, $0x3  }
0x5e: {  	s30 =	sand.u32 $0x7, s16;
	s29 =	sadd.s32 s18, s17;
	s22 =	smul.u32 $0x140, s27  }
0x5f: {  	s16 =	sshll.u32 s30, $0x12;
	s18 =	sadd.s32 s18, s8;
	s23 =	sadd.s32 s7, s29  }
0x60: {  	s17 =	sadd.s32 s17, s18;
	s19 =	ssub.s32 s19, s22;
	s22 =	sand.u32 $0x7, s28  }
.Ltmp5:
0x61: {  	s19 =	sshll.u32 s19, $0x3;
	s23 =	sadd.s32 s22, s23;
	(pc) =	sbr.rel .LBB1_7-.Ltmp5, $4  }
0x62: {  	s16 =	sor.u32 $0x1000, s16;
	s17 =	sadd.s32 s22, s17;
	s23 =	sadd.s32 s19, s23  }
0x63: {  	[hbm4b:s23+s16] =	stream.strided.scatter [tilespmem:s21], [sflag:$0x2], $0x2000, s10, s16, $0x20;
	[tilespmem:$0x10100] =	vst v63  }
0x64: {  	s31 =	sadd.s32 $0xA040, s20;
	s17 =	sadd.s32 s19, s17  }
0x65: {  	[hbm4b:s17+s16] =	stream.strided.scatter [tilespmem:s31], [sflag:$0x2], $0x2000, s10, s16, $0x20;
	[tilespmem:$0x10100] =	vst v63  }
.LBB1_8:
0x66: {  	_ =	sfence.sel $0x180000  }
0x67: {  	s1 =	simm.s32 $0x1;
	[bflag:$0x0] =	sbarrier.arrive $0xFFFF  }
0x68: {  	s31 =	simm.s32 $0x2;
	[sflag:s1] =	ssyncpa.u1 $0x1  }
0x69: {  	[sflag:s31] =	ssyncpa.u1 $0x1  }
0x6a: {  	p0 =	sne.s32 s0, $0x0;
	_ =	strace $0x9000004D  }
0x6b: {  	s0 =	sadd.s32 @!p0 $0x100000, s3;
	[bflag:$0x2] =	sbarrier.arrive $0xFFFF  }
0x6c: {  	[sflag:s0] =	ssyncadd.tile.s32 @!p0 $0x1;
	_ =	shalt  }
.Lfunc_end1:
_tile_overlayer_lowered:
.L_overlay_start_2:
0x6d: {  	(tag) =	ssettag $0x2  }
0x6e: {  	s0 =	rddreg [dreg:$0x0];
	s2 =	stileid.u32  }
0x6f: {  	s1 =	rddreg [dreg:$0x1];
	p0 =	sne.s32 s2, $0x0  }
0x70: {  	s3 =	rddreg [dreg:$0x2];
	[bflag:$0x3] =	sbarrier.arrive $0xFFFF;
	s2 =	simm.s32 @!p0 $0x1C01  }
0x71: {  	[timem:s3], [sflag:s2] =	dma.local @!p0 [hbm:s0], s1  }
0x72: {  	s0 =	simm.s32 @!p0 $0x1  }
0x73: {  	_ =	swait.ge @!p0 [sflag:s0], s1  }
0x74: {  	s1 =	ssub.s32 @!p0 $0x0, s1;
	[sflag:s0] =	ssyncset.done @!p0 $0x0  }
0x75: {  	[sflag:s0] =	ssyncadd.s32 @!p0 s1  }
0x76: {  	[bflag:$0x3] =	sbarrier.arrive $0xFFFF  }
0x77: {  	_ =	shalt  }

</sc_bundles>
